<compile_context>
chip_gen: v7x
topology: tpu7x:2x2x1
jax: 0.10.2.dev20260603
libtpu: 0.0.44.dev20260713+nightly
codegen_flags: <defaults>
</compile_context>

<pallas_src>
import functools

import jax
import jax.numpy as jnp
from jax import lax
from jax.experimental import pallas as pl
from jax.experimental.pallas import tpu as pltpu
from jax.experimental.pallas import tpu_sc as plsc

_BATCH = 4096
_SEQ = 200
_DIM = 64
_B = _BATCH * _SEQ

_NC = 2
_NS = 16
_NW = _NC * _NS
_B_PER_W = _B // _NW

_NBUF = 4
_CHUNK = 160
_N_CHUNKS = _B_PER_W // _CHUNK
_N_ROUNDS = _N_CHUNKS // _NBUF


@jax.jit
def _embed(x_flat, table):
  mesh = plsc.VectorSubcoreMesh(core_axis_name="c", subcore_axis_name="s")

  @functools.partial(
      pl.kernel,
      out_type=jax.ShapeDtypeStruct((_B, _DIM), jnp.float32),
      mesh=mesh,
      scratch_types=[
          pltpu.VMEM((_B_PER_W,), jnp.int32),
          pltpu.VMEM((_NBUF, _CHUNK, _DIM), jnp.float32),
      ]
      + [pltpu.SemaphoreType.DMA] * (2 * _NBUF),
  )
  def k(x_hbm, table_hbm, out_hbm, idx_v, rows_v, *sems):
    gsems = sems[:_NBUF]
    ssems = sems[_NBUF:]
    wid = lax.axis_index("s") * _NC + lax.axis_index("c")
    base = wid * _B_PER_W
    pltpu.sync_copy(x_hbm.at[pl.ds(base, _B_PER_W)], idx_v)

    def start_gather(g, b):
      def row16(j, carry):
        vec = idx_v[pl.ds(g * _CHUNK + j * 16, 16)]
        for kk in range(16):
          pltpu.async_copy(
              table_hbm.at[pl.ds(vec[kk], 1)],
              rows_v.at[b].at[pl.ds(j * 16 + kk, 1)],
              gsems[b],
          )
        return carry

      lax.fori_loop(0, _CHUNK // 16, row16, 0)

    def wait_gather(b):
      pltpu.make_async_copy(
          table_hbm.at[pl.ds(0, _CHUNK)], rows_v.at[b], gsems[b]
      ).wait()

    def start_store(g, b):
      pltpu.async_copy(
          rows_v.at[b], out_hbm.at[pl.ds(base + g * _CHUNK, _CHUNK)], ssems[b]
      )

    def wait_store(b):
      pltpu.make_async_copy(
          rows_v.at[b], out_hbm.at[pl.ds(base, _CHUNK)], ssems[b]
      ).wait()

    for b in range(_NBUF):
      start_gather(b, b)

    def body(o, carry):
      for b in range(_NBUF):
        wait_gather(b)
        start_store(_NBUF * o + b, b)

        @pl.when(o < _N_ROUNDS - 1)
        def _(b=b):
          wait_store(b)
          start_gather(_NBUF * (o + 1) + b, b)

      return carry

    lax.fori_loop(0, _N_ROUNDS, body, 0)
    for b in range(_NBUF):
      wait_store(b)

  return k(x_flat, table)


def kernel(x, table):
  return _embed(x.reshape(_B), table).reshape(_BATCH, _SEQ, _DIM)

# --- scband reference (transcript-rebuilt; emitter-appended) ---
"""Pipeline reference for scband-embeddings-6743098655408 (READ-ONLY COPY).

The authoritative reference and input builder live on the scoring server;
editing this copy changes nothing except your own understanding.
"""

import jax, jax.numpy as jnp
import numpy as np

VOCAB_SIZE = 1000000
DIM = 64
PAD_IDX = 0
BATCH = 4096
SEQ = 200


def setup_inputs(seed: int = 0) -> dict:
    key = jax.random.key(seed)
    k1, k2 = jax.random.split(key)
    x = jax.random.randint(k1, (BATCH, SEQ), 0, VOCAB_SIZE, dtype=jnp.int32)
    # nn.Embedding(vocab_size + 1, dim, padding_idx=pad_idx): table has vocab_size+1 rows,
    # and the padding row is initialized to zeros.
    table = jax.random.normal(k2, (VOCAB_SIZE + 1, DIM), dtype=jnp.float32)
    table = table.at[PAD_IDX].set(0.0)
    return {"x": x, "table": table}


def reference(x, table):
    # Faithful translation of forward: e = self.tok_embed(x)
    e = jnp.take(table, x, axis=0)
    return e

if __name__ == "__main__":
    import jax
    _d = setup_inputs()
    print(jax.jit(kernel)(*tuple(_d.values())))

</pallas_src>

<mosaic_0001>
#map = affine_map<(d0, d1) -> (0)>
#map1 = affine_map<(d0, d1) -> (0, 0)>
module attributes {stable_mosaic.version = 14 : i64} {
  func.func @k(%arg0: i32, %arg1: i32, %arg2: memref<819200xi32, #tpu.memory_space<hbm>>, %arg3: memref<1000001x64xf32, #tpu.memory_space<hbm>>, %arg4: memref<819200x64xf32, #tpu.memory_space<hbm>>, %arg5: memref<25600xi32, #tpu.memory_space<vmem>>, %arg6: memref<4x160x64xf32, #tpu.memory_space<vmem>>, %arg7: memref<!tpu.dma_semaphore, #tpu.memory_space<semaphore_mem>>, %arg8: memref<!tpu.dma_semaphore, #tpu.memory_space<semaphore_mem>>, %arg9: memref<!tpu.dma_semaphore, #tpu.memory_space<semaphore_mem>>, %arg10: memref<!tpu.dma_semaphore, #tpu.memory_space<semaphore_mem>>, %arg11: memref<!tpu.dma_semaphore, #tpu.memory_space<semaphore_mem>>, %arg12: memref<!tpu.dma_semaphore, #tpu.memory_space<semaphore_mem>>, %arg13: memref<!tpu.dma_semaphore, #tpu.memory_space<semaphore_mem>>, %arg14: memref<!tpu.dma_semaphore, #tpu.memory_space<semaphore_mem>>) attributes {dimension_semantics = [#tpu.dimension_semantics<core_parallel>, #tpu.dimension_semantics<subcore_parallel>], iteration_bounds = array<i64: 2, 16>, scalar_prefetch = 0 : i64, scratch_operands = 10 : i64, tpu.core_type = #tpu.core_type<sc_vector_subcore>, window_params = [{transform_indices = #map}, {transform_indices = #map1}, {transform_indices = #map1}]} {
    %mul3A = arith.constant 2 : i32
    %mul3A_0 = arith.muli %arg1, %mul3A : i32
    %add3A = arith.addi %mul3A_0, %arg0 : i32
    %mul3A_1 = arith.constant 25600 : i32
    %mul3A_2 = arith.muli %add3A, %mul3A_1 : i32
    "tpu.region"() ({
      %run_scoped3A = tpu.sem_alloc : memref<!tpu.dma_semaphore, #tpu.memory_space<semaphore_mem>>
      %dma_start3A = tpu.memref_slice %arg2[%mul3A_2] : memref<819200xi32, #tpu.memory_space<hbm>> -> memref<25600xi32, #tpu.memory_space<hbm>>
      %dma_start3A_83 = tpu.memref_slice %arg2[%mul3A_2] : memref<819200xi32, #tpu.memory_space<hbm>> -> memref<25600xi32, #tpu.memory_space<hbm>>
      tpu.enqueue_dma source(%dma_start3A_83 : memref<25600xi32, #tpu.memory_space<hbm>>) target(%arg5 : memref<25600xi32, #tpu.memory_space<vmem>>) target_semaphore(%run_scoped3A : memref<!tpu.dma_semaphore, #tpu.memory_space<semaphore_mem>>)
      %dma_wait3A_84 = tpu.memref_slice %arg2[%mul3A_2] : memref<819200xi32, #tpu.memory_space<hbm>> -> memref<25600xi32, #tpu.memory_space<hbm>>
      %dma_wait3A_85 = tpu.memref_slice %arg2[%mul3A_2] : memref<819200xi32, #tpu.memory_space<hbm>> -> memref<25600xi32, #tpu.memory_space<hbm>>
      tpu.wait_dma2 semaphore(%run_scoped3A : memref<!tpu.dma_semaphore, #tpu.memory_space<semaphore_mem>>) src(%dma_wait3A_85 : memref<25600xi32, #tpu.memory_space<hbm>>) dst(%arg5 : memref<25600xi32, #tpu.memory_space<vmem>>)
      tpu.yield
    }) : () -> ()
    %scan3A = arith.constant 0 : i32
    %scan3A_3 = arith.constant 0 : i32
    %scan3A_4 = arith.constant 10 : i32
    %scan3A_5 = arith.addi %scan3A_3, %scan3A_4 : i32
    %scan3A_6 = arith.constant 1 : i32
    scf.for %scan3A_83 = %scan3A_3 to %scan3A_5 step %scan3A_6  : i32 {
      %mul3A_84 = arith.constant 16 : i32
      %mul3A_85 = arith.muli %scan3A_83, %mul3A_84 : i32
      %add3A_86 = arith.constant 0 : i32
      %add3A_87 = arith.addi %add3A_86, %mul3A_85 : i32
      %get3A = arith.index_cast %add3A_87 : i32 to index
      %get3A_88 = tpu.vector_load %arg5[%get3A] {strides = array<i32>} : memref<25600xi32, #tpu.memory_space<vmem>>, vector<16xi32>,
      %get3A_89 = vector.shape_cast %get3A_88 : vector<16xi32> to vector<16xi32>
      %slice3A = vector.extract_strided_slice %get3A_89 {offsets = [0], sizes = [1], strides = [1]} : vector<16xi32> to vector<1xi32>
      %squeeze3A = vector.extract %slice3A[0] : i32 from vector<1xi32>
      %mul3A_90 = arith.constant 16 : i32
      %mul3A_91 = arith.muli %scan3A_83, %mul3A_90 : i32
      %add3A_92 = arith.constant 0 : i32
      %add3A_93 = arith.addi %mul3A_91, %add3A_92 : i32
      %dma_start3A = arith.constant 0 : i32
      %dma_start3A_94 = arith.constant 0 : i32
      %dma_start3A_95 = arith.constant 0 : i32
      %dma_start3A_96 = tpu.memref_slice %arg6[%dma_start3A, %dma_start3A_94, %dma_start3A_95] : memref<4x160x64xf32, #tpu.memory_space<vmem>> -> memref<1x160x64xf32, #tpu.memory_space<vmem>>
      %dma_start3A_97 = tpu.memref_squeeze %dma_start3A_96 : memref<1x160x64xf32, #tpu.memory_space<vmem>> -> memref<160x64xf32, #tpu.memory_space<vmem>>
      %dma_start3A_98 = arith.constant 0 : i32
      %dma_start3A_99 = tpu.memref_slice %dma_start3A_97[%add3A_93, %dma_start3A_98] : memref<160x64xf32, #tpu.memory_space<vmem>> -> memref<1x64xf32, #tpu.memory_space<vmem>>
      %dma_start3A_100 = arith.constant 0 : i32
      %dma_start3A_101 = tpu.memref_slice %arg3[%squeeze3A, %dma_start3A_100] : memref<1000001x64xf32, #tpu.memory_space<hbm>> -> memref<1x64xf32, #tpu.memory_space<hbm>>
      %dma_start3A_102 = arith.constant 0 : i32
      %dma_start3A_103 = arith.constant 0 : i32
      %dma_start3A_104 = tpu.memref_slice %arg6[%dma_start3A, %dma_start3A_102, %dma_start3A_103] : memref<4x160x64xf32, #tpu.memory_space<vmem>> -> memref<1x160x64xf32, #tpu.memory_space<vmem>>
      %dma_start3A_105 = tpu.memref_squeeze %dma_start3A_104 : memref<1x160x64xf32, #tpu.memory_space<vmem>> -> memref<160x64xf32, #tpu.memory_space<vmem>>
      %dma_start3A_106 = arith.constant 0 : i32
      %dma_start3A_107 = tpu.memref_slice %dma_start3A_105[%add3A_93, %dma_start3A_106] : memref<160x64xf32, #tpu.memory_space<vmem>> -> memref<1x64xf32, #tpu.memory_space<vmem>>
      %dma_start3A_108 = arith.constant 0 : i32
      %dma_start3A_109 = tpu.memref_slice %arg3[%squeeze3A, %dma_start3A_108] : memref<1000001x64xf32, #tpu.memory_space<hbm>> -> memref<1x64xf32, #tpu.memory_space<hbm>>
      tpu.enqueue_dma source(%dma_start3A_109 : memref<1x64xf32, #tpu.memory_space<hbm>>) target(%dma_start3A_107 : memref<1x64xf32, #tpu.memory_space<vmem>>) target_semaphore(%arg7 : memref<!tpu.dma_semaphore, #tpu.memory_space<semaphore_mem>>)
      %slice3A_110 = vector.extract_strided_slice %get3A_89 {offsets = [1], sizes = [1], strides = [1]} : vector<16xi32> to vector<1xi32>
      %squeeze3A_111 = vector.extract %slice3A_110[0] : i32 from vector<1xi32>
      %mul3A_112 = arith.constant 16 : i32
      %mul3A_113 = arith.muli %scan3A_83, %mul3A_112 : i32
      %add3A_114 = arith.constant 1 : i32
      %add3A_115 = arith.addi %mul3A_113, %add3A_114 : i32
      %dma_start3A_116 = arith.constant 0 : i32
      %dma_start3A_117 = arith.constant 0 : i32
      %dma_start3A_118 = arith.constant 0 : i32
      %dma_start3A_119 = tpu.memref_slice %arg6[%dma_start3A_116, %dma_start3A_117, %dma_start3A_118] : memref<4x160x64xf32, #tpu.memory_space<vmem>> -> memref<1x160x64xf32, #tpu.memory_space<vmem>>
      %dma_start3A_120 = tpu.memref_squeeze %dma_start3A_119 : memref<1x160x64xf32, #tpu.memory_space<vmem>> -> memref<160x64xf32, #tpu.memory_space<vmem>>
      %dma_start3A_121 = arith.constant 0 : i32
      %dma_start3A_122 = tpu.memref_slice %dma_start3A_120[%add3A_115, %dma_start3A_121] : memref<160x64xf32, #tpu.memory_space<vmem>> -> memref<1x64xf32, #tpu.memory_space<vmem>>
      %dma_start3A_123 = arith.constant 0 : i32
      %dma_start3A_124 = tpu.memref_slice %arg3[%squeeze3A_111, %dma_start3A_123] : memref<1000001x64xf32, #tpu.memory_space<hbm>> -> memref<1x64xf32, #tpu.memory_space<hbm>>
      %dma_start3A_125 = arith.constant 0 : i32
      %dma_start3A_126 = arith.constant 0 : i32
      %dma_start3A_127 = tpu.memref_slice %arg6[%dma_start3A_116, %dma_start3A_125, %dma_start3A_126] : memref<4x160x64xf32, #tpu.memory_space<vmem>> -> memref<1x160x64xf32, #tpu.memory_space<vmem>>
      %dma_start3A_128 = tpu.memref_squeeze %dma_start3A_127 : memref<1x160x64xf32, #tpu.memory_space<vmem>> -> memref<160x64xf32, #tpu.memory_space<vmem>>
      %dma_start3A_129 = arith.constant 0 : i32
      %dma_start3A_130 = tpu.memref_slice %dma_start3A_128[%add3A_115, %dma_start3A_129] : memref<160x64xf32, #tpu.memory_space<vmem>> -> memref<1x64xf32, #tpu.memory_space<vmem>>
      %dma_start3A_131 = arith.constant 0 : i32
      %dma_start3A_132 = tpu.memref_slice %arg3[%squeeze3A_111, %dma_start3A_131] : memref<1000001x64xf32, #tpu.memory_space<hbm>> -> memref<1x64xf32, #tpu.memory_space<hbm>>
      tpu.enqueue_dma source(%dma_start3A_132 : memref<1x64xf32, #tpu.memory_space<hbm>>) target(%dma_start3A_130 : memref<1x64xf32, #tpu.memory_space<vmem>>) target_semaphore(%arg7 : memref<!tpu.dma_semaphore, #tpu.memory_space<semaphore_mem>>)
      %slice3A_133 = vector.extract_strided_slice %get3A_89 {offsets = [2], sizes = [1], strides = [1]} : vector<16xi32> to vector<1xi32>
      %squeeze3A_134 = vector.extract %slice3A_133[0] : i32 from vector<1xi32>
      %mul3A_135 = arith.constant 16 : i32
      %mul3A_136 = arith.muli %scan3A_83, %mul3A_135 : i32
      %add3A_137 = arith.constant 2 : i32
      %add3A_138 = arith.addi %mul3A_136, %add3A_137 : i32
      %dma_start3A_139 = arith.constant 0 : i32
      %dma_start3A_140 = arith.constant 0 : i32
      %dma_start3A_141 = arith.constant 0 : i32
      %dma_start3A_142 = tpu.memref_slice %arg6[%dma_start3A_139, %dma_start3A_140, %dma_start3A_141] : memref<4x160x64xf32, #tpu.memory_space<vmem>> -> memref<1x160x64xf32, #tpu.memory_space<vmem>>
      %dma_start3A_143 = tpu.memref_squeeze %dma_start3A_142 : memref<1x160x64xf32, #tpu.memory_space<vmem>> -> memref<160x64xf32, #tpu.memory_space<vmem>>
      %dma_start3A_144 = arith.constant 0 : i32
      %dma_start3A_145 = tpu.memref_slice %dma_start3A_143[%add3A_138, %dma_start3A_144] : memref<160x64xf32, #tpu.memory_space<vmem>> -> memref<1x64xf32, #tpu.memory_space<vmem>>
      %dma_start3A_146 = arith.constant 0 : i32
      %dma_start3A_147 = tpu.memref_slice %arg3[%squeeze3A_134, %dma_start3A_146] : memref<1000001x64xf32, #tpu.memory_space<hbm>> -> memref<1x64xf32, #tpu.memory_space<hbm>>
      %dma_start3A_148 = arith.constant 0 : i32
      %dma_start3A_149 = arith.constant 0 : i32
      %dma_start3A_150 = tpu.memref_slice %arg6[%dma_start3A_139, %dma_start3A_148, %dma_start3A_149] : memref<4x160x64xf32, #tpu.memory_space<vmem>> -> memref<1x160x64xf32, #tpu.memory_space<vmem>>
      %dma_start3A_151 = tpu.memref_squeeze %dma_start3A_150 : memref<1x160x64xf32, #tpu.memory_space<vmem>> -> memref<160x64xf32, #tpu.memory_space<vmem>>
      %dma_start3A_152 = arith.constant 0 : i32
      %dma_start3A_153 = tpu.memref_slice %dma_start3A_151[%add3A_138, %dma_start3A_152] : memref<160x64xf32, #tpu.memory_space<vmem>> -> memref<1x64xf32, #tpu.memory_space<vmem>>
      %dma_start3A_154 = arith.constant 0 : i32
      %dma_start3A_155 = tpu.memref_slice %arg3[%squeeze3A_134, %dma_start3A_154] : memref<1000001x64xf32, #tpu.memory_space<hbm>> -> memref<1x64xf32, #tpu.memory_space<hbm>>
      tpu.enqueue_dma source(%dma_start3A_155 : memref<1x64xf32, #tpu.memory_space<hbm>>) target(%dma_start3A_153 : memref<1x64xf32, #tpu.memory_space<vmem>>) target_semaphore(%arg7 : memref<!tpu.dma_semaphore, #tpu.memory_space<semaphore_mem>>)
      %slice3A_156 = vector.extract_strided_slice %get3A_89 {offsets = [3], sizes = [1], strides = [1]} : vector<16xi32> to vector<1xi32>
      %squeeze3A_157 = vector.extract %slice3A_156[0] : i32 from vector<1xi32>
      %mul3A_158 = arith.constant 16 : i32
      %mul3A_159 = arith.muli %scan3A_83, %mul3A_158 : i32
      %add3A_160 = arith.constant 3 : i32
      %add3A_161 = arith.addi %mul3A_159, %add3A_160 : i32
      %dma_start3A_162 = arith.constant 0 : i32
      %dma_start3A_163 = arith.constant 0 : i32
      %dma_start3A_164 = arith.constant 0 : i32
      %dma_start3A_165 = tpu.memref_slice %arg6[%dma_start3A_162, %dma_start3A_163, %dma_start3A_164] : memref<4x160x64xf32, #tpu.memory_space<vmem>> -> memref<1x160x64xf32, #tpu.memory_space<vmem>>
      %dma_start3A_166 = tpu.memref_squeeze %dma_start3A_165 : memref<1x160x64xf32, #tpu.memory_space<vmem>> -> memref<160x64xf32, #tpu.memory_space<vmem>>
      %dma_start3A_167 = arith.constant 0 : i32
      %dma_start3A_168 = tpu.memref_slice %dma_start3A_166[%add3A_161, %dma_start3A_167] : memref<160x64xf32, #tpu.memory_space<vmem>> -> memref<1x64xf32, #tpu.memory_space<vmem>>
      %dma_start3A_169 = arith.constant 0 : i32
      %dma_start3A_170 = tpu.memref_slice %arg3[%squeeze3A_157, %dma_start3A_169] : memref<1000001x64xf32, #tpu.memory_space<hbm>> -> memref<1x64xf32, #tpu.memory_space<hbm>>
      %dma_start3A_171 = arith.constant 0 : i32
      %dma_start3A_172 = arith.constant 0 : i32
      %dma_start3A_173 = tpu.memref_slice %arg6[%dma_start3A_162, %dma_start3A_171, %dma_start3A_172] : memref<4x160x64xf32, #tpu.memory_space<vmem>> -> memref<1x160x64xf32, #tpu.memory_space<vmem>>
      %dma_start3A_174 = tpu.memref_squeeze %dma_start3A_173 : memref<1x160x64xf32, #tpu.memory_space<vmem>> -> memref<160x64xf32, #tpu.memory_space<vmem>>
      %dma_start3A_175 = arith.constant 0 : i32
      %dma_start3A_176 = tpu.memref_slice %dma_start3A_174[%add3A_161, %dma_start3A_175] : memref<160x64xf32, #tpu.memory_space<vmem>> -> memref<1x64xf32, #tpu.memory_space<vmem>>
      %dma_start3A_177 = arith.constant 0 : i32
      %dma_start3A_178 = tpu.memref_slice %arg3[%squeeze3A_157, %dma_start3A_177] : memref<1000001x64xf32, #tpu.memory_space<hbm>> -> memref<1x64xf32, #tpu.memory_space<hbm>>
      tpu.enqueue_dma source(%dma_start3A_178 : memref<1x64xf32, #tpu.memory_space<hbm>>) target(%dma_start3A_176 : memref<1x64xf32, #tpu.memory_space<vmem>>) target_semaphore(%arg7 : memref<!tpu.dma_semaphore, #tpu.memory_space<semaphore_mem>>)
      %slice3A_179 = vector.extract_strided_slice %get3A_89 {offsets = [4], sizes = [1], strides = [1]} : vector<16xi32> to vector<1xi32>
      %squeeze3A_180 = vector.extract %slice3A_179[0] : i32 from vector<1xi32>
      %mul3A_181 = arith.constant 16 : i32
      %mul3A_182 = arith.muli %scan3A_83, %mul3A_181 : i32
      %add3A_183 = arith.constant 4 : i32
      %add3A_184 = arith.addi %mul3A_182, %add3A_183 : i32
      %dma_start3A_185 = arith.constant 0 : i32
      %dma_start3A_186 = arith.constant 0 : i32
      %dma_start3A_187 = arith.constant 0 : i32
      %dma_start3A_188 = tpu.memref_slice %arg6[%dma_start3A_185, %dma_start3A_186, %dma_start3A_187] : memref<4x160x64xf32, #tpu.memory_space<vmem>> -> memref<1x160x64xf32, #tpu.memory_space<vmem>>
      %dma_start3A_189 = tpu.memref_squeeze %dma_start3A_188 : memref<1x160x64xf32, #tpu.memory_space<vmem>> -> memref<160x64xf32, #tpu.memory_space<vmem>>
      %dma_start3A_190 = arith.constant 0 : i32
      %dma_start3A_191 = tpu.memref_slice %dma_start3A_189[%add3A_184, %dma_start3A_190] : memref<160x64xf32, #tpu.memory_space<vmem>> -> memref<1x64xf32, #tpu.memory_space<vmem>>
      %dma_start3A_192 = arith.constant 0 : i32
      %dma_start3A_193 = tpu.memref_slice %arg3[%squeeze3A_180, %dma_start3A_192] : memref<1000001x64xf32, #tpu.memory_space<hbm>> -> memref<1x64xf32, #tpu.memory_space<hbm>>
      %dma_start3A_194 = arith.constant 0 : i32
      %dma_start3A_195 = arith.constant 0 : i32
      %dma_start3A_196 = tpu.memref_slice %arg6[%dma_start3A_185, %dma_start3A_194, %dma_start3A_195] : memref<4x160x64xf32, #tpu.memory_space<vmem>> -> memref<1x160x64xf32, #tpu.memory_space<vmem>>
      %dma_start3A_197 = tpu.memref_squeeze %dma_start3A_196 : memref<1x160x64xf32, #tpu.memory_space<vmem>> -> memref<160x64xf32, #tpu.memory_space<vmem>>
      %dma_start3A_198 = arith.constant 0 : i32
      %dma_start3A_199 = tpu.memref_slice %dma_start3A_197[%add3A_184, %dma_start3A_198] : memref<160x64xf32, #tpu.memory_space<vmem>> -> memref<1x64xf32, #tpu.memory_space<vmem>>
      %dma_start3A_200 = arith.constant 0 : i32
      %dma_start3A_201 = tpu.memref_slice %arg3[%squeeze3A_180, %dma_start3A_200] : memref<1000001x64xf32, #tpu.memory_space<hbm>> -> memref<1x64xf32, #tpu.memory_space<hbm>>
      tpu.enqueue_dma source(%dma_start3A_201 : memref<1x64xf32, #tpu.memory_space<hbm>>) target(%dma_start3A_199 : memref<1x64xf32, #tpu.memory_space<vmem>>) target_semaphore(%arg7 : memref<!tpu.dma_semaphore, #tpu.memory_space<semaphore_mem>>)
      %slice3A_202 = vector.extract_strided_slice %get3A_89 {offsets = [5], sizes = [1], strides = [1]} : vector<16xi32> to vector<1xi32>
      %squeeze3A_203 = vector.extract %slice3A_202[0] : i32 from vector<1xi32>
      %mul3A_204 = arith.constant 16 : i32
      %mul3A_205 = arith.muli %scan3A_83, %mul3A_204 : i32
      %add3A_206 = arith.constant 5 : i32
      %add3A_207 = arith.addi %mul3A_205, %add3A_206 : i32
      %dma_start3A_208 = arith.constant 0 : i32
      %dma_start3A_209 = arith.constant 0 : i32
      %dma_start3A_210 = arith.constant 0 : i32
      %dma_start3A_211 = tpu.memref_slice %arg6[%dma_start3A_208, %dma_start3A_209, %dma_start3A_210] : memref<4x160x64xf32, #tpu.memory_space<vmem>> -> memref<1x160x64xf32, #tpu.memory_space<vmem>>
      %dma_start3A_212 = tpu.memref_squeeze %dma_start3A_211 : memref<1x160x64xf32, #tpu.memory_space<vmem>> -> memref<160x64xf32, #tpu.memory_space<vmem>>
      %dma_start3A_213 = arith.constant 0 : i32
      %dma_start3A_214 = tpu.memref_slice %dma_start3A_212[%add3A_207, %dma_start3A_213] : memref<160x64xf32, #tpu.memory_space<vmem>> -> memref<1x64xf32, #tpu.memory_space<vmem>>
      %dma_start3A_215 = arith.constant 0 : i32
      %dma_start3A_216 = tpu.memref_slice %arg3[%squeeze3A_203, %dma_start3A_215] : memref<1000001x64xf32, #tpu.memory_space<hbm>> -> memref<1x64xf32, #tpu.memory_space<hbm>>
      %dma_start3A_217 = arith.constant 0 : i32
      %dma_start3A_218 = arith.constant 0 : i32
      %dma_start3A_219 = tpu.memref_slice %arg6[%dma_start3A_208, %dma_start3A_217, %dma_start3A_218] : memref<4x160x64xf32, #tpu.memory_space<vmem>> -> memref<1x160x64xf32, #tpu.memory_space<vmem>>
      %dma_start3A_220 = tpu.memref_squeeze %dma_start3A_219 : memref<1x160x64xf32, #tpu.memory_space<vmem>> -> memref<160x64xf32, #tpu.memory_space<vmem>>
      %dma_start3A_221 = arith.constant 0 : i32
      %dma_start3A_222 = tpu.memref_slice %dma_start3A_220[%add3A_207, %dma_start3A_221] : memref<160x64xf32, #tpu.memory_space<vmem>> -> memref<1x64xf32, #tpu.memory_space<vmem>>
      %dma_start3A_223 = arith.constant 0 : i32
      %dma_start3A_224 = tpu.memref_slice %arg3[%squeeze3A_203, %dma_start3A_223] : memref<1000001x64xf32, #tpu.memory_space<hbm>> -> memref<1x64xf32, #tpu.memory_space<hbm>>
      tpu.enqueue_dma source(%dma_start3A_224 : memref<1x64xf32, #tpu.memory_space<hbm>>) target(%dma_start3A_222 : memref<1x64xf32, #tpu.memory_space<vmem>>) target_semaphore(%arg7 : memref<!tpu.dma_semaphore, #tpu.memory_space<semaphore_mem>>)
      %slice3A_225 = vector.extract_strided_slice %get3A_89 {offsets = [6], sizes = [1], strides = [1]} : vector<16xi32> to vector<1xi32>
      %squeeze3A_226 = vector.extract %slice3A_225[0] : i32 from vector<1xi32>
      %mul3A_227 = arith.constant 16 : i32
      %mul3A_228 = arith.muli %scan3A_83, %mul3A_227 : i32
      %add3A_229 = arith.constant 6 : i32
      %add3A_230 = arith.addi %mul3A_228, %add3A_229 : i32
      %dma_start3A_231 = arith.constant 0 : i32
      %dma_start3A_232 = arith.constant 0 : i32
      %dma_start3A_233 = arith.constant 0 : i32
      %dma_start3A_234 = tpu.memref_slice %arg6[%dma_start3A_231, %dma_start3A_232, %dma_start3A_233] : memref<4x160x64xf32, #tpu.memory_space<vmem>> -> memref<1x160x64xf32, #tpu.memory_space<vmem>>
      %dma_start3A_235 = tpu.memref_squeeze %dma_start3A_234 : memref<1x160x64xf32, #tpu.memory_space<vmem>> -> memref<160x64xf32, #tpu.memory_space<vmem>>
      %dma_start3A_236 = arith.constant 0 : i32
      %dma_start3A_237 = tpu.memref_slice %dma_start3A_235[%add3A_230, %dma_start3A_236] : memref<160x64xf32, #tpu.memory_space<vmem>> -> memref<1x64xf32, #tpu.memory_space<vmem>>
      %dma_start3A_238 = arith.constant 0 : i32
      %dma_start3A_239 = tpu.memref_slice %arg3[%squeeze3A_226, %dma_start3A_238] : memref<1000001x64xf32, #tpu.memory_space<hbm>> -> memref<1x64xf32, #tpu.memory_space<hbm>>
      %dma_start3A_240 = arith.constant 0 : i32
      %dma_start3A_241 = arith.constant 0 : i32
      %dma_start3A_242 = tpu.memref_slice %arg6[%dma_start3A_231, %dma_start3A_240, %dma_start3A_241] : memref<4x160x64xf32, #tpu.memory_space<vmem>> -> memref<1x160x64xf32, #tpu.memory_space<vmem>>
      %dma_start3A_243 = tpu.memref_squeeze %dma_start3A_242 : memref<1x160x64xf32, #tpu.memory_space<vmem>> -> memref<160x64xf32, #tpu.memory_space<vmem>>
      %dma_start3A_244 = arith.constant 0 : i32
      %dma_start3A_245 = tpu.memref_slice %dma_start3A_243[%add3A_230, %dma_start3A_244] : memref<160x64xf32, #tpu.memory_space<vmem>> -> memref<1x64xf32, #tpu.memory_space<vmem>>
      %dma_start3A_246 = arith.constant 0 : i32
      %dma_start3A_247 = tpu.memref_slice %arg3[%squeeze3A_226, %dma_start3A_246] : memref<1000001x64xf32, #tpu.memory_space<hbm>> -> memref<1x64xf32, #tpu.memory_space<hbm>>
      tpu.enqueue_dma source(%dma_start3A_247 : memref<1x64xf32, #tpu.memory_space<hbm>>) target(%dma_start3A_245 : memref<1x64xf32, #tpu.memory_space<vmem>>) target_semaphore(%arg7 : memref<!tpu.dma_semaphore, #tpu.memory_space<semaphore_mem>>)
      %slice3A_248 = vector.extract_strided_slice %get3A_89 {offsets = [7], sizes = [1], strides = [1]} : vector<16xi32> to vector<1xi32>
      %squeeze3A_249 = vector.extract %slice3A_248[0] : i32 from vector<1xi32>
      %mul3A_250 = arith.constant 16 : i32
      %mul3A_251 = arith.muli %scan3A_83, %mul3A_250 : i32
      %add3A_252 = arith.constant 7 : i32
      %add3A_253 = arith.addi %mul3A_251, %add3A_252 : i32
      %dma_start3A_254 = arith.constant 0 : i32
      %dma_start3A_255 = arith.constant 0 : i32
      %dma_start3A_256 = arith.constant 0 : i32
      %dma_start3A_257 = tpu.memref_slice %arg6[%dma_start3A_254, %dma_start3A_255, %dma_start3A_256] : memref<4x160x64xf32, #tpu.memory_space<vmem>> -> memref<1x160x64xf32, #tpu.memory_space<vmem>>
      %dma_start3A_258 = tpu.memref_squeeze %dma_start3A_257 : memref<1x160x64xf32, #tpu.memory_space<vmem>> -> memref<160x64xf32, #tpu.memory_space<vmem>>
      %dma_start3A_259 = arith.constant 0 : i32
      %dma_start3A_260 = tpu.memref_slice %dma_start3A_258[%add3A_253, %dma_start3A_259] : memref<160x64xf32, #tpu.memory_space<vmem>> -> memref<1x64xf32, #tpu.memory_space<vmem>>
      %dma_start3A_261 = arith.constant 0 : i32
      %dma_start3A_262 = tpu.memref_slice %arg3[%squeeze3A_249, %dma_start3A_261] : memref<1000001x64xf32, #tpu.memory_space<hbm>> -> memref<1x64xf32, #tpu.memory_space<hbm>>
      %dma_start3A_263 = arith.constant 0 : i32
      %dma_start3A_264 = arith.constant 0 : i32
      %dma_start3A_265 = tpu.memref_slice %arg6[%dma_start3A_254, %dma_start3A_263, %dma_start3A_264] : memref<4x160x64xf32, #tpu.memory_space<vmem>> -> memref<1x160x64xf32, #tpu.memory_space<vmem>>
      %dma_start3A_266 = tpu.memref_squeeze %dma_start3A_265 : memref<1x160x64xf32, #tpu.memory_space<vmem>> -> memref<160x64xf32, #tpu.memory_space<vmem>>
      %dma_start3A_267 = arith.constant 0 : i32
      %dma_start3A_268 = tpu.memref_slice %dma_start3A_266[%add3A_253, %dma_start3A_267] : memref<160x64xf32, #tpu.memory_space<vmem>> -> memref<1x64xf32, #tpu.memory_space<vmem>>
      %dma_start3A_269 = arith.constant 0 : i32
      %dma_start3A_270 = tpu.memref_slice %arg3[%squeeze3A_249, %dma_start3A_269] : memref<1000001x64xf32, #tpu.memory_space<hbm>> -> memref<1x64xf32, #tpu.memory_space<hbm>>
      tpu.enqueue_dma source(%dma_start3A_270 : memref<1x64xf32, #tpu.memory_space<hbm>>) target(%dma_start3A_268 : memref<1x64xf32, #tpu.memory_space<vmem>>) target_semaphore(%arg7 : memref<!tpu.dma_semaphore, #tpu.memory_space<semaphore_mem>>)
      %slice3A_271 = vector.extract_strided_slice %get3A_89 {offsets = [8], sizes = [1], strides = [1]} : vector<16xi32> to vector<1xi32>
      %squeeze3A_272 = vector.extract %slice3A_271[0] : i32 from vector<1xi32>
      %mul3A_273 = arith.constant 16 : i32
      %mul3A_274 = arith.muli %scan3A_83, %mul3A_273 : i32
      %add3A_275 = arith.constant 8 : i32
      %add3A_276 = arith.addi %mul3A_274, %add3A_275 : i32
      %dma_start3A_277 = arith.constant 0 : i32
      %dma_start3A_278 = arith.constant 0 : i32
      %dma_start3A_279 = arith.constant 0 : i32
      %dma_start3A_280 = tpu.memref_slice %arg6[%dma_start3A_277, %dma_start3A_278, %dma_start3A_279] : memref<4x160x64xf32, #tpu.memory_space<vmem>> -> memref<1x160x64xf32, #tpu.memory_space<vmem>>
      %dma_start3A_281 = tpu.memref_squeeze %dma_start3A_280 : memref<1x160x64xf32, #tpu.memory_space<vmem>> -> memref<160x64xf32, #tpu.memory_space<vmem>>
      %dma_start3A_282 = arith.constant 0 : i32
      %dma_start3A_283 = tpu.memref_slice %dma_start3A_281[%add3A_276, %dma_start3A_282] : memref<160x64xf32, #tpu.memory_space<vmem>> -> memref<1x64xf32, #tpu.memory_space<vmem>>
      %dma_start3A_284 = arith.constant 0 : i32
      %dma_start3A_285 = tpu.memref_slice %arg3[%squeeze3A_272, %dma_start3A_284] : memref<1000001x64xf32, #tpu.memory_space<hbm>> -> memref<1x64xf32, #tpu.memory_space<hbm>>
      %dma_start3A_286 = arith.constant 0 : i32
      %dma_start3A_287 = arith.constant 0 : i32
      %dma_start3A_288 = tpu.memref_slice %arg6[%dma_start3A_277, %dma_start3A_286, %dma_start3A_287] : memref<4x160x64xf32, #tpu.memory_space<vmem>> -> memref<1x160x64xf32, #tpu.memory_space<vmem>>
      %dma_start3A_289 = tpu.memref_squeeze %dma_start3A_288 : memref<1x160x64xf32, #tpu.memory_space<vmem>> -> memref<160x64xf32, #tpu.memory_space<vmem>>
      %dma_start3A_290 = arith.constant 0 : i32
      %dma_start3A_291 = tpu.memref_slice %dma_start3A_289[%add3A_276, %dma_start3A_290] : memref<160x64xf32, #tpu.memory_space<vmem>> -> memref<1x64xf32, #tpu.memory_space<vmem>>
      %dma_start3A_292 = arith.constant 0 : i32
      %dma_start3A_293 = tpu.memref_slice %arg3[%squeeze3A_272, %dma_start3A_292] : memref<1000001x64xf32, #tpu.memory_space<hbm>> -> memref<1x64xf32, #tpu.memory_space<hbm>>
      tpu.enqueue_dma source(%dma_start3A_293 : memref<1x64xf32, #tpu.memory_space<hbm>>) target(%dma_start3A_291 : memref<1x64xf32, #tpu.memory_space<vmem>>) target_semaphore(%arg7 : memref<!tpu.dma_semaphore, #tpu.memory_space<semaphore_mem>>)
      %slice3A_294 = vector.extract_strided_slice %get3A_89 {offsets = [9], sizes = [1], strides = [1]} : vector<16xi32> to vector<1xi32>
      %squeeze3A_295 = vector.extract %slice3A_294[0] : i32 from vector<1xi32>
      %mul3A_296 = arith.constant 16 : i32
      %mul3A_297 = arith.muli %scan3A_83, %mul3A_296 : i32
      %add3A_298 = arith.constant 9 : i32
      %add3A_299 = arith.addi %mul3A_297, %add3A_298 : i32
      %dma_start3A_300 = arith.constant 0 : i32
      %dma_start3A_301 = arith.constant 0 : i32
      %dma_start3A_302 = arith.constant 0 : i32
      %dma_start3A_303 = tpu.memref_slice %arg6[%dma_start3A_300, %dma_start3A_301, %dma_start3A_302] : memref<4x160x64xf32, #tpu.memory_space<vmem>> -> memref<1x160x64xf32, #tpu.memory_space<vmem>>
      %dma_start3A_304 = tpu.memref_squeeze %dma_start3A_303 : memref<1x160x64xf32, #tpu.memory_space<vmem>> -> memref<160x64xf32, #tpu.memory_space<vmem>>
      %dma_start3A_305 = arith.constant 0 : i32
      %dma_start3A_306 = tpu.memref_slice %dma_start3A_304[%add3A_299, %dma_start3A_305] : memref<160x64xf32, #tpu.memory_space<vmem>> -> memref<1x64xf32, #tpu.memory_space<vmem>>
      %dma_start3A_307 = arith.constant 0 : i32
      %dma_start3A_308 = tpu.memref_slice %arg3[%squeeze3A_295, %dma_start3A_307] : memref<1000001x64xf32, #tpu.memory_space<hbm>> -> memref<1x64xf32, #tpu.memory_space<hbm>>
      %dma_start3A_309 = arith.constant 0 : i32
      %dma_start3A_310 = arith.constant 0 : i32
      %dma_start3A_311 = tpu.memref_slice %arg6[%dma_start3A_300, %dma_start3A_309, %dma_start3A_310] : memref<4x160x64xf32, #tpu.memory_space<vmem>> -> memref<1x160x64xf32, #tpu.memory_space<vmem>>
      %dma_start3A_312 = tpu.memref_squeeze %dma_start3A_311 : memref<1x160x64xf32, #tpu.memory_space<vmem>> -> memref<160x64xf32, #tpu.memory_space<vmem>>
      %dma_start3A_313 = arith.constant 0 : i32
      %dma_start3A_314 = tpu.memref_slice %dma_start3A_312[%add3A_299, %dma_start3A_313] : memref<160x64xf32, #tpu.memory_space<vmem>> -> memref<1x64xf32, #tpu.memory_space<vmem>>
      %dma_start3A_315 = arith.constant 0 : i32
      %dma_start3A_316 = tpu.memref_slice %arg3[%squeeze3A_295, %dma_start3A_315] : memref<1000001x64xf32, #tpu.memory_space<hbm>> -> memref<1x64xf32, #tpu.memory_space<hbm>>
      tpu.enqueue_dma source(%dma_start3A_316 : memref<1x64xf32, #tpu.memory_space<hbm>>) target(%dma_start3A_314 : memref<1x64xf32, #tpu.memory_space<vmem>>) target_semaphore(%arg7 : memref<!tpu.dma_semaphore, #tpu.memory_space<semaphore_mem>>)
      %slice3A_317 = vector.extract_strided_slice %get3A_89 {offsets = [10], sizes = [1], strides = [1]} : vector<16xi32> to vector<1xi32>
      %squeeze3A_318 = vector.extract %slice3A_317[0] : i32 from vector<1xi32>
      %mul3A_319 = arith.constant 16 : i32
      %mul3A_320 = arith.muli %scan3A_83, %mul3A_319 : i32
      %add3A_321 = arith.constant 10 : i32
      %add3A_322 = arith.addi %mul3A_320, %add3A_321 : i32
      %dma_start3A_323 = arith.constant 0 : i32
      %dma_start3A_324 = arith.constant 0 : i32
      %dma_start3A_325 = arith.constant 0 : i32
      %dma_start3A_326 = tpu.memref_slice %arg6[%dma_start3A_323, %dma_start3A_324, %dma_start3A_325] : memref<4x160x64xf32, #tpu.memory_space<vmem>> -> memref<1x160x64xf32, #tpu.memory_space<vmem>>
      %dma_start3A_327 = tpu.memref_squeeze %dma_start3A_326 : memref<1x160x64xf32, #tpu.memory_space<vmem>> -> memref<160x64xf32, #tpu.memory_space<vmem>>
      %dma_start3A_328 = arith.constant 0 : i32
      %dma_start3A_329 = tpu.memref_slice %dma_start3A_327[%add3A_322, %dma_start3A_328] : memref<160x64xf32, #tpu.memory_space<vmem>> -> memref<1x64xf32, #tpu.memory_space<vmem>>
      %dma_start3A_330 = arith.constant 0 : i32
      %dma_start3A_331 = tpu.memref_slice %arg3[%squeeze3A_318, %dma_start3A_330] : memref<1000001x64xf32, #tpu.memory_space<hbm>> -> memref<1x64xf32, #tpu.memory_space<hbm>>
      %dma_start3A_332 = arith.constant 0 : i32
      %dma_start3A_333 = arith.constant 0 : i32
      %dma_start3A_334 = tpu.memref_slice %arg6[%dma_start3A_323, %dma_start3A_332, %dma_start3A_333] : memref<4x160x64xf32, #tpu.memory_space<vmem>> -> memref<1x160x64xf32, #tpu.memory_space<vmem>>
      %dma_start3A_335 = tpu.memref_squeeze %dma_start3A_334 : memref<1x160x64xf32, #tpu.memory_space<vmem>> -> memref<160x64xf32, #tpu.memory_space<vmem>>
      %dma_start3A_336 = arith.constant 0 : i32
      %dma_start3A_337 = tpu.memref_slice %dma_start3A_335[%add3A_322, %dma_start3A_336] : memref<160x64xf32, #tpu.memory_space<vmem>> -> memref<1x64xf32, #tpu.memory_space<vmem>>
      %dma_start3A_338 = arith.constant 0 : i32
      %dma_start3A_339 = tpu.memref_slice %arg3[%squeeze3A_318, %dma_start3A_338] : memref<1000001x64xf32, #tpu.memory_space<hbm>> -> memref<1x64xf32, #tpu.memory_space<hbm>>
      tpu.enqueue_dma source(%dma_start3A_339 : memref<1x64xf32, #tpu.memory_space<hbm>>) target(%dma_start3A_337 : memref<1x64xf32, #tpu.memory_space<vmem>>) target_semaphore(%arg7 : memref<!tpu.dma_semaphore, #tpu.memory_space<semaphore_mem>>)
      %slice3A_340 = vector.extract_strided_slice %get3A_89 {offsets = [11], sizes = [1], strides = [1]} : vector<16xi32> to vector<1xi32>
      %squeeze3A_341 = vector.extract %slice3A_340[0] : i32 from vector<1xi32>
      %mul3A_342 = arith.constant 16 : i32
      %mul3A_343 = arith.muli %scan3A_83, %mul3A_342 : i32
      %add3A_344 = arith.constant 11 : i32
      %add3A_345 = arith.addi %mul3A_343, %add3A_344 : i32
      %dma_start3A_346 = arith.constant 0 : i32
      %dma_start3A_347 = arith.constant 0 : i32
      %dma_start3A_348 = arith.constant 0 : i32
      %dma_start3A_349 = tpu.memref_slice %arg6[%dma_start3A_346, %dma_start3A_347, %dma_start3A_348] : memref<4x160x64xf32, #tpu.memory_space<vmem>> -> memref<1x160x64xf32, #tpu.memory_space<vmem>>
      %dma_start3A_350 = tpu.memref_squeeze %dma_start3A_349 : memref<1x160x64xf32, #tpu.memory_space<vmem>> -> memref<160x64xf32, #tpu.memory_space<vmem>>
      %dma_start3A_351 = arith.constant 0 : i32
      %dma_start3A_352 = tpu.memref_slice %dma_start3A_350[%add3A_345, %dma_start3A_351] : memref<160x64xf32, #tpu.memory_space<vmem>> -> memref<1x64xf32, #tpu.memory_space<vmem>>
      %dma_start3A_353 = arith.constant 0 : i32
      %dma_start3A_354 = tpu.memref_slice %arg3[%squeeze3A_341, %dma_start3A_353] : memref<1000001x64xf32, #tpu.memory_space<hbm>> -> memref<1x64xf32, #tpu.memory_space<hbm>>
      %dma_start3A_355 = arith.constant 0 : i32
      %dma_start3A_356 = arith.constant 0 : i32
      %dma_start3A_357 = tpu.memref_slice %arg6[%dma_start3A_346, %dma_start3A_355, %dma_start3A_356] : memref<4x160x64xf32, #tpu.memory_space<vmem>> -> memref<1x160x64xf32, #tpu.memory_space<vmem>>
      %dma_start3A_358 = tpu.memref_squeeze %dma_start3A_357 : memref<1x160x64xf32, #tpu.memory_space<vmem>> -> memref<160x64xf32, #tpu.memory_space<vmem>>
      %dma_start3A_359 = arith.constant 0 : i32
      %dma_start3A_360 = tpu.memref_slice %dma_start3A_358[%add3A_345, %dma_start3A_359] : memref<160x64xf32, #tpu.memory_space<vmem>> -> memref<1x64xf32, #tpu.memory_space<vmem>>
      %dma_start3A_361 = arith.constant 0 : i32
      %dma_start3A_362 = tpu.memref_slice %arg3[%squeeze3A_341, %dma_start3A_361] : memref<1000001x64xf32, #tpu.memory_space<hbm>> -> memref<1x64xf32, #tpu.memory_space<hbm>>
      tpu.enqueue_dma source(%dma_start3A_362 : memref<1x64xf32, #tpu.memory_space<hbm>>) target(%dma_start3A_360 : memref<1x64xf32, #tpu.memory_space<vmem>>) target_semaphore(%arg7 : memref<!tpu.dma_semaphore, #tpu.memory_space<semaphore_mem>>)
      %slice3A_363 = vector.extract_strided_slice %get3A_89 {offsets = [12], sizes = [1], strides = [1]} : vector<16xi32> to vector<1xi32>
      %squeeze3A_364 = vector.extract %slice3A_363[0] : i32 from vector<1xi32>
      %mul3A_365 = arith.constant 16 : i32
      %mul3A_366 = arith.muli %scan3A_83, %mul3A_365 : i32
      %add3A_367 = arith.constant 12 : i32
      %add3A_368 = arith.addi %mul3A_366, %add3A_367 : i32
      %dma_start3A_369 = arith.constant 0 : i32
      %dma_start3A_370 = arith.constant 0 : i32
      %dma_start3A_371 = arith.constant 0 : i32
      %dma_start3A_372 = tpu.memref_slice %arg6[%dma_start3A_369, %dma_start3A_370, %dma_start3A_371] : memref<4x160x64xf32, #tpu.memory_space<vmem>> -> memref<1x160x64xf32, #tpu.memory_space<vmem>>
      %dma_start3A_373 = tpu.memref_squeeze %dma_start3A_372 : memref<1x160x64xf32, #tpu.memory_space<vmem>> -> memref<160x64xf32, #tpu.memory_space<vmem>>
      %dma_start3A_374 = arith.constant 0 : i32
      %dma_start3A_375 = tpu.memref_slice %dma_start3A_373[%add3A_368, %dma_start3A_374] : memref<160x64xf32, #tpu.memory_space<vmem>> -> memref<1x64xf32, #tpu.memory_space<vmem>>
      %dma_start3A_376 = arith.constant 0 : i32
      %dma_start3A_377 = tpu.memref_slice %arg3[%squeeze3A_364, %dma_start3A_376] : memref<1000001x64xf32, #tpu.memory_space<hbm>> -> memref<1x64xf32, #tpu.memory_space<hbm>>
      %dma_start3A_378 = arith.constant 0 : i32
      %dma_start3A_379 = arith.constant 0 : i32
      %dma_start3A_380 = tpu.memref_slice %arg6[%dma_start3A_369, %dma_start3A_378, %dma_start3A_379] : memref<4x160x64xf32, #tpu.memory_space<vmem>> -> memref<1x160x64xf32, #tpu.memory_space<vmem>>
      %dma_start3A_381 = tpu.memref_squeeze %dma_start3A_380 : memref<1x160x64xf32, #tpu.memory_space<vmem>> -> memref<160x64xf32, #tpu.memory_space<vmem>>
      %dma_start3A_382 = arith.constant 0 : i32
      %dma_start3A_383 = tpu.memref_slice %dma_start3A_381[%add3A_368, %dma_start3A_382] : memref<160x64xf32, #tpu.memory_space<vmem>> -> memref<1x64xf32, #tpu.memory_space<vmem>>
      %dma_start3A_384 = arith.constant 0 : i32
      %dma_start3A_385 = tpu.memref_slice %arg3[%squeeze3A_364, %dma_start3A_384] : memref<1000001x64xf32, #tpu.memory_space<hbm>> -> memref<1x64xf32, #tpu.memory_space<hbm>>
      tpu.enqueue_dma source(%dma_start3A_385 : memref<1x64xf32, #tpu.memory_space<hbm>>) target(%dma_start3A_383 : memref<1x64xf32, #tpu.memory_space<vmem>>) target_semaphore(%arg7 : memref<!tpu.dma_semaphore, #tpu.memory_space<semaphore_mem>>)
      %slice3A_386 = vector.extract_strided_slice %get3A_89 {offsets = [13], sizes = [1], strides = [1]} : vector<16xi32> to vector<1xi32>
      %squeeze3A_387 = vector.extract %slice3A_386[0] : i32 from vector<1xi32>
      %mul3A_388 = arith.constant 16 : i32
      %mul3A_389 = arith.muli %scan3A_83, %mul3A_388 : i32
      %add3A_390 = arith.constant 13 : i32
      %add3A_391 = arith.addi %mul3A_389, %add3A_390 : i32
      %dma_start3A_392 = arith.constant 0 : i32
      %dma_start3A_393 = arith.constant 0 : i32
      %dma_start3A_394 = arith.constant 0 : i32
      %dma_start3A_395 = tpu.memref_slice %arg6[%dma_start3A_392, %dma_start3A_393, %dma_start3A_394] : memref<4x160x64xf32, #tpu.memory_space<vmem>> -> memref<1x160x64xf32, #tpu.memory_space<vmem>>
      %dma_start3A_396 = tpu.memref_squeeze %dma_start3A_395 : memref<1x160x64xf32, #tpu.memory_space<vmem>> -> memref<160x64xf32, #tpu.memory_space<vmem>>
      %dma_start3A_397 = arith.constant 0 : i32
      %dma_start3A_398 = tpu.memref_slice %dma_start3A_396[%add3A_391, %dma_start3A_397] : memref<160x64xf32, #tpu.memory_space<vmem>> -> memref<1x64xf32, #tpu.memory_space<vmem>>
      %dma_start3A_399 = arith.constant 0 : i32
      %dma_start3A_400 = tpu.memref_slice %arg3[%squeeze3A_387, %dma_start3A_399] : memref<1000001x64xf32, #tpu.memory_space<hbm>> -> memref<1x64xf32, #tpu.memory_space<hbm>>
      %dma_start3A_401 = arith.constant 0 : i32
      %dma_start3A_402 = arith.constant 0 : i32
      %dma_start3A_403 = tpu.memref_slice %arg6[%dma_start3A_392, %dma_start3A_401, %dma_start3A_402] : memref<4x160x64xf32, #tpu.memory_space<vmem>> -> memref<1x160x64xf32, #tpu.memory_space<vmem>>
      %dma_start3A_404 = tpu.memref_squeeze %dma_start3A_403 : memref<1x160x64xf32, #tpu.memory_space<vmem>> -> memref<160x64xf32, #tpu.memory_space<vmem>>
      %dma_start3A_405 = arith.constant 0 : i32
      %dma_start3A_406 = tpu.memref_slice %dma_start3A_404[%add3A_391, %dma_start3A_405] : memref<160x64xf32, #tpu.memory_space<vmem>> -> memref<1x64xf32, #tpu.memory_space<vmem>>
      %dma_start3A_407 = arith.constant 0 : i32
      %dma_start3A_408 = tpu.memref_slice %arg3[%squeeze3A_387, %dma_start3A_407] : memref<1000001x64xf32, #tpu.memory_space<hbm>> -> memref<1x64xf32, #tpu.memory_space<hbm>>
      tpu.enqueue_dma source(%dma_start3A_408 : memref<1x64xf32, #tpu.memory_space<hbm>>) target(%dma_start3A_406 : memref<1x64xf32, #tpu.memory_space<vmem>>) target_semaphore(%arg7 : memref<!tpu.dma_semaphore, #tpu.memory_space<semaphore_mem>>)
      %slice3A_409 = vector.extract_strided_slice %get3A_89 {offsets = [14], sizes = [1], strides = [1]} : vector<16xi32> to vector<1xi32>
      %squeeze3A_410 = vector.extract %slice3A_409[0] : i32 from vector<1xi32>
      %mul3A_411 = arith.constant 16 : i32
      %mul3A_412 = arith.muli %scan3A_83, %mul3A_411 : i32
      %add3A_413 = arith.constant 14 : i32
      %add3A_414 = arith.addi %mul3A_412, %add3A_413 : i32
      %dma_start3A_415 = arith.constant 0 : i32
      %dma_start3A_416 = arith.constant 0 : i32
      %dma_start3A_417 = arith.constant 0 : i32
      %dma_start3A_418 = tpu.memref_slice %arg6[%dma_start3A_415, %dma_start3A_416, %dma_start3A_417] : memref<4x160x64xf32, #tpu.memory_space<vmem>> -> memref<1x160x64xf32, #tpu.memory_space<vmem>>
      %dma_start3A_419 = tpu.memref_squeeze %dma_start3A_418 : memref<1x160x64xf32, #tpu.memory_space<vmem>> -> memref<160x64xf32, #tpu.memory_space<vmem>>
      %dma_start3A_420 = arith.constant 0 : i32
      %dma_start3A_421 = tpu.memref_slice %dma_start3A_419[%add3A_414, %dma_start3A_420] : memref<160x64xf32, #tpu.memory_space<vmem>> -> memref<1x64xf32, #tpu.memory_space<vmem>>
      %dma_start3A_422 = arith.constant 0 : i32
      %dma_start3A_423 = tpu.memref_slice %arg3[%squeeze3A_410, %dma_start3A_422] : memref<1000001x64xf32, #tpu.memory_space<hbm>> -> memref<1x64xf32, #tpu.memory_space<hbm>>
      %dma_start3A_424 = arith.constant 0 : i32
      %dma_start3A_425 = arith.constant 0 : i32
      %dma_start3A_426 = tpu.memref_slice %arg6[%dma_start3A_415, %dma_start3A_424, %dma_start3A_425] : memref<4x160x64xf32, #tpu.memory_space<vmem>> -> memref<1x160x64xf32, #tpu.memory_space<vmem>>
      %dma_start3A_427 = tpu.memref_squeeze %dma_start3A_426 : memref<1x160x64xf32, #tpu.memory_space<vmem>> -> memref<160x64xf32, #tpu.memory_space<vmem>>
      %dma_start3A_428 = arith.constant 0 : i32
      %dma_start3A_429 = tpu.memref_slice %dma_start3A_427[%add3A_414, %dma_start3A_428] : memref<160x64xf32, #tpu.memory_space<vmem>> -> memref<1x64xf32, #tpu.memory_space<vmem>>
      %dma_start3A_430 = arith.constant 0 : i32
      %dma_start3A_431 = tpu.memref_slice %arg3[%squeeze3A_410, %dma_start3A_430] : memref<1000001x64xf32, #tpu.memory_space<hbm>> -> memref<1x64xf32, #tpu.memory_space<hbm>>
      tpu.enqueue_dma source(%dma_start3A_431 : memref<1x64xf32, #tpu.memory_space<hbm>>) target(%dma_start3A_429 : memref<1x64xf32, #tpu.memory_space<vmem>>) target_semaphore(%arg7 : memref<!tpu.dma_semaphore, #tpu.memory_space<semaphore_mem>>)
      %slice3A_432 = vector.extract_strided_slice %get3A_89 {offsets = [15], sizes = [1], strides = [1]} : vector<16xi32> to vector<1xi32>
      %squeeze3A_433 = vector.extract %slice3A_432[0] : i32 from vector<1xi32>
      %mul3A_434 = arith.constant 16 : i32
      %mul3A_435 = arith.muli %scan3A_83, %mul3A_434 : i32
      %add3A_436 = arith.constant 15 : i32
      %add3A_437 = arith.addi %mul3A_435, %add3A_436 : i32
      %dma_start3A_438 = arith.constant 0 : i32
      %dma_start3A_439 = arith.constant 0 : i32
      %dma_start3A_440 = arith.constant 0 : i32
      %dma_start3A_441 = tpu.memref_slice %arg6[%dma_start3A_438, %dma_start3A_439, %dma_start3A_440] : memref<4x160x64xf32, #tpu.memory_space<vmem>> -> memref<1x160x64xf32, #tpu.memory_space<vmem>>
      %dma_start3A_442 = tpu.memref_squeeze %dma_start3A_441 : memref<1x160x64xf32, #tpu.memory_space<vmem>> -> memref<160x64xf32, #tpu.memory_space<vmem>>
      %dma_start3A_443 = arith.constant 0 : i32
      %dma_start3A_444 = tpu.memref_slice %dma_start3A_442[%add3A_437, %dma_start3A_443] : memref<160x64xf32, #tpu.memory_space<vmem>> -> memref<1x64xf32, #tpu.memory_space<vmem>>
      %dma_start3A_445 = arith.constant 0 : i32
      %dma_start3A_446 = tpu.memref_slice %arg3[%squeeze3A_433, %dma_start3A_445] : memref<1000001x64xf32, #tpu.memory_space<hbm>> -> memref<1x64xf32, #tpu.memory_space<hbm>>
      %dma_start3A_447 = arith.constant 0 : i32
      %dma_start3A_448 = arith.constant 0 : i32
      %dma_start3A_449 = tpu.memref_slice %arg6[%dma_start3A_438, %dma_start3A_447, %dma_start3A_448] : memref<4x160x64xf32, #tpu.memory_space<vmem>> -> memref<1x160x64xf32, #tpu.memory_space<vmem>>
      %dma_start3A_450 = tpu.memref_squeeze %dma_start3A_449 : memref<1x160x64xf32, #tpu.memory_space<vmem>> -> memref<160x64xf32, #tpu.memory_space<vmem>>
      %dma_start3A_451 = arith.constant 0 : i32
      %dma_start3A_452 = tpu.memref_slice %dma_start3A_450[%add3A_437, %dma_start3A_451] : memref<160x64xf32, #tpu.memory_space<vmem>> -> memref<1x64xf32, #tpu.memory_space<vmem>>
      %dma_start3A_453 = arith.constant 0 : i32
      %dma_start3A_454 = tpu.memref_slice %arg3[%squeeze3A_433, %dma_start3A_453] : memref<1000001x64xf32, #tpu.memory_space<hbm>> -> memref<1x64xf32, #tpu.memory_space<hbm>>
      tpu.enqueue_dma source(%dma_start3A_454 : memref<1x64xf32, #tpu.memory_space<hbm>>) target(%dma_start3A_452 : memref<1x64xf32, #tpu.memory_space<vmem>>) target_semaphore(%arg7 : memref<!tpu.dma_semaphore, #tpu.memory_space<semaphore_mem>>)
    }
    %scan3A_7 = arith.constant 10 : i32
    %scan3A_8 = arith.constant 0 : i32
    %scan3A_9 = arith.constant 0 : i32
    %scan3A_10 = arith.constant 10 : i32
    %scan3A_11 = arith.addi %scan3A_9, %scan3A_10 : i32
    %scan3A_12 = arith.constant 1 : i32
    scf.for %scan3A_83 = %scan3A_9 to %scan3A_11 step %scan3A_12  : i32 {
      %mul3A_84 = arith.constant 16 : i32
      %mul3A_85 = arith.muli %scan3A_83, %mul3A_84 : i32
      %add3A_86 = arith.constant 160 : i32
      %add3A_87 = arith.addi %add3A_86, %mul3A_85 : i32
      %get3A = arith.index_cast %add3A_87 : i32 to index
      %get3A_88 = tpu.vector_load %arg5[%get3A] {strides = array<i32>} : memref<25600xi32, #tpu.memory_space<vmem>>, vector<16xi32>,
      %get3A_89 = vector.shape_cast %get3A_88 : vector<16xi32> to vector<16xi32>
      %slice3A = vector.extract_strided_slice %get3A_89 {offsets = [0], sizes = [1], strides = [1]} : vector<16xi32> to vector<1xi32>
      %squeeze3A = vector.extract %slice3A[0] : i32 from vector<1xi32>
      %mul3A_90 = arith.constant 16 : i32
      %mul3A_91 = arith.muli %scan3A_83, %mul3A_90 : i32
      %add3A_92 = arith.constant 0 : i32
      %add3A_93 = arith.addi %mul3A_91, %add3A_92 : i32
      %dma_start3A = arith.constant 1 : i32
      %dma_start3A_94 = arith.constant 0 : i32
      %dma_start3A_95 = arith.constant 0 : i32
      %dma_start3A_96 = tpu.memref_slice %arg6[%dma_start3A, %dma_start3A_94, %dma_start3A_95] : memref<4x160x64xf32, #tpu.memory_space<vmem>> -> memref<1x160x64xf32, #tpu.memory_space<vmem>>
      %dma_start3A_97 = tpu.memref_squeeze %dma_start3A_96 : memref<1x160x64xf32, #tpu.memory_space<vmem>> -> memref<160x64xf32, #tpu.memory_space<vmem>>
      %dma_start3A_98 = arith.constant 0 : i32
      %dma_start3A_99 = tpu.memref_slice %dma_start3A_97[%add3A_93, %dma_start3A_98] : memref<160x64xf32, #tpu.memory_space<vmem>> -> memref<1x64xf32, #tpu.memory_space<vmem>>
      %dma_start3A_100 = arith.constant 0 : i32
      %dma_start3A_101 = tpu.memref_slice %arg3[%squeeze3A, %dma_start3A_100] : memref<1000001x64xf32, #tpu.memory_space<hbm>> -> memref<1x64xf32, #tpu.memory_space<hbm>>
      %dma_start3A_102 = arith.constant 0 : i32
      %dma_start3A_103 = arith.constant 0 : i32
      %dma_start3A_104 = tpu.memref_slice %arg6[%dma_start3A, %dma_start3A_102, %dma_start3A_103] : memref<4x160x64xf32, #tpu.memory_space<vmem>> -> memref<1x160x64xf32, #tpu.memory_space<vmem>>
      %dma_start3A_105 = tpu.memref_squeeze %dma_start3A_104 : memref<1x160x64xf32, #tpu.memory_space<vmem>> -> memref<160x64xf32, #tpu.memory_space<vmem>>
      %dma_start3A_106 = arith.constant 0 : i32
      %dma_start3A_107 = tpu.memref_slice %dma_start3A_105[%add3A_93, %dma_start3A_106] : memref<160x64xf32, #tpu.memory_space<vmem>> -> memref<1x64xf32, #tpu.memory_space<vmem>>
      %dma_start3A_108 = arith.constant 0 : i32
      %dma_start3A_109 = tpu.memref_slice %arg3[%squeeze3A, %dma_start3A_108] : memref<1000001x64xf32, #tpu.memory_space<hbm>> -> memref<1x64xf32, #tpu.memory_space<hbm>>
      tpu.enqueue_dma source(%dma_start3A_109 : memref<1x64xf32, #tpu.memory_space<hbm>>) target(%dma_start3A_107 : memref<1x64xf32, #tpu.memory_space<vmem>>) target_semaphore(%arg8 : memref<!tpu.dma_semaphore, #tpu.memory_space<semaphore_mem>>)
      %slice3A_110 = vector.extract_strided_slice %get3A_89 {offsets = [1], sizes = [1], strides = [1]} : vector<16xi32> to vector<1xi32>
      %squeeze3A_111 = vector.extract %slice3A_110[0] : i32 from vector<1xi32>
      %mul3A_112 = arith.constant 16 : i32
      %mul3A_113 = arith.muli %scan3A_83, %mul3A_112 : i32
      %add3A_114 = arith.constant 1 : i32
      %add3A_115 = arith.addi %mul3A_113, %add3A_114 : i32
      %dma_start3A_116 = arith.constant 1 : i32
      %dma_start3A_117 = arith.constant 0 : i32
      %dma_start3A_118 = arith.constant 0 : i32
      %dma_start3A_119 = tpu.memref_slice %arg6[%dma_start3A_116, %dma_start3A_117, %dma_start3A_118] : memref<4x160x64xf32, #tpu.memory_space<vmem>> -> memref<1x160x64xf32, #tpu.memory_space<vmem>>
      %dma_start3A_120 = tpu.memref_squeeze %dma_start3A_119 : memref<1x160x64xf32, #tpu.memory_space<vmem>> -> memref<160x64xf32, #tpu.memory_space<vmem>>
      %dma_start3A_121 = arith.constant 0 : i32
      %dma_start3A_122 = tpu.memref_slice %dma_start3A_120[%add3A_115, %dma_start3A_121] : memref<160x64xf32, #tpu.memory_space<vmem>> -> memref<1x64xf32, #tpu.memory_space<vmem>>
      %dma_start3A_123 = arith.constant 0 : i32
      %dma_start3A_124 = tpu.memref_slice %arg3[%squeeze3A_111, %dma_start3A_123] : memref<1000001x64xf32, #tpu.memory_space<hbm>> -> memref<1x64xf32, #tpu.memory_space<hbm>>
      %dma_start3A_125 = arith.constant 0 : i32
      %dma_start3A_126 = arith.constant 0 : i32
      %dma_start3A_127 = tpu.memref_slice %arg6[%dma_start3A_116, %dma_start3A_125, %dma_start3A_126] : memref<4x160x64xf32, #tpu.memory_space<vmem>> -> memref<1x160x64xf32, #tpu.memory_space<vmem>>
      %dma_start3A_128 = tpu.memref_squeeze %dma_start3A_127 : memref<1x160x64xf32, #tpu.memory_space<vmem>> -> memref<160x64xf32, #tpu.memory_space<vmem>>
      %dma_start3A_129 = arith.constant 0 : i32
      %dma_start3A_130 = tpu.memref_slice %dma_start3A_128[%add3A_115, %dma_start3A_129] : memref<160x64xf32, #tpu.memory_space<vmem>> -> memref<1x64xf32, #tpu.memory_space<vmem>>
      %dma_start3A_131 = arith.constant 0 : i32
      %dma_start3A_132 = tpu.memref_slice %arg3[%squeeze3A_111, %dma_start3A_131] : memref<1000001x64xf32, #tpu.memory_space<hbm>> -> memref<1x64xf32, #tpu.memory_space<hbm>>
      tpu.enqueue_dma source(%dma_start3A_132 : memref<1x64xf32, #tpu.memory_space<hbm>>) target(%dma_start3A_130 : memref<1x64xf32, #tpu.memory_space<vmem>>) target_semaphore(%arg8 : memref<!tpu.dma_semaphore, #tpu.memory_space<semaphore_mem>>)
      %slice3A_133 = vector.extract_strided_slice %get3A_89 {offsets = [2], sizes = [1], strides = [1]} : vector<16xi32> to vector<1xi32>
      %squeeze3A_134 = vector.extract %slice3A_133[0] : i32 from vector<1xi32>
      %mul3A_135 = arith.constant 16 : i32
      %mul3A_136 = arith.muli %scan3A_83, %mul3A_135 : i32
      %add3A_137 = arith.constant 2 : i32
      %add3A_138 = arith.addi %mul3A_136, %add3A_137 : i32
      %dma_start3A_139 = arith.constant 1 : i32
      %dma_start3A_140 = arith.constant 0 : i32
      %dma_start3A_141 = arith.constant 0 : i32
      %dma_start3A_142 = tpu.memref_slice %arg6[%dma_start3A_139, %dma_start3A_140, %dma_start3A_141] : memref<4x160x64xf32, #tpu.memory_space<vmem>> -> memref<1x160x64xf32, #tpu.memory_space<vmem>>
      %dma_start3A_143 = tpu.memref_squeeze %dma_start3A_142 : memref<1x160x64xf32, #tpu.memory_space<vmem>> -> memref<160x64xf32, #tpu.memory_space<vmem>>
      %dma_start3A_144 = arith.constant 0 : i32
      %dma_start3A_145 = tpu.memref_slice %dma_start3A_143[%add3A_138, %dma_start3A_144] : memref<160x64xf32, #tpu.memory_space<vmem>> -> memref<1x64xf32, #tpu.memory_space<vmem>>
      %dma_start3A_146 = arith.constant 0 : i32
      %dma_start3A_147 = tpu.memref_slice %arg3[%squeeze3A_134, %dma_start3A_146] : memref<1000001x64xf32, #tpu.memory_space<hbm>> -> memref<1x64xf32, #tpu.memory_space<hbm>>
      %dma_start3A_148 = arith.constant 0 : i32
      %dma_start3A_149 = arith.constant 0 : i32
      %dma_start3A_150 = tpu.memref_slice %arg6[%dma_start3A_139, %dma_start3A_148, %dma_start3A_149] : memref<4x160x64xf32, #tpu.memory_space<vmem>> -> memref<1x160x64xf32, #tpu.memory_space<vmem>>
      %dma_start3A_151 = tpu.memref_squeeze %dma_start3A_150 : memref<1x160x64xf32, #tpu.memory_space<vmem>> -> memref<160x64xf32, #tpu.memory_space<vmem>>
      %dma_start3A_152 = arith.constant 0 : i32
      %dma_start3A_153 = tpu.memref_slice %dma_start3A_151[%add3A_138, %dma_start3A_152] : memref<160x64xf32, #tpu.memory_space<vmem>> -> memref<1x64xf32, #tpu.memory_space<vmem>>
      %dma_start3A_154 = arith.constant 0 : i32
      %dma_start3A_155 = tpu.memref_slice %arg3[%squeeze3A_134, %dma_start3A_154] : memref<1000001x64xf32, #tpu.memory_space<hbm>> -> memref<1x64xf32, #tpu.memory_space<hbm>>
      tpu.enqueue_dma source(%dma_start3A_155 : memref<1x64xf32, #tpu.memory_space<hbm>>) target(%dma_start3A_153 : memref<1x64xf32, #tpu.memory_space<vmem>>) target_semaphore(%arg8 : memref<!tpu.dma_semaphore, #tpu.memory_space<semaphore_mem>>)
      %slice3A_156 = vector.extract_strided_slice %get3A_89 {offsets = [3], sizes = [1], strides = [1]} : vector<16xi32> to vector<1xi32>
      %squeeze3A_157 = vector.extract %slice3A_156[0] : i32 from vector<1xi32>
      %mul3A_158 = arith.constant 16 : i32
      %mul3A_159 = arith.muli %scan3A_83, %mul3A_158 : i32
      %add3A_160 = arith.constant 3 : i32
      %add3A_161 = arith.addi %mul3A_159, %add3A_160 : i32
      %dma_start3A_162 = arith.constant 1 : i32
      %dma_start3A_163 = arith.constant 0 : i32
      %dma_start3A_164 = arith.constant 0 : i32
      %dma_start3A_165 = tpu.memref_slice %arg6[%dma_start3A_162, %dma_start3A_163, %dma_start3A_164] : memref<4x160x64xf32, #tpu.memory_space<vmem>> -> memref<1x160x64xf32, #tpu.memory_space<vmem>>
      %dma_start3A_166 = tpu.memref_squeeze %dma_start3A_165 : memref<1x160x64xf32, #tpu.memory_space<vmem>> -> memref<160x64xf32, #tpu.memory_space<vmem>>
      %dma_start3A_167 = arith.constant 0 : i32
      %dma_start3A_168 = tpu.memref_slice %dma_start3A_166[%add3A_161, %dma_start3A_167] : memref<160x64xf32, #tpu.memory_space<vmem>> -> memref<1x64xf32, #tpu.memory_space<vmem>>
      %dma_start3A_169 = arith.constant 0 : i32
      %dma_start3A_170 = tpu.memref_slice %arg3[%squeeze3A_157, %dma_start3A_169] : memref<1000001x64xf32, #tpu.memory_space<hbm>> -> memref<1x64xf32, #tpu.memory_space<hbm>>
      %dma_start3A_171 = arith.constant 0 : i32
      %dma_start3A_172 = arith.constant 0 : i32
      %dma_start3A_173 = tpu.memref_slice %arg6[%dma_start3A_162, %dma_start3A_171, %dma_start3A_172] : memref<4x160x64xf32, #tpu.memory_space<vmem>> -> memref<1x160x64xf32, #tpu.memory_space<vmem>>
      %dma_start3A_174 = tpu.memref_squeeze %dma_start3A_173 : memref<1x160x64xf32, #tpu.memory_space<vmem>> -> memref<160x64xf32, #tpu.memory_space<vmem>>
      %dma_start3A_175 = arith.constant 0 : i32
      %dma_start3A_176 = tpu.memref_slice %dma_start3A_174[%add3A_161, %dma_start3A_175] : memref<160x64xf32, #tpu.memory_space<vmem>> -> memref<1x64xf32, #tpu.memory_space<vmem>>
      %dma_start3A_177 = arith.constant 0 : i32
      %dma_start3A_178 = tpu.memref_slice %arg3[%squeeze3A_157, %dma_start3A_177] : memref<1000001x64xf32, #tpu.memory_space<hbm>> -> memref<1x64xf32, #tpu.memory_space<hbm>>
      tpu.enqueue_dma source(%dma_start3A_178 : memref<1x64xf32, #tpu.memory_space<hbm>>) target(%dma_start3A_176 : memref<1x64xf32, #tpu.memory_space<vmem>>) target_semaphore(%arg8 : memref<!tpu.dma_semaphore, #tpu.memory_space<semaphore_mem>>)
      %slice3A_179 = vector.extract_strided_slice %get3A_89 {offsets = [4], sizes = [1], strides = [1]} : vector<16xi32> to vector<1xi32>
      %squeeze3A_180 = vector.extract %slice3A_179[0] : i32 from vector<1xi32>
      %mul3A_181 = arith.constant 16 : i32
      %mul3A_182 = arith.muli %scan3A_83, %mul3A_181 : i32
      %add3A_183 = arith.constant 4 : i32
      %add3A_184 = arith.addi %mul3A_182, %add3A_183 : i32
      %dma_start3A_185 = arith.constant 1 : i32
      %dma_start3A_186 = arith.constant 0 : i32
      %dma_start3A_187 = arith.constant 0 : i32
      %dma_start3A_188 = tpu.memref_slice %arg6[%dma_start3A_185, %dma_start3A_186, %dma_start3A_187] : memref<4x160x64xf32, #tpu.memory_space<vmem>> -> memref<1x160x64xf32, #tpu.memory_space<vmem>>
      %dma_start3A_189 = tpu.memref_squeeze %dma_start3A_188 : memref<1x160x64xf32, #tpu.memory_space<vmem>> -> memref<160x64xf32, #tpu.memory_space<vmem>>
      %dma_start3A_190 = arith.constant 0 : i32
      %dma_start3A_191 = tpu.memref_slice %dma_start3A_189[%add3A_184, %dma_start3A_190] : memref<160x64xf32, #tpu.memory_space<vmem>> -> memref<1x64xf32, #tpu.memory_space<vmem>>
      %dma_start3A_192 = arith.constant 0 : i32
      %dma_start3A_193 = tpu.memref_slice %arg3[%squeeze3A_180, %dma_start3A_192] : memref<1000001x64xf32, #tpu.memory_space<hbm>> -> memref<1x64xf32, #tpu.memory_space<hbm>>
      %dma_start3A_194 = arith.constant 0 : i32
      %dma_start3A_195 = arith.constant 0 : i32
      %dma_start3A_196 = tpu.memref_slice %arg6[%dma_start3A_185, %dma_start3A_194, %dma_start3A_195] : memref<4x160x64xf32, #tpu.memory_space<vmem>> -> memref<1x160x64xf32, #tpu.memory_space<vmem>>
      %dma_start3A_197 = tpu.memref_squeeze %dma_start3A_196 : memref<1x160x64xf32, #tpu.memory_space<vmem>> -> memref<160x64xf32, #tpu.memory_space<vmem>>
      %dma_start3A_198 = arith.constant 0 : i32
      %dma_start3A_199 = tpu.memref_slice %dma_start3A_197[%add3A_184, %dma_start3A_198] : memref<160x64xf32, #tpu.memory_space<vmem>> -> memref<1x64xf32, #tpu.memory_space<vmem>>
      %dma_start3A_200 = arith.constant 0 : i32
      %dma_start3A_201 = tpu.memref_slice %arg3[%squeeze3A_180, %dma_start3A_200] : memref<1000001x64xf32, #tpu.memory_space<hbm>> -> memref<1x64xf32, #tpu.memory_space<hbm>>
      tpu.enqueue_dma source(%dma_start3A_201 : memref<1x64xf32, #tpu.memory_space<hbm>>) target(%dma_start3A_199 : memref<1x64xf32, #tpu.memory_space<vmem>>) target_semaphore(%arg8 : memref<!tpu.dma_semaphore, #tpu.memory_space<semaphore_mem>>)
      %slice3A_202 = vector.extract_strided_slice %get3A_89 {offsets = [5], sizes = [1], strides = [1]} : vector<16xi32> to vector<1xi32>
      %squeeze3A_203 = vector.extract %slice3A_202[0] : i32 from vector<1xi32>
      %mul3A_204 = arith.constant 16 : i32
      %mul3A_205 = arith.muli %scan3A_83, %mul3A_204 : i32
      %add3A_206 = arith.constant 5 : i32
      %add3A_207 = arith.addi %mul3A_205, %add3A_206 : i32
      %dma_start3A_208 = arith.constant 1 : i32
      %dma_start3A_209 = arith.constant 0 : i32
      %dma_start3A_210 = arith.constant 0 : i32
      %dma_start3A_211 = tpu.memref_slice %arg6[%dma_start3A_208, %dma_start3A_209, %dma_start3A_210] : memref<4x160x64xf32, #tpu.memory_space<vmem>> -> memref<1x160x64xf32, #tpu.memory_space<vmem>>
      %dma_start3A_212 = tpu.memref_squeeze %dma_start3A_211 : memref<1x160x64xf32, #tpu.memory_space<vmem>> -> memref<160x64xf32, #tpu.memory_space<vmem>>
      %dma_start3A_213 = arith.constant 0 : i32
      %dma_start3A_214 = tpu.memref_slice %dma_start3A_212[%add3A_207, %dma_start3A_213] : memref<160x64xf32, #tpu.memory_space<vmem>> -> memref<1x64xf32, #tpu.memory_space<vmem>>
      %dma_start3A_215 = arith.constant 0 : i32
      %dma_start3A_216 = tpu.memref_slice %arg3[%squeeze3A_203, %dma_start3A_215] : memref<1000001x64xf32, #tpu.memory_space<hbm>> -> memref<1x64xf32, #tpu.memory_space<hbm>>
      %dma_start3A_217 = arith.constant 0 : i32
      %dma_start3A_218 = arith.constant 0 : i32
      %dma_start3A_219 = tpu.memref_slice %arg6[%dma_start3A_208, %dma_start3A_217, %dma_start3A_218] : memref<4x160x64xf32, #tpu.memory_space<vmem>> -> memref<1x160x64xf32, #tpu.memory_space<vmem>>
      %dma_start3A_220 = tpu.memref_squeeze %dma_start3A_219 : memref<1x160x64xf32, #tpu.memory_space<vmem>> -> memref<160x64xf32, #tpu.memory_space<vmem>>
      %dma_start3A_221 = arith.constant 0 : i32
      %dma_start3A_222 = tpu.memref_slice %dma_start3A_220[%add3A_207, %dma_start3A_221] : memref<160x64xf32, #tpu.memory_space<vmem>> -> memref<1x64xf32, #tpu.memory_space<vmem>>
      %dma_start3A_223 = arith.constant 0 : i32
      %dma_start3A_224 = tpu.memref_slice %arg3[%squeeze3A_203, %dma_start3A_223] : memref<1000001x64xf32, #tpu.memory_space<hbm>> -> memref<1x64xf32, #tpu.memory_space<hbm>>
      tpu.enqueue_dma source(%dma_start3A_224 : memref<1x64xf32, #tpu.memory_space<hbm>>) target(%dma_start3A_222 : memref<1x64xf32, #tpu.memory_space<vmem>>) target_semaphore(%arg8 : memref<!tpu.dma_semaphore, #tpu.memory_space<semaphore_mem>>)
      %slice3A_225 = vector.extract_strided_slice %get3A_89 {offsets = [6], sizes = [1], strides = [1]} : vector<16xi32> to vector<1xi32>
      %squeeze3A_226 = vector.extract %slice3A_225[0] : i32 from vector<1xi32>
      %mul3A_227 = arith.constant 16 : i32
      %mul3A_228 = arith.muli %scan3A_83, %mul3A_227 : i32
      %add3A_229 = arith.constant 6 : i32
      %add3A_230 = arith.addi %mul3A_228, %add3A_229 : i32
      %dma_start3A_231 = arith.constant 1 : i32
      %dma_start3A_232 = arith.constant 0 : i32
      %dma_start3A_233 = arith.constant 0 : i32
      %dma_start3A_234 = tpu.memref_slice %arg6[%dma_start3A_231, %dma_start3A_232, %dma_start3A_233] : memref<4x160x64xf32, #tpu.memory_space<vmem>> -> memref<1x160x64xf32, #tpu.memory_space<vmem>>
      %dma_start3A_235 = tpu.memref_squeeze %dma_start3A_234 : memref<1x160x64xf32, #tpu.memory_space<vmem>> -> memref<160x64xf32, #tpu.memory_space<vmem>>
      %dma_start3A_236 = arith.constant 0 : i32
      %dma_start3A_237 = tpu.memref_slice %dma_start3A_235[%add3A_230, %dma_start3A_236] : memref<160x64xf32, #tpu.memory_space<vmem>> -> memref<1x64xf32, #tpu.memory_space<vmem>>
      %dma_start3A_238 = arith.constant 0 : i32
      %dma_start3A_239 = tpu.memref_slice %arg3[%squeeze3A_226, %dma_start3A_238] : memref<1000001x64xf32, #tpu.memory_space<hbm>> -> memref<1x64xf32, #tpu.memory_space<hbm>>
      %dma_start3A_240 = arith.constant 0 : i32
      %dma_start3A_241 = arith.constant 0 : i32
      %dma_start3A_242 = tpu.memref_slice %arg6[%dma_start3A_231, %dma_start3A_240, %dma_start3A_241] : memref<4x160x64xf32, #tpu.memory_space<vmem>> -> memref<1x160x64xf32, #tpu.memory_space<vmem>>
      %dma_start3A_243 = tpu.memref_squeeze %dma_start3A_242 : memref<1x160x64xf32, #tpu.memory_space<vmem>> -> memref<160x64xf32, #tpu.memory_space<vmem>>
      %dma_start3A_244 = arith.constant 0 : i32
      %dma_start3A_245 = tpu.memref_slice %dma_start3A_243[%add3A_230, %dma_start3A_244] : memref<160x64xf32, #tpu.memory_space<vmem>> -> memref<1x64xf32, #tpu.memory_space<vmem>>
      %dma_start3A_246 = arith.constant 0 : i32
      %dma_start3A_247 = tpu.memref_slice %arg3[%squeeze3A_226, %dma_start3A_246] : memref<1000001x64xf32, #tpu.memory_space<hbm>> -> memref<1x64xf32, #tpu.memory_space<hbm>>
      tpu.enqueue_dma source(%dma_start3A_247 : memref<1x64xf32, #tpu.memory_space<hbm>>) target(%dma_start3A_245 : memref<1x64xf32, #tpu.memory_space<vmem>>) target_semaphore(%arg8 : memref<!tpu.dma_semaphore, #tpu.memory_space<semaphore_mem>>)
      %slice3A_248 = vector.extract_strided_slice %get3A_89 {offsets = [7], sizes = [1], strides = [1]} : vector<16xi32> to vector<1xi32>
      %squeeze3A_249 = vector.extract %slice3A_248[0] : i32 from vector<1xi32>
      %mul3A_250 = arith.constant 16 : i32
      %mul3A_251 = arith.muli %scan3A_83, %mul3A_250 : i32
      %add3A_252 = arith.constant 7 : i32
      %add3A_253 = arith.addi %mul3A_251, %add3A_252 : i32
      %dma_start3A_254 = arith.constant 1 : i32
      %dma_start3A_255 = arith.constant 0 : i32
      %dma_start3A_256 = arith.constant 0 : i32
      %dma_start3A_257 = tpu.memref_slice %arg6[%dma_start3A_254, %dma_start3A_255, %dma_start3A_256] : memref<4x160x64xf32, #tpu.memory_space<vmem>> -> memref<1x160x64xf32, #tpu.memory_space<vmem>>
      %dma_start3A_258 = tpu.memref_squeeze %dma_start3A_257 : memref<1x160x64xf32, #tpu.memory_space<vmem>> -> memref<160x64xf32, #tpu.memory_space<vmem>>
      %dma_start3A_259 = arith.constant 0 : i32
      %dma_start3A_260 = tpu.memref_slice %dma_start3A_258[%add3A_253, %dma_start3A_259] : memref<160x64xf32, #tpu.memory_space<vmem>> -> memref<1x64xf32, #tpu.memory_space<vmem>>
      %dma_start3A_261 = arith.constant 0 : i32
      %dma_start3A_262 = tpu.memref_slice %arg3[%squeeze3A_249, %dma_start3A_261] : memref<1000001x64xf32, #tpu.memory_space<hbm>> -> memref<1x64xf32, #tpu.memory_space<hbm>>
      %dma_start3A_263 = arith.constant 0 : i32
      %dma_start3A_264 = arith.constant 0 : i32
      %dma_start3A_265 = tpu.memref_slice %arg6[%dma_start3A_254, %dma_start3A_263, %dma_start3A_264] : memref<4x160x64xf32, #tpu.memory_space<vmem>> -> memref<1x160x64xf32, #tpu.memory_space<vmem>>
      %dma_start3A_266 = tpu.memref_squeeze %dma_start3A_265 : memref<1x160x64xf32, #tpu.memory_space<vmem>> -> memref<160x64xf32, #tpu.memory_space<vmem>>
      %dma_start3A_267 = arith.constant 0 : i32
      %dma_start3A_268 = tpu.memref_slice %dma_start3A_266[%add3A_253, %dma_start3A_267] : memref<160x64xf32, #tpu.memory_space<vmem>> -> memref<1x64xf32, #tpu.memory_space<vmem>>
      %dma_start3A_269 = arith.constant 0 : i32
      %dma_start3A_270 = tpu.memref_slice %arg3[%squeeze3A_249, %dma_start3A_269] : memref<1000001x64xf32, #tpu.memory_space<hbm>> -> memref<1x64xf32, #tpu.memory_space<hbm>>
      tpu.enqueue_dma source(%dma_start3A_270 : memref<1x64xf32, #tpu.memory_space<hbm>>) target(%dma_start3A_268 : memref<1x64xf32, #tpu.memory_space<vmem>>) target_semaphore(%arg8 : memref<!tpu.dma_semaphore, #tpu.memory_space<semaphore_mem>>)
      %slice3A_271 = vector.extract_strided_slice %get3A_89 {offsets = [8], sizes = [1], strides = [1]} : vector<16xi32> to vector<1xi32>
      %squeeze3A_272 = vector.extract %slice3A_271[0] : i32 from vector<1xi32>
      %mul3A_273 = arith.constant 16 : i32
      %mul3A_274 = arith.muli %scan3A_83, %mul3A_273 : i32
      %add3A_275 = arith.constant 8 : i32
      %add3A_276 = arith.addi %mul3A_274, %add3A_275 : i32
      %dma_start3A_277 = arith.constant 1 : i32
      %dma_start3A_278 = arith.constant 0 : i32
      %dma_start3A_279 = arith.constant 0 : i32
      %dma_start3A_280 = tpu.memref_slice %arg6[%dma_start3A_277, %dma_start3A_278, %dma_start3A_279] : memref<4x160x64xf32, #tpu.memory_space<vmem>> -> memref<1x160x64xf32, #tpu.memory_space<vmem>>
      %dma_start3A_281 = tpu.memref_squeeze %dma_start3A_280 : memref<1x160x64xf32, #tpu.memory_space<vmem>> -> memref<160x64xf32, #tpu.memory_space<vmem>>
      %dma_start3A_282 = arith.constant 0 : i32
      %dma_start3A_283 = tpu.memref_slice %dma_start3A_281[%add3A_276, %dma_start3A_282] : memref<160x64xf32, #tpu.memory_space<vmem>> -> memref<1x64xf32, #tpu.memory_space<vmem>>
      %dma_start3A_284 = arith.constant 0 : i32
      %dma_start3A_285 = tpu.memref_slice %arg3[%squeeze3A_272, %dma_start3A_284] : memref<1000001x64xf32, #tpu.memory_space<hbm>> -> memref<1x64xf32, #tpu.memory_space<hbm>>
      %dma_start3A_286 = arith.constant 0 : i32
      %dma_start3A_287 = arith.constant 0 : i32
      %dma_start3A_288 = tpu.memref_slice %arg6[%dma_start3A_277, %dma_start3A_286, %dma_start3A_287] : memref<4x160x64xf32, #tpu.memory_space<vmem>> -> memref<1x160x64xf32, #tpu.memory_space<vmem>>
      %dma_start3A_289 = tpu.memref_squeeze %dma_start3A_288 : memref<1x160x64xf32, #tpu.memory_space<vmem>> -> memref<160x64xf32, #tpu.memory_space<vmem>>
      %dma_start3A_290 = arith.constant 0 : i32
      %dma_start3A_291 = tpu.memref_slice %dma_start3A_289[%add3A_276, %dma_start3A_290] : memref<160x64xf32, #tpu.memory_space<vmem>> -> memref<1x64xf32, #tpu.memory_space<vmem>>
      %dma_start3A_292 = arith.constant 0 : i32
      %dma_start3A_293 = tpu.memref_slice %arg3[%squeeze3A_272, %dma_start3A_292] : memref<1000001x64xf32, #tpu.memory_space<hbm>> -> memref<1x64xf32, #tpu.memory_space<hbm>>
      tpu.enqueue_dma source(%dma_start3A_293 : memref<1x64xf32, #tpu.memory_space<hbm>>) target(%dma_start3A_291 : memref<1x64xf32, #tpu.memory_space<vmem>>) target_semaphore(%arg8 : memref<!tpu.dma_semaphore, #tpu.memory_space<semaphore_mem>>)
      %slice3A_294 = vector.extract_strided_slice %get3A_89 {offsets = [9], sizes = [1], strides = [1]} : vector<16xi32> to vector<1xi32>
      %squeeze3A_295 = vector.extract %slice3A_294[0] : i32 from vector<1xi32>
      %mul3A_296 = arith.constant 16 : i32
      %mul3A_297 = arith.muli %scan3A_83, %mul3A_296 : i32
      %add3A_298 = arith.constant 9 : i32
      %add3A_299 = arith.addi %mul3A_297, %add3A_298 : i32
      %dma_start3A_300 = arith.constant 1 : i32
      %dma_start3A_301 = arith.constant 0 : i32
      %dma_start3A_302 = arith.constant 0 : i32
      %dma_start3A_303 = tpu.memref_slice %arg6[%dma_start3A_300, %dma_start3A_301, %dma_start3A_302] : memref<4x160x64xf32, #tpu.memory_space<vmem>> -> memref<1x160x64xf32, #tpu.memory_space<vmem>>
      %dma_start3A_304 = tpu.memref_squeeze %dma_start3A_303 : memref<1x160x64xf32, #tpu.memory_space<vmem>> -> memref<160x64xf32, #tpu.memory_space<vmem>>
      %dma_start3A_305 = arith.constant 0 : i32
      %dma_start3A_306 = tpu.memref_slice %dma_start3A_304[%add3A_299, %dma_start3A_305] : memref<160x64xf32, #tpu.memory_space<vmem>> -> memref<1x64xf32, #tpu.memory_space<vmem>>
      %dma_start3A_307 = arith.constant 0 : i32
      %dma_start3A_308 = tpu.memref_slice %arg3[%squeeze3A_295, %dma_start3A_307] : memref<1000001x64xf32, #tpu.memory_space<hbm>> -> memref<1x64xf32, #tpu.memory_space<hbm>>
      %dma_start3A_309 = arith.constant 0 : i32
      %dma_start3A_310 = arith.constant 0 : i32
      %dma_start3A_311 = tpu.memref_slice %arg6[%dma_start3A_300, %dma_start3A_309, %dma_start3A_310] : memref<4x160x64xf32, #tpu.memory_space<vmem>> -> memref<1x160x64xf32, #tpu.memory_space<vmem>>
      %dma_start3A_312 = tpu.memref_squeeze %dma_start3A_311 : memref<1x160x64xf32, #tpu.memory_space<vmem>> -> memref<160x64xf32, #tpu.memory_space<vmem>>
      %dma_start3A_313 = arith.constant 0 : i32
      %dma_start3A_314 = tpu.memref_slice %dma_start3A_312[%add3A_299, %dma_start3A_313] : memref<160x64xf32, #tpu.memory_space<vmem>> -> memref<1x64xf32, #tpu.memory_space<vmem>>
      %dma_start3A_315 = arith.constant 0 : i32
      %dma_start3A_316 = tpu.memref_slice %arg3[%squeeze3A_295, %dma_start3A_315] : memref<1000001x64xf32, #tpu.memory_space<hbm>> -> memref<1x64xf32, #tpu.memory_space<hbm>>
      tpu.enqueue_dma source(%dma_start3A_316 : memref<1x64xf32, #tpu.memory_space<hbm>>) target(%dma_start3A_314 : memref<1x64xf32, #tpu.memory_space<vmem>>) target_semaphore(%arg8 : memref<!tpu.dma_semaphore, #tpu.memory_space<semaphore_mem>>)
      %slice3A_317 = vector.extract_strided_slice %get3A_89 {offsets = [10], sizes = [1], strides = [1]} : vector<16xi32> to vector<1xi32>
      %squeeze3A_318 = vector.extract %slice3A_317[0] : i32 from vector<1xi32>
      %mul3A_319 = arith.constant 16 : i32
      %mul3A_320 = arith.muli %scan3A_83, %mul3A_319 : i32
      %add3A_321 = arith.constant 10 : i32
      %add3A_322 = arith.addi %mul3A_320, %add3A_321 : i32
      %dma_start3A_323 = arith.constant 1 : i32
      %dma_start3A_324 = arith.constant 0 : i32
      %dma_start3A_325 = arith.constant 0 : i32
      %dma_start3A_326 = tpu.memref_slice %arg6[%dma_start3A_323, %dma_start3A_324, %dma_start3A_325] : memref<4x160x64xf32, #tpu.memory_space<vmem>> -> memref<1x160x64xf32, #tpu.memory_space<vmem>>
      %dma_start3A_327 = tpu.memref_squeeze %dma_start3A_326 : memref<1x160x64xf32, #tpu.memory_space<vmem>> -> memref<160x64xf32, #tpu.memory_space<vmem>>
      %dma_start3A_328 = arith.constant 0 : i32
      %dma_start3A_329 = tpu.memref_slice %dma_start3A_327[%add3A_322, %dma_start3A_328] : memref<160x64xf32, #tpu.memory_space<vmem>> -> memref<1x64xf32, #tpu.memory_space<vmem>>
      %dma_start3A_330 = arith.constant 0 : i32
      %dma_start3A_331 = tpu.memref_slice %arg3[%squeeze3A_318, %dma_start3A_330] : memref<1000001x64xf32, #tpu.memory_space<hbm>> -> memref<1x64xf32, #tpu.memory_space<hbm>>
      %dma_start3A_332 = arith.constant 0 : i32
      %dma_start3A_333 = arith.constant 0 : i32
      %dma_start3A_334 = tpu.memref_slice %arg6[%dma_start3A_323, %dma_start3A_332, %dma_start3A_333] : memref<4x160x64xf32, #tpu.memory_space<vmem>> -> memref<1x160x64xf32, #tpu.memory_space<vmem>>
      %dma_start3A_335 = tpu.memref_squeeze %dma_start3A_334 : memref<1x160x64xf32, #tpu.memory_space<vmem>> -> memref<160x64xf32, #tpu.memory_space<vmem>>
      %dma_start3A_336 = arith.constant 0 : i32
      %dma_start3A_337 = tpu.memref_slice %dma_start3A_335[%add3A_322, %dma_start3A_336] : memref<160x64xf32, #tpu.memory_space<vmem>> -> memref<1x64xf32, #tpu.memory_space<vmem>>
      %dma_start3A_338 = arith.constant 0 : i32
      %dma_start3A_339 = tpu.memref_slice %arg3[%squeeze3A_318, %dma_start3A_338] : memref<1000001x64xf32, #tpu.memory_space<hbm>> -> memref<1x64xf32, #tpu.memory_space<hbm>>
      tpu.enqueue_dma source(%dma_start3A_339 : memref<1x64xf32, #tpu.memory_space<hbm>>) target(%dma_start3A_337 : memref<1x64xf32, #tpu.memory_space<vmem>>) target_semaphore(%arg8 : memref<!tpu.dma_semaphore, #tpu.memory_space<semaphore_mem>>)
      %slice3A_340 = vector.extract_strided_slice %get3A_89 {offsets = [11], sizes = [1], strides = [1]} : vector<16xi32> to vector<1xi32>
      %squeeze3A_341 = vector.extract %slice3A_340[0] : i32 from vector<1xi32>
      %mul3A_342 = arith.constant 16 : i32
      %mul3A_343 = arith.muli %scan3A_83, %mul3A_342 : i32
      %add3A_344 = arith.constant 11 : i32
      %add3A_345 = arith.addi %mul3A_343, %add3A_344 : i32
      %dma_start3A_346 = arith.constant 1 : i32
      %dma_start3A_347 = arith.constant 0 : i32
      %dma_start3A_348 = arith.constant 0 : i32
      %dma_start3A_349 = tpu.memref_slice %arg6[%dma_start3A_346, %dma_start3A_347, %dma_start3A_348] : memref<4x160x64xf32, #tpu.memory_space<vmem>> -> memref<1x160x64xf32, #tpu.memory_space<vmem>>
      %dma_start3A_350 = tpu.memref_squeeze %dma_start3A_349 : memref<1x160x64xf32, #tpu.memory_space<vmem>> -> memref<160x64xf32, #tpu.memory_space<vmem>>
      %dma_start3A_351 = arith.constant 0 : i32
      %dma_start3A_352 = tpu.memref_slice %dma_start3A_350[%add3A_345, %dma_start3A_351] : memref<160x64xf32, #tpu.memory_space<vmem>> -> memref<1x64xf32, #tpu.memory_space<vmem>>
      %dma_start3A_353 = arith.constant 0 : i32
      %dma_start3A_354 = tpu.memref_slice %arg3[%squeeze3A_341, %dma_start3A_353] : memref<1000001x64xf32, #tpu.memory_space<hbm>> -> memref<1x64xf32, #tpu.memory_space<hbm>>
      %dma_start3A_355 = arith.constant 0 : i32
      %dma_start3A_356 = arith.constant 0 : i32
      %dma_start3A_357 = tpu.memref_slice %arg6[%dma_start3A_346, %dma_start3A_355, %dma_start3A_356] : memref<4x160x64xf32, #tpu.memory_space<vmem>> -> memref<1x160x64xf32, #tpu.memory_space<vmem>>
      %dma_start3A_358 = tpu.memref_squeeze %dma_start3A_357 : memref<1x160x64xf32, #tpu.memory_space<vmem>> -> memref<160x64xf32, #tpu.memory_space<vmem>>
      %dma_start3A_359 = arith.constant 0 : i32
      %dma_start3A_360 = tpu.memref_slice %dma_start3A_358[%add3A_345, %dma_start3A_359] : memref<160x64xf32, #tpu.memory_space<vmem>> -> memref<1x64xf32, #tpu.memory_space<vmem>>
      %dma_start3A_361 = arith.constant 0 : i32
      %dma_start3A_362 = tpu.memref_slice %arg3[%squeeze3A_341, %dma_start3A_361] : memref<1000001x64xf32, #tpu.memory_space<hbm>> -> memref<1x64xf32, #tpu.memory_space<hbm>>
      tpu.enqueue_dma source(%dma_start3A_362 : memref<1x64xf32, #tpu.memory_space<hbm>>) target(%dma_start3A_360 : memref<1x64xf32, #tpu.memory_space<vmem>>) target_semaphore(%arg8 : memref<!tpu.dma_semaphore, #tpu.memory_space<semaphore_mem>>)
      %slice3A_363 = vector.extract_strided_slice %get3A_89 {offsets = [12], sizes = [1], strides = [1]} : vector<16xi32> to vector<1xi32>
      %squeeze3A_364 = vector.extract %slice3A_363[0] : i32 from vector<1xi32>
      %mul3A_365 = arith.constant 16 : i32
      %mul3A_366 = arith.muli %scan3A_83, %mul3A_365 : i32
      %add3A_367 = arith.constant 12 : i32
      %add3A_368 = arith.addi %mul3A_366, %add3A_367 : i32
      %dma_start3A_369 = arith.constant 1 : i32
      %dma_start3A_370 = arith.constant 0 : i32
      %dma_start3A_371 = arith.constant 0 : i32
      %dma_start3A_372 = tpu.memref_slice %arg6[%dma_start3A_369, %dma_start3A_370, %dma_start3A_371] : memref<4x160x64xf32, #tpu.memory_space<vmem>> -> memref<1x160x64xf32, #tpu.memory_space<vmem>>
      %dma_start3A_373 = tpu.memref_squeeze %dma_start3A_372 : memref<1x160x64xf32, #tpu.memory_space<vmem>> -> memref<160x64xf32, #tpu.memory_space<vmem>>
      %dma_start3A_374 = arith.constant 0 : i32
      %dma_start3A_375 = tpu.memref_slice %dma_start3A_373[%add3A_368, %dma_start3A_374] : memref<160x64xf32, #tpu.memory_space<vmem>> -> memref<1x64xf32, #tpu.memory_space<vmem>>
      %dma_start3A_376 = arith.constant 0 : i32
      %dma_start3A_377 = tpu.memref_slice %arg3[%squeeze3A_364, %dma_start3A_376] : memref<1000001x64xf32, #tpu.memory_space<hbm>> -> memref<1x64xf32, #tpu.memory_space<hbm>>
      %dma_start3A_378 = arith.constant 0 : i32
      %dma_start3A_379 = arith.constant 0 : i32
      %dma_start3A_380 = tpu.memref_slice %arg6[%dma_start3A_369, %dma_start3A_378, %dma_start3A_379] : memref<4x160x64xf32, #tpu.memory_space<vmem>> -> memref<1x160x64xf32, #tpu.memory_space<vmem>>
      %dma_start3A_381 = tpu.memref_squeeze %dma_start3A_380 : memref<1x160x64xf32, #tpu.memory_space<vmem>> -> memref<160x64xf32, #tpu.memory_space<vmem>>
      %dma_start3A_382 = arith.constant 0 : i32
      %dma_start3A_383 = tpu.memref_slice %dma_start3A_381[%add3A_368, %dma_start3A_382] : memref<160x64xf32, #tpu.memory_space<vmem>> -> memref<1x64xf32, #tpu.memory_space<vmem>>
      %dma_start3A_384 = arith.constant 0 : i32
      %dma_start3A_385 = tpu.memref_slice %arg3[%squeeze3A_364, %dma_start3A_384] : memref<1000001x64xf32, #tpu.memory_space<hbm>> -> memref<1x64xf32, #tpu.memory_space<hbm>>
      tpu.enqueue_dma source(%dma_start3A_385 : memref<1x64xf32, #tpu.memory_space<hbm>>) target(%dma_start3A_383 : memref<1x64xf32, #tpu.memory_space<vmem>>) target_semaphore(%arg8 : memref<!tpu.dma_semaphore, #tpu.memory_space<semaphore_mem>>)
      %slice3A_386 = vector.extract_strided_slice %get3A_89 {offsets = [13], sizes = [1], strides = [1]} : vector<16xi32> to vector<1xi32>
      %squeeze3A_387 = vector.extract %slice3A_386[0] : i32 from vector<1xi32>
      %mul3A_388 = arith.constant 16 : i32
      %mul3A_389 = arith.muli %scan3A_83, %mul3A_388 : i32
      %add3A_390 = arith.constant 13 : i32
      %add3A_391 = arith.addi %mul3A_389, %add3A_390 : i32
      %dma_start3A_392 = arith.constant 1 : i32
      %dma_start3A_393 = arith.constant 0 : i32
      %dma_start3A_394 = arith.constant 0 : i32
      %dma_start3A_395 = tpu.memref_slice %arg6[%dma_start3A_392, %dma_start3A_393, %dma_start3A_394] : memref<4x160x64xf32, #tpu.memory_space<vmem>> -> memref<1x160x64xf32, #tpu.memory_space<vmem>>
      %dma_start3A_396 = tpu.memref_squeeze %dma_start3A_395 : memref<1x160x64xf32, #tpu.memory_space<vmem>> -> memref<160x64xf32, #tpu.memory_space<vmem>>
      %dma_start3A_397 = arith.constant 0 : i32
      %dma_start3A_398 = tpu.memref_slice %dma_start3A_396[%add3A_391, %dma_start3A_397] : memref<160x64xf32, #tpu.memory_space<vmem>> -> memref<1x64xf32, #tpu.memory_space<vmem>>
      %dma_start3A_399 = arith.constant 0 : i32
      %dma_start3A_400 = tpu.memref_slice %arg3[%squeeze3A_387, %dma_start3A_399] : memref<1000001x64xf32, #tpu.memory_space<hbm>> -> memref<1x64xf32, #tpu.memory_space<hbm>>
      %dma_start3A_401 = arith.constant 0 : i32
      %dma_start3A_402 = arith.constant 0 : i32
      %dma_start3A_403 = tpu.memref_slice %arg6[%dma_start3A_392, %dma_start3A_401, %dma_start3A_402] : memref<4x160x64xf32, #tpu.memory_space<vmem>> -> memref<1x160x64xf32, #tpu.memory_space<vmem>>
      %dma_start3A_404 = tpu.memref_squeeze %dma_start3A_403 : memref<1x160x64xf32, #tpu.memory_space<vmem>> -> memref<160x64xf32, #tpu.memory_space<vmem>>
      %dma_start3A_405 = arith.constant 0 : i32
      %dma_start3A_406 = tpu.memref_slice %dma_start3A_404[%add3A_391, %dma_start3A_405] : memref<160x64xf32, #tpu.memory_space<vmem>> -> memref<1x64xf32, #tpu.memory_space<vmem>>
      %dma_start3A_407 = arith.constant 0 : i32
      %dma_start3A_408 = tpu.memref_slice %arg3[%squeeze3A_387, %dma_start3A_407] : memref<1000001x64xf32, #tpu.memory_space<hbm>> -> memref<1x64xf32, #tpu.memory_space<hbm>>
      tpu.enqueue_dma source(%dma_start3A_408 : memref<1x64xf32, #tpu.memory_space<hbm>>) target(%dma_start3A_406 : memref<1x64xf32, #tpu.memory_space<vmem>>) target_semaphore(%arg8 : memref<!tpu.dma_semaphore, #tpu.memory_space<semaphore_mem>>)
      %slice3A_409 = vector.extract_strided_slice %get3A_89 {offsets = [14], sizes = [1], strides = [1]} : vector<16xi32> to vector<1xi32>
      %squeeze3A_410 = vector.extract %slice3A_409[0] : i32 from vector<1xi32>
      %mul3A_411 = arith.constant 16 : i32
      %mul3A_412 = arith.muli %scan3A_83, %mul3A_411 : i32
      %add3A_413 = arith.constant 14 : i32
      %add3A_414 = arith.addi %mul3A_412, %add3A_413 : i32
      %dma_start3A_415 = arith.constant 1 : i32
      %dma_start3A_416 = arith.constant 0 : i32
      %dma_start3A_417 = arith.constant 0 : i32
      %dma_start3A_418 = tpu.memref_slice %arg6[%dma_start3A_415, %dma_start3A_416, %dma_start3A_417] : memref<4x160x64xf32, #tpu.memory_space<vmem>> -> memref<1x160x64xf32, #tpu.memory_space<vmem>>
      %dma_start3A_419 = tpu.memref_squeeze %dma_start3A_418 : memref<1x160x64xf32, #tpu.memory_space<vmem>> -> memref<160x64xf32, #tpu.memory_space<vmem>>
      %dma_start3A_420 = arith.constant 0 : i32
      %dma_start3A_421 = tpu.memref_slice %dma_start3A_419[%add3A_414, %dma_start3A_420] : memref<160x64xf32, #tpu.memory_space<vmem>> -> memref<1x64xf32, #tpu.memory_space<vmem>>
      %dma_start3A_422 = arith.constant 0 : i32
      %dma_start3A_423 = tpu.memref_slice %arg3[%squeeze3A_410, %dma_start3A_422] : memref<1000001x64xf32, #tpu.memory_space<hbm>> -> memref<1x64xf32, #tpu.memory_space<hbm>>
      %dma_start3A_424 = arith.constant 0 : i32
      %dma_start3A_425 = arith.constant 0 : i32
      %dma_start3A_426 = tpu.memref_slice %arg6[%dma_start3A_415, %dma_start3A_424, %dma_start3A_425] : memref<4x160x64xf32, #tpu.memory_space<vmem>> -> memref<1x160x64xf32, #tpu.memory_space<vmem>>
      %dma_start3A_427 = tpu.memref_squeeze %dma_start3A_426 : memref<1x160x64xf32, #tpu.memory_space<vmem>> -> memref<160x64xf32, #tpu.memory_space<vmem>>
      %dma_start3A_428 = arith.constant 0 : i32
      %dma_start3A_429 = tpu.memref_slice %dma_start3A_427[%add3A_414, %dma_start3A_428] : memref<160x64xf32, #tpu.memory_space<vmem>> -> memref<1x64xf32, #tpu.memory_space<vmem>>
      %dma_start3A_430 = arith.constant 0 : i32
      %dma_start3A_431 = tpu.memref_slice %arg3[%squeeze3A_410, %dma_start3A_430] : memref<1000001x64xf32, #tpu.memory_space<hbm>> -> memref<1x64xf32, #tpu.memory_space<hbm>>
      tpu.enqueue_dma source(%dma_start3A_431 : memref<1x64xf32, #tpu.memory_space<hbm>>) target(%dma_start3A_429 : memref<1x64xf32, #tpu.memory_space<vmem>>) target_semaphore(%arg8 : memref<!tpu.dma_semaphore, #tpu.memory_space<semaphore_mem>>)
      %slice3A_432 = vector.extract_strided_slice %get3A_89 {offsets = [15], sizes = [1], strides = [1]} : vector<16xi32> to vector<1xi32>
      %squeeze3A_433 = vector.extract %slice3A_432[0] : i32 from vector<1xi32>
      %mul3A_434 = arith.constant 16 : i32
      %mul3A_435 = arith.muli %scan3A_83, %mul3A_434 : i32
      %add3A_436 = arith.constant 15 : i32
      %add3A_437 = arith.addi %mul3A_435, %add3A_436 : i32
      %dma_start3A_438 = arith.constant 1 : i32
      %dma_start3A_439 = arith.constant 0 : i32
      %dma_start3A_440 = arith.constant 0 : i32
      %dma_start3A_441 = tpu.memref_slice %arg6[%dma_start3A_438, %dma_start3A_439, %dma_start3A_440] : memref<4x160x64xf32, #tpu.memory_space<vmem>> -> memref<1x160x64xf32, #tpu.memory_space<vmem>>
      %dma_start3A_442 = tpu.memref_squeeze %dma_start3A_441 : memref<1x160x64xf32, #tpu.memory_space<vmem>> -> memref<160x64xf32, #tpu.memory_space<vmem>>
      %dma_start3A_443 = arith.constant 0 : i32
      %dma_start3A_444 = tpu.memref_slice %dma_start3A_442[%add3A_437, %dma_start3A_443] : memref<160x64xf32, #tpu.memory_space<vmem>> -> memref<1x64xf32, #tpu.memory_space<vmem>>
      %dma_start3A_445 = arith.constant 0 : i32
      %dma_start3A_446 = tpu.memref_slice %arg3[%squeeze3A_433, %dma_start3A_445] : memref<1000001x64xf32, #tpu.memory_space<hbm>> -> memref<1x64xf32, #tpu.memory_space<hbm>>
      %dma_start3A_447 = arith.constant 0 : i32
      %dma_start3A_448 = arith.constant 0 : i32
      %dma_start3A_449 = tpu.memref_slice %arg6[%dma_start3A_438, %dma_start3A_447, %dma_start3A_448] : memref<4x160x64xf32, #tpu.memory_space<vmem>> -> memref<1x160x64xf32, #tpu.memory_space<vmem>>
      %dma_start3A_450 = tpu.memref_squeeze %dma_start3A_449 : memref<1x160x64xf32, #tpu.memory_space<vmem>> -> memref<160x64xf32, #tpu.memory_space<vmem>>
      %dma_start3A_451 = arith.constant 0 : i32
      %dma_start3A_452 = tpu.memref_slice %dma_start3A_450[%add3A_437, %dma_start3A_451] : memref<160x64xf32, #tpu.memory_space<vmem>> -> memref<1x64xf32, #tpu.memory_space<vmem>>
      %dma_start3A_453 = arith.constant 0 : i32
      %dma_start3A_454 = tpu.memref_slice %arg3[%squeeze3A_433, %dma_start3A_453] : memref<1000001x64xf32, #tpu.memory_space<hbm>> -> memref<1x64xf32, #tpu.memory_space<hbm>>
      tpu.enqueue_dma source(%dma_start3A_454 : memref<1x64xf32, #tpu.memory_space<hbm>>) target(%dma_start3A_452 : memref<1x64xf32, #tpu.memory_space<vmem>>) target_semaphore(%arg8 : memref<!tpu.dma_semaphore, #tpu.memory_space<semaphore_mem>>)
    }
    %scan3A_13 = arith.constant 10 : i32
    %scan3A_14 = arith.constant 0 : i32
    %scan3A_15 = arith.constant 0 : i32
    %scan3A_16 = arith.constant 10 : i32
    %scan3A_17 = arith.addi %scan3A_15, %scan3A_16 : i32
    %scan3A_18 = arith.constant 1 : i32
    scf.for %scan3A_83 = %scan3A_15 to %scan3A_17 step %scan3A_18  : i32 {
      %mul3A_84 = arith.constant 16 : i32
      %mul3A_85 = arith.muli %scan3A_83, %mul3A_84 : i32
      %add3A_86 = arith.constant 320 : i32
      %add3A_87 = arith.addi %add3A_86, %mul3A_85 : i32
      %get3A = arith.index_cast %add3A_87 : i32 to index
      %get3A_88 = tpu.vector_load %arg5[%get3A] {strides = array<i32>} : memref<25600xi32, #tpu.memory_space<vmem>>, vector<16xi32>,
      %get3A_89 = vector.shape_cast %get3A_88 : vector<16xi32> to vector<16xi32>
      %slice3A = vector.extract_strided_slice %get3A_89 {offsets = [0], sizes = [1], strides = [1]} : vector<16xi32> to vector<1xi32>
      %squeeze3A = vector.extract %slice3A[0] : i32 from vector<1xi32>
      %mul3A_90 = arith.constant 16 : i32
      %mul3A_91 = arith.muli %scan3A_83, %mul3A_90 : i32
      %add3A_92 = arith.constant 0 : i32
      %add3A_93 = arith.addi %mul3A_91, %add3A_92 : i32
      %dma_start3A = arith.constant 2 : i32
      %dma_start3A_94 = arith.constant 0 : i32
      %dma_start3A_95 = arith.constant 0 : i32
      %dma_start3A_96 = tpu.memref_slice %arg6[%dma_start3A, %dma_start3A_94, %dma_start3A_95] : memref<4x160x64xf32, #tpu.memory_space<vmem>> -> memref<1x160x64xf32, #tpu.memory_space<vmem>>
      %dma_start3A_97 = tpu.memref_squeeze %dma_start3A_96 : memref<1x160x64xf32, #tpu.memory_space<vmem>> -> memref<160x64xf32, #tpu.memory_space<vmem>>
      %dma_start3A_98 = arith.constant 0 : i32
      %dma_start3A_99 = tpu.memref_slice %dma_start3A_97[%add3A_93, %dma_start3A_98] : memref<160x64xf32, #tpu.memory_space<vmem>> -> memref<1x64xf32, #tpu.memory_space<vmem>>
      %dma_start3A_100 = arith.constant 0 : i32
      %dma_start3A_101 = tpu.memref_slice %arg3[%squeeze3A, %dma_start3A_100] : memref<1000001x64xf32, #tpu.memory_space<hbm>> -> memref<1x64xf32, #tpu.memory_space<hbm>>
      %dma_start3A_102 = arith.constant 0 : i32
      %dma_start3A_103 = arith.constant 0 : i32
      %dma_start3A_104 = tpu.memref_slice %arg6[%dma_start3A, %dma_start3A_102, %dma_start3A_103] : memref<4x160x64xf32, #tpu.memory_space<vmem>> -> memref<1x160x64xf32, #tpu.memory_space<vmem>>
      %dma_start3A_105 = tpu.memref_squeeze %dma_start3A_104 : memref<1x160x64xf32, #tpu.memory_space<vmem>> -> memref<160x64xf32, #tpu.memory_space<vmem>>
      %dma_start3A_106 = arith.constant 0 : i32
      %dma_start3A_107 = tpu.memref_slice %dma_start3A_105[%add3A_93, %dma_start3A_106] : memref<160x64xf32, #tpu.memory_space<vmem>> -> memref<1x64xf32, #tpu.memory_space<vmem>>
      %dma_start3A_108 = arith.constant 0 : i32
      %dma_start3A_109 = tpu.memref_slice %arg3[%squeeze3A, %dma_start3A_108] : memref<1000001x64xf32, #tpu.memory_space<hbm>> -> memref<1x64xf32, #tpu.memory_space<hbm>>
      tpu.enqueue_dma source(%dma_start3A_109 : memref<1x64xf32, #tpu.memory_space<hbm>>) target(%dma_start3A_107 : memref<1x64xf32, #tpu.memory_space<vmem>>) target_semaphore(%arg9 : memref<!tpu.dma_semaphore, #tpu.memory_space<semaphore_mem>>)
      %slice3A_110 = vector.extract_strided_slice %get3A_89 {offsets = [1], sizes = [1], strides = [1]} : vector<16xi32> to vector<1xi32>
      %squeeze3A_111 = vector.extract %slice3A_110[0] : i32 from vector<1xi32>
      %mul3A_112 = arith.constant 16 : i32
      %mul3A_113 = arith.muli %scan3A_83, %mul3A_112 : i32
      %add3A_114 = arith.constant 1 : i32
      %add3A_115 = arith.addi %mul3A_113, %add3A_114 : i32
      %dma_start3A_116 = arith.constant 2 : i32
      %dma_start3A_117 = arith.constant 0 : i32
      %dma_start3A_118 = arith.constant 0 : i32
      %dma_start3A_119 = tpu.memref_slice %arg6[%dma_start3A_116, %dma_start3A_117, %dma_start3A_118] : memref<4x160x64xf32, #tpu.memory_space<vmem>> -> memref<1x160x64xf32, #tpu.memory_space<vmem>>
      %dma_start3A_120 = tpu.memref_squeeze %dma_start3A_119 : memref<1x160x64xf32, #tpu.memory_space<vmem>> -> memref<160x64xf32, #tpu.memory_space<vmem>>
      %dma_start3A_121 = arith.constant 0 : i32
      %dma_start3A_122 = tpu.memref_slice %dma_start3A_120[%add3A_115, %dma_start3A_121] : memref<160x64xf32, #tpu.memory_space<vmem>> -> memref<1x64xf32, #tpu.memory_space<vmem>>
      %dma_start3A_123 = arith.constant 0 : i32
      %dma_start3A_124 = tpu.memref_slice %arg3[%squeeze3A_111, %dma_start3A_123] : memref<1000001x64xf32, #tpu.memory_space<hbm>> -> memref<1x64xf32, #tpu.memory_space<hbm>>
      %dma_start3A_125 = arith.constant 0 : i32
      %dma_start3A_126 = arith.constant 0 : i32
      %dma_start3A_127 = tpu.memref_slice %arg6[%dma_start3A_116, %dma_start3A_125, %dma_start3A_126] : memref<4x160x64xf32, #tpu.memory_space<vmem>> -> memref<1x160x64xf32, #tpu.memory_space<vmem>>
      %dma_start3A_128 = tpu.memref_squeeze %dma_start3A_127 : memref<1x160x64xf32, #tpu.memory_space<vmem>> -> memref<160x64xf32, #tpu.memory_space<vmem>>
      %dma_start3A_129 = arith.constant 0 : i32
      %dma_start3A_130 = tpu.memref_slice %dma_start3A_128[%add3A_115, %dma_start3A_129] : memref<160x64xf32, #tpu.memory_space<vmem>> -> memref<1x64xf32, #tpu.memory_space<vmem>>
      %dma_start3A_131 = arith.constant 0 : i32
      %dma_start3A_132 = tpu.memref_slice %arg3[%squeeze3A_111, %dma_start3A_131] : memref<1000001x64xf32, #tpu.memory_space<hbm>> -> memref<1x64xf32, #tpu.memory_space<hbm>>
      tpu.enqueue_dma source(%dma_start3A_132 : memref<1x64xf32, #tpu.memory_space<hbm>>) target(%dma_start3A_130 : memref<1x64xf32, #tpu.memory_space<vmem>>) target_semaphore(%arg9 : memref<!tpu.dma_semaphore, #tpu.memory_space<semaphore_mem>>)
      %slice3A_133 = vector.extract_strided_slice %get3A_89 {offsets = [2], sizes = [1], strides = [1]} : vector<16xi32> to vector<1xi32>
      %squeeze3A_134 = vector.extract %slice3A_133[0] : i32 from vector<1xi32>
      %mul3A_135 = arith.constant 16 : i32
      %mul3A_136 = arith.muli %scan3A_83, %mul3A_135 : i32
      %add3A_137 = arith.constant 2 : i32
      %add3A_138 = arith.addi %mul3A_136, %add3A_137 : i32
      %dma_start3A_139 = arith.constant 2 : i32
      %dma_start3A_140 = arith.constant 0 : i32
      %dma_start3A_141 = arith.constant 0 : i32
      %dma_start3A_142 = tpu.memref_slice %arg6[%dma_start3A_139, %dma_start3A_140, %dma_start3A_141] : memref<4x160x64xf32, #tpu.memory_space<vmem>> -> memref<1x160x64xf32, #tpu.memory_space<vmem>>
      %dma_start3A_143 = tpu.memref_squeeze %dma_start3A_142 : memref<1x160x64xf32, #tpu.memory_space<vmem>> -> memref<160x64xf32, #tpu.memory_space<vmem>>
      %dma_start3A_144 = arith.constant 0 : i32
      %dma_start3A_145 = tpu.memref_slice %dma_start3A_143[%add3A_138, %dma_start3A_144] : memref<160x64xf32, #tpu.memory_space<vmem>> -> memref<1x64xf32, #tpu.memory_space<vmem>>
      %dma_start3A_146 = arith.constant 0 : i32
      %dma_start3A_147 = tpu.memref_slice %arg3[%squeeze3A_134, %dma_start3A_146] : memref<1000001x64xf32, #tpu.memory_space<hbm>> -> memref<1x64xf32, #tpu.memory_space<hbm>>
      %dma_start3A_148 = arith.constant 0 : i32
      %dma_start3A_149 = arith.constant 0 : i32
      %dma_start3A_150 = tpu.memref_slice %arg6[%dma_start3A_139, %dma_start3A_148, %dma_start3A_149] : memref<4x160x64xf32, #tpu.memory_space<vmem>> -> memref<1x160x64xf32, #tpu.memory_space<vmem>>
      %dma_start3A_151 = tpu.memref_squeeze %dma_start3A_150 : memref<1x160x64xf32, #tpu.memory_space<vmem>> -> memref<160x64xf32, #tpu.memory_space<vmem>>
      %dma_start3A_152 = arith.constant 0 : i32
      %dma_start3A_153 = tpu.memref_slice %dma_start3A_151[%add3A_138, %dma_start3A_152] : memref<160x64xf32, #tpu.memory_space<vmem>> -> memref<1x64xf32, #tpu.memory_space<vmem>>
      %dma_start3A_154 = arith.constant 0 : i32
      %dma_start3A_155 = tpu.memref_slice %arg3[%squeeze3A_134, %dma_start3A_154] : memref<1000001x64xf32, #tpu.memory_space<hbm>> -> memref<1x64xf32, #tpu.memory_space<hbm>>
      tpu.enqueue_dma source(%dma_start3A_155 : memref<1x64xf32, #tpu.memory_space<hbm>>) target(%dma_start3A_153 : memref<1x64xf32, #tpu.memory_space<vmem>>) target_semaphore(%arg9 : memref<!tpu.dma_semaphore, #tpu.memory_space<semaphore_mem>>)
      %slice3A_156 = vector.extract_strided_slice %get3A_89 {offsets = [3], sizes = [1], strides = [1]} : vector<16xi32> to vector<1xi32>
      %squeeze3A_157 = vector.extract %slice3A_156[0] : i32 from vector<1xi32>
      %mul3A_158 = arith.constant 16 : i32
      %mul3A_159 = arith.muli %scan3A_83, %mul3A_158 : i32
      %add3A_160 = arith.constant 3 : i32
      %add3A_161 = arith.addi %mul3A_159, %add3A_160 : i32
      %dma_start3A_162 = arith.constant 2 : i32
      %dma_start3A_163 = arith.constant 0 : i32
      %dma_start3A_164 = arith.constant 0 : i32
      %dma_start3A_165 = tpu.memref_slice %arg6[%dma_start3A_162, %dma_start3A_163, %dma_start3A_164] : memref<4x160x64xf32, #tpu.memory_space<vmem>> -> memref<1x160x64xf32, #tpu.memory_space<vmem>>
      %dma_start3A_166 = tpu.memref_squeeze %dma_start3A_165 : memref<1x160x64xf32, #tpu.memory_space<vmem>> -> memref<160x64xf32, #tpu.memory_space<vmem>>
      %dma_start3A_167 = arith.constant 0 : i32
      %dma_start3A_168 = tpu.memref_slice %dma_start3A_166[%add3A_161, %dma_start3A_167] : memref<160x64xf32, #tpu.memory_space<vmem>> -> memref<1x64xf32, #tpu.memory_space<vmem>>
      %dma_start3A_169 = arith.constant 0 : i32
      %dma_start3A_170 = tpu.memref_slice %arg3[%squeeze3A_157, %dma_start3A_169] : memref<1000001x64xf32, #tpu.memory_space<hbm>> -> memref<1x64xf32, #tpu.memory_space<hbm>>
      %dma_start3A_171 = arith.constant 0 : i32
      %dma_start3A_172 = arith.constant 0 : i32
      %dma_start3A_173 = tpu.memref_slice %arg6[%dma_start3A_162, %dma_start3A_171, %dma_start3A_172] : memref<4x160x64xf32, #tpu.memory_space<vmem>> -> memref<1x160x64xf32, #tpu.memory_space<vmem>>
      %dma_start3A_174 = tpu.memref_squeeze %dma_start3A_173 : memref<1x160x64xf32, #tpu.memory_space<vmem>> -> memref<160x64xf32, #tpu.memory_space<vmem>>
      %dma_start3A_175 = arith.constant 0 : i32
      %dma_start3A_176 = tpu.memref_slice %dma_start3A_174[%add3A_161, %dma_start3A_175] : memref<160x64xf32, #tpu.memory_space<vmem>> -> memref<1x64xf32, #tpu.memory_space<vmem>>
      %dma_start3A_177 = arith.constant 0 : i32
      %dma_start3A_178 = tpu.memref_slice %arg3[%squeeze3A_157, %dma_start3A_177] : memref<1000001x64xf32, #tpu.memory_space<hbm>> -> memref<1x64xf32, #tpu.memory_space<hbm>>
      tpu.enqueue_dma source(%dma_start3A_178 : memref<1x64xf32, #tpu.memory_space<hbm>>) target(%dma_start3A_176 : memref<1x64xf32, #tpu.memory_space<vmem>>) target_semaphore(%arg9 : memref<!tpu.dma_semaphore, #tpu.memory_space<semaphore_mem>>)
      %slice3A_179 = vector.extract_strided_slice %get3A_89 {offsets = [4], sizes = [1], strides = [1]} : vector<16xi32> to vector<1xi32>
      %squeeze3A_180 = vector.extract %slice3A_179[0] : i32 from vector<1xi32>
      %mul3A_181 = arith.constant 16 : i32
      %mul3A_182 = arith.muli %scan3A_83, %mul3A_181 : i32
      %add3A_183 = arith.constant 4 : i32
      %add3A_184 = arith.addi %mul3A_182, %add3A_183 : i32
      %dma_start3A_185 = arith.constant 2 : i32
      %dma_start3A_186 = arith.constant 0 : i32
      %dma_start3A_187 = arith.constant 0 : i32
      %dma_start3A_188 = tpu.memref_slice %arg6[%dma_start3A_185, %dma_start3A_186, %dma_start3A_187] : memref<4x160x64xf32, #tpu.memory_space<vmem>> -> memref<1x160x64xf32, #tpu.memory_space<vmem>>
      %dma_start3A_189 = tpu.memref_squeeze %dma_start3A_188 : memref<1x160x64xf32, #tpu.memory_space<vmem>> -> memref<160x64xf32, #tpu.memory_space<vmem>>
      %dma_start3A_190 = arith.constant 0 : i32
      %dma_start3A_191 = tpu.memref_slice %dma_start3A_189[%add3A_184, %dma_start3A_190] : memref<160x64xf32, #tpu.memory_space<vmem>> -> memref<1x64xf32, #tpu.memory_space<vmem>>
      %dma_start3A_192 = arith.constant 0 : i32
      %dma_start3A_193 = tpu.memref_slice %arg3[%squeeze3A_180, %dma_start3A_192] : memref<1000001x64xf32, #tpu.memory_space<hbm>> -> memref<1x64xf32, #tpu.memory_space<hbm>>
      %dma_start3A_194 = arith.constant 0 : i32
      %dma_start3A_195 = arith.constant 0 : i32
      %dma_start3A_196 = tpu.memref_slice %arg6[%dma_start3A_185, %dma_start3A_194, %dma_start3A_195] : memref<4x160x64xf32, #tpu.memory_space<vmem>> -> memref<1x160x64xf32, #tpu.memory_space<vmem>>
      %dma_start3A_197 = tpu.memref_squeeze %dma_start3A_196 : memref<1x160x64xf32, #tpu.memory_space<vmem>> -> memref<160x64xf32, #tpu.memory_space<vmem>>
      %dma_start3A_198 = arith.constant 0 : i32
      %dma_start3A_199 = tpu.memref_slice %dma_start3A_197[%add3A_184, %dma_start3A_198] : memref<160x64xf32, #tpu.memory_space<vmem>> -> memref<1x64xf32, #tpu.memory_space<vmem>>
      %dma_start3A_200 = arith.constant 0 : i32
      %dma_start3A_201 = tpu.memref_slice %arg3[%squeeze3A_180, %dma_start3A_200] : memref<1000001x64xf32, #tpu.memory_space<hbm>> -> memref<1x64xf32, #tpu.memory_space<hbm>>
      tpu.enqueue_dma source(%dma_start3A_201 : memref<1x64xf32, #tpu.memory_space<hbm>>) target(%dma_start3A_199 : memref<1x64xf32, #tpu.memory_space<vmem>>) target_semaphore(%arg9 : memref<!tpu.dma_semaphore, #tpu.memory_space<semaphore_mem>>)
      %slice3A_202 = vector.extract_strided_slice %get3A_89 {offsets = [5], sizes = [1], strides = [1]} : vector<16xi32> to vector<1xi32>
      %squeeze3A_203 = vector.extract %slice3A_202[0] : i32 from vector<1xi32>
      %mul3A_204 = arith.constant 16 : i32
      %mul3A_205 = arith.muli %scan3A_83, %mul3A_204 : i32
      %add3A_206 = arith.constant 5 : i32
      %add3A_207 = arith.addi %mul3A_205, %add3A_206 : i32
      %dma_start3A_208 = arith.constant 2 : i32
      %dma_start3A_209 = arith.constant 0 : i32
      %dma_start3A_210 = arith.constant 0 : i32
      %dma_start3A_211 = tpu.memref_slice %arg6[%dma_start3A_208, %dma_start3A_209, %dma_start3A_210] : memref<4x160x64xf32, #tpu.memory_space<vmem>> -> memref<1x160x64xf32, #tpu.memory_space<vmem>>
      %dma_start3A_212 = tpu.memref_squeeze %dma_start3A_211 : memref<1x160x64xf32, #tpu.memory_space<vmem>> -> memref<160x64xf32, #tpu.memory_space<vmem>>
      %dma_start3A_213 = arith.constant 0 : i32
      %dma_start3A_214 = tpu.memref_slice %dma_start3A_212[%add3A_207, %dma_start3A_213] : memref<160x64xf32, #tpu.memory_space<vmem>> -> memref<1x64xf32, #tpu.memory_space<vmem>>
      %dma_start3A_215 = arith.constant 0 : i32
      %dma_start3A_216 = tpu.memref_slice %arg3[%squeeze3A_203, %dma_start3A_215] : memref<1000001x64xf32, #tpu.memory_space<hbm>> -> memref<1x64xf32, #tpu.memory_space<hbm>>
      %dma_start3A_217 = arith.constant 0 : i32
      %dma_start3A_218 = arith.constant 0 : i32
      %dma_start3A_219 = tpu.memref_slice %arg6[%dma_start3A_208, %dma_start3A_217, %dma_start3A_218] : memref<4x160x64xf32, #tpu.memory_space<vmem>> -> memref<1x160x64xf32, #tpu.memory_space<vmem>>
      %dma_start3A_220 = tpu.memref_squeeze %dma_start3A_219 : memref<1x160x64xf32, #tpu.memory_space<vmem>> -> memref<160x64xf32, #tpu.memory_space<vmem>>
      %dma_start3A_221 = arith.constant 0 : i32
      %dma_start3A_222 = tpu.memref_slice %dma_start3A_220[%add3A_207, %dma_start3A_221] : memref<160x64xf32, #tpu.memory_space<vmem>> -> memref<1x64xf32, #tpu.memory_space<vmem>>
      %dma_start3A_223 = arith.constant 0 : i32
      %dma_start3A_224 = tpu.memref_slice %arg3[%squeeze3A_203, %dma_start3A_223] : memref<1000001x64xf32, #tpu.memory_space<hbm>> -> memref<1x64xf32, #tpu.memory_space<hbm>>
      tpu.enqueue_dma source(%dma_start3A_224 : memref<1x64xf32, #tpu.memory_space<hbm>>) target(%dma_start3A_222 : memref<1x64xf32, #tpu.memory_space<vmem>>) target_semaphore(%arg9 : memref<!tpu.dma_semaphore, #tpu.memory_space<semaphore_mem>>)
      %slice3A_225 = vector.extract_strided_slice %get3A_89 {offsets = [6], sizes = [1], strides = [1]} : vector<16xi32> to vector<1xi32>
      %squeeze3A_226 = vector.extract %slice3A_225[0] : i32 from vector<1xi32>
      %mul3A_227 = arith.constant 16 : i32
      %mul3A_228 = arith.muli %scan3A_83, %mul3A_227 : i32
      %add3A_229 = arith.constant 6 : i32
      %add3A_230 = arith.addi %mul3A_228, %add3A_229 : i32
      %dma_start3A_231 = arith.constant 2 : i32
      %dma_start3A_232 = arith.constant 0 : i32
      %dma_start3A_233 = arith.constant 0 : i32
      %dma_start3A_234 = tpu.memref_slice %arg6[%dma_start3A_231, %dma_start3A_232, %dma_start3A_233] : memref<4x160x64xf32, #tpu.memory_space<vmem>> -> memref<1x160x64xf32, #tpu.memory_space<vmem>>
      %dma_start3A_235 = tpu.memref_squeeze %dma_start3A_234 : memref<1x160x64xf32, #tpu.memory_space<vmem>> -> memref<160x64xf32, #tpu.memory_space<vmem>>
      %dma_start3A_236 = arith.constant 0 : i32
      %dma_start3A_237 = tpu.memref_slice %dma_start3A_235[%add3A_230, %dma_start3A_236] : memref<160x64xf32, #tpu.memory_space<vmem>> -> memref<1x64xf32, #tpu.memory_space<vmem>>
      %dma_start3A_238 = arith.constant 0 : i32
      %dma_start3A_239 = tpu.memref_slice %arg3[%squeeze3A_226, %dma_start3A_238] : memref<1000001x64xf32, #tpu.memory_space<hbm>> -> memref<1x64xf32, #tpu.memory_space<hbm>>
      %dma_start3A_240 = arith.constant 0 : i32
      %dma_start3A_241 = arith.constant 0 : i32
      %dma_start3A_242 = tpu.memref_slice %arg6[%dma_start3A_231, %dma_start3A_240, %dma_start3A_241] : memref<4x160x64xf32, #tpu.memory_space<vmem>> -> memref<1x160x64xf32, #tpu.memory_space<vmem>>
      %dma_start3A_243 = tpu.memref_squeeze %dma_start3A_242 : memref<1x160x64xf32, #tpu.memory_space<vmem>> -> memref<160x64xf32, #tpu.memory_space<vmem>>
      %dma_start3A_244 = arith.constant 0 : i32
      %dma_start3A_245 = tpu.memref_slice %dma_start3A_243[%add3A_230, %dma_start3A_244] : memref<160x64xf32, #tpu.memory_space<vmem>> -> memref<1x64xf32, #tpu.memory_space<vmem>>
      %dma_start3A_246 = arith.constant 0 : i32
      %dma_start3A_247 = tpu.memref_slice %arg3[%squeeze3A_226, %dma_start3A_246] : memref<1000001x64xf32, #tpu.memory_space<hbm>> -> memref<1x64xf32, #tpu.memory_space<hbm>>
      tpu.enqueue_dma source(%dma_start3A_247 : memref<1x64xf32, #tpu.memory_space<hbm>>) target(%dma_start3A_245 : memref<1x64xf32, #tpu.memory_space<vmem>>) target_semaphore(%arg9 : memref<!tpu.dma_semaphore, #tpu.memory_space<semaphore_mem>>)
      %slice3A_248 = vector.extract_strided_slice %get3A_89 {offsets = [7], sizes = [1], strides = [1]} : vector<16xi32> to vector<1xi32>
      %squeeze3A_249 = vector.extract %slice3A_248[0] : i32 from vector<1xi32>
      %mul3A_250 = arith.constant 16 : i32
      %mul3A_251 = arith.muli %scan3A_83, %mul3A_250 : i32
      %add3A_252 = arith.constant 7 : i32
      %add3A_253 = arith.addi %mul3A_251, %add3A_252 : i32
      %dma_start3A_254 = arith.constant 2 : i32
      %dma_start3A_255 = arith.constant 0 : i32
      %dma_start3A_256 = arith.constant 0 : i32
      %dma_start3A_257 = tpu.memref_slice %arg6[%dma_start3A_254, %dma_start3A_255, %dma_start3A_256] : memref<4x160x64xf32, #tpu.memory_space<vmem>> -> memref<1x160x64xf32, #tpu.memory_space<vmem>>
      %dma_start3A_258 = tpu.memref_squeeze %dma_start3A_257 : memref<1x160x64xf32, #tpu.memory_space<vmem>> -> memref<160x64xf32, #tpu.memory_space<vmem>>
      %dma_start3A_259 = arith.constant 0 : i32
      %dma_start3A_260 = tpu.memref_slice %dma_start3A_258[%add3A_253, %dma_start3A_259] : memref<160x64xf32, #tpu.memory_space<vmem>> -> memref<1x64xf32, #tpu.memory_space<vmem>>
      %dma_start3A_261 = arith.constant 0 : i32
      %dma_start3A_262 = tpu.memref_slice %arg3[%squeeze3A_249, %dma_start3A_261] : memref<1000001x64xf32, #tpu.memory_space<hbm>> -> memref<1x64xf32, #tpu.memory_space<hbm>>
      %dma_start3A_263 = arith.constant 0 : i32
      %dma_start3A_264 = arith.constant 0 : i32
      %dma_start3A_265 = tpu.memref_slice %arg6[%dma_start3A_254, %dma_start3A_263, %dma_start3A_264] : memref<4x160x64xf32, #tpu.memory_space<vmem>> -> memref<1x160x64xf32, #tpu.memory_space<vmem>>
      %dma_start3A_266 = tpu.memref_squeeze %dma_start3A_265 : memref<1x160x64xf32, #tpu.memory_space<vmem>> -> memref<160x64xf32, #tpu.memory_space<vmem>>
      %dma_start3A_267 = arith.constant 0 : i32
      %dma_start3A_268 = tpu.memref_slice %dma_start3A_266[%add3A_253, %dma_start3A_267] : memref<160x64xf32, #tpu.memory_space<vmem>> -> memref<1x64xf32, #tpu.memory_space<vmem>>
      %dma_start3A_269 = arith.constant 0 : i32
      %dma_start3A_270 = tpu.memref_slice %arg3[%squeeze3A_249, %dma_start3A_269] : memref<1000001x64xf32, #tpu.memory_space<hbm>> -> memref<1x64xf32, #tpu.memory_space<hbm>>
      tpu.enqueue_dma source(%dma_start3A_270 : memref<1x64xf32, #tpu.memory_space<hbm>>) target(%dma_start3A_268 : memref<1x64xf32, #tpu.memory_space<vmem>>) target_semaphore(%arg9 : memref<!tpu.dma_semaphore, #tpu.memory_space<semaphore_mem>>)
      %slice3A_271 = vector.extract_strided_slice %get3A_89 {offsets = [8], sizes = [1], strides = [1]} : vector<16xi32> to vector<1xi32>
      %squeeze3A_272 = vector.extract %slice3A_271[0] : i32 from vector<1xi32>
      %mul3A_273 = arith.constant 16 : i32
      %mul3A_274 = arith.muli %scan3A_83, %mul3A_273 : i32
      %add3A_275 = arith.constant 8 : i32
      %add3A_276 = arith.addi %mul3A_274, %add3A_275 : i32
      %dma_start3A_277 = arith.constant 2 : i32
      %dma_start3A_278 = arith.constant 0 : i32
      %dma_start3A_279 = arith.constant 0 : i32
      %dma_start3A_280 = tpu.memref_slice %arg6[%dma_start3A_277, %dma_start3A_278, %dma_start3A_279] : memref<4x160x64xf32, #tpu.memory_space<vmem>> -> memref<1x160x64xf32, #tpu.memory_space<vmem>>
      %dma_start3A_281 = tpu.memref_squeeze %dma_start3A_280 : memref<1x160x64xf32, #tpu.memory_space<vmem>> -> memref<160x64xf32, #tpu.memory_space<vmem>>
      %dma_start3A_282 = arith.constant 0 : i32
      %dma_start3A_283 = tpu.memref_slice %dma_start3A_281[%add3A_276, %dma_start3A_282] : memref<160x64xf32, #tpu.memory_space<vmem>> -> memref<1x64xf32, #tpu.memory_space<vmem>>
      %dma_start3A_284 = arith.constant 0 : i32
      %dma_start3A_285 = tpu.memref_slice %arg3[%squeeze3A_272, %dma_start3A_284] : memref<1000001x64xf32, #tpu.memory_space<hbm>> -> memref<1x64xf32, #tpu.memory_space<hbm>>
      %dma_start3A_286 = arith.constant 0 : i32
      %dma_start3A_287 = arith.constant 0 : i32
      %dma_start3A_288 = tpu.memref_slice %arg6[%dma_start3A_277, %dma_start3A_286, %dma_start3A_287] : memref<4x160x64xf32, #tpu.memory_space<vmem>> -> memref<1x160x64xf32, #tpu.memory_space<vmem>>
      %dma_start3A_289 = tpu.memref_squeeze %dma_start3A_288 : memref<1x160x64xf32, #tpu.memory_space<vmem>> -> memref<160x64xf32, #tpu.memory_space<vmem>>
      %dma_start3A_290 = arith.constant 0 : i32
      %dma_start3A_291 = tpu.memref_slice %dma_start3A_289[%add3A_276, %dma_start3A_290] : memref<160x64xf32, #tpu.memory_space<vmem>> -> memref<1x64xf32, #tpu.memory_space<vmem>>
      %dma_start3A_292 = arith.constant 0 : i32
      %dma_start3A_293 = tpu.memref_slice %arg3[%squeeze3A_272, %dma_start3A_292] : memref<1000001x64xf32, #tpu.memory_space<hbm>> -> memref<1x64xf32, #tpu.memory_space<hbm>>
      tpu.enqueue_dma source(%dma_start3A_293 : memref<1x64xf32, #tpu.memory_space<hbm>>) target(%dma_start3A_291 : memref<1x64xf32, #tpu.memory_space<vmem>>) target_semaphore(%arg9 : memref<!tpu.dma_semaphore, #tpu.memory_space<semaphore_mem>>)
      %slice3A_294 = vector.extract_strided_slice %get3A_89 {offsets = [9], sizes = [1], strides = [1]} : vector<16xi32> to vector<1xi32>
      %squeeze3A_295 = vector.extract %slice3A_294[0] : i32 from vector<1xi32>
      %mul3A_296 = arith.constant 16 : i32
      %mul3A_297 = arith.muli %scan3A_83, %mul3A_296 : i32
      %add3A_298 = arith.constant 9 : i32
      %add3A_299 = arith.addi %mul3A_297, %add3A_298 : i32
      %dma_start3A_300 = arith.constant 2 : i32
      %dma_start3A_301 = arith.constant 0 : i32
      %dma_start3A_302 = arith.constant 0 : i32
      %dma_start3A_303 = tpu.memref_slice %arg6[%dma_start3A_300, %dma_start3A_301, %dma_start3A_302] : memref<4x160x64xf32, #tpu.memory_space<vmem>> -> memref<1x160x64xf32, #tpu.memory_space<vmem>>
      %dma_start3A_304 = tpu.memref_squeeze %dma_start3A_303 : memref<1x160x64xf32, #tpu.memory_space<vmem>> -> memref<160x64xf32, #tpu.memory_space<vmem>>
      %dma_start3A_305 = arith.constant 0 : i32
      %dma_start3A_306 = tpu.memref_slice %dma_start3A_304[%add3A_299, %dma_start3A_305] : memref<160x64xf32, #tpu.memory_space<vmem>> -> memref<1x64xf32, #tpu.memory_space<vmem>>
      %dma_start3A_307 = arith.constant 0 : i32
      %dma_start3A_308 = tpu.memref_slice %arg3[%squeeze3A_295, %dma_start3A_307] : memref<1000001x64xf32, #tpu.memory_space<hbm>> -> memref<1x64xf32, #tpu.memory_space<hbm>>
      %dma_start3A_309 = arith.constant 0 : i32
      %dma_start3A_310 = arith.constant 0 : i32
      %dma_start3A_311 = tpu.memref_slice %arg6[%dma_start3A_300, %dma_start3A_309, %dma_start3A_310] : memref<4x160x64xf32, #tpu.memory_space<vmem>> -> memref<1x160x64xf32, #tpu.memory_space<vmem>>
      %dma_start3A_312 = tpu.memref_squeeze %dma_start3A_311 : memref<1x160x64xf32, #tpu.memory_space<vmem>> -> memref<160x64xf32, #tpu.memory_space<vmem>>
      %dma_start3A_313 = arith.constant 0 : i32
      %dma_start3A_314 = tpu.memref_slice %dma_start3A_312[%add3A_299, %dma_start3A_313] : memref<160x64xf32, #tpu.memory_space<vmem>> -> memref<1x64xf32, #tpu.memory_space<vmem>>
      %dma_start3A_315 = arith.constant 0 : i32
      %dma_start3A_316 = tpu.memref_slice %arg3[%squeeze3A_295, %dma_start3A_315] : memref<1000001x64xf32, #tpu.memory_space<hbm>> -> memref<1x64xf32, #tpu.memory_space<hbm>>
      tpu.enqueue_dma source(%dma_start3A_316 : memref<1x64xf32, #tpu.memory_space<hbm>>) target(%dma_start3A_314 : memref<1x64xf32, #tpu.memory_space<vmem>>) target_semaphore(%arg9 : memref<!tpu.dma_semaphore, #tpu.memory_space<semaphore_mem>>)
      %slice3A_317 = vector.extract_strided_slice %get3A_89 {offsets = [10], sizes = [1], strides = [1]} : vector<16xi32> to vector<1xi32>
      %squeeze3A_318 = vector.extract %slice3A_317[0] : i32 from vector<1xi32>
      %mul3A_319 = arith.constant 16 : i32
      %mul3A_320 = arith.muli %scan3A_83, %mul3A_319 : i32
      %add3A_321 = arith.constant 10 : i32
      %add3A_322 = arith.addi %mul3A_320, %add3A_321 : i32
      %dma_start3A_323 = arith.constant 2 : i32
      %dma_start3A_324 = arith.constant 0 : i32
      %dma_start3A_325 = arith.constant 0 : i32
      %dma_start3A_326 = tpu.memref_slice %arg6[%dma_start3A_323, %dma_start3A_324, %dma_start3A_325] : memref<4x160x64xf32, #tpu.memory_space<vmem>> -> memref<1x160x64xf32, #tpu.memory_space<vmem>>
      %dma_start3A_327 = tpu.memref_squeeze %dma_start3A_326 : memref<1x160x64xf32, #tpu.memory_space<vmem>> -> memref<160x64xf32, #tpu.memory_space<vmem>>
      %dma_start3A_328 = arith.constant 0 : i32
      %dma_start3A_329 = tpu.memref_slice %dma_start3A_327[%add3A_322, %dma_start3A_328] : memref<160x64xf32, #tpu.memory_space<vmem>> -> memref<1x64xf32, #tpu.memory_space<vmem>>
      %dma_start3A_330 = arith.constant 0 : i32
      %dma_start3A_331 = tpu.memref_slice %arg3[%squeeze3A_318, %dma_start3A_330] : memref<1000001x64xf32, #tpu.memory_space<hbm>> -> memref<1x64xf32, #tpu.memory_space<hbm>>
      %dma_start3A_332 = arith.constant 0 : i32
      %dma_start3A_333 = arith.constant 0 : i32
      %dma_start3A_334 = tpu.memref_slice %arg6[%dma_start3A_323, %dma_start3A_332, %dma_start3A_333] : memref<4x160x64xf32, #tpu.memory_space<vmem>> -> memref<1x160x64xf32, #tpu.memory_space<vmem>>
      %dma_start3A_335 = tpu.memref_squeeze %dma_start3A_334 : memref<1x160x64xf32, #tpu.memory_space<vmem>> -> memref<160x64xf32, #tpu.memory_space<vmem>>
      %dma_start3A_336 = arith.constant 0 : i32
      %dma_start3A_337 = tpu.memref_slice %dma_start3A_335[%add3A_322, %dma_start3A_336] : memref<160x64xf32, #tpu.memory_space<vmem>> -> memref<1x64xf32, #tpu.memory_space<vmem>>
      %dma_start3A_338 = arith.constant 0 : i32
      %dma_start3A_339 = tpu.memref_slice %arg3[%squeeze3A_318, %dma_start3A_338] : memref<1000001x64xf32, #tpu.memory_space<hbm>> -> memref<1x64xf32, #tpu.memory_space<hbm>>
      tpu.enqueue_dma source(%dma_start3A_339 : memref<1x64xf32, #tpu.memory_space<hbm>>) target(%dma_start3A_337 : memref<1x64xf32, #tpu.memory_space<vmem>>) target_semaphore(%arg9 : memref<!tpu.dma_semaphore, #tpu.memory_space<semaphore_mem>>)
      %slice3A_340 = vector.extract_strided_slice %get3A_89 {offsets = [11], sizes = [1], strides = [1]} : vector<16xi32> to vector<1xi32>
      %squeeze3A_341 = vector.extract %slice3A_340[0] : i32 from vector<1xi32>
      %mul3A_342 = arith.constant 16 : i32
      %mul3A_343 = arith.muli %scan3A_83, %mul3A_342 : i32
      %add3A_344 = arith.constant 11 : i32
      %add3A_345 = arith.addi %mul3A_343, %add3A_344 : i32
      %dma_start3A_346 = arith.constant 2 : i32
      %dma_start3A_347 = arith.constant 0 : i32
      %dma_start3A_348 = arith.constant 0 : i32
      %dma_start3A_349 = tpu.memref_slice %arg6[%dma_start3A_346, %dma_start3A_347, %dma_start3A_348] : memref<4x160x64xf32, #tpu.memory_space<vmem>> -> memref<1x160x64xf32, #tpu.memory_space<vmem>>
      %dma_start3A_350 = tpu.memref_squeeze %dma_start3A_349 : memref<1x160x64xf32, #tpu.memory_space<vmem>> -> memref<160x64xf32, #tpu.memory_space<vmem>>
      %dma_start3A_351 = arith.constant 0 : i32
      %dma_start3A_352 = tpu.memref_slice %dma_start3A_350[%add3A_345, %dma_start3A_351] : memref<160x64xf32, #tpu.memory_space<vmem>> -> memref<1x64xf32, #tpu.memory_space<vmem>>
      %dma_start3A_353 = arith.constant 0 : i32
      %dma_start3A_354 = tpu.memref_slice %arg3[%squeeze3A_341, %dma_start3A_353] : memref<1000001x64xf32, #tpu.memory_space<hbm>> -> memref<1x64xf32, #tpu.memory_space<hbm>>
      %dma_start3A_355 = arith.constant 0 : i32
      %dma_start3A_356 = arith.constant 0 : i32
      %dma_start3A_357 = tpu.memref_slice %arg6[%dma_start3A_346, %dma_start3A_355, %dma_start3A_356] : memref<4x160x64xf32, #tpu.memory_space<vmem>> -> memref<1x160x64xf32, #tpu.memory_space<vmem>>
      %dma_start3A_358 = tpu.memref_squeeze %dma_start3A_357 : memref<1x160x64xf32, #tpu.memory_space<vmem>> -> memref<160x64xf32, #tpu.memory_space<vmem>>
      %dma_start3A_359 = arith.constant 0 : i32
      %dma_start3A_360 = tpu.memref_slice %dma_start3A_358[%add3A_345, %dma_start3A_359] : memref<160x64xf32, #tpu.memory_space<vmem>> -> memref<1x64xf32, #tpu.memory_space<vmem>>
      %dma_start3A_361 = arith.constant 0 : i32
      %dma_start3A_362 = tpu.memref_slice %arg3[%squeeze3A_341, %dma_start3A_361] : memref<1000001x64xf32, #tpu.memory_space<hbm>> -> memref<1x64xf32, #tpu.memory_space<hbm>>
      tpu.enqueue_dma source(%dma_start3A_362 : memref<1x64xf32, #tpu.memory_space<hbm>>) target(%dma_start3A_360 : memref<1x64xf32, #tpu.memory_space<vmem>>) target_semaphore(%arg9 : memref<!tpu.dma_semaphore, #tpu.memory_space<semaphore_mem>>)
      %slice3A_363 = vector.extract_strided_slice %get3A_89 {offsets = [12], sizes = [1], strides = [1]} : vector<16xi32> to vector<1xi32>
      %squeeze3A_364 = vector.extract %slice3A_363[0] : i32 from vector<1xi32>
      %mul3A_365 = arith.constant 16 : i32
      %mul3A_366 = arith.muli %scan3A_83, %mul3A_365 : i32
      %add3A_367 = arith.constant 12 : i32
      %add3A_368 = arith.addi %mul3A_366, %add3A_367 : i32
      %dma_start3A_369 = arith.constant 2 : i32
      %dma_start3A_370 = arith.constant 0 : i32
      %dma_start3A_371 = arith.constant 0 : i32
      %dma_start3A_372 = tpu.memref_slice %arg6[%dma_start3A_369, %dma_start3A_370, %dma_start3A_371] : memref<4x160x64xf32, #tpu.memory_space<vmem>> -> memref<1x160x64xf32, #tpu.memory_space<vmem>>
      %dma_start3A_373 = tpu.memref_squeeze %dma_start3A_372 : memref<1x160x64xf32, #tpu.memory_space<vmem>> -> memref<160x64xf32, #tpu.memory_space<vmem>>
      %dma_start3A_374 = arith.constant 0 : i32
      %dma_start3A_375 = tpu.memref_slice %dma_start3A_373[%add3A_368, %dma_start3A_374] : memref<160x64xf32, #tpu.memory_space<vmem>> -> memref<1x64xf32, #tpu.memory_space<vmem>>
      %dma_start3A_376 = arith.constant 0 : i32
      %dma_start3A_377 = tpu.memref_slice %arg3[%squeeze3A_364, %dma_start3A_376] : memref<1000001x64xf32, #tpu.memory_space<hbm>> -> memref<1x64xf32, #tpu.memory_space<hbm>>
      %dma_start3A_378 = arith.constant 0 : i32
      %dma_start3A_379 = arith.constant 0 : i32
      %dma_start3A_380 = tpu.memref_slice %arg6[%dma_start3A_369, %dma_start3A_378, %dma_start3A_379] : memref<4x160x64xf32, #tpu.memory_space<vmem>> -> memref<1x160x64xf32, #tpu.memory_space<vmem>>
      %dma_start3A_381 = tpu.memref_squeeze %dma_start3A_380 : memref<1x160x64xf32, #tpu.memory_space<vmem>> -> memref<160x64xf32, #tpu.memory_space<vmem>>
      %dma_start3A_382 = arith.constant 0 : i32
      %dma_start3A_383 = tpu.memref_slice %dma_start3A_381[%add3A_368, %dma_start3A_382] : memref<160x64xf32, #tpu.memory_space<vmem>> -> memref<1x64xf32, #tpu.memory_space<vmem>>
      %dma_start3A_384 = arith.constant 0 : i32
      %dma_start3A_385 = tpu.memref_slice %arg3[%squeeze3A_364, %dma_start3A_384] : memref<1000001x64xf32, #tpu.memory_space<hbm>> -> memref<1x64xf32, #tpu.memory_space<hbm>>
      tpu.enqueue_dma source(%dma_start3A_385 : memref<1x64xf32, #tpu.memory_space<hbm>>) target(%dma_start3A_383 : memref<1x64xf32, #tpu.memory_space<vmem>>) target_semaphore(%arg9 : memref<!tpu.dma_semaphore, #tpu.memory_space<semaphore_mem>>)
      %slice3A_386 = vector.extract_strided_slice %get3A_89 {offsets = [13], sizes = [1], strides = [1]} : vector<16xi32> to vector<1xi32>
      %squeeze3A_387 = vector.extract %slice3A_386[0] : i32 from vector<1xi32>
      %mul3A_388 = arith.constant 16 : i32
      %mul3A_389 = arith.muli %scan3A_83, %mul3A_388 : i32
      %add3A_390 = arith.constant 13 : i32
      %add3A_391 = arith.addi %mul3A_389, %add3A_390 : i32
      %dma_start3A_392 = arith.constant 2 : i32
      %dma_start3A_393 = arith.constant 0 : i32
      %dma_start3A_394 = arith.constant 0 : i32
      %dma_start3A_395 = tpu.memref_slice %arg6[%dma_start3A_392, %dma_start3A_393, %dma_start3A_394] : memref<4x160x64xf32, #tpu.memory_space<vmem>> -> memref<1x160x64xf32, #tpu.memory_space<vmem>>
      %dma_start3A_396 = tpu.memref_squeeze %dma_start3A_395 : memref<1x160x64xf32, #tpu.memory_space<vmem>> -> memref<160x64xf32, #tpu.memory_space<vmem>>
      %dma_start3A_397 = arith.constant 0 : i32
      %dma_start3A_398 = tpu.memref_slice %dma_start3A_396[%add3A_391, %dma_start3A_397] : memref<160x64xf32, #tpu.memory_space<vmem>> -> memref<1x64xf32, #tpu.memory_space<vmem>>
      %dma_start3A_399 = arith.constant 0 : i32
      %dma_start3A_400 = tpu.memref_slice %arg3[%squeeze3A_387, %dma_start3A_399] : memref<1000001x64xf32, #tpu.memory_space<hbm>> -> memref<1x64xf32, #tpu.memory_space<hbm>>
      %dma_start3A_401 = arith.constant 0 : i32
      %dma_start3A_402 = arith.constant 0 : i32
      %dma_start3A_403 = tpu.memref_slice %arg6[%dma_start3A_392, %dma_start3A_401, %dma_start3A_402] : memref<4x160x64xf32, #tpu.memory_space<vmem>> -> memref<1x160x64xf32, #tpu.memory_space<vmem>>
      %dma_start3A_404 = tpu.memref_squeeze %dma_start3A_403 : memref<1x160x64xf32, #tpu.memory_space<vmem>> -> memref<160x64xf32, #tpu.memory_space<vmem>>
      %dma_start3A_405 = arith.constant 0 : i32
      %dma_start3A_406 = tpu.memref_slice %dma_start3A_404[%add3A_391, %dma_start3A_405] : memref<160x64xf32, #tpu.memory_space<vmem>> -> memref<1x64xf32, #tpu.memory_space<vmem>>
      %dma_start3A_407 = arith.constant 0 : i32
      %dma_start3A_408 = tpu.memref_slice %arg3[%squeeze3A_387, %dma_start3A_407] : memref<1000001x64xf32, #tpu.memory_space<hbm>> -> memref<1x64xf32, #tpu.memory_space<hbm>>
      tpu.enqueue_dma source(%dma_start3A_408 : memref<1x64xf32, #tpu.memory_space<hbm>>) target(%dma_start3A_406 : memref<1x64xf32, #tpu.memory_space<vmem>>) target_semaphore(%arg9 : memref<!tpu.dma_semaphore, #tpu.memory_space<semaphore_mem>>)
      %slice3A_409 = vector.extract_strided_slice %get3A_89 {offsets = [14], sizes = [1], strides = [1]} : vector<16xi32> to vector<1xi32>
      %squeeze3A_410 = vector.extract %slice3A_409[0] : i32 from vector<1xi32>
      %mul3A_411 = arith.constant 16 : i32
      %mul3A_412 = arith.muli %scan3A_83, %mul3A_411 : i32
      %add3A_413 = arith.constant 14 : i32
      %add3A_414 = arith.addi %mul3A_412, %add3A_413 : i32
      %dma_start3A_415 = arith.constant 2 : i32
      %dma_start3A_416 = arith.constant 0 : i32
      %dma_start3A_417 = arith.constant 0 : i32
      %dma_start3A_418 = tpu.memref_slice %arg6[%dma_start3A_415, %dma_start3A_416, %dma_start3A_417] : memref<4x160x64xf32, #tpu.memory_space<vmem>> -> memref<1x160x64xf32, #tpu.memory_space<vmem>>
      %dma_start3A_419 = tpu.memref_squeeze %dma_start3A_418 : memref<1x160x64xf32, #tpu.memory_space<vmem>> -> memref<160x64xf32, #tpu.memory_space<vmem>>
      %dma_start3A_420 = arith.constant 0 : i32
      %dma_start3A_421 = tpu.memref_slice %dma_start3A_419[%add3A_414, %dma_start3A_420] : memref<160x64xf32, #tpu.memory_space<vmem>> -> memref<1x64xf32, #tpu.memory_space<vmem>>
      %dma_start3A_422 = arith.constant 0 : i32
      %dma_start3A_423 = tpu.memref_slice %arg3[%squeeze3A_410, %dma_start3A_422] : memref<1000001x64xf32, #tpu.memory_space<hbm>> -> memref<1x64xf32, #tpu.memory_space<hbm>>
      %dma_start3A_424 = arith.constant 0 : i32
      %dma_start3A_425 = arith.constant 0 : i32
      %dma_start3A_426 = tpu.memref_slice %arg6[%dma_start3A_415, %dma_start3A_424, %dma_start3A_425] : memref<4x160x64xf32, #tpu.memory_space<vmem>> -> memref<1x160x64xf32, #tpu.memory_space<vmem>>
      %dma_start3A_427 = tpu.memref_squeeze %dma_start3A_426 : memref<1x160x64xf32, #tpu.memory_space<vmem>> -> memref<160x64xf32, #tpu.memory_space<vmem>>
      %dma_start3A_428 = arith.constant 0 : i32
      %dma_start3A_429 = tpu.memref_slice %dma_start3A_427[%add3A_414, %dma_start3A_428] : memref<160x64xf32, #tpu.memory_space<vmem>> -> memref<1x64xf32, #tpu.memory_space<vmem>>
      %dma_start3A_430 = arith.constant 0 : i32
      %dma_start3A_431 = tpu.memref_slice %arg3[%squeeze3A_410, %dma_start3A_430] : memref<1000001x64xf32, #tpu.memory_space<hbm>> -> memref<1x64xf32, #tpu.memory_space<hbm>>
      tpu.enqueue_dma source(%dma_start3A_431 : memref<1x64xf32, #tpu.memory_space<hbm>>) target(%dma_start3A_429 : memref<1x64xf32, #tpu.memory_space<vmem>>) target_semaphore(%arg9 : memref<!tpu.dma_semaphore, #tpu.memory_space<semaphore_mem>>)
      %slice3A_432 = vector.extract_strided_slice %get3A_89 {offsets = [15], sizes = [1], strides = [1]} : vector<16xi32> to vector<1xi32>
      %squeeze3A_433 = vector.extract %slice3A_432[0] : i32 from vector<1xi32>
      %mul3A_434 = arith.constant 16 : i32
      %mul3A_435 = arith.muli %scan3A_83, %mul3A_434 : i32
      %add3A_436 = arith.constant 15 : i32
      %add3A_437 = arith.addi %mul3A_435, %add3A_436 : i32
      %dma_start3A_438 = arith.constant 2 : i32
      %dma_start3A_439 = arith.constant 0 : i32
      %dma_start3A_440 = arith.constant 0 : i32
      %dma_start3A_441 = tpu.memref_slice %arg6[%dma_start3A_438, %dma_start3A_439, %dma_start3A_440] : memref<4x160x64xf32, #tpu.memory_space<vmem>> -> memref<1x160x64xf32, #tpu.memory_space<vmem>>
      %dma_start3A_442 = tpu.memref_squeeze %dma_start3A_441 : memref<1x160x64xf32, #tpu.memory_space<vmem>> -> memref<160x64xf32, #tpu.memory_space<vmem>>
      %dma_start3A_443 = arith.constant 0 : i32
      %dma_start3A_444 = tpu.memref_slice %dma_start3A_442[%add3A_437, %dma_start3A_443] : memref<160x64xf32, #tpu.memory_space<vmem>> -> memref<1x64xf32, #tpu.memory_space<vmem>>
      %dma_start3A_445 = arith.constant 0 : i32
      %dma_start3A_446 = tpu.memref_slice %arg3[%squeeze3A_433, %dma_start3A_445] : memref<1000001x64xf32, #tpu.memory_space<hbm>> -> memref<1x64xf32, #tpu.memory_space<hbm>>
      %dma_start3A_447 = arith.constant 0 : i32
      %dma_start3A_448 = arith.constant 0 : i32
      %dma_start3A_449 = tpu.memref_slice %arg6[%dma_start3A_438, %dma_start3A_447, %dma_start3A_448] : memref<4x160x64xf32, #tpu.memory_space<vmem>> -> memref<1x160x64xf32, #tpu.memory_space<vmem>>
      %dma_start3A_450 = tpu.memref_squeeze %dma_start3A_449 : memref<1x160x64xf32, #tpu.memory_space<vmem>> -> memref<160x64xf32, #tpu.memory_space<vmem>>
      %dma_start3A_451 = arith.constant 0 : i32
      %dma_start3A_452 = tpu.memref_slice %dma_start3A_450[%add3A_437, %dma_start3A_451] : memref<160x64xf32, #tpu.memory_space<vmem>> -> memref<1x64xf32, #tpu.memory_space<vmem>>
      %dma_start3A_453 = arith.constant 0 : i32
      %dma_start3A_454 = tpu.memref_slice %arg3[%squeeze3A_433, %dma_start3A_453] : memref<1000001x64xf32, #tpu.memory_space<hbm>> -> memref<1x64xf32, #tpu.memory_space<hbm>>
      tpu.enqueue_dma source(%dma_start3A_454 : memref<1x64xf32, #tpu.memory_space<hbm>>) target(%dma_start3A_452 : memref<1x64xf32, #tpu.memory_space<vmem>>) target_semaphore(%arg9 : memref<!tpu.dma_semaphore, #tpu.memory_space<semaphore_mem>>)
    }
    %scan3A_19 = arith.constant 10 : i32
    %scan3A_20 = arith.constant 0 : i32
    %scan3A_21 = arith.constant 0 : i32
    %scan3A_22 = arith.constant 10 : i32
    %scan3A_23 = arith.addi %scan3A_21, %scan3A_22 : i32
    %scan3A_24 = arith.constant 1 : i32
    scf.for %scan3A_83 = %scan3A_21 to %scan3A_23 step %scan3A_24  : i32 {
      %mul3A_84 = arith.constant 16 : i32
      %mul3A_85 = arith.muli %scan3A_83, %mul3A_84 : i32
      %add3A_86 = arith.constant 480 : i32
      %add3A_87 = arith.addi %add3A_86, %mul3A_85 : i32
      %get3A = arith.index_cast %add3A_87 : i32 to index
      %get3A_88 = tpu.vector_load %arg5[%get3A] {strides = array<i32>} : memref<25600xi32, #tpu.memory_space<vmem>>, vector<16xi32>,
      %get3A_89 = vector.shape_cast %get3A_88 : vector<16xi32> to vector<16xi32>
      %slice3A = vector.extract_strided_slice %get3A_89 {offsets = [0], sizes = [1], strides = [1]} : vector<16xi32> to vector<1xi32>
      %squeeze3A = vector.extract %slice3A[0] : i32 from vector<1xi32>
      %mul3A_90 = arith.constant 16 : i32
      %mul3A_91 = arith.muli %scan3A_83, %mul3A_90 : i32
      %add3A_92 = arith.constant 0 : i32
      %add3A_93 = arith.addi %mul3A_91, %add3A_92 : i32
      %dma_start3A = arith.constant 3 : i32
      %dma_start3A_94 = arith.constant 0 : i32
      %dma_start3A_95 = arith.constant 0 : i32
      %dma_start3A_96 = tpu.memref_slice %arg6[%dma_start3A, %dma_start3A_94, %dma_start3A_95] : memref<4x160x64xf32, #tpu.memory_space<vmem>> -> memref<1x160x64xf32, #tpu.memory_space<vmem>>
      %dma_start3A_97 = tpu.memref_squeeze %dma_start3A_96 : memref<1x160x64xf32, #tpu.memory_space<vmem>> -> memref<160x64xf32, #tpu.memory_space<vmem>>
      %dma_start3A_98 = arith.constant 0 : i32
      %dma_start3A_99 = tpu.memref_slice %dma_start3A_97[%add3A_93, %dma_start3A_98] : memref<160x64xf32, #tpu.memory_space<vmem>> -> memref<1x64xf32, #tpu.memory_space<vmem>>
      %dma_start3A_100 = arith.constant 0 : i32
      %dma_start3A_101 = tpu.memref_slice %arg3[%squeeze3A, %dma_start3A_100] : memref<1000001x64xf32, #tpu.memory_space<hbm>> -> memref<1x64xf32, #tpu.memory_space<hbm>>
      %dma_start3A_102 = arith.constant 0 : i32
      %dma_start3A_103 = arith.constant 0 : i32
      %dma_start3A_104 = tpu.memref_slice %arg6[%dma_start3A, %dma_start3A_102, %dma_start3A_103] : memref<4x160x64xf32, #tpu.memory_space<vmem>> -> memref<1x160x64xf32, #tpu.memory_space<vmem>>
      %dma_start3A_105 = tpu.memref_squeeze %dma_start3A_104 : memref<1x160x64xf32, #tpu.memory_space<vmem>> -> memref<160x64xf32, #tpu.memory_space<vmem>>
      %dma_start3A_106 = arith.constant 0 : i32
      %dma_start3A_107 = tpu.memref_slice %dma_start3A_105[%add3A_93, %dma_start3A_106] : memref<160x64xf32, #tpu.memory_space<vmem>> -> memref<1x64xf32, #tpu.memory_space<vmem>>
      %dma_start3A_108 = arith.constant 0 : i32
      %dma_start3A_109 = tpu.memref_slice %arg3[%squeeze3A, %dma_start3A_108] : memref<1000001x64xf32, #tpu.memory_space<hbm>> -> memref<1x64xf32, #tpu.memory_space<hbm>>
      tpu.enqueue_dma source(%dma_start3A_109 : memref<1x64xf32, #tpu.memory_space<hbm>>) target(%dma_start3A_107 : memref<1x64xf32, #tpu.memory_space<vmem>>) target_semaphore(%arg10 : memref<!tpu.dma_semaphore, #tpu.memory_space<semaphore_mem>>)
      %slice3A_110 = vector.extract_strided_slice %get3A_89 {offsets = [1], sizes = [1], strides = [1]} : vector<16xi32> to vector<1xi32>
      %squeeze3A_111 = vector.extract %slice3A_110[0] : i32 from vector<1xi32>
      %mul3A_112 = arith.constant 16 : i32
      %mul3A_113 = arith.muli %scan3A_83, %mul3A_112 : i32
      %add3A_114 = arith.constant 1 : i32
      %add3A_115 = arith.addi %mul3A_113, %add3A_114 : i32
      %dma_start3A_116 = arith.constant 3 : i32
      %dma_start3A_117 = arith.constant 0 : i32
      %dma_start3A_118 = arith.constant 0 : i32
      %dma_start3A_119 = tpu.memref_slice %arg6[%dma_start3A_116, %dma_start3A_117, %dma_start3A_118] : memref<4x160x64xf32, #tpu.memory_space<vmem>> -> memref<1x160x64xf32, #tpu.memory_space<vmem>>
      %dma_start3A_120 = tpu.memref_squeeze %dma_start3A_119 : memref<1x160x64xf32, #tpu.memory_space<vmem>> -> memref<160x64xf32, #tpu.memory_space<vmem>>
      %dma_start3A_121 = arith.constant 0 : i32
      %dma_start3A_122 = tpu.memref_slice %dma_start3A_120[%add3A_115, %dma_start3A_121] : memref<160x64xf32, #tpu.memory_space<vmem>> -> memref<1x64xf32, #tpu.memory_space<vmem>>
      %dma_start3A_123 = arith.constant 0 : i32
      %dma_start3A_124 = tpu.memref_slice %arg3[%squeeze3A_111, %dma_start3A_123] : memref<1000001x64xf32, #tpu.memory_space<hbm>> -> memref<1x64xf32, #tpu.memory_space<hbm>>
      %dma_start3A_125 = arith.constant 0 : i32
      %dma_start3A_126 = arith.constant 0 : i32
      %dma_start3A_127 = tpu.memref_slice %arg6[%dma_start3A_116, %dma_start3A_125, %dma_start3A_126] : memref<4x160x64xf32, #tpu.memory_space<vmem>> -> memref<1x160x64xf32, #tpu.memory_space<vmem>>
      %dma_start3A_128 = tpu.memref_squeeze %dma_start3A_127 : memref<1x160x64xf32, #tpu.memory_space<vmem>> -> memref<160x64xf32, #tpu.memory_space<vmem>>
      %dma_start3A_129 = arith.constant 0 : i32
      %dma_start3A_130 = tpu.memref_slice %dma_start3A_128[%add3A_115, %dma_start3A_129] : memref<160x64xf32, #tpu.memory_space<vmem>> -> memref<1x64xf32, #tpu.memory_space<vmem>>
      %dma_start3A_131 = arith.constant 0 : i32
      %dma_start3A_132 = tpu.memref_slice %arg3[%squeeze3A_111, %dma_start3A_131] : memref<1000001x64xf32, #tpu.memory_space<hbm>> -> memref<1x64xf32, #tpu.memory_space<hbm>>
      tpu.enqueue_dma source(%dma_start3A_132 : memref<1x64xf32, #tpu.memory_space<hbm>>) target(%dma_start3A_130 : memref<1x64xf32, #tpu.memory_space<vmem>>) target_semaphore(%arg10 : memref<!tpu.dma_semaphore, #tpu.memory_space<semaphore_mem>>)
      %slice3A_133 = vector.extract_strided_slice %get3A_89 {offsets = [2], sizes = [1], strides = [1]} : vector<16xi32> to vector<1xi32>
      %squeeze3A_134 = vector.extract %slice3A_133[0] : i32 from vector<1xi32>
      %mul3A_135 = arith.constant 16 : i32
      %mul3A_136 = arith.muli %scan3A_83, %mul3A_135 : i32
      %add3A_137 = arith.constant 2 : i32
      %add3A_138 = arith.addi %mul3A_136, %add3A_137 : i32
      %dma_start3A_139 = arith.constant 3 : i32
      %dma_start3A_140 = arith.constant 0 : i32
      %dma_start3A_141 = arith.constant 0 : i32
      %dma_start3A_142 = tpu.memref_slice %arg6[%dma_start3A_139, %dma_start3A_140, %dma_start3A_141] : memref<4x160x64xf32, #tpu.memory_space<vmem>> -> memref<1x160x64xf32, #tpu.memory_space<vmem>>
      %dma_start3A_143 = tpu.memref_squeeze %dma_start3A_142 : memref<1x160x64xf32, #tpu.memory_space<vmem>> -> memref<160x64xf32, #tpu.memory_space<vmem>>
      %dma_start3A_144 = arith.constant 0 : i32
      %dma_start3A_145 = tpu.memref_slice %dma_start3A_143[%add3A_138, %dma_start3A_144] : memref<160x64xf32, #tpu.memory_space<vmem>> -> memref<1x64xf32, #tpu.memory_space<vmem>>
      %dma_start3A_146 = arith.constant 0 : i32
      %dma_start3A_147 = tpu.memref_slice %arg3[%squeeze3A_134, %dma_start3A_146] : memref<1000001x64xf32, #tpu.memory_space<hbm>> -> memref<1x64xf32, #tpu.memory_space<hbm>>
      %dma_start3A_148 = arith.constant 0 : i32
      %dma_start3A_149 = arith.constant 0 : i32
      %dma_start3A_150 = tpu.memref_slice %arg6[%dma_start3A_139, %dma_start3A_148, %dma_start3A_149] : memref<4x160x64xf32, #tpu.memory_space<vmem>> -> memref<1x160x64xf32, #tpu.memory_space<vmem>>
      %dma_start3A_151 = tpu.memref_squeeze %dma_start3A_150 : memref<1x160x64xf32, #tpu.memory_space<vmem>> -> memref<160x64xf32, #tpu.memory_space<vmem>>
      %dma_start3A_152 = arith.constant 0 : i32
      %dma_start3A_153 = tpu.memref_slice %dma_start3A_151[%add3A_138, %dma_start3A_152] : memref<160x64xf32, #tpu.memory_space<vmem>> -> memref<1x64xf32, #tpu.memory_space<vmem>>
      %dma_start3A_154 = arith.constant 0 : i32
      %dma_start3A_155 = tpu.memref_slice %arg3[%squeeze3A_134, %dma_start3A_154] : memref<1000001x64xf32, #tpu.memory_space<hbm>> -> memref<1x64xf32, #tpu.memory_space<hbm>>
      tpu.enqueue_dma source(%dma_start3A_155 : memref<1x64xf32, #tpu.memory_space<hbm>>) target(%dma_start3A_153 : memref<1x64xf32, #tpu.memory_space<vmem>>) target_semaphore(%arg10 : memref<!tpu.dma_semaphore, #tpu.memory_space<semaphore_mem>>)
      %slice3A_156 = vector.extract_strided_slice %get3A_89 {offsets = [3], sizes = [1], strides = [1]} : vector<16xi32> to vector<1xi32>
      %squeeze3A_157 = vector.extract %slice3A_156[0] : i32 from vector<1xi32>
      %mul3A_158 = arith.constant 16 : i32
      %mul3A_159 = arith.muli %scan3A_83, %mul3A_158 : i32
      %add3A_160 = arith.constant 3 : i32
      %add3A_161 = arith.addi %mul3A_159, %add3A_160 : i32
      %dma_start3A_162 = arith.constant 3 : i32
      %dma_start3A_163 = arith.constant 0 : i32
      %dma_start3A_164 = arith.constant 0 : i32
      %dma_start3A_165 = tpu.memref_slice %arg6[%dma_start3A_162, %dma_start3A_163, %dma_start3A_164] : memref<4x160x64xf32, #tpu.memory_space<vmem>> -> memref<1x160x64xf32, #tpu.memory_space<vmem>>
      %dma_start3A_166 = tpu.memref_squeeze %dma_start3A_165 : memref<1x160x64xf32, #tpu.memory_space<vmem>> -> memref<160x64xf32, #tpu.memory_space<vmem>>
      %dma_start3A_167 = arith.constant 0 : i32
      %dma_start3A_168 = tpu.memref_slice %dma_start3A_166[%add3A_161, %dma_start3A_167] : memref<160x64xf32, #tpu.memory_space<vmem>> -> memref<1x64xf32, #tpu.memory_space<vmem>>
      %dma_start3A_169 = arith.constant 0 : i32
      %dma_start3A_170 = tpu.memref_slice %arg3[%squeeze3A_157, %dma_start3A_169] : memref<1000001x64xf32, #tpu.memory_space<hbm>> -> memref<1x64xf32, #tpu.memory_space<hbm>>
      %dma_start3A_171 = arith.constant 0 : i32
      %dma_start3A_172 = arith.constant 0 : i32
      %dma_start3A_173 = tpu.memref_slice %arg6[%dma_start3A_162, %dma_start3A_171, %dma_start3A_172] : memref<4x160x64xf32, #tpu.memory_space<vmem>> -> memref<1x160x64xf32, #tpu.memory_space<vmem>>
      %dma_start3A_174 = tpu.memref_squeeze %dma_start3A_173 : memref<1x160x64xf32, #tpu.memory_space<vmem>> -> memref<160x64xf32, #tpu.memory_space<vmem>>
      %dma_start3A_175 = arith.constant 0 : i32
      %dma_start3A_176 = tpu.memref_slice %dma_start3A_174[%add3A_161, %dma_start3A_175] : memref<160x64xf32, #tpu.memory_space<vmem>> -> memref<1x64xf32, #tpu.memory_space<vmem>>
      %dma_start3A_177 = arith.constant 0 : i32
      %dma_start3A_178 = tpu.memref_slice %arg3[%squeeze3A_157, %dma_start3A_177] : memref<1000001x64xf32, #tpu.memory_space<hbm>> -> memref<1x64xf32, #tpu.memory_space<hbm>>
      tpu.enqueue_dma source(%dma_start3A_178 : memref<1x64xf32, #tpu.memory_space<hbm>>) target(%dma_start3A_176 : memref<1x64xf32, #tpu.memory_space<vmem>>) target_semaphore(%arg10 : memref<!tpu.dma_semaphore, #tpu.memory_space<semaphore_mem>>)
      %slice3A_179 = vector.extract_strided_slice %get3A_89 {offsets = [4], sizes = [1], strides = [1]} : vector<16xi32> to vector<1xi32>
      %squeeze3A_180 = vector.extract %slice3A_179[0] : i32 from vector<1xi32>
      %mul3A_181 = arith.constant 16 : i32
      %mul3A_182 = arith.muli %scan3A_83, %mul3A_181 : i32
      %add3A_183 = arith.constant 4 : i32
      %add3A_184 = arith.addi %mul3A_182, %add3A_183 : i32
      %dma_start3A_185 = arith.constant 3 : i32
      %dma_start3A_186 = arith.constant 0 : i32
      %dma_start3A_187 = arith.constant 0 : i32
      %dma_start3A_188 = tpu.memref_slice %arg6[%dma_start3A_185, %dma_start3A_186, %dma_start3A_187] : memref<4x160x64xf32, #tpu.memory_space<vmem>> -> memref<1x160x64xf32, #tpu.memory_space<vmem>>
      %dma_start3A_189 = tpu.memref_squeeze %dma_start3A_188 : memref<1x160x64xf32, #tpu.memory_space<vmem>> -> memref<160x64xf32, #tpu.memory_space<vmem>>
      %dma_start3A_190 = arith.constant 0 : i32
      %dma_start3A_191 = tpu.memref_slice %dma_start3A_189[%add3A_184, %dma_start3A_190] : memref<160x64xf32, #tpu.memory_space<vmem>> -> memref<1x64xf32, #tpu.memory_space<vmem>>
      %dma_start3A_192 = arith.constant 0 : i32
      %dma_start3A_193 = tpu.memref_slice %arg3[%squeeze3A_180, %dma_start3A_192] : memref<1000001x64xf32, #tpu.memory_space<hbm>> -> memref<1x64xf32, #tpu.memory_space<hbm>>
      %dma_start3A_194 = arith.constant 0 : i32
      %dma_start3A_195 = arith.constant 0 : i32
      %dma_start3A_196 = tpu.memref_slice %arg6[%dma_start3A_185, %dma_start3A_194, %dma_start3A_195] : memref<4x160x64xf32, #tpu.memory_space<vmem>> -> memref<1x160x64xf32, #tpu.memory_space<vmem>>
      %dma_start3A_197 = tpu.memref_squeeze %dma_start3A_196 : memref<1x160x64xf32, #tpu.memory_space<vmem>> -> memref<160x64xf32, #tpu.memory_space<vmem>>
      %dma_start3A_198 = arith.constant 0 : i32
      %dma_start3A_199 = tpu.memref_slice %dma_start3A_197[%add3A_184, %dma_start3A_198] : memref<160x64xf32, #tpu.memory_space<vmem>> -> memref<1x64xf32, #tpu.memory_space<vmem>>
      %dma_start3A_200 = arith.constant 0 : i32
      %dma_start3A_201 = tpu.memref_slice %arg3[%squeeze3A_180, %dma_start3A_200] : memref<1000001x64xf32, #tpu.memory_space<hbm>> -> memref<1x64xf32, #tpu.memory_space<hbm>>
      tpu.enqueue_dma source(%dma_start3A_201 : memref<1x64xf32, #tpu.memory_space<hbm>>) target(%dma_start3A_199 : memref<1x64xf32, #tpu.memory_space<vmem>>) target_semaphore(%arg10 : memref<!tpu.dma_semaphore, #tpu.memory_space<semaphore_mem>>)
      %slice3A_202 = vector.extract_strided_slice %get3A_89 {offsets = [5], sizes = [1], strides = [1]} : vector<16xi32> to vector<1xi32>
      %squeeze3A_203 = vector.extract %slice3A_202[0] : i32 from vector<1xi32>
      %mul3A_204 = arith.constant 16 : i32
      %mul3A_205 = arith.muli %scan3A_83, %mul3A_204 : i32
      %add3A_206 = arith.constant 5 : i32
      %add3A_207 = arith.addi %mul3A_205, %add3A_206 : i32
      %dma_start3A_208 = arith.constant 3 : i32
      %dma_start3A_209 = arith.constant 0 : i32
      %dma_start3A_210 = arith.constant 0 : i32
      %dma_start3A_211 = tpu.memref_slice %arg6[%dma_start3A_208, %dma_start3A_209, %dma_start3A_210] : memref<4x160x64xf32, #tpu.memory_space<vmem>> -> memref<1x160x64xf32, #tpu.memory_space<vmem>>
      %dma_start3A_212 = tpu.memref_squeeze %dma_start3A_211 : memref<1x160x64xf32, #tpu.memory_space<vmem>> -> memref<160x64xf32, #tpu.memory_space<vmem>>
      %dma_start3A_213 = arith.constant 0 : i32
      %dma_start3A_214 = tpu.memref_slice %dma_start3A_212[%add3A_207, %dma_start3A_213] : memref<160x64xf32, #tpu.memory_space<vmem>> -> memref<1x64xf32, #tpu.memory_space<vmem>>
      %dma_start3A_215 = arith.constant 0 : i32
      %dma_start3A_216 = tpu.memref_slice %arg3[%squeeze3A_203, %dma_start3A_215] : memref<1000001x64xf32, #tpu.memory_space<hbm>> -> memref<1x64xf32, #tpu.memory_space<hbm>>
      %dma_start3A_217 = arith.constant 0 : i32
      %dma_start3A_218 = arith.constant 0 : i32
      %dma_start3A_219 = tpu.memref_slice %arg6[%dma_start3A_208, %dma_start3A_217, %dma_start3A_218] : memref<4x160x64xf32, #tpu.memory_space<vmem>> -> memref<1x160x64xf32, #tpu.memory_space<vmem>>
      %dma_start3A_220 = tpu.memref_squeeze %dma_start3A_219 : memref<1x160x64xf32, #tpu.memory_space<vmem>> -> memref<160x64xf32, #tpu.memory_space<vmem>>
      %dma_start3A_221 = arith.constant 0 : i32
      %dma_start3A_222 = tpu.memref_slice %dma_start3A_220[%add3A_207, %dma_start3A_221] : memref<160x64xf32, #tpu.memory_space<vmem>> -> memref<1x64xf32, #tpu.memory_space<vmem>>
      %dma_start3A_223 = arith.constant 0 : i32
      %dma_start3A_224 = tpu.memref_slice %arg3[%squeeze3A_203, %dma_start3A_223] : memref<1000001x64xf32, #tpu.memory_space<hbm>> -> memref<1x64xf32, #tpu.memory_space<hbm>>
      tpu.enqueue_dma source(%dma_start3A_224 : memref<1x64xf32, #tpu.memory_space<hbm>>) target(%dma_start3A_222 : memref<1x64xf32, #tpu.memory_space<vmem>>) target_semaphore(%arg10 : memref<!tpu.dma_semaphore, #tpu.memory_space<semaphore_mem>>)
      %slice3A_225 = vector.extract_strided_slice %get3A_89 {offsets = [6], sizes = [1], strides = [1]} : vector<16xi32> to vector<1xi32>
      %squeeze3A_226 = vector.extract %slice3A_225[0] : i32 from vector<1xi32>
      %mul3A_227 = arith.constant 16 : i32
      %mul3A_228 = arith.muli %scan3A_83, %mul3A_227 : i32
      %add3A_229 = arith.constant 6 : i32
      %add3A_230 = arith.addi %mul3A_228, %add3A_229 : i32
      %dma_start3A_231 = arith.constant 3 : i32
      %dma_start3A_232 = arith.constant 0 : i32
      %dma_start3A_233 = arith.constant 0 : i32
      %dma_start3A_234 = tpu.memref_slice %arg6[%dma_start3A_231, %dma_start3A_232, %dma_start3A_233] : memref<4x160x64xf32, #tpu.memory_space<vmem>> -> memref<1x160x64xf32, #tpu.memory_space<vmem>>
      %dma_start3A_235 = tpu.memref_squeeze %dma_start3A_234 : memref<1x160x64xf32, #tpu.memory_space<vmem>> -> memref<160x64xf32, #tpu.memory_space<vmem>>
      %dma_start3A_236 = arith.constant 0 : i32
      %dma_start3A_237 = tpu.memref_slice %dma_start3A_235[%add3A_230, %dma_start3A_236] : memref<160x64xf32, #tpu.memory_space<vmem>> -> memref<1x64xf32, #tpu.memory_space<vmem>>
      %dma_start3A_238 = arith.constant 0 : i32
      %dma_start3A_239 = tpu.memref_slice %arg3[%squeeze3A_226, %dma_start3A_238] : memref<1000001x64xf32, #tpu.memory_space<hbm>> -> memref<1x64xf32, #tpu.memory_space<hbm>>
      %dma_start3A_240 = arith.constant 0 : i32
      %dma_start3A_241 = arith.constant 0 : i32
      %dma_start3A_242 = tpu.memref_slice %arg6[%dma_start3A_231, %dma_start3A_240, %dma_start3A_241] : memref<4x160x64xf32, #tpu.memory_space<vmem>> -> memref<1x160x64xf32, #tpu.memory_space<vmem>>
      %dma_start3A_243 = tpu.memref_squeeze %dma_start3A_242 : memref<1x160x64xf32, #tpu.memory_space<vmem>> -> memref<160x64xf32, #tpu.memory_space<vmem>>
      %dma_start3A_244 = arith.constant 0 : i32
      %dma_start3A_245 = tpu.memref_slice %dma_start3A_243[%add3A_230, %dma_start3A_244] : memref<160x64xf32, #tpu.memory_space<vmem>> -> memref<1x64xf32, #tpu.memory_space<vmem>>
      %dma_start3A_246 = arith.constant 0 : i32
      %dma_start3A_247 = tpu.memref_slice %arg3[%squeeze3A_226, %dma_start3A_246] : memref<1000001x64xf32, #tpu.memory_space<hbm>> -> memref<1x64xf32, #tpu.memory_space<hbm>>
      tpu.enqueue_dma source(%dma_start3A_247 : memref<1x64xf32, #tpu.memory_space<hbm>>) target(%dma_start3A_245 : memref<1x64xf32, #tpu.memory_space<vmem>>) target_semaphore(%arg10 : memref<!tpu.dma_semaphore, #tpu.memory_space<semaphore_mem>>)
      %slice3A_248 = vector.extract_strided_slice %get3A_89 {offsets = [7], sizes = [1], strides = [1]} : vector<16xi32> to vector<1xi32>
      %squeeze3A_249 = vector.extract %slice3A_248[0] : i32 from vector<1xi32>
      %mul3A_250 = arith.constant 16 : i32
      %mul3A_251 = arith.muli %scan3A_83, %mul3A_250 : i32
      %add3A_252 = arith.constant 7 : i32
      %add3A_253 = arith.addi %mul3A_251, %add3A_252 : i32
      %dma_start3A_254 = arith.constant 3 : i32
      %dma_start3A_255 = arith.constant 0 : i32
      %dma_start3A_256 = arith.constant 0 : i32
      %dma_start3A_257 = tpu.memref_slice %arg6[%dma_start3A_254, %dma_start3A_255, %dma_start3A_256] : memref<4x160x64xf32, #tpu.memory_space<vmem>> -> memref<1x160x64xf32, #tpu.memory_space<vmem>>
      %dma_start3A_258 = tpu.memref_squeeze %dma_start3A_257 : memref<1x160x64xf32, #tpu.memory_space<vmem>> -> memref<160x64xf32, #tpu.memory_space<vmem>>
      %dma_start3A_259 = arith.constant 0 : i32
      %dma_start3A_260 = tpu.memref_slice %dma_start3A_258[%add3A_253, %dma_start3A_259] : memref<160x64xf32, #tpu.memory_space<vmem>> -> memref<1x64xf32, #tpu.memory_space<vmem>>
      %dma_start3A_261 = arith.constant 0 : i32
      %dma_start3A_262 = tpu.memref_slice %arg3[%squeeze3A_249, %dma_start3A_261] : memref<1000001x64xf32, #tpu.memory_space<hbm>> -> memref<1x64xf32, #tpu.memory_space<hbm>>
      %dma_start3A_263 = arith.constant 0 : i32
      %dma_start3A_264 = arith.constant 0 : i32
      %dma_start3A_265 = tpu.memref_slice %arg6[%dma_start3A_254, %dma_start3A_263, %dma_start3A_264] : memref<4x160x64xf32, #tpu.memory_space<vmem>> -> memref<1x160x64xf32, #tpu.memory_space<vmem>>
      %dma_start3A_266 = tpu.memref_squeeze %dma_start3A_265 : memref<1x160x64xf32, #tpu.memory_space<vmem>> -> memref<160x64xf32, #tpu.memory_space<vmem>>
      %dma_start3A_267 = arith.constant 0 : i32
      %dma_start3A_268 = tpu.memref_slice %dma_start3A_266[%add3A_253, %dma_start3A_267] : memref<160x64xf32, #tpu.memory_space<vmem>> -> memref<1x64xf32, #tpu.memory_space<vmem>>
      %dma_start3A_269 = arith.constant 0 : i32
      %dma_start3A_270 = tpu.memref_slice %arg3[%squeeze3A_249, %dma_start3A_269] : memref<1000001x64xf32, #tpu.memory_space<hbm>> -> memref<1x64xf32, #tpu.memory_space<hbm>>
      tpu.enqueue_dma source(%dma_start3A_270 : memref<1x64xf32, #tpu.memory_space<hbm>>) target(%dma_start3A_268 : memref<1x64xf32, #tpu.memory_space<vmem>>) target_semaphore(%arg10 : memref<!tpu.dma_semaphore, #tpu.memory_space<semaphore_mem>>)
      %slice3A_271 = vector.extract_strided_slice %get3A_89 {offsets = [8], sizes = [1], strides = [1]} : vector<16xi32> to vector<1xi32>
      %squeeze3A_272 = vector.extract %slice3A_271[0] : i32 from vector<1xi32>
      %mul3A_273 = arith.constant 16 : i32
      %mul3A_274 = arith.muli %scan3A_83, %mul3A_273 : i32
      %add3A_275 = arith.constant 8 : i32
      %add3A_276 = arith.addi %mul3A_274, %add3A_275 : i32
      %dma_start3A_277 = arith.constant 3 : i32
      %dma_start3A_278 = arith.constant 0 : i32
      %dma_start3A_279 = arith.constant 0 : i32
      %dma_start3A_280 = tpu.memref_slice %arg6[%dma_start3A_277, %dma_start3A_278, %dma_start3A_279] : memref<4x160x64xf32, #tpu.memory_space<vmem>> -> memref<1x160x64xf32, #tpu.memory_space<vmem>>
      %dma_start3A_281 = tpu.memref_squeeze %dma_start3A_280 : memref<1x160x64xf32, #tpu.memory_space<vmem>> -> memref<160x64xf32, #tpu.memory_space<vmem>>
      %dma_start3A_282 = arith.constant 0 : i32
      %dma_start3A_283 = tpu.memref_slice %dma_start3A_281[%add3A_276, %dma_start3A_282] : memref<160x64xf32, #tpu.memory_space<vmem>> -> memref<1x64xf32, #tpu.memory_space<vmem>>
      %dma_start3A_284 = arith.constant 0 : i32
      %dma_start3A_285 = tpu.memref_slice %arg3[%squeeze3A_272, %dma_start3A_284] : memref<1000001x64xf32, #tpu.memory_space<hbm>> -> memref<1x64xf32, #tpu.memory_space<hbm>>
      %dma_start3A_286 = arith.constant 0 : i32
      %dma_start3A_287 = arith.constant 0 : i32
      %dma_start3A_288 = tpu.memref_slice %arg6[%dma_start3A_277, %dma_start3A_286, %dma_start3A_287] : memref<4x160x64xf32, #tpu.memory_space<vmem>> -> memref<1x160x64xf32, #tpu.memory_space<vmem>>
      %dma_start3A_289 = tpu.memref_squeeze %dma_start3A_288 : memref<1x160x64xf32, #tpu.memory_space<vmem>> -> memref<160x64xf32, #tpu.memory_space<vmem>>
      %dma_start3A_290 = arith.constant 0 : i32
      %dma_start3A_291 = tpu.memref_slice %dma_start3A_289[%add3A_276, %dma_start3A_290] : memref<160x64xf32, #tpu.memory_space<vmem>> -> memref<1x64xf32, #tpu.memory_space<vmem>>
      %dma_start3A_292 = arith.constant 0 : i32
      %dma_start3A_293 = tpu.memref_slice %arg3[%squeeze3A_272, %dma_start3A_292] : memref<1000001x64xf32, #tpu.memory_space<hbm>> -> memref<1x64xf32, #tpu.memory_space<hbm>>
      tpu.enqueue_dma source(%dma_start3A_293 : memref<1x64xf32, #tpu.memory_space<hbm>>) target(%dma_start3A_291 : memref<1x64xf32, #tpu.memory_space<vmem>>) target_semaphore(%arg10 : memref<!tpu.dma_semaphore, #tpu.memory_space<semaphore_mem>>)
      %slice3A_294 = vector.extract_strided_slice %get3A_89 {offsets = [9], sizes = [1], strides = [1]} : vector<16xi32> to vector<1xi32>
      %squeeze3A_295 = vector.extract %slice3A_294[0] : i32 from vector<1xi32>
      %mul3A_296 = arith.constant 16 : i32
      %mul3A_297 = arith.muli %scan3A_83, %mul3A_296 : i32
      %add3A_298 = arith.constant 9 : i32
      %add3A_299 = arith.addi %mul3A_297, %add3A_298 : i32
      %dma_start3A_300 = arith.constant 3 : i32
      %dma_start3A_301 = arith.constant 0 : i32
      %dma_start3A_302 = arith.constant 0 : i32
      %dma_start3A_303 = tpu.memref_slice %arg6[%dma_start3A_300, %dma_start3A_301, %dma_start3A_302] : memref<4x160x64xf32, #tpu.memory_space<vmem>> -> memref<1x160x64xf32, #tpu.memory_space<vmem>>
      %dma_start3A_304 = tpu.memref_squeeze %dma_start3A_303 : memref<1x160x64xf32, #tpu.memory_space<vmem>> -> memref<160x64xf32, #tpu.memory_space<vmem>>
      %dma_start3A_305 = arith.constant 0 : i32
      %dma_start3A_306 = tpu.memref_slice %dma_start3A_304[%add3A_299, %dma_start3A_305] : memref<160x64xf32, #tpu.memory_space<vmem>> -> memref<1x64xf32, #tpu.memory_space<vmem>>
      %dma_start3A_307 = arith.constant 0 : i32
      %dma_start3A_308 = tpu.memref_slice %arg3[%squeeze3A_295, %dma_start3A_307] : memref<1000001x64xf32, #tpu.memory_space<hbm>> -> memref<1x64xf32, #tpu.memory_space<hbm>>
      %dma_start3A_309 = arith.constant 0 : i32
      %dma_start3A_310 = arith.constant 0 : i32
      %dma_start3A_311 = tpu.memref_slice %arg6[%dma_start3A_300, %dma_start3A_309, %dma_start3A_310] : memref<4x160x64xf32, #tpu.memory_space<vmem>> -> memref<1x160x64xf32, #tpu.memory_space<vmem>>
      %dma_start3A_312 = tpu.memref_squeeze %dma_start3A_311 : memref<1x160x64xf32, #tpu.memory_space<vmem>> -> memref<160x64xf32, #tpu.memory_space<vmem>>
      %dma_start3A_313 = arith.constant 0 : i32
      %dma_start3A_314 = tpu.memref_slice %dma_start3A_312[%add3A_299, %dma_start3A_313] : memref<160x64xf32, #tpu.memory_space<vmem>> -> memref<1x64xf32, #tpu.memory_space<vmem>>
      %dma_start3A_315 = arith.constant 0 : i32
      %dma_start3A_316 = tpu.memref_slice %arg3[%squeeze3A_295, %dma_start3A_315] : memref<1000001x64xf32, #tpu.memory_space<hbm>> -> memref<1x64xf32, #tpu.memory_space<hbm>>
      tpu.enqueue_dma source(%dma_start3A_316 : memref<1x64xf32, #tpu.memory_space<hbm>>) target(%dma_start3A_314 : memref<1x64xf32, #tpu.memory_space<vmem>>) target_semaphore(%arg10 : memref<!tpu.dma_semaphore, #tpu.memory_space<semaphore_mem>>)
      %slice3A_317 = vector.extract_strided_slice %get3A_89 {offsets = [10], sizes = [1], strides = [1]} : vector<16xi32> to vector<1xi32>
      %squeeze3A_318 = vector.extract %slice3A_317[0] : i32 from vector<1xi32>
      %mul3A_319 = arith.constant 16 : i32
      %mul3A_320 = arith.muli %scan3A_83, %mul3A_319 : i32
      %add3A_321 = arith.constant 10 : i32
      %add3A_322 = arith.addi %mul3A_320, %add3A_321 : i32
      %dma_start3A_323 = arith.constant 3 : i32
      %dma_start3A_324 = arith.constant 0 : i32
      %dma_start3A_325 = arith.constant 0 : i32
      %dma_start3A_326 = tpu.memref_slice %arg6[%dma_start3A_323, %dma_start3A_324, %dma_start3A_325] : memref<4x160x64xf32, #tpu.memory_space<vmem>> -> memref<1x160x64xf32, #tpu.memory_space<vmem>>
      %dma_start3A_327 = tpu.memref_squeeze %dma_start3A_326 : memref<1x160x64xf32, #tpu.memory_space<vmem>> -> memref<160x64xf32, #tpu.memory_space<vmem>>
      %dma_start3A_328 = arith.constant 0 : i32
      %dma_start3A_329 = tpu.memref_slice %dma_start3A_327[%add3A_322, %dma_start3A_328] : memref<160x64xf32, #tpu.memory_space<vmem>> -> memref<1x64xf32, #tpu.memory_space<vmem>>
      %dma_start3A_330 = arith.constant 0 : i32
      %dma_start3A_331 = tpu.memref_slice %arg3[%squeeze3A_318, %dma_start3A_330] : memref<1000001x64xf32, #tpu.memory_space<hbm>> -> memref<1x64xf32, #tpu.memory_space<hbm>>
      %dma_start3A_332 = arith.constant 0 : i32
      %dma_start3A_333 = arith.constant 0 : i32
      %dma_start3A_334 = tpu.memref_slice %arg6[%dma_start3A_323, %dma_start3A_332, %dma_start3A_333] : memref<4x160x64xf32, #tpu.memory_space<vmem>> -> memref<1x160x64xf32, #tpu.memory_space<vmem>>
      %dma_start3A_335 = tpu.memref_squeeze %dma_start3A_334 : memref<1x160x64xf32, #tpu.memory_space<vmem>> -> memref<160x64xf32, #tpu.memory_space<vmem>>
      %dma_start3A_336 = arith.constant 0 : i32
      %dma_start3A_337 = tpu.memref_slice %dma_start3A_335[%add3A_322, %dma_start3A_336] : memref<160x64xf32, #tpu.memory_space<vmem>> -> memref<1x64xf32, #tpu.memory_space<vmem>>
      %dma_start3A_338 = arith.constant 0 : i32
      %dma_start3A_339 = tpu.memref_slice %arg3[%squeeze3A_318, %dma_start3A_338] : memref<1000001x64xf32, #tpu.memory_space<hbm>> -> memref<1x64xf32, #tpu.memory_space<hbm>>
      tpu.enqueue_dma source(%dma_start3A_339 : memref<1x64xf32, #tpu.memory_space<hbm>>) target(%dma_start3A_337 : memref<1x64xf32, #tpu.memory_space<vmem>>) target_semaphore(%arg10 : memref<!tpu.dma_semaphore, #tpu.memory_space<semaphore_mem>>)
      %slice3A_340 = vector.extract_strided_slice %get3A_89 {offsets = [11], sizes = [1], strides = [1]} : vector<16xi32> to vector<1xi32>
      %squeeze3A_341 = vector.extract %slice3A_340[0] : i32 from vector<1xi32>
      %mul3A_342 = arith.constant 16 : i32
      %mul3A_343 = arith.muli %scan3A_83, %mul3A_342 : i32
      %add3A_344 = arith.constant 11 : i32
      %add3A_345 = arith.addi %mul3A_343, %add3A_344 : i32
      %dma_start3A_346 = arith.constant 3 : i32
      %dma_start3A_347 = arith.constant 0 : i32
      %dma_start3A_348 = arith.constant 0 : i32
      %dma_start3A_349 = tpu.memref_slice %arg6[%dma_start3A_346, %dma_start3A_347, %dma_start3A_348] : memref<4x160x64xf32, #tpu.memory_space<vmem>> -> memref<1x160x64xf32, #tpu.memory_space<vmem>>
      %dma_start3A_350 = tpu.memref_squeeze %dma_start3A_349 : memref<1x160x64xf32, #tpu.memory_space<vmem>> -> memref<160x64xf32, #tpu.memory_space<vmem>>
      %dma_start3A_351 = arith.constant 0 : i32
      %dma_start3A_352 = tpu.memref_slice %dma_start3A_350[%add3A_345, %dma_start3A_351] : memref<160x64xf32, #tpu.memory_space<vmem>> -> memref<1x64xf32, #tpu.memory_space<vmem>>
      %dma_start3A_353 = arith.constant 0 : i32
      %dma_start3A_354 = tpu.memref_slice %arg3[%squeeze3A_341, %dma_start3A_353] : memref<1000001x64xf32, #tpu.memory_space<hbm>> -> memref<1x64xf32, #tpu.memory_space<hbm>>
      %dma_start3A_355 = arith.constant 0 : i32
      %dma_start3A_356 = arith.constant 0 : i32
      %dma_start3A_357 = tpu.memref_slice %arg6[%dma_start3A_346, %dma_start3A_355, %dma_start3A_356] : memref<4x160x64xf32, #tpu.memory_space<vmem>> -> memref<1x160x64xf32, #tpu.memory_space<vmem>>
      %dma_start3A_358 = tpu.memref_squeeze %dma_start3A_357 : memref<1x160x64xf32, #tpu.memory_space<vmem>> -> memref<160x64xf32, #tpu.memory_space<vmem>>
      %dma_start3A_359 = arith.constant 0 : i32
      %dma_start3A_360 = tpu.memref_slice %dma_start3A_358[%add3A_345, %dma_start3A_359] : memref<160x64xf32, #tpu.memory_space<vmem>> -> memref<1x64xf32, #tpu.memory_space<vmem>>
      %dma_start3A_361 = arith.constant 0 : i32
      %dma_start3A_362 = tpu.memref_slice %arg3[%squeeze3A_341, %dma_start3A_361] : memref<1000001x64xf32, #tpu.memory_space<hbm>> -> memref<1x64xf32, #tpu.memory_space<hbm>>
      tpu.enqueue_dma source(%dma_start3A_362 : memref<1x64xf32, #tpu.memory_space<hbm>>) target(%dma_start3A_360 : memref<1x64xf32, #tpu.memory_space<vmem>>) target_semaphore(%arg10 : memref<!tpu.dma_semaphore, #tpu.memory_space<semaphore_mem>>)
      %slice3A_363 = vector.extract_strided_slice %get3A_89 {offsets = [12], sizes = [1], strides = [1]} : vector<16xi32> to vector<1xi32>
      %squeeze3A_364 = vector.extract %slice3A_363[0] : i32 from vector<1xi32>
      %mul3A_365 = arith.constant 16 : i32
      %mul3A_366 = arith.muli %scan3A_83, %mul3A_365 : i32
      %add3A_367 = arith.constant 12 : i32
      %add3A_368 = arith.addi %mul3A_366, %add3A_367 : i32
      %dma_start3A_369 = arith.constant 3 : i32
      %dma_start3A_370 = arith.constant 0 : i32
      %dma_start3A_371 = arith.constant 0 : i32
      %dma_start3A_372 = tpu.memref_slice %arg6[%dma_start3A_369, %dma_start3A_370, %dma_start3A_371] : memref<4x160x64xf32, #tpu.memory_space<vmem>> -> memref<1x160x64xf32, #tpu.memory_space<vmem>>
      %dma_start3A_373 = tpu.memref_squeeze %dma_start3A_372 : memref<1x160x64xf32, #tpu.memory_space<vmem>> -> memref<160x64xf32, #tpu.memory_space<vmem>>
      %dma_start3A_374 = arith.constant 0 : i32
      %dma_start3A_375 = tpu.memref_slice %dma_start3A_373[%add3A_368, %dma_start3A_374] : memref<160x64xf32, #tpu.memory_space<vmem>> -> memref<1x64xf32, #tpu.memory_space<vmem>>
      %dma_start3A_376 = arith.constant 0 : i32
      %dma_start3A_377 = tpu.memref_slice %arg3[%squeeze3A_364, %dma_start3A_376] : memref<1000001x64xf32, #tpu.memory_space<hbm>> -> memref<1x64xf32, #tpu.memory_space<hbm>>
      %dma_start3A_378 = arith.constant 0 : i32
      %dma_start3A_379 = arith.constant 0 : i32
      %dma_start3A_380 = tpu.memref_slice %arg6[%dma_start3A_369, %dma_start3A_378, %dma_start3A_379] : memref<4x160x64xf32, #tpu.memory_space<vmem>> -> memref<1x160x64xf32, #tpu.memory_space<vmem>>
      %dma_start3A_381 = tpu.memref_squeeze %dma_start3A_380 : memref<1x160x64xf32, #tpu.memory_space<vmem>> -> memref<160x64xf32, #tpu.memory_space<vmem>>
      %dma_start3A_382 = arith.constant 0 : i32
      %dma_start3A_383 = tpu.memref_slice %dma_start3A_381[%add3A_368, %dma_start3A_382] : memref<160x64xf32, #tpu.memory_space<vmem>> -> memref<1x64xf32, #tpu.memory_space<vmem>>
      %dma_start3A_384 = arith.constant 0 : i32
      %dma_start3A_385 = tpu.memref_slice %arg3[%squeeze3A_364, %dma_start3A_384] : memref<1000001x64xf32, #tpu.memory_space<hbm>> -> memref<1x64xf32, #tpu.memory_space<hbm>>
      tpu.enqueue_dma source(%dma_start3A_385 : memref<1x64xf32, #tpu.memory_space<hbm>>) target(%dma_start3A_383 : memref<1x64xf32, #tpu.memory_space<vmem>>) target_semaphore(%arg10 : memref<!tpu.dma_semaphore, #tpu.memory_space<semaphore_mem>>)
      %slice3A_386 = vector.extract_strided_slice %get3A_89 {offsets = [13], sizes = [1], strides = [1]} : vector<16xi32> to vector<1xi32>
      %squeeze3A_387 = vector.extract %slice3A_386[0] : i32 from vector<1xi32>
      %mul3A_388 = arith.constant 16 : i32
      %mul3A_389 = arith.muli %scan3A_83, %mul3A_388 : i32
      %add3A_390 = arith.constant 13 : i32
      %add3A_391 = arith.addi %mul3A_389, %add3A_390 : i32
      %dma_start3A_392 = arith.constant 3 : i32
      %dma_start3A_393 = arith.constant 0 : i32
      %dma_start3A_394 = arith.constant 0 : i32
      %dma_start3A_395 = tpu.memref_slice %arg6[%dma_start3A_392, %dma_start3A_393, %dma_start3A_394] : memref<4x160x64xf32, #tpu.memory_space<vmem>> -> memref<1x160x64xf32, #tpu.memory_space<vmem>>
      %dma_start3A_396 = tpu.memref_squeeze %dma_start3A_395 : memref<1x160x64xf32, #tpu.memory_space<vmem>> -> memref<160x64xf32, #tpu.memory_space<vmem>>
      %dma_start3A_397 = arith.constant 0 : i32
      %dma_start3A_398 = tpu.memref_slice %dma_start3A_396[%add3A_391, %dma_start3A_397] : memref<160x64xf32, #tpu.memory_space<vmem>> -> memref<1x64xf32, #tpu.memory_space<vmem>>
      %dma_start3A_399 = arith.constant 0 : i32
      %dma_start3A_400 = tpu.memref_slice %arg3[%squeeze3A_387, %dma_start3A_399] : memref<1000001x64xf32, #tpu.memory_space<hbm>> -> memref<1x64xf32, #tpu.memory_space<hbm>>
      %dma_start3A_401 = arith.constant 0 : i32
      %dma_start3A_402 = arith.constant 0 : i32
      %dma_start3A_403 = tpu.memref_slice %arg6[%dma_start3A_392, %dma_start3A_401, %dma_start3A_402] : memref<4x160x64xf32, #tpu.memory_space<vmem>> -> memref<1x160x64xf32, #tpu.memory_space<vmem>>
      %dma_start3A_404 = tpu.memref_squeeze %dma_start3A_403 : memref<1x160x64xf32, #tpu.memory_space<vmem>> -> memref<160x64xf32, #tpu.memory_space<vmem>>
      %dma_start3A_405 = arith.constant 0 : i32
      %dma_start3A_406 = tpu.memref_slice %dma_start3A_404[%add3A_391, %dma_start3A_405] : memref<160x64xf32, #tpu.memory_space<vmem>> -> memref<1x64xf32, #tpu.memory_space<vmem>>
      %dma_start3A_407 = arith.constant 0 : i32
      %dma_start3A_408 = tpu.memref_slice %arg3[%squeeze3A_387, %dma_start3A_407] : memref<1000001x64xf32, #tpu.memory_space<hbm>> -> memref<1x64xf32, #tpu.memory_space<hbm>>
      tpu.enqueue_dma source(%dma_start3A_408 : memref<1x64xf32, #tpu.memory_space<hbm>>) target(%dma_start3A_406 : memref<1x64xf32, #tpu.memory_space<vmem>>) target_semaphore(%arg10 : memref<!tpu.dma_semaphore, #tpu.memory_space<semaphore_mem>>)
      %slice3A_409 = vector.extract_strided_slice %get3A_89 {offsets = [14], sizes = [1], strides = [1]} : vector<16xi32> to vector<1xi32>
      %squeeze3A_410 = vector.extract %slice3A_409[0] : i32 from vector<1xi32>
      %mul3A_411 = arith.constant 16 : i32
      %mul3A_412 = arith.muli %scan3A_83, %mul3A_411 : i32
      %add3A_413 = arith.constant 14 : i32
      %add3A_414 = arith.addi %mul3A_412, %add3A_413 : i32
      %dma_start3A_415 = arith.constant 3 : i32
      %dma_start3A_416 = arith.constant 0 : i32
      %dma_start3A_417 = arith.constant 0 : i32
      %dma_start3A_418 = tpu.memref_slice %arg6[%dma_start3A_415, %dma_start3A_416, %dma_start3A_417] : memref<4x160x64xf32, #tpu.memory_space<vmem>> -> memref<1x160x64xf32, #tpu.memory_space<vmem>>
      %dma_start3A_419 = tpu.memref_squeeze %dma_start3A_418 : memref<1x160x64xf32, #tpu.memory_space<vmem>> -> memref<160x64xf32, #tpu.memory_space<vmem>>
      %dma_start3A_420 = arith.constant 0 : i32
      %dma_start3A_421 = tpu.memref_slice %dma_start3A_419[%add3A_414, %dma_start3A_420] : memref<160x64xf32, #tpu.memory_space<vmem>> -> memref<1x64xf32, #tpu.memory_space<vmem>>
      %dma_start3A_422 = arith.constant 0 : i32
      %dma_start3A_423 = tpu.memref_slice %arg3[%squeeze3A_410, %dma_start3A_422] : memref<1000001x64xf32, #tpu.memory_space<hbm>> -> memref<1x64xf32, #tpu.memory_space<hbm>>
      %dma_start3A_424 = arith.constant 0 : i32
      %dma_start3A_425 = arith.constant 0 : i32
      %dma_start3A_426 = tpu.memref_slice %arg6[%dma_start3A_415, %dma_start3A_424, %dma_start3A_425] : memref<4x160x64xf32, #tpu.memory_space<vmem>> -> memref<1x160x64xf32, #tpu.memory_space<vmem>>
      %dma_start3A_427 = tpu.memref_squeeze %dma_start3A_426 : memref<1x160x64xf32, #tpu.memory_space<vmem>> -> memref<160x64xf32, #tpu.memory_space<vmem>>
      %dma_start3A_428 = arith.constant 0 : i32
      %dma_start3A_429 = tpu.memref_slice %dma_start3A_427[%add3A_414, %dma_start3A_428] : memref<160x64xf32, #tpu.memory_space<vmem>> -> memref<1x64xf32, #tpu.memory_space<vmem>>
      %dma_start3A_430 = arith.constant 0 : i32
      %dma_start3A_431 = tpu.memref_slice %arg3[%squeeze3A_410, %dma_start3A_430] : memref<1000001x64xf32, #tpu.memory_space<hbm>> -> memref<1x64xf32, #tpu.memory_space<hbm>>
      tpu.enqueue_dma source(%dma_start3A_431 : memref<1x64xf32, #tpu.memory_space<hbm>>) target(%dma_start3A_429 : memref<1x64xf32, #tpu.memory_space<vmem>>) target_semaphore(%arg10 : memref<!tpu.dma_semaphore, #tpu.memory_space<semaphore_mem>>)
      %slice3A_432 = vector.extract_strided_slice %get3A_89 {offsets = [15], sizes = [1], strides = [1]} : vector<16xi32> to vector<1xi32>
      %squeeze3A_433 = vector.extract %slice3A_432[0] : i32 from vector<1xi32>
      %mul3A_434 = arith.constant 16 : i32
      %mul3A_435 = arith.muli %scan3A_83, %mul3A_434 : i32
      %add3A_436 = arith.constant 15 : i32
      %add3A_437 = arith.addi %mul3A_435, %add3A_436 : i32
      %dma_start3A_438 = arith.constant 3 : i32
      %dma_start3A_439 = arith.constant 0 : i32
      %dma_start3A_440 = arith.constant 0 : i32
      %dma_start3A_441 = tpu.memref_slice %arg6[%dma_start3A_438, %dma_start3A_439, %dma_start3A_440] : memref<4x160x64xf32, #tpu.memory_space<vmem>> -> memref<1x160x64xf32, #tpu.memory_space<vmem>>
      %dma_start3A_442 = tpu.memref_squeeze %dma_start3A_441 : memref<1x160x64xf32, #tpu.memory_space<vmem>> -> memref<160x64xf32, #tpu.memory_space<vmem>>
      %dma_start3A_443 = arith.constant 0 : i32
      %dma_start3A_444 = tpu.memref_slice %dma_start3A_442[%add3A_437, %dma_start3A_443] : memref<160x64xf32, #tpu.memory_space<vmem>> -> memref<1x64xf32, #tpu.memory_space<vmem>>
      %dma_start3A_445 = arith.constant 0 : i32
      %dma_start3A_446 = tpu.memref_slice %arg3[%squeeze3A_433, %dma_start3A_445] : memref<1000001x64xf32, #tpu.memory_space<hbm>> -> memref<1x64xf32, #tpu.memory_space<hbm>>
      %dma_start3A_447 = arith.constant 0 : i32
      %dma_start3A_448 = arith.constant 0 : i32
      %dma_start3A_449 = tpu.memref_slice %arg6[%dma_start3A_438, %dma_start3A_447, %dma_start3A_448] : memref<4x160x64xf32, #tpu.memory_space<vmem>> -> memref<1x160x64xf32, #tpu.memory_space<vmem>>
      %dma_start3A_450 = tpu.memref_squeeze %dma_start3A_449 : memref<1x160x64xf32, #tpu.memory_space<vmem>> -> memref<160x64xf32, #tpu.memory_space<vmem>>
      %dma_start3A_451 = arith.constant 0 : i32
      %dma_start3A_452 = tpu.memref_slice %dma_start3A_450[%add3A_437, %dma_start3A_451] : memref<160x64xf32, #tpu.memory_space<vmem>> -> memref<1x64xf32, #tpu.memory_space<vmem>>
      %dma_start3A_453 = arith.constant 0 : i32
      %dma_start3A_454 = tpu.memref_slice %arg3[%squeeze3A_433, %dma_start3A_453] : memref<1000001x64xf32, #tpu.memory_space<hbm>> -> memref<1x64xf32, #tpu.memory_space<hbm>>
      tpu.enqueue_dma source(%dma_start3A_454 : memref<1x64xf32, #tpu.memory_space<hbm>>) target(%dma_start3A_452 : memref<1x64xf32, #tpu.memory_space<vmem>>) target_semaphore(%arg10 : memref<!tpu.dma_semaphore, #tpu.memory_space<semaphore_mem>>)
    }
    %scan3A_25 = arith.constant 10 : i32
    %scan3A_26 = arith.constant 0 : i32
    %scan3A_27 = arith.constant 0 : i32
    %scan3A_28 = arith.constant 40 : i32
    %scan3A_29 = arith.addi %scan3A_27, %scan3A_28 : i32
    %scan3A_30 = arith.constant 1 : i32
    scf.for %scan3A_83 = %scan3A_27 to %scan3A_29 step %scan3A_30  : i32 {
      %dma_wait3A_84 = arith.constant 0 : i32
      %dma_wait3A_85 = arith.constant 0 : i32
      %dma_wait3A_86 = arith.constant 0 : i32
      %dma_wait3A_87 = tpu.memref_slice %arg6[%dma_wait3A_84, %dma_wait3A_85, %dma_wait3A_86] : memref<4x160x64xf32, #tpu.memory_space<vmem>> -> memref<1x160x64xf32, #tpu.memory_space<vmem>>
      %dma_wait3A_88 = tpu.memref_squeeze %dma_wait3A_87 : memref<1x160x64xf32, #tpu.memory_space<vmem>> -> memref<160x64xf32, #tpu.memory_space<vmem>>
      %dma_wait3A_89 = arith.constant 0 : i32
      %dma_wait3A_90 = arith.constant 0 : i32
      %dma_wait3A_91 = tpu.memref_slice %arg3[%dma_wait3A_89, %dma_wait3A_90] : memref<1000001x64xf32, #tpu.memory_space<hbm>> -> memref<160x64xf32, #tpu.memory_space<hbm>>
      %dma_wait3A_92 = arith.constant 0 : i32
      %dma_wait3A_93 = arith.constant 0 : i32
      %dma_wait3A_94 = tpu.memref_slice %arg6[%dma_wait3A_84, %dma_wait3A_92, %dma_wait3A_93] : memref<4x160x64xf32, #tpu.memory_space<vmem>> -> memref<1x160x64xf32, #tpu.memory_space<vmem>>
      %dma_wait3A_95 = tpu.memref_squeeze %dma_wait3A_94 : memref<1x160x64xf32, #tpu.memory_space<vmem>> -> memref<160x64xf32, #tpu.memory_space<vmem>>
      %dma_wait3A_96 = arith.constant 0 : i32
      %dma_wait3A_97 = arith.constant 0 : i32
      %dma_wait3A_98 = tpu.memref_slice %arg3[%dma_wait3A_96, %dma_wait3A_97] : memref<1000001x64xf32, #tpu.memory_space<hbm>> -> memref<160x64xf32, #tpu.memory_space<hbm>>
      tpu.wait_dma2 semaphore(%arg7 : memref<!tpu.dma_semaphore, #tpu.memory_space<semaphore_mem>>) src(%dma_wait3A_98 : memref<160x64xf32, #tpu.memory_space<hbm>>) dst(%dma_wait3A_95 : memref<160x64xf32, #tpu.memory_space<vmem>>)
      %mul3A_99 = arith.constant 4 : i32
      %mul3A_100 = arith.muli %mul3A_99, %scan3A_83 : i32
      %add3A_101 = arith.constant 0 : i32
      %add3A_102 = arith.addi %mul3A_100, %add3A_101 : i32
      %mul3A_103 = arith.constant 160 : i32
      %mul3A_104 = arith.muli %add3A_102, %mul3A_103 : i32
      %add3A_105 = arith.addi %mul3A_2, %mul3A_104 : i32
      %dma_start3A = arith.constant 0 : i32
      %dma_start3A_106 = arith.constant 0 : i32
      %dma_start3A_107 = arith.constant 0 : i32
      %dma_start3A_108 = tpu.memref_slice %arg6[%dma_start3A, %dma_start3A_106, %dma_start3A_107] : memref<4x160x64xf32, #tpu.memory_space<vmem>> -> memref<1x160x64xf32, #tpu.memory_space<vmem>>
      %dma_start3A_109 = tpu.memref_squeeze %dma_start3A_108 : memref<1x160x64xf32, #tpu.memory_space<vmem>> -> memref<160x64xf32, #tpu.memory_space<vmem>>
      %dma_start3A_110 = arith.constant 0 : i32
      %dma_start3A_111 = tpu.memref_slice %arg4[%add3A_105, %dma_start3A_110] : memref<819200x64xf32, #tpu.memory_space<hbm>> -> memref<160x64xf32, #tpu.memory_space<hbm>>
      %dma_start3A_112 = arith.constant 0 : i32
      %dma_start3A_113 = tpu.memref_slice %arg4[%add3A_105, %dma_start3A_112] : memref<819200x64xf32, #tpu.memory_space<hbm>> -> memref<160x64xf32, #tpu.memory_space<hbm>>
      %dma_start3A_114 = arith.constant 0 : i32
      %dma_start3A_115 = arith.constant 0 : i32
      %dma_start3A_116 = tpu.memref_slice %arg6[%dma_start3A, %dma_start3A_114, %dma_start3A_115] : memref<4x160x64xf32, #tpu.memory_space<vmem>> -> memref<1x160x64xf32, #tpu.memory_space<vmem>>
      %dma_start3A_117 = tpu.memref_squeeze %dma_start3A_116 : memref<1x160x64xf32, #tpu.memory_space<vmem>> -> memref<160x64xf32, #tpu.memory_space<vmem>>
      tpu.enqueue_dma source(%dma_start3A_117 : memref<160x64xf32, #tpu.memory_space<vmem>>) target(%dma_start3A_113 : memref<160x64xf32, #tpu.memory_space<hbm>>) target_semaphore(%arg11 : memref<!tpu.dma_semaphore, #tpu.memory_space<semaphore_mem>>)
      %lt3A = arith.constant 39 : i32
      %lt3A_118 = arith.cmpi slt, %scan3A_83, %lt3A : i32
      %convert_element_type3A = arith.extui %lt3A_118 : i1 to i32
      %cond3A = arith.constant 0 : i32
      %cond3A_119 = arith.cmpi ne, %convert_element_type3A, %cond3A : i32
      scf.if %cond3A_119 {
        %dma_wait3A_240 = arith.constant 0 : i32
        %dma_wait3A_241 = arith.constant 0 : i32
        %dma_wait3A_242 = arith.constant 0 : i32
        %dma_wait3A_243 = tpu.memref_slice %arg6[%dma_wait3A_240, %dma_wait3A_241, %dma_wait3A_242] : memref<4x160x64xf32, #tpu.memory_space<vmem>> -> memref<1x160x64xf32, #tpu.memory_space<vmem>>
        %dma_wait3A_244 = tpu.memref_squeeze %dma_wait3A_243 : memref<1x160x64xf32, #tpu.memory_space<vmem>> -> memref<160x64xf32, #tpu.memory_space<vmem>>
        %dma_wait3A_245 = arith.constant 0 : i32
        %dma_wait3A_246 = tpu.memref_slice %arg4[%mul3A_2, %dma_wait3A_245] : memref<819200x64xf32, #tpu.memory_space<hbm>> -> memref<160x64xf32, #tpu.memory_space<hbm>>
        %dma_wait3A_247 = arith.constant 0 : i32
        %dma_wait3A_248 = tpu.memref_slice %arg4[%mul3A_2, %dma_wait3A_247] : memref<819200x64xf32, #tpu.memory_space<hbm>> -> memref<160x64xf32, #tpu.memory_space<hbm>>
        %dma_wait3A_249 = arith.constant 0 : i32
        %dma_wait3A_250 = arith.constant 0 : i32
        %dma_wait3A_251 = tpu.memref_slice %arg6[%dma_wait3A_240, %dma_wait3A_249, %dma_wait3A_250] : memref<4x160x64xf32, #tpu.memory_space<vmem>> -> memref<1x160x64xf32, #tpu.memory_space<vmem>>
        %dma_wait3A_252 = tpu.memref_squeeze %dma_wait3A_251 : memref<1x160x64xf32, #tpu.memory_space<vmem>> -> memref<160x64xf32, #tpu.memory_space<vmem>>
        tpu.wait_dma2 semaphore(%arg11 : memref<!tpu.dma_semaphore, #tpu.memory_space<semaphore_mem>>) src(%dma_wait3A_252 : memref<160x64xf32, #tpu.memory_space<vmem>>) dst(%dma_wait3A_248 : memref<160x64xf32, #tpu.memory_space<hbm>>)
        %add3A_253 = arith.constant 1 : i32
        %add3A_254 = arith.addi %scan3A_83, %add3A_253 : i32
        %mul3A_255 = arith.constant 4 : i32
        %mul3A_256 = arith.muli %mul3A_255, %add3A_254 : i32
        %add3A_257 = arith.constant 0 : i32
        %add3A_258 = arith.addi %mul3A_256, %add3A_257 : i32
        %scan3A_259 = arith.constant 0 : i32
        %scan3A_260 = arith.constant 0 : i32
        %scan3A_261 = arith.constant 10 : i32
        %scan3A_262 = arith.addi %scan3A_260, %scan3A_261 : i32
        %scan3A_263 = arith.constant 1 : i32
        scf.for %scan3A_265 = %scan3A_260 to %scan3A_262 step %scan3A_263  : i32 {
          %mul3A_266 = arith.constant 160 : i32
          %mul3A_267 = arith.muli %add3A_258, %mul3A_266 : i32
          %mul3A_268 = arith.constant 16 : i32
          %mul3A_269 = arith.muli %scan3A_265, %mul3A_268 : i32
          %add3A_270 = arith.addi %mul3A_267, %mul3A_269 : i32
          %get3A = arith.index_cast %add3A_270 : i32 to index
          %get3A_271 = tpu.vector_load %arg5[%get3A] {strides = array<i32>} : memref<25600xi32, #tpu.memory_space<vmem>>, vector<16xi32>,
          %get3A_272 = vector.shape_cast %get3A_271 : vector<16xi32> to vector<16xi32>
          %slice3A = vector.extract_strided_slice %get3A_272 {offsets = [0], sizes = [1], strides = [1]} : vector<16xi32> to vector<1xi32>
          %squeeze3A = vector.extract %slice3A[0] : i32 from vector<1xi32>
          %mul3A_273 = arith.constant 16 : i32
          %mul3A_274 = arith.muli %scan3A_265, %mul3A_273 : i32
          %add3A_275 = arith.constant 0 : i32
          %add3A_276 = arith.addi %mul3A_274, %add3A_275 : i32
          %dma_start3A_277 = arith.constant 0 : i32
          %dma_start3A_278 = arith.constant 0 : i32
          %dma_start3A_279 = arith.constant 0 : i32
          %dma_start3A_280 = tpu.memref_slice %arg6[%dma_start3A_277, %dma_start3A_278, %dma_start3A_279] : memref<4x160x64xf32, #tpu.memory_space<vmem>> -> memref<1x160x64xf32, #tpu.memory_space<vmem>>
          %dma_start3A_281 = tpu.memref_squeeze %dma_start3A_280 : memref<1x160x64xf32, #tpu.memory_space<vmem>> -> memref<160x64xf32, #tpu.memory_space<vmem>>
          %dma_start3A_282 = arith.constant 0 : i32
          %dma_start3A_283 = tpu.memref_slice %dma_start3A_281[%add3A_276, %dma_start3A_282] : memref<160x64xf32, #tpu.memory_space<vmem>> -> memref<1x64xf32, #tpu.memory_space<vmem>>
          %dma_start3A_284 = arith.constant 0 : i32
          %dma_start3A_285 = tpu.memref_slice %arg3[%squeeze3A, %dma_start3A_284] : memref<1000001x64xf32, #tpu.memory_space<hbm>> -> memref<1x64xf32, #tpu.memory_space<hbm>>
          %dma_start3A_286 = arith.constant 0 : i32
          %dma_start3A_287 = arith.constant 0 : i32
          %dma_start3A_288 = tpu.memref_slice %arg6[%dma_start3A_277, %dma_start3A_286, %dma_start3A_287] : memref<4x160x64xf32, #tpu.memory_space<vmem>> -> memref<1x160x64xf32, #tpu.memory_space<vmem>>
          %dma_start3A_289 = tpu.memref_squeeze %dma_start3A_288 : memref<1x160x64xf32, #tpu.memory_space<vmem>> -> memref<160x64xf32, #tpu.memory_space<vmem>>
          %dma_start3A_290 = arith.constant 0 : i32
          %dma_start3A_291 = tpu.memref_slice %dma_start3A_289[%add3A_276, %dma_start3A_290] : memref<160x64xf32, #tpu.memory_space<vmem>> -> memref<1x64xf32, #tpu.memory_space<vmem>>
          %dma_start3A_292 = arith.constant 0 : i32
          %dma_start3A_293 = tpu.memref_slice %arg3[%squeeze3A, %dma_start3A_292] : memref<1000001x64xf32, #tpu.memory_space<hbm>> -> memref<1x64xf32, #tpu.memory_space<hbm>>
          tpu.enqueue_dma source(%dma_start3A_293 : memref<1x64xf32, #tpu.memory_space<hbm>>) target(%dma_start3A_291 : memref<1x64xf32, #tpu.memory_space<vmem>>) target_semaphore(%arg7 : memref<!tpu.dma_semaphore, #tpu.memory_space<semaphore_mem>>)
          %slice3A_294 = vector.extract_strided_slice %get3A_272 {offsets = [1], sizes = [1], strides = [1]} : vector<16xi32> to vector<1xi32>
          %squeeze3A_295 = vector.extract %slice3A_294[0] : i32 from vector<1xi32>
          %mul3A_296 = arith.constant 16 : i32
          %mul3A_297 = arith.muli %scan3A_265, %mul3A_296 : i32
          %add3A_298 = arith.constant 1 : i32
          %add3A_299 = arith.addi %mul3A_297, %add3A_298 : i32
          %dma_start3A_300 = arith.constant 0 : i32
          %dma_start3A_301 = arith.constant 0 : i32
          %dma_start3A_302 = arith.constant 0 : i32
          %dma_start3A_303 = tpu.memref_slice %arg6[%dma_start3A_300, %dma_start3A_301, %dma_start3A_302] : memref<4x160x64xf32, #tpu.memory_space<vmem>> -> memref<1x160x64xf32, #tpu.memory_space<vmem>>
          %dma_start3A_304 = tpu.memref_squeeze %dma_start3A_303 : memref<1x160x64xf32, #tpu.memory_space<vmem>> -> memref<160x64xf32, #tpu.memory_space<vmem>>
          %dma_start3A_305 = arith.constant 0 : i32
          %dma_start3A_306 = tpu.memref_slice %dma_start3A_304[%add3A_299, %dma_start3A_305] : memref<160x64xf32, #tpu.memory_space<vmem>> -> memref<1x64xf32, #tpu.memory_space<vmem>>
          %dma_start3A_307 = arith.constant 0 : i32
          %dma_start3A_308 = tpu.memref_slice %arg3[%squeeze3A_295, %dma_start3A_307] : memref<1000001x64xf32, #tpu.memory_space<hbm>> -> memref<1x64xf32, #tpu.memory_space<hbm>>
          %dma_start3A_309 = arith.constant 0 : i32
          %dma_start3A_310 = arith.constant 0 : i32
          %dma_start3A_311 = tpu.memref_slice %arg6[%dma_start3A_300, %dma_start3A_309, %dma_start3A_310] : memref<4x160x64xf32, #tpu.memory_space<vmem>> -> memref<1x160x64xf32, #tpu.memory_space<vmem>>
          %dma_start3A_312 = tpu.memref_squeeze %dma_start3A_311 : memref<1x160x64xf32, #tpu.memory_space<vmem>> -> memref<160x64xf32, #tpu.memory_space<vmem>>
          %dma_start3A_313 = arith.constant 0 : i32
          %dma_start3A_314 = tpu.memref_slice %dma_start3A_312[%add3A_299, %dma_start3A_313] : memref<160x64xf32, #tpu.memory_space<vmem>> -> memref<1x64xf32, #tpu.memory_space<vmem>>
          %dma_start3A_315 = arith.constant 0 : i32
          %dma_start3A_316 = tpu.memref_slice %arg3[%squeeze3A_295, %dma_start3A_315] : memref<1000001x64xf32, #tpu.memory_space<hbm>> -> memref<1x64xf32, #tpu.memory_space<hbm>>
          tpu.enqueue_dma source(%dma_start3A_316 : memref<1x64xf32, #tpu.memory_space<hbm>>) target(%dma_start3A_314 : memref<1x64xf32, #tpu.memory_space<vmem>>) target_semaphore(%arg7 : memref<!tpu.dma_semaphore, #tpu.memory_space<semaphore_mem>>)
          %slice3A_317 = vector.extract_strided_slice %get3A_272 {offsets = [2], sizes = [1], strides = [1]} : vector<16xi32> to vector<1xi32>
          %squeeze3A_318 = vector.extract %slice3A_317[0] : i32 from vector<1xi32>
          %mul3A_319 = arith.constant 16 : i32
          %mul3A_320 = arith.muli %scan3A_265, %mul3A_319 : i32
          %add3A_321 = arith.constant 2 : i32
          %add3A_322 = arith.addi %mul3A_320, %add3A_321 : i32
          %dma_start3A_323 = arith.constant 0 : i32
          %dma_start3A_324 = arith.constant 0 : i32
          %dma_start3A_325 = arith.constant 0 : i32
          %dma_start3A_326 = tpu.memref_slice %arg6[%dma_start3A_323, %dma_start3A_324, %dma_start3A_325] : memref<4x160x64xf32, #tpu.memory_space<vmem>> -> memref<1x160x64xf32, #tpu.memory_space<vmem>>
          %dma_start3A_327 = tpu.memref_squeeze %dma_start3A_326 : memref<1x160x64xf32, #tpu.memory_space<vmem>> -> memref<160x64xf32, #tpu.memory_space<vmem>>
          %dma_start3A_328 = arith.constant 0 : i32
          %dma_start3A_329 = tpu.memref_slice %dma_start3A_327[%add3A_322, %dma_start3A_328] : memref<160x64xf32, #tpu.memory_space<vmem>> -> memref<1x64xf32, #tpu.memory_space<vmem>>
          %dma_start3A_330 = arith.constant 0 : i32
          %dma_start3A_331 = tpu.memref_slice %arg3[%squeeze3A_318, %dma_start3A_330] : memref<1000001x64xf32, #tpu.memory_space<hbm>> -> memref<1x64xf32, #tpu.memory_space<hbm>>
          %dma_start3A_332 = arith.constant 0 : i32
          %dma_start3A_333 = arith.constant 0 : i32
          %dma_start3A_334 = tpu.memref_slice %arg6[%dma_start3A_323, %dma_start3A_332, %dma_start3A_333] : memref<4x160x64xf32, #tpu.memory_space<vmem>> -> memref<1x160x64xf32, #tpu.memory_space<vmem>>
          %dma_start3A_335 = tpu.memref_squeeze %dma_start3A_334 : memref<1x160x64xf32, #tpu.memory_space<vmem>> -> memref<160x64xf32, #tpu.memory_space<vmem>>
          %dma_start3A_336 = arith.constant 0 : i32
          %dma_start3A_337 = tpu.memref_slice %dma_start3A_335[%add3A_322, %dma_start3A_336] : memref<160x64xf32, #tpu.memory_space<vmem>> -> memref<1x64xf32, #tpu.memory_space<vmem>>
          %dma_start3A_338 = arith.constant 0 : i32
          %dma_start3A_339 = tpu.memref_slice %arg3[%squeeze3A_318, %dma_start3A_338] : memref<1000001x64xf32, #tpu.memory_space<hbm>> -> memref<1x64xf32, #tpu.memory_space<hbm>>
          tpu.enqueue_dma source(%dma_start3A_339 : memref<1x64xf32, #tpu.memory_space<hbm>>) target(%dma_start3A_337 : memref<1x64xf32, #tpu.memory_space<vmem>>) target_semaphore(%arg7 : memref<!tpu.dma_semaphore, #tpu.memory_space<semaphore_mem>>)
          %slice3A_340 = vector.extract_strided_slice %get3A_272 {offsets = [3], sizes = [1], strides = [1]} : vector<16xi32> to vector<1xi32>
          %squeeze3A_341 = vector.extract %slice3A_340[0] : i32 from vector<1xi32>
          %mul3A_342 = arith.constant 16 : i32
          %mul3A_343 = arith.muli %scan3A_265, %mul3A_342 : i32
          %add3A_344 = arith.constant 3 : i32
          %add3A_345 = arith.addi %mul3A_343, %add3A_344 : i32
          %dma_start3A_346 = arith.constant 0 : i32
          %dma_start3A_347 = arith.constant 0 : i32
          %dma_start3A_348 = arith.constant 0 : i32
          %dma_start3A_349 = tpu.memref_slice %arg6[%dma_start3A_346, %dma_start3A_347, %dma_start3A_348] : memref<4x160x64xf32, #tpu.memory_space<vmem>> -> memref<1x160x64xf32, #tpu.memory_space<vmem>>
          %dma_start3A_350 = tpu.memref_squeeze %dma_start3A_349 : memref<1x160x64xf32, #tpu.memory_space<vmem>> -> memref<160x64xf32, #tpu.memory_space<vmem>>
          %dma_start3A_351 = arith.constant 0 : i32
          %dma_start3A_352 = tpu.memref_slice %dma_start3A_350[%add3A_345, %dma_start3A_351] : memref<160x64xf32, #tpu.memory_space<vmem>> -> memref<1x64xf32, #tpu.memory_space<vmem>>
          %dma_start3A_353 = arith.constant 0 : i32
          %dma_start3A_354 = tpu.memref_slice %arg3[%squeeze3A_341, %dma_start3A_353] : memref<1000001x64xf32, #tpu.memory_space<hbm>> -> memref<1x64xf32, #tpu.memory_space<hbm>>
          %dma_start3A_355 = arith.constant 0 : i32
          %dma_start3A_356 = arith.constant 0 : i32
          %dma_start3A_357 = tpu.memref_slice %arg6[%dma_start3A_346, %dma_start3A_355, %dma_start3A_356] : memref<4x160x64xf32, #tpu.memory_space<vmem>> -> memref<1x160x64xf32, #tpu.memory_space<vmem>>
          %dma_start3A_358 = tpu.memref_squeeze %dma_start3A_357 : memref<1x160x64xf32, #tpu.memory_space<vmem>> -> memref<160x64xf32, #tpu.memory_space<vmem>>
          %dma_start3A_359 = arith.constant 0 : i32
          %dma_start3A_360 = tpu.memref_slice %dma_start3A_358[%add3A_345, %dma_start3A_359] : memref<160x64xf32, #tpu.memory_space<vmem>> -> memref<1x64xf32, #tpu.memory_space<vmem>>
          %dma_start3A_361 = arith.constant 0 : i32
          %dma_start3A_362 = tpu.memref_slice %arg3[%squeeze3A_341, %dma_start3A_361] : memref<1000001x64xf32, #tpu.memory_space<hbm>> -> memref<1x64xf32, #tpu.memory_space<hbm>>
          tpu.enqueue_dma source(%dma_start3A_362 : memref<1x64xf32, #tpu.memory_space<hbm>>) target(%dma_start3A_360 : memref<1x64xf32, #tpu.memory_space<vmem>>) target_semaphore(%arg7 : memref<!tpu.dma_semaphore, #tpu.memory_space<semaphore_mem>>)
          %slice3A_363 = vector.extract_strided_slice %get3A_272 {offsets = [4], sizes = [1], strides = [1]} : vector<16xi32> to vector<1xi32>
          %squeeze3A_364 = vector.extract %slice3A_363[0] : i32 from vector<1xi32>
          %mul3A_365 = arith.constant 16 : i32
          %mul3A_366 = arith.muli %scan3A_265, %mul3A_365 : i32
          %add3A_367 = arith.constant 4 : i32
          %add3A_368 = arith.addi %mul3A_366, %add3A_367 : i32
          %dma_start3A_369 = arith.constant 0 : i32
          %dma_start3A_370 = arith.constant 0 : i32
          %dma_start3A_371 = arith.constant 0 : i32
          %dma_start3A_372 = tpu.memref_slice %arg6[%dma_start3A_369, %dma_start3A_370, %dma_start3A_371] : memref<4x160x64xf32, #tpu.memory_space<vmem>> -> memref<1x160x64xf32, #tpu.memory_space<vmem>>
          %dma_start3A_373 = tpu.memref_squeeze %dma_start3A_372 : memref<1x160x64xf32, #tpu.memory_space<vmem>> -> memref<160x64xf32, #tpu.memory_space<vmem>>
          %dma_start3A_374 = arith.constant 0 : i32
          %dma_start3A_375 = tpu.memref_slice %dma_start3A_373[%add3A_368, %dma_start3A_374] : memref<160x64xf32, #tpu.memory_space<vmem>> -> memref<1x64xf32, #tpu.memory_space<vmem>>
          %dma_start3A_376 = arith.constant 0 : i32
          %dma_start3A_377 = tpu.memref_slice %arg3[%squeeze3A_364, %dma_start3A_376] : memref<1000001x64xf32, #tpu.memory_space<hbm>> -> memref<1x64xf32, #tpu.memory_space<hbm>>
          %dma_start3A_378 = arith.constant 0 : i32
          %dma_start3A_379 = arith.constant 0 : i32
          %dma_start3A_380 = tpu.memref_slice %arg6[%dma_start3A_369, %dma_start3A_378, %dma_start3A_379] : memref<4x160x64xf32, #tpu.memory_space<vmem>> -> memref<1x160x64xf32, #tpu.memory_space<vmem>>
          %dma_start3A_381 = tpu.memref_squeeze %dma_start3A_380 : memref<1x160x64xf32, #tpu.memory_space<vmem>> -> memref<160x64xf32, #tpu.memory_space<vmem>>
          %dma_start3A_382 = arith.constant 0 : i32
          %dma_start3A_383 = tpu.memref_slice %dma_start3A_381[%add3A_368, %dma_start3A_382] : memref<160x64xf32, #tpu.memory_space<vmem>> -> memref<1x64xf32, #tpu.memory_space<vmem>>
          %dma_start3A_384 = arith.constant 0 : i32
          %dma_start3A_385 = tpu.memref_slice %arg3[%squeeze3A_364, %dma_start3A_384] : memref<1000001x64xf32, #tpu.memory_space<hbm>> -> memref<1x64xf32, #tpu.memory_space<hbm>>
          tpu.enqueue_dma source(%dma_start3A_385 : memref<1x64xf32, #tpu.memory_space<hbm>>) target(%dma_start3A_383 : memref<1x64xf32, #tpu.memory_space<vmem>>) target_semaphore(%arg7 : memref<!tpu.dma_semaphore, #tpu.memory_space<semaphore_mem>>)
          %slice3A_386 = vector.extract_strided_slice %get3A_272 {offsets = [5], sizes = [1], strides = [1]} : vector<16xi32> to vector<1xi32>
          %squeeze3A_387 = vector.extract %slice3A_386[0] : i32 from vector<1xi32>
          %mul3A_388 = arith.constant 16 : i32
          %mul3A_389 = arith.muli %scan3A_265, %mul3A_388 : i32
          %add3A_390 = arith.constant 5 : i32
          %add3A_391 = arith.addi %mul3A_389, %add3A_390 : i32
          %dma_start3A_392 = arith.constant 0 : i32
          %dma_start3A_393 = arith.constant 0 : i32
          %dma_start3A_394 = arith.constant 0 : i32
          %dma_start3A_395 = tpu.memref_slice %arg6[%dma_start3A_392, %dma_start3A_393, %dma_start3A_394] : memref<4x160x64xf32, #tpu.memory_space<vmem>> -> memref<1x160x64xf32, #tpu.memory_space<vmem>>
          %dma_start3A_396 = tpu.memref_squeeze %dma_start3A_395 : memref<1x160x64xf32, #tpu.memory_space<vmem>> -> memref<160x64xf32, #tpu.memory_space<vmem>>
          %dma_start3A_397 = arith.constant 0 : i32
          %dma_start3A_398 = tpu.memref_slice %dma_start3A_396[%add3A_391, %dma_start3A_397] : memref<160x64xf32, #tpu.memory_space<vmem>> -> memref<1x64xf32, #tpu.memory_space<vmem>>
          %dma_start3A_399 = arith.constant 0 : i32
          %dma_start3A_400 = tpu.memref_slice %arg3[%squeeze3A_387, %dma_start3A_399] : memref<1000001x64xf32, #tpu.memory_space<hbm>> -> memref<1x64xf32, #tpu.memory_space<hbm>>
          %dma_start3A_401 = arith.constant 0 : i32
          %dma_start3A_402 = arith.constant 0 : i32
          %dma_start3A_403 = tpu.memref_slice %arg6[%dma_start3A_392, %dma_start3A_401, %dma_start3A_402] : memref<4x160x64xf32, #tpu.memory_space<vmem>> -> memref<1x160x64xf32, #tpu.memory_space<vmem>>
          %dma_start3A_404 = tpu.memref_squeeze %dma_start3A_403 : memref<1x160x64xf32, #tpu.memory_space<vmem>> -> memref<160x64xf32, #tpu.memory_space<vmem>>
          %dma_start3A_405 = arith.constant 0 : i32
          %dma_start3A_406 = tpu.memref_slice %dma_start3A_404[%add3A_391, %dma_start3A_405] : memref<160x64xf32, #tpu.memory_space<vmem>> -> memref<1x64xf32, #tpu.memory_space<vmem>>
          %dma_start3A_407 = arith.constant 0 : i32
          %dma_start3A_408 = tpu.memref_slice %arg3[%squeeze3A_387, %dma_start3A_407] : memref<1000001x64xf32, #tpu.memory_space<hbm>> -> memref<1x64xf32, #tpu.memory_space<hbm>>
          tpu.enqueue_dma source(%dma_start3A_408 : memref<1x64xf32, #tpu.memory_space<hbm>>) target(%dma_start3A_406 : memref<1x64xf32, #tpu.memory_space<vmem>>) target_semaphore(%arg7 : memref<!tpu.dma_semaphore, #tpu.memory_space<semaphore_mem>>)
          %slice3A_409 = vector.extract_strided_slice %get3A_272 {offsets = [6], sizes = [1], strides = [1]} : vector<16xi32> to vector<1xi32>
          %squeeze3A_410 = vector.extract %slice3A_409[0] : i32 from vector<1xi32>
          %mul3A_411 = arith.constant 16 : i32
          %mul3A_412 = arith.muli %scan3A_265, %mul3A_411 : i32
          %add3A_413 = arith.constant 6 : i32
          %add3A_414 = arith.addi %mul3A_412, %add3A_413 : i32
          %dma_start3A_415 = arith.constant 0 : i32
          %dma_start3A_416 = arith.constant 0 : i32
          %dma_start3A_417 = arith.constant 0 : i32
          %dma_start3A_418 = tpu.memref_slice %arg6[%dma_start3A_415, %dma_start3A_416, %dma_start3A_417] : memref<4x160x64xf32, #tpu.memory_space<vmem>> -> memref<1x160x64xf32, #tpu.memory_space<vmem>>
          %dma_start3A_419 = tpu.memref_squeeze %dma_start3A_418 : memref<1x160x64xf32, #tpu.memory_space<vmem>> -> memref<160x64xf32, #tpu.memory_space<vmem>>
          %dma_start3A_420 = arith.constant 0 : i32
          %dma_start3A_421 = tpu.memref_slice %dma_start3A_419[%add3A_414, %dma_start3A_420] : memref<160x64xf32, #tpu.memory_space<vmem>> -> memref<1x64xf32, #tpu.memory_space<vmem>>
          %dma_start3A_422 = arith.constant 0 : i32
          %dma_start3A_423 = tpu.memref_slice %arg3[%squeeze3A_410, %dma_start3A_422] : memref<1000001x64xf32, #tpu.memory_space<hbm>> -> memref<1x64xf32, #tpu.memory_space<hbm>>
          %dma_start3A_424 = arith.constant 0 : i32
          %dma_start3A_425 = arith.constant 0 : i32
          %dma_start3A_426 = tpu.memref_slice %arg6[%dma_start3A_415, %dma_start3A_424, %dma_start3A_425] : memref<4x160x64xf32, #tpu.memory_space<vmem>> -> memref<1x160x64xf32, #tpu.memory_space<vmem>>
          %dma_start3A_427 = tpu.memref_squeeze %dma_start3A_426 : memref<1x160x64xf32, #tpu.memory_space<vmem>> -> memref<160x64xf32, #tpu.memory_space<vmem>>
          %dma_start3A_428 = arith.constant 0 : i32
          %dma_start3A_429 = tpu.memref_slice %dma_start3A_427[%add3A_414, %dma_start3A_428] : memref<160x64xf32, #tpu.memory_space<vmem>> -> memref<1x64xf32, #tpu.memory_space<vmem>>
          %dma_start3A_430 = arith.constant 0 : i32
          %dma_start3A_431 = tpu.memref_slice %arg3[%squeeze3A_410, %dma_start3A_430] : memref<1000001x64xf32, #tpu.memory_space<hbm>> -> memref<1x64xf32, #tpu.memory_space<hbm>>
          tpu.enqueue_dma source(%dma_start3A_431 : memref<1x64xf32, #tpu.memory_space<hbm>>) target(%dma_start3A_429 : memref<1x64xf32, #tpu.memory_space<vmem>>) target_semaphore(%arg7 : memref<!tpu.dma_semaphore, #tpu.memory_space<semaphore_mem>>)
          %slice3A_432 = vector.extract_strided_slice %get3A_272 {offsets = [7], sizes = [1], strides = [1]} : vector<16xi32> to vector<1xi32>
          %squeeze3A_433 = vector.extract %slice3A_432[0] : i32 from vector<1xi32>
          %mul3A_434 = arith.constant 16 : i32
          %mul3A_435 = arith.muli %scan3A_265, %mul3A_434 : i32
          %add3A_436 = arith.constant 7 : i32
          %add3A_437 = arith.addi %mul3A_435, %add3A_436 : i32
          %dma_start3A_438 = arith.constant 0 : i32
          %dma_start3A_439 = arith.constant 0 : i32
          %dma_start3A_440 = arith.constant 0 : i32
          %dma_start3A_441 = tpu.memref_slice %arg6[%dma_start3A_438, %dma_start3A_439, %dma_start3A_440] : memref<4x160x64xf32, #tpu.memory_space<vmem>> -> memref<1x160x64xf32, #tpu.memory_space<vmem>>
          %dma_start3A_442 = tpu.memref_squeeze %dma_start3A_441 : memref<1x160x64xf32, #tpu.memory_space<vmem>> -> memref<160x64xf32, #tpu.memory_space<vmem>>
          %dma_start3A_443 = arith.constant 0 : i32
          %dma_start3A_444 = tpu.memref_slice %dma_start3A_442[%add3A_437, %dma_start3A_443] : memref<160x64xf32, #tpu.memory_space<vmem>> -> memref<1x64xf32, #tpu.memory_space<vmem>>
          %dma_start3A_445 = arith.constant 0 : i32
          %dma_start3A_446 = tpu.memref_slice %arg3[%squeeze3A_433, %dma_start3A_445] : memref<1000001x64xf32, #tpu.memory_space<hbm>> -> memref<1x64xf32, #tpu.memory_space<hbm>>
          %dma_start3A_447 = arith.constant 0 : i32
          %dma_start3A_448 = arith.constant 0 : i32
          %dma_start3A_449 = tpu.memref_slice %arg6[%dma_start3A_438, %dma_start3A_447, %dma_start3A_448] : memref<4x160x64xf32, #tpu.memory_space<vmem>> -> memref<1x160x64xf32, #tpu.memory_space<vmem>>
          %dma_start3A_450 = tpu.memref_squeeze %dma_start3A_449 : memref<1x160x64xf32, #tpu.memory_space<vmem>> -> memref<160x64xf32, #tpu.memory_space<vmem>>
          %dma_start3A_451 = arith.constant 0 : i32
          %dma_start3A_452 = tpu.memref_slice %dma_start3A_450[%add3A_437, %dma_start3A_451] : memref<160x64xf32, #tpu.memory_space<vmem>> -> memref<1x64xf32, #tpu.memory_space<vmem>>
          %dma_start3A_453 = arith.constant 0 : i32
          %dma_start3A_454 = tpu.memref_slice %arg3[%squeeze3A_433, %dma_start3A_453] : memref<1000001x64xf32, #tpu.memory_space<hbm>> -> memref<1x64xf32, #tpu.memory_space<hbm>>
          tpu.enqueue_dma source(%dma_start3A_454 : memref<1x64xf32, #tpu.memory_space<hbm>>) target(%dma_start3A_452 : memref<1x64xf32, #tpu.memory_space<vmem>>) target_semaphore(%arg7 : memref<!tpu.dma_semaphore, #tpu.memory_space<semaphore_mem>>)
          %slice3A_455 = vector.extract_strided_slice %get3A_272 {offsets = [8], sizes = [1], strides = [1]} : vector<16xi32> to vector<1xi32>
          %squeeze3A_456 = vector.extract %slice3A_455[0] : i32 from vector<1xi32>
          %mul3A_457 = arith.constant 16 : i32
          %mul3A_458 = arith.muli %scan3A_265, %mul3A_457 : i32
          %add3A_459 = arith.constant 8 : i32
          %add3A_460 = arith.addi %mul3A_458, %add3A_459 : i32
          %dma_start3A_461 = arith.constant 0 : i32
          %dma_start3A_462 = arith.constant 0 : i32
          %dma_start3A_463 = arith.constant 0 : i32
          %dma_start3A_464 = tpu.memref_slice %arg6[%dma_start3A_461, %dma_start3A_462, %dma_start3A_463] : memref<4x160x64xf32, #tpu.memory_space<vmem>> -> memref<1x160x64xf32, #tpu.memory_space<vmem>>
          %dma_start3A_465 = tpu.memref_squeeze %dma_start3A_464 : memref<1x160x64xf32, #tpu.memory_space<vmem>> -> memref<160x64xf32, #tpu.memory_space<vmem>>
          %dma_start3A_466 = arith.constant 0 : i32
          %dma_start3A_467 = tpu.memref_slice %dma_start3A_465[%add3A_460, %dma_start3A_466] : memref<160x64xf32, #tpu.memory_space<vmem>> -> memref<1x64xf32, #tpu.memory_space<vmem>>
          %dma_start3A_468 = arith.constant 0 : i32
          %dma_start3A_469 = tpu.memref_slice %arg3[%squeeze3A_456, %dma_start3A_468] : memref<1000001x64xf32, #tpu.memory_space<hbm>> -> memref<1x64xf32, #tpu.memory_space<hbm>>
          %dma_start3A_470 = arith.constant 0 : i32
          %dma_start3A_471 = arith.constant 0 : i32
          %dma_start3A_472 = tpu.memref_slice %arg6[%dma_start3A_461, %dma_start3A_470, %dma_start3A_471] : memref<4x160x64xf32, #tpu.memory_space<vmem>> -> memref<1x160x64xf32, #tpu.memory_space<vmem>>
          %dma_start3A_473 = tpu.memref_squeeze %dma_start3A_472 : memref<1x160x64xf32, #tpu.memory_space<vmem>> -> memref<160x64xf32, #tpu.memory_space<vmem>>
          %dma_start3A_474 = arith.constant 0 : i32
          %dma_start3A_475 = tpu.memref_slice %dma_start3A_473[%add3A_460, %dma_start3A_474] : memref<160x64xf32, #tpu.memory_space<vmem>> -> memref<1x64xf32, #tpu.memory_space<vmem>>
          %dma_start3A_476 = arith.constant 0 : i32
          %dma_start3A_477 = tpu.memref_slice %arg3[%squeeze3A_456, %dma_start3A_476] : memref<1000001x64xf32, #tpu.memory_space<hbm>> -> memref<1x64xf32, #tpu.memory_space<hbm>>
          tpu.enqueue_dma source(%dma_start3A_477 : memref<1x64xf32, #tpu.memory_space<hbm>>) target(%dma_start3A_475 : memref<1x64xf32, #tpu.memory_space<vmem>>) target_semaphore(%arg7 : memref<!tpu.dma_semaphore, #tpu.memory_space<semaphore_mem>>)
          %slice3A_478 = vector.extract_strided_slice %get3A_272 {offsets = [9], sizes = [1], strides = [1]} : vector<16xi32> to vector<1xi32>
          %squeeze3A_479 = vector.extract %slice3A_478[0] : i32 from vector<1xi32>
          %mul3A_480 = arith.constant 16 : i32
          %mul3A_481 = arith.muli %scan3A_265, %mul3A_480 : i32
          %add3A_482 = arith.constant 9 : i32
          %add3A_483 = arith.addi %mul3A_481, %add3A_482 : i32
          %dma_start3A_484 = arith.constant 0 : i32
          %dma_start3A_485 = arith.constant 0 : i32
          %dma_start3A_486 = arith.constant 0 : i32
          %dma_start3A_487 = tpu.memref_slice %arg6[%dma_start3A_484, %dma_start3A_485, %dma_start3A_486] : memref<4x160x64xf32, #tpu.memory_space<vmem>> -> memref<1x160x64xf32, #tpu.memory_space<vmem>>
          %dma_start3A_488 = tpu.memref_squeeze %dma_start3A_487 : memref<1x160x64xf32, #tpu.memory_space<vmem>> -> memref<160x64xf32, #tpu.memory_space<vmem>>
          %dma_start3A_489 = arith.constant 0 : i32
          %dma_start3A_490 = tpu.memref_slice %dma_start3A_488[%add3A_483, %dma_start3A_489] : memref<160x64xf32, #tpu.memory_space<vmem>> -> memref<1x64xf32, #tpu.memory_space<vmem>>
          %dma_start3A_491 = arith.constant 0 : i32
          %dma_start3A_492 = tpu.memref_slice %arg3[%squeeze3A_479, %dma_start3A_491] : memref<1000001x64xf32, #tpu.memory_space<hbm>> -> memref<1x64xf32, #tpu.memory_space<hbm>>
          %dma_start3A_493 = arith.constant 0 : i32
          %dma_start3A_494 = arith.constant 0 : i32
          %dma_start3A_495 = tpu.memref_slice %arg6[%dma_start3A_484, %dma_start3A_493, %dma_start3A_494] : memref<4x160x64xf32, #tpu.memory_space<vmem>> -> memref<1x160x64xf32, #tpu.memory_space<vmem>>
          %dma_start3A_496 = tpu.memref_squeeze %dma_start3A_495 : memref<1x160x64xf32, #tpu.memory_space<vmem>> -> memref<160x64xf32, #tpu.memory_space<vmem>>
          %dma_start3A_497 = arith.constant 0 : i32
          %dma_start3A_498 = tpu.memref_slice %dma_start3A_496[%add3A_483, %dma_start3A_497] : memref<160x64xf32, #tpu.memory_space<vmem>> -> memref<1x64xf32, #tpu.memory_space<vmem>>
          %dma_start3A_499 = arith.constant 0 : i32
          %dma_start3A_500 = tpu.memref_slice %arg3[%squeeze3A_479, %dma_start3A_499] : memref<1000001x64xf32, #tpu.memory_space<hbm>> -> memref<1x64xf32, #tpu.memory_space<hbm>>
          tpu.enqueue_dma source(%dma_start3A_500 : memref<1x64xf32, #tpu.memory_space<hbm>>) target(%dma_start3A_498 : memref<1x64xf32, #tpu.memory_space<vmem>>) target_semaphore(%arg7 : memref<!tpu.dma_semaphore, #tpu.memory_space<semaphore_mem>>)
          %slice3A_501 = vector.extract_strided_slice %get3A_272 {offsets = [10], sizes = [1], strides = [1]} : vector<16xi32> to vector<1xi32>
          %squeeze3A_502 = vector.extract %slice3A_501[0] : i32 from vector<1xi32>
          %mul3A_503 = arith.constant 16 : i32
          %mul3A_504 = arith.muli %scan3A_265, %mul3A_503 : i32
          %add3A_505 = arith.constant 10 : i32
          %add3A_506 = arith.addi %mul3A_504, %add3A_505 : i32
          %dma_start3A_507 = arith.constant 0 : i32
          %dma_start3A_508 = arith.constant 0 : i32
          %dma_start3A_509 = arith.constant 0 : i32
          %dma_start3A_510 = tpu.memref_slice %arg6[%dma_start3A_507, %dma_start3A_508, %dma_start3A_509] : memref<4x160x64xf32, #tpu.memory_space<vmem>> -> memref<1x160x64xf32, #tpu.memory_space<vmem>>
          %dma_start3A_511 = tpu.memref_squeeze %dma_start3A_510 : memref<1x160x64xf32, #tpu.memory_space<vmem>> -> memref<160x64xf32, #tpu.memory_space<vmem>>
          %dma_start3A_512 = arith.constant 0 : i32
          %dma_start3A_513 = tpu.memref_slice %dma_start3A_511[%add3A_506, %dma_start3A_512] : memref<160x64xf32, #tpu.memory_space<vmem>> -> memref<1x64xf32, #tpu.memory_space<vmem>>
          %dma_start3A_514 = arith.constant 0 : i32
          %dma_start3A_515 = tpu.memref_slice %arg3[%squeeze3A_502, %dma_start3A_514] : memref<1000001x64xf32, #tpu.memory_space<hbm>> -> memref<1x64xf32, #tpu.memory_space<hbm>>
          %dma_start3A_516 = arith.constant 0 : i32
          %dma_start3A_517 = arith.constant 0 : i32
          %dma_start3A_518 = tpu.memref_slice %arg6[%dma_start3A_507, %dma_start3A_516, %dma_start3A_517] : memref<4x160x64xf32, #tpu.memory_space<vmem>> -> memref<1x160x64xf32, #tpu.memory_space<vmem>>
          %dma_start3A_519 = tpu.memref_squeeze %dma_start3A_518 : memref<1x160x64xf32, #tpu.memory_space<vmem>> -> memref<160x64xf32, #tpu.memory_space<vmem>>
          %dma_start3A_520 = arith.constant 0 : i32
          %dma_start3A_521 = tpu.memref_slice %dma_start3A_519[%add3A_506, %dma_start3A_520] : memref<160x64xf32, #tpu.memory_space<vmem>> -> memref<1x64xf32, #tpu.memory_space<vmem>>
          %dma_start3A_522 = arith.constant 0 : i32
          %dma_start3A_523 = tpu.memref_slice %arg3[%squeeze3A_502, %dma_start3A_522] : memref<1000001x64xf32, #tpu.memory_space<hbm>> -> memref<1x64xf32, #tpu.memory_space<hbm>>
          tpu.enqueue_dma source(%dma_start3A_523 : memref<1x64xf32, #tpu.memory_space<hbm>>) target(%dma_start3A_521 : memref<1x64xf32, #tpu.memory_space<vmem>>) target_semaphore(%arg7 : memref<!tpu.dma_semaphore, #tpu.memory_space<semaphore_mem>>)
          %slice3A_524 = vector.extract_strided_slice %get3A_272 {offsets = [11], sizes = [1], strides = [1]} : vector<16xi32> to vector<1xi32>
          %squeeze3A_525 = vector.extract %slice3A_524[0] : i32 from vector<1xi32>
          %mul3A_526 = arith.constant 16 : i32
          %mul3A_527 = arith.muli %scan3A_265, %mul3A_526 : i32
          %add3A_528 = arith.constant 11 : i32
          %add3A_529 = arith.addi %mul3A_527, %add3A_528 : i32
          %dma_start3A_530 = arith.constant 0 : i32
          %dma_start3A_531 = arith.constant 0 : i32
          %dma_start3A_532 = arith.constant 0 : i32
          %dma_start3A_533 = tpu.memref_slice %arg6[%dma_start3A_530, %dma_start3A_531, %dma_start3A_532] : memref<4x160x64xf32, #tpu.memory_space<vmem>> -> memref<1x160x64xf32, #tpu.memory_space<vmem>>
          %dma_start3A_534 = tpu.memref_squeeze %dma_start3A_533 : memref<1x160x64xf32, #tpu.memory_space<vmem>> -> memref<160x64xf32, #tpu.memory_space<vmem>>
          %dma_start3A_535 = arith.constant 0 : i32
          %dma_start3A_536 = tpu.memref_slice %dma_start3A_534[%add3A_529, %dma_start3A_535] : memref<160x64xf32, #tpu.memory_space<vmem>> -> memref<1x64xf32, #tpu.memory_space<vmem>>
          %dma_start3A_537 = arith.constant 0 : i32
          %dma_start3A_538 = tpu.memref_slice %arg3[%squeeze3A_525, %dma_start3A_537] : memref<1000001x64xf32, #tpu.memory_space<hbm>> -> memref<1x64xf32, #tpu.memory_space<hbm>>
          %dma_start3A_539 = arith.constant 0 : i32
          %dma_start3A_540 = arith.constant 0 : i32
          %dma_start3A_541 = tpu.memref_slice %arg6[%dma_start3A_530, %dma_start3A_539, %dma_start3A_540] : memref<4x160x64xf32, #tpu.memory_space<vmem>> -> memref<1x160x64xf32, #tpu.memory_space<vmem>>
          %dma_start3A_542 = tpu.memref_squeeze %dma_start3A_541 : memref<1x160x64xf32, #tpu.memory_space<vmem>> -> memref<160x64xf32, #tpu.memory_space<vmem>>
          %dma_start3A_543 = arith.constant 0 : i32
          %dma_start3A_544 = tpu.memref_slice %dma_start3A_542[%add3A_529, %dma_start3A_543] : memref<160x64xf32, #tpu.memory_space<vmem>> -> memref<1x64xf32, #tpu.memory_space<vmem>>
          %dma_start3A_545 = arith.constant 0 : i32
          %dma_start3A_546 = tpu.memref_slice %arg3[%squeeze3A_525, %dma_start3A_545] : memref<1000001x64xf32, #tpu.memory_space<hbm>> -> memref<1x64xf32, #tpu.memory_space<hbm>>
          tpu.enqueue_dma source(%dma_start3A_546 : memref<1x64xf32, #tpu.memory_space<hbm>>) target(%dma_start3A_544 : memref<1x64xf32, #tpu.memory_space<vmem>>) target_semaphore(%arg7 : memref<!tpu.dma_semaphore, #tpu.memory_space<semaphore_mem>>)
          %slice3A_547 = vector.extract_strided_slice %get3A_272 {offsets = [12], sizes = [1], strides = [1]} : vector<16xi32> to vector<1xi32>
          %squeeze3A_548 = vector.extract %slice3A_547[0] : i32 from vector<1xi32>
          %mul3A_549 = arith.constant 16 : i32
          %mul3A_550 = arith.muli %scan3A_265, %mul3A_549 : i32
          %add3A_551 = arith.constant 12 : i32
          %add3A_552 = arith.addi %mul3A_550, %add3A_551 : i32
          %dma_start3A_553 = arith.constant 0 : i32
          %dma_start3A_554 = arith.constant 0 : i32
          %dma_start3A_555 = arith.constant 0 : i32
          %dma_start3A_556 = tpu.memref_slice %arg6[%dma_start3A_553, %dma_start3A_554, %dma_start3A_555] : memref<4x160x64xf32, #tpu.memory_space<vmem>> -> memref<1x160x64xf32, #tpu.memory_space<vmem>>
          %dma_start3A_557 = tpu.memref_squeeze %dma_start3A_556 : memref<1x160x64xf32, #tpu.memory_space<vmem>> -> memref<160x64xf32, #tpu.memory_space<vmem>>
          %dma_start3A_558 = arith.constant 0 : i32
          %dma_start3A_559 = tpu.memref_slice %dma_start3A_557[%add3A_552, %dma_start3A_558] : memref<160x64xf32, #tpu.memory_space<vmem>> -> memref<1x64xf32, #tpu.memory_space<vmem>>
          %dma_start3A_560 = arith.constant 0 : i32
          %dma_start3A_561 = tpu.memref_slice %arg3[%squeeze3A_548, %dma_start3A_560] : memref<1000001x64xf32, #tpu.memory_space<hbm>> -> memref<1x64xf32, #tpu.memory_space<hbm>>
          %dma_start3A_562 = arith.constant 0 : i32
          %dma_start3A_563 = arith.constant 0 : i32
          %dma_start3A_564 = tpu.memref_slice %arg6[%dma_start3A_553, %dma_start3A_562, %dma_start3A_563] : memref<4x160x64xf32, #tpu.memory_space<vmem>> -> memref<1x160x64xf32, #tpu.memory_space<vmem>>
          %dma_start3A_565 = tpu.memref_squeeze %dma_start3A_564 : memref<1x160x64xf32, #tpu.memory_space<vmem>> -> memref<160x64xf32, #tpu.memory_space<vmem>>
          %dma_start3A_566 = arith.constant 0 : i32
          %dma_start3A_567 = tpu.memref_slice %dma_start3A_565[%add3A_552, %dma_start3A_566] : memref<160x64xf32, #tpu.memory_space<vmem>> -> memref<1x64xf32, #tpu.memory_space<vmem>>
          %dma_start3A_568 = arith.constant 0 : i32
          %dma_start3A_569 = tpu.memref_slice %arg3[%squeeze3A_548, %dma_start3A_568] : memref<1000001x64xf32, #tpu.memory_space<hbm>> -> memref<1x64xf32, #tpu.memory_space<hbm>>
          tpu.enqueue_dma source(%dma_start3A_569 : memref<1x64xf32, #tpu.memory_space<hbm>>) target(%dma_start3A_567 : memref<1x64xf32, #tpu.memory_space<vmem>>) target_semaphore(%arg7 : memref<!tpu.dma_semaphore, #tpu.memory_space<semaphore_mem>>)
          %slice3A_570 = vector.extract_strided_slice %get3A_272 {offsets = [13], sizes = [1], strides = [1]} : vector<16xi32> to vector<1xi32>
          %squeeze3A_571 = vector.extract %slice3A_570[0] : i32 from vector<1xi32>
          %mul3A_572 = arith.constant 16 : i32
          %mul3A_573 = arith.muli %scan3A_265, %mul3A_572 : i32
          %add3A_574 = arith.constant 13 : i32
          %add3A_575 = arith.addi %mul3A_573, %add3A_574 : i32
          %dma_start3A_576 = arith.constant 0 : i32
          %dma_start3A_577 = arith.constant 0 : i32
          %dma_start3A_578 = arith.constant 0 : i32
          %dma_start3A_579 = tpu.memref_slice %arg6[%dma_start3A_576, %dma_start3A_577, %dma_start3A_578] : memref<4x160x64xf32, #tpu.memory_space<vmem>> -> memref<1x160x64xf32, #tpu.memory_space<vmem>>
          %dma_start3A_580 = tpu.memref_squeeze %dma_start3A_579 : memref<1x160x64xf32, #tpu.memory_space<vmem>> -> memref<160x64xf32, #tpu.memory_space<vmem>>
          %dma_start3A_581 = arith.constant 0 : i32
          %dma_start3A_582 = tpu.memref_slice %dma_start3A_580[%add3A_575, %dma_start3A_581] : memref<160x64xf32, #tpu.memory_space<vmem>> -> memref<1x64xf32, #tpu.memory_space<vmem>>
          %dma_start3A_583 = arith.constant 0 : i32
          %dma_start3A_584 = tpu.memref_slice %arg3[%squeeze3A_571, %dma_start3A_583] : memref<1000001x64xf32, #tpu.memory_space<hbm>> -> memref<1x64xf32, #tpu.memory_space<hbm>>
          %dma_start3A_585 = arith.constant 0 : i32
          %dma_start3A_586 = arith.constant 0 : i32
          %dma_start3A_587 = tpu.memref_slice %arg6[%dma_start3A_576, %dma_start3A_585, %dma_start3A_586] : memref<4x160x64xf32, #tpu.memory_space<vmem>> -> memref<1x160x64xf32, #tpu.memory_space<vmem>>
          %dma_start3A_588 = tpu.memref_squeeze %dma_start3A_587 : memref<1x160x64xf32, #tpu.memory_space<vmem>> -> memref<160x64xf32, #tpu.memory_space<vmem>>
          %dma_start3A_589 = arith.constant 0 : i32
          %dma_start3A_590 = tpu.memref_slice %dma_start3A_588[%add3A_575, %dma_start3A_589] : memref<160x64xf32, #tpu.memory_space<vmem>> -> memref<1x64xf32, #tpu.memory_space<vmem>>
          %dma_start3A_591 = arith.constant 0 : i32
          %dma_start3A_592 = tpu.memref_slice %arg3[%squeeze3A_571, %dma_start3A_591] : memref<1000001x64xf32, #tpu.memory_space<hbm>> -> memref<1x64xf32, #tpu.memory_space<hbm>>
          tpu.enqueue_dma source(%dma_start3A_592 : memref<1x64xf32, #tpu.memory_space<hbm>>) target(%dma_start3A_590 : memref<1x64xf32, #tpu.memory_space<vmem>>) target_semaphore(%arg7 : memref<!tpu.dma_semaphore, #tpu.memory_space<semaphore_mem>>)
          %slice3A_593 = vector.extract_strided_slice %get3A_272 {offsets = [14], sizes = [1], strides = [1]} : vector<16xi32> to vector<1xi32>
          %squeeze3A_594 = vector.extract %slice3A_593[0] : i32 from vector<1xi32>
          %mul3A_595 = arith.constant 16 : i32
          %mul3A_596 = arith.muli %scan3A_265, %mul3A_595 : i32
          %add3A_597 = arith.constant 14 : i32
          %add3A_598 = arith.addi %mul3A_596, %add3A_597 : i32
          %dma_start3A_599 = arith.constant 0 : i32
          %dma_start3A_600 = arith.constant 0 : i32
          %dma_start3A_601 = arith.constant 0 : i32
          %dma_start3A_602 = tpu.memref_slice %arg6[%dma_start3A_599, %dma_start3A_600, %dma_start3A_601] : memref<4x160x64xf32, #tpu.memory_space<vmem>> -> memref<1x160x64xf32, #tpu.memory_space<vmem>>
          %dma_start3A_603 = tpu.memref_squeeze %dma_start3A_602 : memref<1x160x64xf32, #tpu.memory_space<vmem>> -> memref<160x64xf32, #tpu.memory_space<vmem>>
          %dma_start3A_604 = arith.constant 0 : i32
          %dma_start3A_605 = tpu.memref_slice %dma_start3A_603[%add3A_598, %dma_start3A_604] : memref<160x64xf32, #tpu.memory_space<vmem>> -> memref<1x64xf32, #tpu.memory_space<vmem>>
          %dma_start3A_606 = arith.constant 0 : i32
          %dma_start3A_607 = tpu.memref_slice %arg3[%squeeze3A_594, %dma_start3A_606] : memref<1000001x64xf32, #tpu.memory_space<hbm>> -> memref<1x64xf32, #tpu.memory_space<hbm>>
          %dma_start3A_608 = arith.constant 0 : i32
          %dma_start3A_609 = arith.constant 0 : i32
          %dma_start3A_610 = tpu.memref_slice %arg6[%dma_start3A_599, %dma_start3A_608, %dma_start3A_609] : memref<4x160x64xf32, #tpu.memory_space<vmem>> -> memref<1x160x64xf32, #tpu.memory_space<vmem>>
          %dma_start3A_611 = tpu.memref_squeeze %dma_start3A_610 : memref<1x160x64xf32, #tpu.memory_space<vmem>> -> memref<160x64xf32, #tpu.memory_space<vmem>>
          %dma_start3A_612 = arith.constant 0 : i32
          %dma_start3A_613 = tpu.memref_slice %dma_start3A_611[%add3A_598, %dma_start3A_612] : memref<160x64xf32, #tpu.memory_space<vmem>> -> memref<1x64xf32, #tpu.memory_space<vmem>>
          %dma_start3A_614 = arith.constant 0 : i32
          %dma_start3A_615 = tpu.memref_slice %arg3[%squeeze3A_594, %dma_start3A_614] : memref<1000001x64xf32, #tpu.memory_space<hbm>> -> memref<1x64xf32, #tpu.memory_space<hbm>>
          tpu.enqueue_dma source(%dma_start3A_615 : memref<1x64xf32, #tpu.memory_space<hbm>>) target(%dma_start3A_613 : memref<1x64xf32, #tpu.memory_space<vmem>>) target_semaphore(%arg7 : memref<!tpu.dma_semaphore, #tpu.memory_space<semaphore_mem>>)
          %slice3A_616 = vector.extract_strided_slice %get3A_272 {offsets = [15], sizes = [1], strides = [1]} : vector<16xi32> to vector<1xi32>
          %squeeze3A_617 = vector.extract %slice3A_616[0] : i32 from vector<1xi32>
          %mul3A_618 = arith.constant 16 : i32
          %mul3A_619 = arith.muli %scan3A_265, %mul3A_618 : i32
          %add3A_620 = arith.constant 15 : i32
          %add3A_621 = arith.addi %mul3A_619, %add3A_620 : i32
          %dma_start3A_622 = arith.constant 0 : i32
          %dma_start3A_623 = arith.constant 0 : i32
          %dma_start3A_624 = arith.constant 0 : i32
          %dma_start3A_625 = tpu.memref_slice %arg6[%dma_start3A_622, %dma_start3A_623, %dma_start3A_624] : memref<4x160x64xf32, #tpu.memory_space<vmem>> -> memref<1x160x64xf32, #tpu.memory_space<vmem>>
          %dma_start3A_626 = tpu.memref_squeeze %dma_start3A_625 : memref<1x160x64xf32, #tpu.memory_space<vmem>> -> memref<160x64xf32, #tpu.memory_space<vmem>>
          %dma_start3A_627 = arith.constant 0 : i32
          %dma_start3A_628 = tpu.memref_slice %dma_start3A_626[%add3A_621, %dma_start3A_627] : memref<160x64xf32, #tpu.memory_space<vmem>> -> memref<1x64xf32, #tpu.memory_space<vmem>>
          %dma_start3A_629 = arith.constant 0 : i32
          %dma_start3A_630 = tpu.memref_slice %arg3[%squeeze3A_617, %dma_start3A_629] : memref<1000001x64xf32, #tpu.memory_space<hbm>> -> memref<1x64xf32, #tpu.memory_space<hbm>>
          %dma_start3A_631 = arith.constant 0 : i32
          %dma_start3A_632 = arith.constant 0 : i32
          %dma_start3A_633 = tpu.memref_slice %arg6[%dma_start3A_622, %dma_start3A_631, %dma_start3A_632] : memref<4x160x64xf32, #tpu.memory_space<vmem>> -> memref<1x160x64xf32, #tpu.memory_space<vmem>>
          %dma_start3A_634 = tpu.memref_squeeze %dma_start3A_633 : memref<1x160x64xf32, #tpu.memory_space<vmem>> -> memref<160x64xf32, #tpu.memory_space<vmem>>
          %dma_start3A_635 = arith.constant 0 : i32
          %dma_start3A_636 = tpu.memref_slice %dma_start3A_634[%add3A_621, %dma_start3A_635] : memref<160x64xf32, #tpu.memory_space<vmem>> -> memref<1x64xf32, #tpu.memory_space<vmem>>
          %dma_start3A_637 = arith.constant 0 : i32
          %dma_start3A_638 = tpu.memref_slice %arg3[%squeeze3A_617, %dma_start3A_637] : memref<1000001x64xf32, #tpu.memory_space<hbm>> -> memref<1x64xf32, #tpu.memory_space<hbm>>
          tpu.enqueue_dma source(%dma_start3A_638 : memref<1x64xf32, #tpu.memory_space<hbm>>) target(%dma_start3A_636 : memref<1x64xf32, #tpu.memory_space<vmem>>) target_semaphore(%arg7 : memref<!tpu.dma_semaphore, #tpu.memory_space<semaphore_mem>>)
        }
        %scan3A_264 = arith.constant 10 : i32
      } else {
      }
      %dma_wait3A_120 = arith.constant 1 : i32
      %dma_wait3A_121 = arith.constant 0 : i32
      %dma_wait3A_122 = arith.constant 0 : i32
      %dma_wait3A_123 = tpu.memref_slice %arg6[%dma_wait3A_120, %dma_wait3A_121, %dma_wait3A_122] : memref<4x160x64xf32, #tpu.memory_space<vmem>> -> memref<1x160x64xf32, #tpu.memory_space<vmem>>
      %dma_wait3A_124 = tpu.memref_squeeze %dma_wait3A_123 : memref<1x160x64xf32, #tpu.memory_space<vmem>> -> memref<160x64xf32, #tpu.memory_space<vmem>>
      %dma_wait3A_125 = arith.constant 0 : i32
      %dma_wait3A_126 = arith.constant 0 : i32
      %dma_wait3A_127 = tpu.memref_slice %arg3[%dma_wait3A_125, %dma_wait3A_126] : memref<1000001x64xf32, #tpu.memory_space<hbm>> -> memref<160x64xf32, #tpu.memory_space<hbm>>
      %dma_wait3A_128 = arith.constant 0 : i32
      %dma_wait3A_129 = arith.constant 0 : i32
      %dma_wait3A_130 = tpu.memref_slice %arg6[%dma_wait3A_120, %dma_wait3A_128, %dma_wait3A_129] : memref<4x160x64xf32, #tpu.memory_space<vmem>> -> memref<1x160x64xf32, #tpu.memory_space<vmem>>
      %dma_wait3A_131 = tpu.memref_squeeze %dma_wait3A_130 : memref<1x160x64xf32, #tpu.memory_space<vmem>> -> memref<160x64xf32, #tpu.memory_space<vmem>>
      %dma_wait3A_132 = arith.constant 0 : i32
      %dma_wait3A_133 = arith.constant 0 : i32
      %dma_wait3A_134 = tpu.memref_slice %arg3[%dma_wait3A_132, %dma_wait3A_133] : memref<1000001x64xf32, #tpu.memory_space<hbm>> -> memref<160x64xf32, #tpu.memory_space<hbm>>
      tpu.wait_dma2 semaphore(%arg8 : memref<!tpu.dma_semaphore, #tpu.memory_space<semaphore_mem>>) src(%dma_wait3A_134 : memref<160x64xf32, #tpu.memory_space<hbm>>) dst(%dma_wait3A_131 : memref<160x64xf32, #tpu.memory_space<vmem>>)
      %mul3A_135 = arith.constant 4 : i32
      %mul3A_136 = arith.muli %mul3A_135, %scan3A_83 : i32
      %add3A_137 = arith.constant 1 : i32
      %add3A_138 = arith.addi %mul3A_136, %add3A_137 : i32
      %mul3A_139 = arith.constant 160 : i32
      %mul3A_140 = arith.muli %add3A_138, %mul3A_139 : i32
      %add3A_141 = arith.addi %mul3A_2, %mul3A_140 : i32
      %dma_start3A_142 = arith.constant 1 : i32
      %dma_start3A_143 = arith.constant 0 : i32
      %dma_start3A_144 = arith.constant 0 : i32
      %dma_start3A_145 = tpu.memref_slice %arg6[%dma_start3A_142, %dma_start3A_143, %dma_start3A_144] : memref<4x160x64xf32, #tpu.memory_space<vmem>> -> memref<1x160x64xf32, #tpu.memory_space<vmem>>
      %dma_start3A_146 = tpu.memref_squeeze %dma_start3A_145 : memref<1x160x64xf32, #tpu.memory_space<vmem>> -> memref<160x64xf32, #tpu.memory_space<vmem>>
      %dma_start3A_147 = arith.constant 0 : i32
      %dma_start3A_148 = tpu.memref_slice %arg4[%add3A_141, %dma_start3A_147] : memref<819200x64xf32, #tpu.memory_space<hbm>> -> memref<160x64xf32, #tpu.memory_space<hbm>>
      %dma_start3A_149 = arith.constant 0 : i32
      %dma_start3A_150 = tpu.memref_slice %arg4[%add3A_141, %dma_start3A_149] : memref<819200x64xf32, #tpu.memory_space<hbm>> -> memref<160x64xf32, #tpu.memory_space<hbm>>
      %dma_start3A_151 = arith.constant 0 : i32
      %dma_start3A_152 = arith.constant 0 : i32
      %dma_start3A_153 = tpu.memref_slice %arg6[%dma_start3A_142, %dma_start3A_151, %dma_start3A_152] : memref<4x160x64xf32, #tpu.memory_space<vmem>> -> memref<1x160x64xf32, #tpu.memory_space<vmem>>
      %dma_start3A_154 = tpu.memref_squeeze %dma_start3A_153 : memref<1x160x64xf32, #tpu.memory_space<vmem>> -> memref<160x64xf32, #tpu.memory_space<vmem>>
      tpu.enqueue_dma source(%dma_start3A_154 : memref<160x64xf32, #tpu.memory_space<vmem>>) target(%dma_start3A_150 : memref<160x64xf32, #tpu.memory_space<hbm>>) target_semaphore(%arg12 : memref<!tpu.dma_semaphore, #tpu.memory_space<semaphore_mem>>)
      %lt3A_155 = arith.constant 39 : i32
      %lt3A_156 = arith.cmpi slt, %scan3A_83, %lt3A_155 : i32
      %convert_element_type3A_157 = arith.extui %lt3A_156 : i1 to i32
      %cond3A_158 = arith.constant 0 : i32
      %cond3A_159 = arith.cmpi ne, %convert_element_type3A_157, %cond3A_158 : i32
      scf.if %cond3A_159 {
        %dma_wait3A_240 = arith.constant 1 : i32
        %dma_wait3A_241 = arith.constant 0 : i32
        %dma_wait3A_242 = arith.constant 0 : i32
        %dma_wait3A_243 = tpu.memref_slice %arg6[%dma_wait3A_240, %dma_wait3A_241, %dma_wait3A_242] : memref<4x160x64xf32, #tpu.memory_space<vmem>> -> memref<1x160x64xf32, #tpu.memory_space<vmem>>
        %dma_wait3A_244 = tpu.memref_squeeze %dma_wait3A_243 : memref<1x160x64xf32, #tpu.memory_space<vmem>> -> memref<160x64xf32, #tpu.memory_space<vmem>>
        %dma_wait3A_245 = arith.constant 0 : i32
        %dma_wait3A_246 = tpu.memref_slice %arg4[%mul3A_2, %dma_wait3A_245] : memref<819200x64xf32, #tpu.memory_space<hbm>> -> memref<160x64xf32, #tpu.memory_space<hbm>>
        %dma_wait3A_247 = arith.constant 0 : i32
        %dma_wait3A_248 = tpu.memref_slice %arg4[%mul3A_2, %dma_wait3A_247] : memref<819200x64xf32, #tpu.memory_space<hbm>> -> memref<160x64xf32, #tpu.memory_space<hbm>>
        %dma_wait3A_249 = arith.constant 0 : i32
        %dma_wait3A_250 = arith.constant 0 : i32
        %dma_wait3A_251 = tpu.memref_slice %arg6[%dma_wait3A_240, %dma_wait3A_249, %dma_wait3A_250] : memref<4x160x64xf32, #tpu.memory_space<vmem>> -> memref<1x160x64xf32, #tpu.memory_space<vmem>>
        %dma_wait3A_252 = tpu.memref_squeeze %dma_wait3A_251 : memref<1x160x64xf32, #tpu.memory_space<vmem>> -> memref<160x64xf32, #tpu.memory_space<vmem>>
        tpu.wait_dma2 semaphore(%arg12 : memref<!tpu.dma_semaphore, #tpu.memory_space<semaphore_mem>>) src(%dma_wait3A_252 : memref<160x64xf32, #tpu.memory_space<vmem>>) dst(%dma_wait3A_248 : memref<160x64xf32, #tpu.memory_space<hbm>>)
        %add3A_253 = arith.constant 1 : i32
        %add3A_254 = arith.addi %scan3A_83, %add3A_253 : i32
        %mul3A_255 = arith.constant 4 : i32
        %mul3A_256 = arith.muli %mul3A_255, %add3A_254 : i32
        %add3A_257 = arith.constant 1 : i32
        %add3A_258 = arith.addi %mul3A_256, %add3A_257 : i32
        %scan3A_259 = arith.constant 0 : i32
        %scan3A_260 = arith.constant 0 : i32
        %scan3A_261 = arith.constant 10 : i32
        %scan3A_262 = arith.addi %scan3A_260, %scan3A_261 : i32
        %scan3A_263 = arith.constant 1 : i32
        scf.for %scan3A_265 = %scan3A_260 to %scan3A_262 step %scan3A_263  : i32 {
          %mul3A_266 = arith.constant 160 : i32
          %mul3A_267 = arith.muli %add3A_258, %mul3A_266 : i32
          %mul3A_268 = arith.constant 16 : i32
          %mul3A_269 = arith.muli %scan3A_265, %mul3A_268 : i32
          %add3A_270 = arith.addi %mul3A_267, %mul3A_269 : i32
          %get3A = arith.index_cast %add3A_270 : i32 to index
          %get3A_271 = tpu.vector_load %arg5[%get3A] {strides = array<i32>} : memref<25600xi32, #tpu.memory_space<vmem>>, vector<16xi32>,
          %get3A_272 = vector.shape_cast %get3A_271 : vector<16xi32> to vector<16xi32>
          %slice3A = vector.extract_strided_slice %get3A_272 {offsets = [0], sizes = [1], strides = [1]} : vector<16xi32> to vector<1xi32>
          %squeeze3A = vector.extract %slice3A[0] : i32 from vector<1xi32>
          %mul3A_273 = arith.constant 16 : i32
          %mul3A_274 = arith.muli %scan3A_265, %mul3A_273 : i32
          %add3A_275 = arith.constant 0 : i32
          %add3A_276 = arith.addi %mul3A_274, %add3A_275 : i32
          %dma_start3A_277 = arith.constant 1 : i32
          %dma_start3A_278 = arith.constant 0 : i32
          %dma_start3A_279 = arith.constant 0 : i32
          %dma_start3A_280 = tpu.memref_slice %arg6[%dma_start3A_277, %dma_start3A_278, %dma_start3A_279] : memref<4x160x64xf32, #tpu.memory_space<vmem>> -> memref<1x160x64xf32, #tpu.memory_space<vmem>>
          %dma_start3A_281 = tpu.memref_squeeze %dma_start3A_280 : memref<1x160x64xf32, #tpu.memory_space<vmem>> -> memref<160x64xf32, #tpu.memory_space<vmem>>
          %dma_start3A_282 = arith.constant 0 : i32
          %dma_start3A_283 = tpu.memref_slice %dma_start3A_281[%add3A_276, %dma_start3A_282] : memref<160x64xf32, #tpu.memory_space<vmem>> -> memref<1x64xf32, #tpu.memory_space<vmem>>
          %dma_start3A_284 = arith.constant 0 : i32
          %dma_start3A_285 = tpu.memref_slice %arg3[%squeeze3A, %dma_start3A_284] : memref<1000001x64xf32, #tpu.memory_space<hbm>> -> memref<1x64xf32, #tpu.memory_space<hbm>>
          %dma_start3A_286 = arith.constant 0 : i32
          %dma_start3A_287 = arith.constant 0 : i32
          %dma_start3A_288 = tpu.memref_slice %arg6[%dma_start3A_277, %dma_start3A_286, %dma_start3A_287] : memref<4x160x64xf32, #tpu.memory_space<vmem>> -> memref<1x160x64xf32, #tpu.memory_space<vmem>>
          %dma_start3A_289 = tpu.memref_squeeze %dma_start3A_288 : memref<1x160x64xf32, #tpu.memory_space<vmem>> -> memref<160x64xf32, #tpu.memory_space<vmem>>
          %dma_start3A_290 = arith.constant 0 : i32
          %dma_start3A_291 = tpu.memref_slice %dma_start3A_289[%add3A_276, %dma_start3A_290] : memref<160x64xf32, #tpu.memory_space<vmem>> -> memref<1x64xf32, #tpu.memory_space<vmem>>
          %dma_start3A_292 = arith.constant 0 : i32
          %dma_start3A_293 = tpu.memref_slice %arg3[%squeeze3A, %dma_start3A_292] : memref<1000001x64xf32, #tpu.memory_space<hbm>> -> memref<1x64xf32, #tpu.memory_space<hbm>>
          tpu.enqueue_dma source(%dma_start3A_293 : memref<1x64xf32, #tpu.memory_space<hbm>>) target(%dma_start3A_291 : memref<1x64xf32, #tpu.memory_space<vmem>>) target_semaphore(%arg8 : memref<!tpu.dma_semaphore, #tpu.memory_space<semaphore_mem>>)
          %slice3A_294 = vector.extract_strided_slice %get3A_272 {offsets = [1], sizes = [1], strides = [1]} : vector<16xi32> to vector<1xi32>
          %squeeze3A_295 = vector.extract %slice3A_294[0] : i32 from vector<1xi32>
          %mul3A_296 = arith.constant 16 : i32
          %mul3A_297 = arith.muli %scan3A_265, %mul3A_296 : i32
          %add3A_298 = arith.constant 1 : i32
          %add3A_299 = arith.addi %mul3A_297, %add3A_298 : i32
          %dma_start3A_300 = arith.constant 1 : i32
          %dma_start3A_301 = arith.constant 0 : i32
          %dma_start3A_302 = arith.constant 0 : i32
          %dma_start3A_303 = tpu.memref_slice %arg6[%dma_start3A_300, %dma_start3A_301, %dma_start3A_302] : memref<4x160x64xf32, #tpu.memory_space<vmem>> -> memref<1x160x64xf32, #tpu.memory_space<vmem>>
          %dma_start3A_304 = tpu.memref_squeeze %dma_start3A_303 : memref<1x160x64xf32, #tpu.memory_space<vmem>> -> memref<160x64xf32, #tpu.memory_space<vmem>>
          %dma_start3A_305 = arith.constant 0 : i32
          %dma_start3A_306 = tpu.memref_slice %dma_start3A_304[%add3A_299, %dma_start3A_305] : memref<160x64xf32, #tpu.memory_space<vmem>> -> memref<1x64xf32, #tpu.memory_space<vmem>>
          %dma_start3A_307 = arith.constant 0 : i32
          %dma_start3A_308 = tpu.memref_slice %arg3[%squeeze3A_295, %dma_start3A_307] : memref<1000001x64xf32, #tpu.memory_space<hbm>> -> memref<1x64xf32, #tpu.memory_space<hbm>>
          %dma_start3A_309 = arith.constant 0 : i32
          %dma_start3A_310 = arith.constant 0 : i32
          %dma_start3A_311 = tpu.memref_slice %arg6[%dma_start3A_300, %dma_start3A_309, %dma_start3A_310] : memref<4x160x64xf32, #tpu.memory_space<vmem>> -> memref<1x160x64xf32, #tpu.memory_space<vmem>>
          %dma_start3A_312 = tpu.memref_squeeze %dma_start3A_311 : memref<1x160x64xf32, #tpu.memory_space<vmem>> -> memref<160x64xf32, #tpu.memory_space<vmem>>
          %dma_start3A_313 = arith.constant 0 : i32
          %dma_start3A_314 = tpu.memref_slice %dma_start3A_312[%add3A_299, %dma_start3A_313] : memref<160x64xf32, #tpu.memory_space<vmem>> -> memref<1x64xf32, #tpu.memory_space<vmem>>
          %dma_start3A_315 = arith.constant 0 : i32
          %dma_start3A_316 = tpu.memref_slice %arg3[%squeeze3A_295, %dma_start3A_315] : memref<1000001x64xf32, #tpu.memory_space<hbm>> -> memref<1x64xf32, #tpu.memory_space<hbm>>
          tpu.enqueue_dma source(%dma_start3A_316 : memref<1x64xf32, #tpu.memory_space<hbm>>) target(%dma_start3A_314 : memref<1x64xf32, #tpu.memory_space<vmem>>) target_semaphore(%arg8 : memref<!tpu.dma_semaphore, #tpu.memory_space<semaphore_mem>>)
          %slice3A_317 = vector.extract_strided_slice %get3A_272 {offsets = [2], sizes = [1], strides = [1]} : vector<16xi32> to vector<1xi32>
          %squeeze3A_318 = vector.extract %slice3A_317[0] : i32 from vector<1xi32>
          %mul3A_319 = arith.constant 16 : i32
          %mul3A_320 = arith.muli %scan3A_265, %mul3A_319 : i32
          %add3A_321 = arith.constant 2 : i32
          %add3A_322 = arith.addi %mul3A_320, %add3A_321 : i32
          %dma_start3A_323 = arith.constant 1 : i32
          %dma_start3A_324 = arith.constant 0 : i32
          %dma_start3A_325 = arith.constant 0 : i32
          %dma_start3A_326 = tpu.memref_slice %arg6[%dma_start3A_323, %dma_start3A_324, %dma_start3A_325] : memref<4x160x64xf32, #tpu.memory_space<vmem>> -> memref<1x160x64xf32, #tpu.memory_space<vmem>>
          %dma_start3A_327 = tpu.memref_squeeze %dma_start3A_326 : memref<1x160x64xf32, #tpu.memory_space<vmem>> -> memref<160x64xf32, #tpu.memory_space<vmem>>
          %dma_start3A_328 = arith.constant 0 : i32
          %dma_start3A_329 = tpu.memref_slice %dma_start3A_327[%add3A_322, %dma_start3A_328] : memref<160x64xf32, #tpu.memory_space<vmem>> -> memref<1x64xf32, #tpu.memory_space<vmem>>
          %dma_start3A_330 = arith.constant 0 : i32
          %dma_start3A_331 = tpu.memref_slice %arg3[%squeeze3A_318, %dma_start3A_330] : memref<1000001x64xf32, #tpu.memory_space<hbm>> -> memref<1x64xf32, #tpu.memory_space<hbm>>
          %dma_start3A_332 = arith.constant 0 : i32
          %dma_start3A_333 = arith.constant 0 : i32
          %dma_start3A_334 = tpu.memref_slice %arg6[%dma_start3A_323, %dma_start3A_332, %dma_start3A_333] : memref<4x160x64xf32, #tpu.memory_space<vmem>> -> memref<1x160x64xf32, #tpu.memory_space<vmem>>
          %dma_start3A_335 = tpu.memref_squeeze %dma_start3A_334 : memref<1x160x64xf32, #tpu.memory_space<vmem>> -> memref<160x64xf32, #tpu.memory_space<vmem>>
          %dma_start3A_336 = arith.constant 0 : i32
          %dma_start3A_337 = tpu.memref_slice %dma_start3A_335[%add3A_322, %dma_start3A_336] : memref<160x64xf32, #tpu.memory_space<vmem>> -> memref<1x64xf32, #tpu.memory_space<vmem>>
          %dma_start3A_338 = arith.constant 0 : i32
          %dma_start3A_339 = tpu.memref_slice %arg3[%squeeze3A_318, %dma_start3A_338] : memref<1000001x64xf32, #tpu.memory_space<hbm>> -> memref<1x64xf32, #tpu.memory_space<hbm>>
          tpu.enqueue_dma source(%dma_start3A_339 : memref<1x64xf32, #tpu.memory_space<hbm>>) target(%dma_start3A_337 : memref<1x64xf32, #tpu.memory_space<vmem>>) target_semaphore(%arg8 : memref<!tpu.dma_semaphore, #tpu.memory_space<semaphore_mem>>)
          %slice3A_340 = vector.extract_strided_slice %get3A_272 {offsets = [3], sizes = [1], strides = [1]} : vector<16xi32> to vector<1xi32>
          %squeeze3A_341 = vector.extract %slice3A_340[0] : i32 from vector<1xi32>
          %mul3A_342 = arith.constant 16 : i32
          %mul3A_343 = arith.muli %scan3A_265, %mul3A_342 : i32
          %add3A_344 = arith.constant 3 : i32
          %add3A_345 = arith.addi %mul3A_343, %add3A_344 : i32
          %dma_start3A_346 = arith.constant 1 : i32
          %dma_start3A_347 = arith.constant 0 : i32
          %dma_start3A_348 = arith.constant 0 : i32
          %dma_start3A_349 = tpu.memref_slice %arg6[%dma_start3A_346, %dma_start3A_347, %dma_start3A_348] : memref<4x160x64xf32, #tpu.memory_space<vmem>> -> memref<1x160x64xf32, #tpu.memory_space<vmem>>
          %dma_start3A_350 = tpu.memref_squeeze %dma_start3A_349 : memref<1x160x64xf32, #tpu.memory_space<vmem>> -> memref<160x64xf32, #tpu.memory_space<vmem>>
          %dma_start3A_351 = arith.constant 0 : i32
          %dma_start3A_352 = tpu.memref_slice %dma_start3A_350[%add3A_345, %dma_start3A_351] : memref<160x64xf32, #tpu.memory_space<vmem>> -> memref<1x64xf32, #tpu.memory_space<vmem>>
          %dma_start3A_353 = arith.constant 0 : i32
          %dma_start3A_354 = tpu.memref_slice %arg3[%squeeze3A_341, %dma_start3A_353] : memref<1000001x64xf32, #tpu.memory_space<hbm>> -> memref<1x64xf32, #tpu.memory_space<hbm>>
          %dma_start3A_355 = arith.constant 0 : i32
          %dma_start3A_356 = arith.constant 0 : i32
          %dma_start3A_357 = tpu.memref_slice %arg6[%dma_start3A_346, %dma_start3A_355, %dma_start3A_356] : memref<4x160x64xf32, #tpu.memory_space<vmem>> -> memref<1x160x64xf32, #tpu.memory_space<vmem>>
          %dma_start3A_358 = tpu.memref_squeeze %dma_start3A_357 : memref<1x160x64xf32, #tpu.memory_space<vmem>> -> memref<160x64xf32, #tpu.memory_space<vmem>>
          %dma_start3A_359 = arith.constant 0 : i32
          %dma_start3A_360 = tpu.memref_slice %dma_start3A_358[%add3A_345, %dma_start3A_359] : memref<160x64xf32, #tpu.memory_space<vmem>> -> memref<1x64xf32, #tpu.memory_space<vmem>>
          %dma_start3A_361 = arith.constant 0 : i32
          %dma_start3A_362 = tpu.memref_slice %arg3[%squeeze3A_341, %dma_start3A_361] : memref<1000001x64xf32, #tpu.memory_space<hbm>> -> memref<1x64xf32, #tpu.memory_space<hbm>>
          tpu.enqueue_dma source(%dma_start3A_362 : memref<1x64xf32, #tpu.memory_space<hbm>>) target(%dma_start3A_360 : memref<1x64xf32, #tpu.memory_space<vmem>>) target_semaphore(%arg8 : memref<!tpu.dma_semaphore, #tpu.memory_space<semaphore_mem>>)
          %slice3A_363 = vector.extract_strided_slice %get3A_272 {offsets = [4], sizes = [1], strides = [1]} : vector<16xi32> to vector<1xi32>
          %squeeze3A_364 = vector.extract %slice3A_363[0] : i32 from vector<1xi32>
          %mul3A_365 = arith.constant 16 : i32
          %mul3A_366 = arith.muli %scan3A_265, %mul3A_365 : i32
          %add3A_367 = arith.constant 4 : i32
          %add3A_368 = arith.addi %mul3A_366, %add3A_367 : i32
          %dma_start3A_369 = arith.constant 1 : i32
          %dma_start3A_370 = arith.constant 0 : i32
          %dma_start3A_371 = arith.constant 0 : i32
          %dma_start3A_372 = tpu.memref_slice %arg6[%dma_start3A_369, %dma_start3A_370, %dma_start3A_371] : memref<4x160x64xf32, #tpu.memory_space<vmem>> -> memref<1x160x64xf32, #tpu.memory_space<vmem>>
          %dma_start3A_373 = tpu.memref_squeeze %dma_start3A_372 : memref<1x160x64xf32, #tpu.memory_space<vmem>> -> memref<160x64xf32, #tpu.memory_space<vmem>>
          %dma_start3A_374 = arith.constant 0 : i32
          %dma_start3A_375 = tpu.memref_slice %dma_start3A_373[%add3A_368, %dma_start3A_374] : memref<160x64xf32, #tpu.memory_space<vmem>> -> memref<1x64xf32, #tpu.memory_space<vmem>>
          %dma_start3A_376 = arith.constant 0 : i32
          %dma_start3A_377 = tpu.memref_slice %arg3[%squeeze3A_364, %dma_start3A_376] : memref<1000001x64xf32, #tpu.memory_space<hbm>> -> memref<1x64xf32, #tpu.memory_space<hbm>>
          %dma_start3A_378 = arith.constant 0 : i32
          %dma_start3A_379 = arith.constant 0 : i32
          %dma_start3A_380 = tpu.memref_slice %arg6[%dma_start3A_369, %dma_start3A_378, %dma_start3A_379] : memref<4x160x64xf32, #tpu.memory_space<vmem>> -> memref<1x160x64xf32, #tpu.memory_space<vmem>>
          %dma_start3A_381 = tpu.memref_squeeze %dma_start3A_380 : memref<1x160x64xf32, #tpu.memory_space<vmem>> -> memref<160x64xf32, #tpu.memory_space<vmem>>
          %dma_start3A_382 = arith.constant 0 : i32
          %dma_start3A_383 = tpu.memref_slice %dma_start3A_381[%add3A_368, %dma_start3A_382] : memref<160x64xf32, #tpu.memory_space<vmem>> -> memref<1x64xf32, #tpu.memory_space<vmem>>
          %dma_start3A_384 = arith.constant 0 : i32
          %dma_start3A_385 = tpu.memref_slice %arg3[%squeeze3A_364, %dma_start3A_384] : memref<1000001x64xf32, #tpu.memory_space<hbm>> -> memref<1x64xf32, #tpu.memory_space<hbm>>
          tpu.enqueue_dma source(%dma_start3A_385 : memref<1x64xf32, #tpu.memory_space<hbm>>) target(%dma_start3A_383 : memref<1x64xf32, #tpu.memory_space<vmem>>) target_semaphore(%arg8 : memref<!tpu.dma_semaphore, #tpu.memory_space<semaphore_mem>>)
          %slice3A_386 = vector.extract_strided_slice %get3A_272 {offsets = [5], sizes = [1], strides = [1]} : vector<16xi32> to vector<1xi32>
          %squeeze3A_387 = vector.extract %slice3A_386[0] : i32 from vector<1xi32>
          %mul3A_388 = arith.constant 16 : i32
          %mul3A_389 = arith.muli %scan3A_265, %mul3A_388 : i32
          %add3A_390 = arith.constant 5 : i32
          %add3A_391 = arith.addi %mul3A_389, %add3A_390 : i32
          %dma_start3A_392 = arith.constant 1 : i32
          %dma_start3A_393 = arith.constant 0 : i32
          %dma_start3A_394 = arith.constant 0 : i32
          %dma_start3A_395 = tpu.memref_slice %arg6[%dma_start3A_392, %dma_start3A_393, %dma_start3A_394] : memref<4x160x64xf32, #tpu.memory_space<vmem>> -> memref<1x160x64xf32, #tpu.memory_space<vmem>>
          %dma_start3A_396 = tpu.memref_squeeze %dma_start3A_395 : memref<1x160x64xf32, #tpu.memory_space<vmem>> -> memref<160x64xf32, #tpu.memory_space<vmem>>
          %dma_start3A_397 = arith.constant 0 : i32
          %dma_start3A_398 = tpu.memref_slice %dma_start3A_396[%add3A_391, %dma_start3A_397] : memref<160x64xf32, #tpu.memory_space<vmem>> -> memref<1x64xf32, #tpu.memory_space<vmem>>
          %dma_start3A_399 = arith.constant 0 : i32
          %dma_start3A_400 = tpu.memref_slice %arg3[%squeeze3A_387, %dma_start3A_399] : memref<1000001x64xf32, #tpu.memory_space<hbm>> -> memref<1x64xf32, #tpu.memory_space<hbm>>
          %dma_start3A_401 = arith.constant 0 : i32
          %dma_start3A_402 = arith.constant 0 : i32
          %dma_start3A_403 = tpu.memref_slice %arg6[%dma_start3A_392, %dma_start3A_401, %dma_start3A_402] : memref<4x160x64xf32, #tpu.memory_space<vmem>> -> memref<1x160x64xf32, #tpu.memory_space<vmem>>
          %dma_start3A_404 = tpu.memref_squeeze %dma_start3A_403 : memref<1x160x64xf32, #tpu.memory_space<vmem>> -> memref<160x64xf32, #tpu.memory_space<vmem>>
          %dma_start3A_405 = arith.constant 0 : i32
          %dma_start3A_406 = tpu.memref_slice %dma_start3A_404[%add3A_391, %dma_start3A_405] : memref<160x64xf32, #tpu.memory_space<vmem>> -> memref<1x64xf32, #tpu.memory_space<vmem>>
          %dma_start3A_407 = arith.constant 0 : i32
          %dma_start3A_408 = tpu.memref_slice %arg3[%squeeze3A_387, %dma_start3A_407] : memref<1000001x64xf32, #tpu.memory_space<hbm>> -> memref<1x64xf32, #tpu.memory_space<hbm>>
          tpu.enqueue_dma source(%dma_start3A_408 : memref<1x64xf32, #tpu.memory_space<hbm>>) target(%dma_start3A_406 : memref<1x64xf32, #tpu.memory_space<vmem>>) target_semaphore(%arg8 : memref<!tpu.dma_semaphore, #tpu.memory_space<semaphore_mem>>)
          %slice3A_409 = vector.extract_strided_slice %get3A_272 {offsets = [6], sizes = [1], strides = [1]} : vector<16xi32> to vector<1xi32>
          %squeeze3A_410 = vector.extract %slice3A_409[0] : i32 from vector<1xi32>
          %mul3A_411 = arith.constant 16 : i32
          %mul3A_412 = arith.muli %scan3A_265, %mul3A_411 : i32
          %add3A_413 = arith.constant 6 : i32
          %add3A_414 = arith.addi %mul3A_412, %add3A_413 : i32
          %dma_start3A_415 = arith.constant 1 : i32
          %dma_start3A_416 = arith.constant 0 : i32
          %dma_start3A_417 = arith.constant 0 : i32
          %dma_start3A_418 = tpu.memref_slice %arg6[%dma_start3A_415, %dma_start3A_416, %dma_start3A_417] : memref<4x160x64xf32, #tpu.memory_space<vmem>> -> memref<1x160x64xf32, #tpu.memory_space<vmem>>
          %dma_start3A_419 = tpu.memref_squeeze %dma_start3A_418 : memref<1x160x64xf32, #tpu.memory_space<vmem>> -> memref<160x64xf32, #tpu.memory_space<vmem>>
          %dma_start3A_420 = arith.constant 0 : i32
          %dma_start3A_421 = tpu.memref_slice %dma_start3A_419[%add3A_414, %dma_start3A_420] : memref<160x64xf32, #tpu.memory_space<vmem>> -> memref<1x64xf32, #tpu.memory_space<vmem>>
          %dma_start3A_422 = arith.constant 0 : i32
          %dma_start3A_423 = tpu.memref_slice %arg3[%squeeze3A_410, %dma_start3A_422] : memref<1000001x64xf32, #tpu.memory_space<hbm>> -> memref<1x64xf32, #tpu.memory_space<hbm>>
          %dma_start3A_424 = arith.constant 0 : i32
          %dma_start3A_425 = arith.constant 0 : i32
          %dma_start3A_426 = tpu.memref_slice %arg6[%dma_start3A_415, %dma_start3A_424, %dma_start3A_425] : memref<4x160x64xf32, #tpu.memory_space<vmem>> -> memref<1x160x64xf32, #tpu.memory_space<vmem>>
          %dma_start3A_427 = tpu.memref_squeeze %dma_start3A_426 : memref<1x160x64xf32, #tpu.memory_space<vmem>> -> memref<160x64xf32, #tpu.memory_space<vmem>>
          %dma_start3A_428 = arith.constant 0 : i32
          %dma_start3A_429 = tpu.memref_slice %dma_start3A_427[%add3A_414, %dma_start3A_428] : memref<160x64xf32, #tpu.memory_space<vmem>> -> memref<1x64xf32, #tpu.memory_space<vmem>>
          %dma_start3A_430 = arith.constant 0 : i32
          %dma_start3A_431 = tpu.memref_slice %arg3[%squeeze3A_410, %dma_start3A_430] : memref<1000001x64xf32, #tpu.memory_space<hbm>> -> memref<1x64xf32, #tpu.memory_space<hbm>>
          tpu.enqueue_dma source(%dma_start3A_431 : memref<1x64xf32, #tpu.memory_space<hbm>>) target(%dma_start3A_429 : memref<1x64xf32, #tpu.memory_space<vmem>>) target_semaphore(%arg8 : memref<!tpu.dma_semaphore, #tpu.memory_space<semaphore_mem>>)
          %slice3A_432 = vector.extract_strided_slice %get3A_272 {offsets = [7], sizes = [1], strides = [1]} : vector<16xi32> to vector<1xi32>
          %squeeze3A_433 = vector.extract %slice3A_432[0] : i32 from vector<1xi32>
          %mul3A_434 = arith.constant 16 : i32
          %mul3A_435 = arith.muli %scan3A_265, %mul3A_434 : i32
          %add3A_436 = arith.constant 7 : i32
          %add3A_437 = arith.addi %mul3A_435, %add3A_436 : i32
          %dma_start3A_438 = arith.constant 1 : i32
          %dma_start3A_439 = arith.constant 0 : i32
          %dma_start3A_440 = arith.constant 0 : i32
          %dma_start3A_441 = tpu.memref_slice %arg6[%dma_start3A_438, %dma_start3A_439, %dma_start3A_440] : memref<4x160x64xf32, #tpu.memory_space<vmem>> -> memref<1x160x64xf32, #tpu.memory_space<vmem>>
          %dma_start3A_442 = tpu.memref_squeeze %dma_start3A_441 : memref<1x160x64xf32, #tpu.memory_space<vmem>> -> memref<160x64xf32, #tpu.memory_space<vmem>>
          %dma_start3A_443 = arith.constant 0 : i32
          %dma_start3A_444 = tpu.memref_slice %dma_start3A_442[%add3A_437, %dma_start3A_443] : memref<160x64xf32, #tpu.memory_space<vmem>> -> memref<1x64xf32, #tpu.memory_space<vmem>>
          %dma_start3A_445 = arith.constant 0 : i32
          %dma_start3A_446 = tpu.memref_slice %arg3[%squeeze3A_433, %dma_start3A_445] : memref<1000001x64xf32, #tpu.memory_space<hbm>> -> memref<1x64xf32, #tpu.memory_space<hbm>>
          %dma_start3A_447 = arith.constant 0 : i32
          %dma_start3A_448 = arith.constant 0 : i32
          %dma_start3A_449 = tpu.memref_slice %arg6[%dma_start3A_438, %dma_start3A_447, %dma_start3A_448] : memref<4x160x64xf32, #tpu.memory_space<vmem>> -> memref<1x160x64xf32, #tpu.memory_space<vmem>>
          %dma_start3A_450 = tpu.memref_squeeze %dma_start3A_449 : memref<1x160x64xf32, #tpu.memory_space<vmem>> -> memref<160x64xf32, #tpu.memory_space<vmem>>
          %dma_start3A_451 = arith.constant 0 : i32
          %dma_start3A_452 = tpu.memref_slice %dma_start3A_450[%add3A_437, %dma_start3A_451] : memref<160x64xf32, #tpu.memory_space<vmem>> -> memref<1x64xf32, #tpu.memory_space<vmem>>
          %dma_start3A_453 = arith.constant 0 : i32
          %dma_start3A_454 = tpu.memref_slice %arg3[%squeeze3A_433, %dma_start3A_453] : memref<1000001x64xf32, #tpu.memory_space<hbm>> -> memref<1x64xf32, #tpu.memory_space<hbm>>
          tpu.enqueue_dma source(%dma_start3A_454 : memref<1x64xf32, #tpu.memory_space<hbm>>) target(%dma_start3A_452 : memref<1x64xf32, #tpu.memory_space<vmem>>) target_semaphore(%arg8 : memref<!tpu.dma_semaphore, #tpu.memory_space<semaphore_mem>>)
          %slice3A_455 = vector.extract_strided_slice %get3A_272 {offsets = [8], sizes = [1], strides = [1]} : vector<16xi32> to vector<1xi32>
          %squeeze3A_456 = vector.extract %slice3A_455[0] : i32 from vector<1xi32>
          %mul3A_457 = arith.constant 16 : i32
          %mul3A_458 = arith.muli %scan3A_265, %mul3A_457 : i32
          %add3A_459 = arith.constant 8 : i32
          %add3A_460 = arith.addi %mul3A_458, %add3A_459 : i32
          %dma_start3A_461 = arith.constant 1 : i32
          %dma_start3A_462 = arith.constant 0 : i32
          %dma_start3A_463 = arith.constant 0 : i32
          %dma_start3A_464 = tpu.memref_slice %arg6[%dma_start3A_461, %dma_start3A_462, %dma_start3A_463] : memref<4x160x64xf32, #tpu.memory_space<vmem>> -> memref<1x160x64xf32, #tpu.memory_space<vmem>>
          %dma_start3A_465 = tpu.memref_squeeze %dma_start3A_464 : memref<1x160x64xf32, #tpu.memory_space<vmem>> -> memref<160x64xf32, #tpu.memory_space<vmem>>
          %dma_start3A_466 = arith.constant 0 : i32
          %dma_start3A_467 = tpu.memref_slice %dma_start3A_465[%add3A_460, %dma_start3A_466] : memref<160x64xf32, #tpu.memory_space<vmem>> -> memref<1x64xf32, #tpu.memory_space<vmem>>
          %dma_start3A_468 = arith.constant 0 : i32
          %dma_start3A_469 = tpu.memref_slice %arg3[%squeeze3A_456, %dma_start3A_468] : memref<1000001x64xf32, #tpu.memory_space<hbm>> -> memref<1x64xf32, #tpu.memory_space<hbm>>
          %dma_start3A_470 = arith.constant 0 : i32
          %dma_start3A_471 = arith.constant 0 : i32
          %dma_start3A_472 = tpu.memref_slice %arg6[%dma_start3A_461, %dma_start3A_470, %dma_start3A_471] : memref<4x160x64xf32, #tpu.memory_space<vmem>> -> memref<1x160x64xf32, #tpu.memory_space<vmem>>
          %dma_start3A_473 = tpu.memref_squeeze %dma_start3A_472 : memref<1x160x64xf32, #tpu.memory_space<vmem>> -> memref<160x64xf32, #tpu.memory_space<vmem>>
          %dma_start3A_474 = arith.constant 0 : i32
          %dma_start3A_475 = tpu.memref_slice %dma_start3A_473[%add3A_460, %dma_start3A_474] : memref<160x64xf32, #tpu.memory_space<vmem>> -> memref<1x64xf32, #tpu.memory_space<vmem>>
          %dma_start3A_476 = arith.constant 0 : i32
          %dma_start3A_477 = tpu.memref_slice %arg3[%squeeze3A_456, %dma_start3A_476] : memref<1000001x64xf32, #tpu.memory_space<hbm>> -> memref<1x64xf32, #tpu.memory_space<hbm>>
          tpu.enqueue_dma source(%dma_start3A_477 : memref<1x64xf32, #tpu.memory_space<hbm>>) target(%dma_start3A_475 : memref<1x64xf32, #tpu.memory_space<vmem>>) target_semaphore(%arg8 : memref<!tpu.dma_semaphore, #tpu.memory_space<semaphore_mem>>)
          %slice3A_478 = vector.extract_strided_slice %get3A_272 {offsets = [9], sizes = [1], strides = [1]} : vector<16xi32> to vector<1xi32>
          %squeeze3A_479 = vector.extract %slice3A_478[0] : i32 from vector<1xi32>
          %mul3A_480 = arith.constant 16 : i32
          %mul3A_481 = arith.muli %scan3A_265, %mul3A_480 : i32
          %add3A_482 = arith.constant 9 : i32
          %add3A_483 = arith.addi %mul3A_481, %add3A_482 : i32
          %dma_start3A_484 = arith.constant 1 : i32
          %dma_start3A_485 = arith.constant 0 : i32
          %dma_start3A_486 = arith.constant 0 : i32
          %dma_start3A_487 = tpu.memref_slice %arg6[%dma_start3A_484, %dma_start3A_485, %dma_start3A_486] : memref<4x160x64xf32, #tpu.memory_space<vmem>> -> memref<1x160x64xf32, #tpu.memory_space<vmem>>
          %dma_start3A_488 = tpu.memref_squeeze %dma_start3A_487 : memref<1x160x64xf32, #tpu.memory_space<vmem>> -> memref<160x64xf32, #tpu.memory_space<vmem>>
          %dma_start3A_489 = arith.constant 0 : i32
          %dma_start3A_490 = tpu.memref_slice %dma_start3A_488[%add3A_483, %dma_start3A_489] : memref<160x64xf32, #tpu.memory_space<vmem>> -> memref<1x64xf32, #tpu.memory_space<vmem>>
          %dma_start3A_491 = arith.constant 0 : i32
          %dma_start3A_492 = tpu.memref_slice %arg3[%squeeze3A_479, %dma_start3A_491] : memref<1000001x64xf32, #tpu.memory_space<hbm>> -> memref<1x64xf32, #tpu.memory_space<hbm>>
          %dma_start3A_493 = arith.constant 0 : i32
          %dma_start3A_494 = arith.constant 0 : i32
          %dma_start3A_495 = tpu.memref_slice %arg6[%dma_start3A_484, %dma_start3A_493, %dma_start3A_494] : memref<4x160x64xf32, #tpu.memory_space<vmem>> -> memref<1x160x64xf32, #tpu.memory_space<vmem>>
          %dma_start3A_496 = tpu.memref_squeeze %dma_start3A_495 : memref<1x160x64xf32, #tpu.memory_space<vmem>> -> memref<160x64xf32, #tpu.memory_space<vmem>>
          %dma_start3A_497 = arith.constant 0 : i32
          %dma_start3A_498 = tpu.memref_slice %dma_start3A_496[%add3A_483, %dma_start3A_497] : memref<160x64xf32, #tpu.memory_space<vmem>> -> memref<1x64xf32, #tpu.memory_space<vmem>>
          %dma_start3A_499 = arith.constant 0 : i32
          %dma_start3A_500 = tpu.memref_slice %arg3[%squeeze3A_479, %dma_start3A_499] : memref<1000001x64xf32, #tpu.memory_space<hbm>> -> memref<1x64xf32, #tpu.memory_space<hbm>>
          tpu.enqueue_dma source(%dma_start3A_500 : memref<1x64xf32, #tpu.memory_space<hbm>>) target(%dma_start3A_498 : memref<1x64xf32, #tpu.memory_space<vmem>>) target_semaphore(%arg8 : memref<!tpu.dma_semaphore, #tpu.memory_space<semaphore_mem>>)
          %slice3A_501 = vector.extract_strided_slice %get3A_272 {offsets = [10], sizes = [1], strides = [1]} : vector<16xi32> to vector<1xi32>
          %squeeze3A_502 = vector.extract %slice3A_501[0] : i32 from vector<1xi32>
          %mul3A_503 = arith.constant 16 : i32
          %mul3A_504 = arith.muli %scan3A_265, %mul3A_503 : i32
          %add3A_505 = arith.constant 10 : i32
          %add3A_506 = arith.addi %mul3A_504, %add3A_505 : i32
          %dma_start3A_507 = arith.constant 1 : i32
          %dma_start3A_508 = arith.constant 0 : i32
          %dma_start3A_509 = arith.constant 0 : i32
          %dma_start3A_510 = tpu.memref_slice %arg6[%dma_start3A_507, %dma_start3A_508, %dma_start3A_509] : memref<4x160x64xf32, #tpu.memory_space<vmem>> -> memref<1x160x64xf32, #tpu.memory_space<vmem>>
          %dma_start3A_511 = tpu.memref_squeeze %dma_start3A_510 : memref<1x160x64xf32, #tpu.memory_space<vmem>> -> memref<160x64xf32, #tpu.memory_space<vmem>>
          %dma_start3A_512 = arith.constant 0 : i32
          %dma_start3A_513 = tpu.memref_slice %dma_start3A_511[%add3A_506, %dma_start3A_512] : memref<160x64xf32, #tpu.memory_space<vmem>> -> memref<1x64xf32, #tpu.memory_space<vmem>>
          %dma_start3A_514 = arith.constant 0 : i32
          %dma_start3A_515 = tpu.memref_slice %arg3[%squeeze3A_502, %dma_start3A_514] : memref<1000001x64xf32, #tpu.memory_space<hbm>> -> memref<1x64xf32, #tpu.memory_space<hbm>>
          %dma_start3A_516 = arith.constant 0 : i32
          %dma_start3A_517 = arith.constant 0 : i32
          %dma_start3A_518 = tpu.memref_slice %arg6[%dma_start3A_507, %dma_start3A_516, %dma_start3A_517] : memref<4x160x64xf32, #tpu.memory_space<vmem>> -> memref<1x160x64xf32, #tpu.memory_space<vmem>>
          %dma_start3A_519 = tpu.memref_squeeze %dma_start3A_518 : memref<1x160x64xf32, #tpu.memory_space<vmem>> -> memref<160x64xf32, #tpu.memory_space<vmem>>
          %dma_start3A_520 = arith.constant 0 : i32
          %dma_start3A_521 = tpu.memref_slice %dma_start3A_519[%add3A_506, %dma_start3A_520] : memref<160x64xf32, #tpu.memory_space<vmem>> -> memref<1x64xf32, #tpu.memory_space<vmem>>
          %dma_start3A_522 = arith.constant 0 : i32
          %dma_start3A_523 = tpu.memref_slice %arg3[%squeeze3A_502, %dma_start3A_522] : memref<1000001x64xf32, #tpu.memory_space<hbm>> -> memref<1x64xf32, #tpu.memory_space<hbm>>
          tpu.enqueue_dma source(%dma_start3A_523 : memref<1x64xf32, #tpu.memory_space<hbm>>) target(%dma_start3A_521 : memref<1x64xf32, #tpu.memory_space<vmem>>) target_semaphore(%arg8 : memref<!tpu.dma_semaphore, #tpu.memory_space<semaphore_mem>>)
          %slice3A_524 = vector.extract_strided_slice %get3A_272 {offsets = [11], sizes = [1], strides = [1]} : vector<16xi32> to vector<1xi32>
          %squeeze3A_525 = vector.extract %slice3A_524[0] : i32 from vector<1xi32>
          %mul3A_526 = arith.constant 16 : i32
          %mul3A_527 = arith.muli %scan3A_265, %mul3A_526 : i32
          %add3A_528 = arith.constant 11 : i32
          %add3A_529 = arith.addi %mul3A_527, %add3A_528 : i32
          %dma_start3A_530 = arith.constant 1 : i32
          %dma_start3A_531 = arith.constant 0 : i32
          %dma_start3A_532 = arith.constant 0 : i32
          %dma_start3A_533 = tpu.memref_slice %arg6[%dma_start3A_530, %dma_start3A_531, %dma_start3A_532] : memref<4x160x64xf32, #tpu.memory_space<vmem>> -> memref<1x160x64xf32, #tpu.memory_space<vmem>>
          %dma_start3A_534 = tpu.memref_squeeze %dma_start3A_533 : memref<1x160x64xf32, #tpu.memory_space<vmem>> -> memref<160x64xf32, #tpu.memory_space<vmem>>
          %dma_start3A_535 = arith.constant 0 : i32
          %dma_start3A_536 = tpu.memref_slice %dma_start3A_534[%add3A_529, %dma_start3A_535] : memref<160x64xf32, #tpu.memory_space<vmem>> -> memref<1x64xf32, #tpu.memory_space<vmem>>
          %dma_start3A_537 = arith.constant 0 : i32
          %dma_start3A_538 = tpu.memref_slice %arg3[%squeeze3A_525, %dma_start3A_537] : memref<1000001x64xf32, #tpu.memory_space<hbm>> -> memref<1x64xf32, #tpu.memory_space<hbm>>
          %dma_start3A_539 = arith.constant 0 : i32
          %dma_start3A_540 = arith.constant 0 : i32
          %dma_start3A_541 = tpu.memref_slice %arg6[%dma_start3A_530, %dma_start3A_539, %dma_start3A_540] : memref<4x160x64xf32, #tpu.memory_space<vmem>> -> memref<1x160x64xf32, #tpu.memory_space<vmem>>
          %dma_start3A_542 = tpu.memref_squeeze %dma_start3A_541 : memref<1x160x64xf32, #tpu.memory_space<vmem>> -> memref<160x64xf32, #tpu.memory_space<vmem>>
          %dma_start3A_543 = arith.constant 0 : i32
          %dma_start3A_544 = tpu.memref_slice %dma_start3A_542[%add3A_529, %dma_start3A_543] : memref<160x64xf32, #tpu.memory_space<vmem>> -> memref<1x64xf32, #tpu.memory_space<vmem>>
          %dma_start3A_545 = arith.constant 0 : i32
          %dma_start3A_546 = tpu.memref_slice %arg3[%squeeze3A_525, %dma_start3A_545] : memref<1000001x64xf32, #tpu.memory_space<hbm>> -> memref<1x64xf32, #tpu.memory_space<hbm>>
          tpu.enqueue_dma source(%dma_start3A_546 : memref<1x64xf32, #tpu.memory_space<hbm>>) target(%dma_start3A_544 : memref<1x64xf32, #tpu.memory_space<vmem>>) target_semaphore(%arg8 : memref<!tpu.dma_semaphore, #tpu.memory_space<semaphore_mem>>)
          %slice3A_547 = vector.extract_strided_slice %get3A_272 {offsets = [12], sizes = [1], strides = [1]} : vector<16xi32> to vector<1xi32>
          %squeeze3A_548 = vector.extract %slice3A_547[0] : i32 from vector<1xi32>
          %mul3A_549 = arith.constant 16 : i32
          %mul3A_550 = arith.muli %scan3A_265, %mul3A_549 : i32
          %add3A_551 = arith.constant 12 : i32
          %add3A_552 = arith.addi %mul3A_550, %add3A_551 : i32
          %dma_start3A_553 = arith.constant 1 : i32
          %dma_start3A_554 = arith.constant 0 : i32
          %dma_start3A_555 = arith.constant 0 : i32
          %dma_start3A_556 = tpu.memref_slice %arg6[%dma_start3A_553, %dma_start3A_554, %dma_start3A_555] : memref<4x160x64xf32, #tpu.memory_space<vmem>> -> memref<1x160x64xf32, #tpu.memory_space<vmem>>
          %dma_start3A_557 = tpu.memref_squeeze %dma_start3A_556 : memref<1x160x64xf32, #tpu.memory_space<vmem>> -> memref<160x64xf32, #tpu.memory_space<vmem>>
          %dma_start3A_558 = arith.constant 0 : i32
          %dma_start3A_559 = tpu.memref_slice %dma_start3A_557[%add3A_552, %dma_start3A_558] : memref<160x64xf32, #tpu.memory_space<vmem>> -> memref<1x64xf32, #tpu.memory_space<vmem>>
          %dma_start3A_560 = arith.constant 0 : i32
          %dma_start3A_561 = tpu.memref_slice %arg3[%squeeze3A_548, %dma_start3A_560] : memref<1000001x64xf32, #tpu.memory_space<hbm>> -> memref<1x64xf32, #tpu.memory_space<hbm>>
          %dma_start3A_562 = arith.constant 0 : i32
          %dma_start3A_563 = arith.constant 0 : i32
          %dma_start3A_564 = tpu.memref_slice %arg6[%dma_start3A_553, %dma_start3A_562, %dma_start3A_563] : memref<4x160x64xf32, #tpu.memory_space<vmem>> -> memref<1x160x64xf32, #tpu.memory_space<vmem>>
          %dma_start3A_565 = tpu.memref_squeeze %dma_start3A_564 : memref<1x160x64xf32, #tpu.memory_space<vmem>> -> memref<160x64xf32, #tpu.memory_space<vmem>>
          %dma_start3A_566 = arith.constant 0 : i32
          %dma_start3A_567 = tpu.memref_slice %dma_start3A_565[%add3A_552, %dma_start3A_566] : memref<160x64xf32, #tpu.memory_space<vmem>> -> memref<1x64xf32, #tpu.memory_space<vmem>>
          %dma_start3A_568 = arith.constant 0 : i32
          %dma_start3A_569 = tpu.memref_slice %arg3[%squeeze3A_548, %dma_start3A_568] : memref<1000001x64xf32, #tpu.memory_space<hbm>> -> memref<1x64xf32, #tpu.memory_space<hbm>>
          tpu.enqueue_dma source(%dma_start3A_569 : memref<1x64xf32, #tpu.memory_space<hbm>>) target(%dma_start3A_567 : memref<1x64xf32, #tpu.memory_space<vmem>>) target_semaphore(%arg8 : memref<!tpu.dma_semaphore, #tpu.memory_space<semaphore_mem>>)
          %slice3A_570 = vector.extract_strided_slice %get3A_272 {offsets = [13], sizes = [1], strides = [1]} : vector<16xi32> to vector<1xi32>
          %squeeze3A_571 = vector.extract %slice3A_570[0] : i32 from vector<1xi32>
          %mul3A_572 = arith.constant 16 : i32
          %mul3A_573 = arith.muli %scan3A_265, %mul3A_572 : i32
          %add3A_574 = arith.constant 13 : i32
          %add3A_575 = arith.addi %mul3A_573, %add3A_574 : i32
          %dma_start3A_576 = arith.constant 1 : i32
          %dma_start3A_577 = arith.constant 0 : i32
          %dma_start3A_578 = arith.constant 0 : i32
          %dma_start3A_579 = tpu.memref_slice %arg6[%dma_start3A_576, %dma_start3A_577, %dma_start3A_578] : memref<4x160x64xf32, #tpu.memory_space<vmem>> -> memref<1x160x64xf32, #tpu.memory_space<vmem>>
          %dma_start3A_580 = tpu.memref_squeeze %dma_start3A_579 : memref<1x160x64xf32, #tpu.memory_space<vmem>> -> memref<160x64xf32, #tpu.memory_space<vmem>>
          %dma_start3A_581 = arith.constant 0 : i32
          %dma_start3A_582 = tpu.memref_slice %dma_start3A_580[%add3A_575, %dma_start3A_581] : memref<160x64xf32, #tpu.memory_space<vmem>> -> memref<1x64xf32, #tpu.memory_space<vmem>>
          %dma_start3A_583 = arith.constant 0 : i32
          %dma_start3A_584 = tpu.memref_slice %arg3[%squeeze3A_571, %dma_start3A_583] : memref<1000001x64xf32, #tpu.memory_space<hbm>> -> memref<1x64xf32, #tpu.memory_space<hbm>>
          %dma_start3A_585 = arith.constant 0 : i32
          %dma_start3A_586 = arith.constant 0 : i32
          %dma_start3A_587 = tpu.memref_slice %arg6[%dma_start3A_576, %dma_start3A_585, %dma_start3A_586] : memref<4x160x64xf32, #tpu.memory_space<vmem>> -> memref<1x160x64xf32, #tpu.memory_space<vmem>>
          %dma_start3A_588 = tpu.memref_squeeze %dma_start3A_587 : memref<1x160x64xf32, #tpu.memory_space<vmem>> -> memref<160x64xf32, #tpu.memory_space<vmem>>
          %dma_start3A_589 = arith.constant 0 : i32
          %dma_start3A_590 = tpu.memref_slice %dma_start3A_588[%add3A_575, %dma_start3A_589] : memref<160x64xf32, #tpu.memory_space<vmem>> -> memref<1x64xf32, #tpu.memory_space<vmem>>
          %dma_start3A_591 = arith.constant 0 : i32
          %dma_start3A_592 = tpu.memref_slice %arg3[%squeeze3A_571, %dma_start3A_591] : memref<1000001x64xf32, #tpu.memory_space<hbm>> -> memref<1x64xf32, #tpu.memory_space<hbm>>
          tpu.enqueue_dma source(%dma_start3A_592 : memref<1x64xf32, #tpu.memory_space<hbm>>) target(%dma_start3A_590 : memref<1x64xf32, #tpu.memory_space<vmem>>) target_semaphore(%arg8 : memref<!tpu.dma_semaphore, #tpu.memory_space<semaphore_mem>>)
          %slice3A_593 = vector.extract_strided_slice %get3A_272 {offsets = [14], sizes = [1], strides = [1]} : vector<16xi32> to vector<1xi32>
          %squeeze3A_594 = vector.extract %slice3A_593[0] : i32 from vector<1xi32>
          %mul3A_595 = arith.constant 16 : i32
          %mul3A_596 = arith.muli %scan3A_265, %mul3A_595 : i32
          %add3A_597 = arith.constant 14 : i32
          %add3A_598 = arith.addi %mul3A_596, %add3A_597 : i32
          %dma_start3A_599 = arith.constant 1 : i32
          %dma_start3A_600 = arith.constant 0 : i32
          %dma_start3A_601 = arith.constant 0 : i32
          %dma_start3A_602 = tpu.memref_slice %arg6[%dma_start3A_599, %dma_start3A_600, %dma_start3A_601] : memref<4x160x64xf32, #tpu.memory_space<vmem>> -> memref<1x160x64xf32, #tpu.memory_space<vmem>>
          %dma_start3A_603 = tpu.memref_squeeze %dma_start3A_602 : memref<1x160x64xf32, #tpu.memory_space<vmem>> -> memref<160x64xf32, #tpu.memory_space<vmem>>
          %dma_start3A_604 = arith.constant 0 : i32
          %dma_start3A_605 = tpu.memref_slice %dma_start3A_603[%add3A_598, %dma_start3A_604] : memref<160x64xf32, #tpu.memory_space<vmem>> -> memref<1x64xf32, #tpu.memory_space<vmem>>
          %dma_start3A_606 = arith.constant 0 : i32
          %dma_start3A_607 = tpu.memref_slice %arg3[%squeeze3A_594, %dma_start3A_606] : memref<1000001x64xf32, #tpu.memory_space<hbm>> -> memref<1x64xf32, #tpu.memory_space<hbm>>
          %dma_start3A_608 = arith.constant 0 : i32
          %dma_start3A_609 = arith.constant 0 : i32
          %dma_start3A_610 = tpu.memref_slice %arg6[%dma_start3A_599, %dma_start3A_608, %dma_start3A_609] : memref<4x160x64xf32, #tpu.memory_space<vmem>> -> memref<1x160x64xf32, #tpu.memory_space<vmem>>
          %dma_start3A_611 = tpu.memref_squeeze %dma_start3A_610 : memref<1x160x64xf32, #tpu.memory_space<vmem>> -> memref<160x64xf32, #tpu.memory_space<vmem>>
          %dma_start3A_612 = arith.constant 0 : i32
          %dma_start3A_613 = tpu.memref_slice %dma_start3A_611[%add3A_598, %dma_start3A_612] : memref<160x64xf32, #tpu.memory_space<vmem>> -> memref<1x64xf32, #tpu.memory_space<vmem>>
          %dma_start3A_614 = arith.constant 0 : i32
          %dma_start3A_615 = tpu.memref_slice %arg3[%squeeze3A_594, %dma_start3A_614] : memref<1000001x64xf32, #tpu.memory_space<hbm>> -> memref<1x64xf32, #tpu.memory_space<hbm>>
          tpu.enqueue_dma source(%dma_start3A_615 : memref<1x64xf32, #tpu.memory_space<hbm>>) target(%dma_start3A_613 : memref<1x64xf32, #tpu.memory_space<vmem>>) target_semaphore(%arg8 : memref<!tpu.dma_semaphore, #tpu.memory_space<semaphore_mem>>)
          %slice3A_616 = vector.extract_strided_slice %get3A_272 {offsets = [15], sizes = [1], strides = [1]} : vector<16xi32> to vector<1xi32>
          %squeeze3A_617 = vector.extract %slice3A_616[0] : i32 from vector<1xi32>
          %mul3A_618 = arith.constant 16 : i32
          %mul3A_619 = arith.muli %scan3A_265, %mul3A_618 : i32
          %add3A_620 = arith.constant 15 : i32
          %add3A_621 = arith.addi %mul3A_619, %add3A_620 : i32
          %dma_start3A_622 = arith.constant 1 : i32
          %dma_start3A_623 = arith.constant 0 : i32
          %dma_start3A_624 = arith.constant 0 : i32
          %dma_start3A_625 = tpu.memref_slice %arg6[%dma_start3A_622, %dma_start3A_623, %dma_start3A_624] : memref<4x160x64xf32, #tpu.memory_space<vmem>> -> memref<1x160x64xf32, #tpu.memory_space<vmem>>
          %dma_start3A_626 = tpu.memref_squeeze %dma_start3A_625 : memref<1x160x64xf32, #tpu.memory_space<vmem>> -> memref<160x64xf32, #tpu.memory_space<vmem>>
          %dma_start3A_627 = arith.constant 0 : i32
          %dma_start3A_628 = tpu.memref_slice %dma_start3A_626[%add3A_621, %dma_start3A_627] : memref<160x64xf32, #tpu.memory_space<vmem>> -> memref<1x64xf32, #tpu.memory_space<vmem>>
          %dma_start3A_629 = arith.constant 0 : i32
          %dma_start3A_630 = tpu.memref_slice %arg3[%squeeze3A_617, %dma_start3A_629] : memref<1000001x64xf32, #tpu.memory_space<hbm>> -> memref<1x64xf32, #tpu.memory_space<hbm>>
          %dma_start3A_631 = arith.constant 0 : i32
          %dma_start3A_632 = arith.constant 0 : i32
          %dma_start3A_633 = tpu.memref_slice %arg6[%dma_start3A_622, %dma_start3A_631, %dma_start3A_632] : memref<4x160x64xf32, #tpu.memory_space<vmem>> -> memref<1x160x64xf32, #tpu.memory_space<vmem>>
          %dma_start3A_634 = tpu.memref_squeeze %dma_start3A_633 : memref<1x160x64xf32, #tpu.memory_space<vmem>> -> memref<160x64xf32, #tpu.memory_space<vmem>>
          %dma_start3A_635 = arith.constant 0 : i32
          %dma_start3A_636 = tpu.memref_slice %dma_start3A_634[%add3A_621, %dma_start3A_635] : memref<160x64xf32, #tpu.memory_space<vmem>> -> memref<1x64xf32, #tpu.memory_space<vmem>>
          %dma_start3A_637 = arith.constant 0 : i32
          %dma_start3A_638 = tpu.memref_slice %arg3[%squeeze3A_617, %dma_start3A_637] : memref<1000001x64xf32, #tpu.memory_space<hbm>> -> memref<1x64xf32, #tpu.memory_space<hbm>>
          tpu.enqueue_dma source(%dma_start3A_638 : memref<1x64xf32, #tpu.memory_space<hbm>>) target(%dma_start3A_636 : memref<1x64xf32, #tpu.memory_space<vmem>>) target_semaphore(%arg8 : memref<!tpu.dma_semaphore, #tpu.memory_space<semaphore_mem>>)
        }
        %scan3A_264 = arith.constant 10 : i32
      } else {
      }
      %dma_wait3A_160 = arith.constant 2 : i32
      %dma_wait3A_161 = arith.constant 0 : i32
      %dma_wait3A_162 = arith.constant 0 : i32
      %dma_wait3A_163 = tpu.memref_slice %arg6[%dma_wait3A_160, %dma_wait3A_161, %dma_wait3A_162] : memref<4x160x64xf32, #tpu.memory_space<vmem>> -> memref<1x160x64xf32, #tpu.memory_space<vmem>>
      %dma_wait3A_164 = tpu.memref_squeeze %dma_wait3A_163 : memref<1x160x64xf32, #tpu.memory_space<vmem>> -> memref<160x64xf32, #tpu.memory_space<vmem>>
      %dma_wait3A_165 = arith.constant 0 : i32
      %dma_wait3A_166 = arith.constant 0 : i32
      %dma_wait3A_167 = tpu.memref_slice %arg3[%dma_wait3A_165, %dma_wait3A_166] : memref<1000001x64xf32, #tpu.memory_space<hbm>> -> memref<160x64xf32, #tpu.memory_space<hbm>>
      %dma_wait3A_168 = arith.constant 0 : i32
      %dma_wait3A_169 = arith.constant 0 : i32
      %dma_wait3A_170 = tpu.memref_slice %arg6[%dma_wait3A_160, %dma_wait3A_168, %dma_wait3A_169] : memref<4x160x64xf32, #tpu.memory_space<vmem>> -> memref<1x160x64xf32, #tpu.memory_space<vmem>>
      %dma_wait3A_171 = tpu.memref_squeeze %dma_wait3A_170 : memref<1x160x64xf32, #tpu.memory_space<vmem>> -> memref<160x64xf32, #tpu.memory_space<vmem>>
      %dma_wait3A_172 = arith.constant 0 : i32
      %dma_wait3A_173 = arith.constant 0 : i32
      %dma_wait3A_174 = tpu.memref_slice %arg3[%dma_wait3A_172, %dma_wait3A_173] : memref<1000001x64xf32, #tpu.memory_space<hbm>> -> memref<160x64xf32, #tpu.memory_space<hbm>>
      tpu.wait_dma2 semaphore(%arg9 : memref<!tpu.dma_semaphore, #tpu.memory_space<semaphore_mem>>) src(%dma_wait3A_174 : memref<160x64xf32, #tpu.memory_space<hbm>>) dst(%dma_wait3A_171 : memref<160x64xf32, #tpu.memory_space<vmem>>)
      %mul3A_175 = arith.constant 4 : i32
      %mul3A_176 = arith.muli %mul3A_175, %scan3A_83 : i32
      %add3A_177 = arith.constant 2 : i32
      %add3A_178 = arith.addi %mul3A_176, %add3A_177 : i32
      %mul3A_179 = arith.constant 160 : i32
      %mul3A_180 = arith.muli %add3A_178, %mul3A_179 : i32
      %add3A_181 = arith.addi %mul3A_2, %mul3A_180 : i32
      %dma_start3A_182 = arith.constant 2 : i32
      %dma_start3A_183 = arith.constant 0 : i32
      %dma_start3A_184 = arith.constant 0 : i32
      %dma_start3A_185 = tpu.memref_slice %arg6[%dma_start3A_182, %dma_start3A_183, %dma_start3A_184] : memref<4x160x64xf32, #tpu.memory_space<vmem>> -> memref<1x160x64xf32, #tpu.memory_space<vmem>>
      %dma_start3A_186 = tpu.memref_squeeze %dma_start3A_185 : memref<1x160x64xf32, #tpu.memory_space<vmem>> -> memref<160x64xf32, #tpu.memory_space<vmem>>
      %dma_start3A_187 = arith.constant 0 : i32
      %dma_start3A_188 = tpu.memref_slice %arg4[%add3A_181, %dma_start3A_187] : memref<819200x64xf32, #tpu.memory_space<hbm>> -> memref<160x64xf32, #tpu.memory_space<hbm>>
      %dma_start3A_189 = arith.constant 0 : i32
      %dma_start3A_190 = tpu.memref_slice %arg4[%add3A_181, %dma_start3A_189] : memref<819200x64xf32, #tpu.memory_space<hbm>> -> memref<160x64xf32, #tpu.memory_space<hbm>>
      %dma_start3A_191 = arith.constant 0 : i32
      %dma_start3A_192 = arith.constant 0 : i32
      %dma_start3A_193 = tpu.memref_slice %arg6[%dma_start3A_182, %dma_start3A_191, %dma_start3A_192] : memref<4x160x64xf32, #tpu.memory_space<vmem>> -> memref<1x160x64xf32, #tpu.memory_space<vmem>>
      %dma_start3A_194 = tpu.memref_squeeze %dma_start3A_193 : memref<1x160x64xf32, #tpu.memory_space<vmem>> -> memref<160x64xf32, #tpu.memory_space<vmem>>
      tpu.enqueue_dma source(%dma_start3A_194 : memref<160x64xf32, #tpu.memory_space<vmem>>) target(%dma_start3A_190 : memref<160x64xf32, #tpu.memory_space<hbm>>) target_semaphore(%arg13 : memref<!tpu.dma_semaphore, #tpu.memory_space<semaphore_mem>>)
      %lt3A_195 = arith.constant 39 : i32
      %lt3A_196 = arith.cmpi slt, %scan3A_83, %lt3A_195 : i32
      %convert_element_type3A_197 = arith.extui %lt3A_196 : i1 to i32
      %cond3A_198 = arith.constant 0 : i32
      %cond3A_199 = arith.cmpi ne, %convert_element_type3A_197, %cond3A_198 : i32
      scf.if %cond3A_199 {
        %dma_wait3A_240 = arith.constant 2 : i32
        %dma_wait3A_241 = arith.constant 0 : i32
        %dma_wait3A_242 = arith.constant 0 : i32
        %dma_wait3A_243 = tpu.memref_slice %arg6[%dma_wait3A_240, %dma_wait3A_241, %dma_wait3A_242] : memref<4x160x64xf32, #tpu.memory_space<vmem>> -> memref<1x160x64xf32, #tpu.memory_space<vmem>>
        %dma_wait3A_244 = tpu.memref_squeeze %dma_wait3A_243 : memref<1x160x64xf32, #tpu.memory_space<vmem>> -> memref<160x64xf32, #tpu.memory_space<vmem>>
        %dma_wait3A_245 = arith.constant 0 : i32
        %dma_wait3A_246 = tpu.memref_slice %arg4[%mul3A_2, %dma_wait3A_245] : memref<819200x64xf32, #tpu.memory_space<hbm>> -> memref<160x64xf32, #tpu.memory_space<hbm>>
        %dma_wait3A_247 = arith.constant 0 : i32
        %dma_wait3A_248 = tpu.memref_slice %arg4[%mul3A_2, %dma_wait3A_247] : memref<819200x64xf32, #tpu.memory_space<hbm>> -> memref<160x64xf32, #tpu.memory_space<hbm>>
        %dma_wait3A_249 = arith.constant 0 : i32
        %dma_wait3A_250 = arith.constant 0 : i32
        %dma_wait3A_251 = tpu.memref_slice %arg6[%dma_wait3A_240, %dma_wait3A_249, %dma_wait3A_250] : memref<4x160x64xf32, #tpu.memory_space<vmem>> -> memref<1x160x64xf32, #tpu.memory_space<vmem>>
        %dma_wait3A_252 = tpu.memref_squeeze %dma_wait3A_251 : memref<1x160x64xf32, #tpu.memory_space<vmem>> -> memref<160x64xf32, #tpu.memory_space<vmem>>
        tpu.wait_dma2 semaphore(%arg13 : memref<!tpu.dma_semaphore, #tpu.memory_space<semaphore_mem>>) src(%dma_wait3A_252 : memref<160x64xf32, #tpu.memory_space<vmem>>) dst(%dma_wait3A_248 : memref<160x64xf32, #tpu.memory_space<hbm>>)
        %add3A_253 = arith.constant 1 : i32
        %add3A_254 = arith.addi %scan3A_83, %add3A_253 : i32
        %mul3A_255 = arith.constant 4 : i32
        %mul3A_256 = arith.muli %mul3A_255, %add3A_254 : i32
        %add3A_257 = arith.constant 2 : i32
        %add3A_258 = arith.addi %mul3A_256, %add3A_257 : i32
        %scan3A_259 = arith.constant 0 : i32
        %scan3A_260 = arith.constant 0 : i32
        %scan3A_261 = arith.constant 10 : i32
        %scan3A_262 = arith.addi %scan3A_260, %scan3A_261 : i32
        %scan3A_263 = arith.constant 1 : i32
        scf.for %scan3A_265 = %scan3A_260 to %scan3A_262 step %scan3A_263  : i32 {
          %mul3A_266 = arith.constant 160 : i32
          %mul3A_267 = arith.muli %add3A_258, %mul3A_266 : i32
          %mul3A_268 = arith.constant 16 : i32
          %mul3A_269 = arith.muli %scan3A_265, %mul3A_268 : i32
          %add3A_270 = arith.addi %mul3A_267, %mul3A_269 : i32
          %get3A = arith.index_cast %add3A_270 : i32 to index
          %get3A_271 = tpu.vector_load %arg5[%get3A] {strides = array<i32>} : memref<25600xi32, #tpu.memory_space<vmem>>, vector<16xi32>,
          %get3A_272 = vector.shape_cast %get3A_271 : vector<16xi32> to vector<16xi32>
          %slice3A = vector.extract_strided_slice %get3A_272 {offsets = [0], sizes = [1], strides = [1]} : vector<16xi32> to vector<1xi32>
          %squeeze3A = vector.extract %slice3A[0] : i32 from vector<1xi32>
          %mul3A_273 = arith.constant 16 : i32
          %mul3A_274 = arith.muli %scan3A_265, %mul3A_273 : i32
          %add3A_275 = arith.constant 0 : i32
          %add3A_276 = arith.addi %mul3A_274, %add3A_275 : i32
          %dma_start3A_277 = arith.constant 2 : i32
          %dma_start3A_278 = arith.constant 0 : i32
          %dma_start3A_279 = arith.constant 0 : i32
          %dma_start3A_280 = tpu.memref_slice %arg6[%dma_start3A_277, %dma_start3A_278, %dma_start3A_279] : memref<4x160x64xf32, #tpu.memory_space<vmem>> -> memref<1x160x64xf32, #tpu.memory_space<vmem>>
          %dma_start3A_281 = tpu.memref_squeeze %dma_start3A_280 : memref<1x160x64xf32, #tpu.memory_space<vmem>> -> memref<160x64xf32, #tpu.memory_space<vmem>>
          %dma_start3A_282 = arith.constant 0 : i32
          %dma_start3A_283 = tpu.memref_slice %dma_start3A_281[%add3A_276, %dma_start3A_282] : memref<160x64xf32, #tpu.memory_space<vmem>> -> memref<1x64xf32, #tpu.memory_space<vmem>>
          %dma_start3A_284 = arith.constant 0 : i32
          %dma_start3A_285 = tpu.memref_slice %arg3[%squeeze3A, %dma_start3A_284] : memref<1000001x64xf32, #tpu.memory_space<hbm>> -> memref<1x64xf32, #tpu.memory_space<hbm>>
          %dma_start3A_286 = arith.constant 0 : i32
          %dma_start3A_287 = arith.constant 0 : i32
          %dma_start3A_288 = tpu.memref_slice %arg6[%dma_start3A_277, %dma_start3A_286, %dma_start3A_287] : memref<4x160x64xf32, #tpu.memory_space<vmem>> -> memref<1x160x64xf32, #tpu.memory_space<vmem>>
          %dma_start3A_289 = tpu.memref_squeeze %dma_start3A_288 : memref<1x160x64xf32, #tpu.memory_space<vmem>> -> memref<160x64xf32, #tpu.memory_space<vmem>>
          %dma_start3A_290 = arith.constant 0 : i32
          %dma_start3A_291 = tpu.memref_slice %dma_start3A_289[%add3A_276, %dma_start3A_290] : memref<160x64xf32, #tpu.memory_space<vmem>> -> memref<1x64xf32, #tpu.memory_space<vmem>>
          %dma_start3A_292 = arith.constant 0 : i32
          %dma_start3A_293 = tpu.memref_slice %arg3[%squeeze3A, %dma_start3A_292] : memref<1000001x64xf32, #tpu.memory_space<hbm>> -> memref<1x64xf32, #tpu.memory_space<hbm>>
          tpu.enqueue_dma source(%dma_start3A_293 : memref<1x64xf32, #tpu.memory_space<hbm>>) target(%dma_start3A_291 : memref<1x64xf32, #tpu.memory_space<vmem>>) target_semaphore(%arg9 : memref<!tpu.dma_semaphore, #tpu.memory_space<semaphore_mem>>)
          %slice3A_294 = vector.extract_strided_slice %get3A_272 {offsets = [1], sizes = [1], strides = [1]} : vector<16xi32> to vector<1xi32>
          %squeeze3A_295 = vector.extract %slice3A_294[0] : i32 from vector<1xi32>
          %mul3A_296 = arith.constant 16 : i32
          %mul3A_297 = arith.muli %scan3A_265, %mul3A_296 : i32
          %add3A_298 = arith.constant 1 : i32
          %add3A_299 = arith.addi %mul3A_297, %add3A_298 : i32
          %dma_start3A_300 = arith.constant 2 : i32
          %dma_start3A_301 = arith.constant 0 : i32
          %dma_start3A_302 = arith.constant 0 : i32
          %dma_start3A_303 = tpu.memref_slice %arg6[%dma_start3A_300, %dma_start3A_301, %dma_start3A_302] : memref<4x160x64xf32, #tpu.memory_space<vmem>> -> memref<1x160x64xf32, #tpu.memory_space<vmem>>
          %dma_start3A_304 = tpu.memref_squeeze %dma_start3A_303 : memref<1x160x64xf32, #tpu.memory_space<vmem>> -> memref<160x64xf32, #tpu.memory_space<vmem>>
          %dma_start3A_305 = arith.constant 0 : i32
          %dma_start3A_306 = tpu.memref_slice %dma_start3A_304[%add3A_299, %dma_start3A_305] : memref<160x64xf32, #tpu.memory_space<vmem>> -> memref<1x64xf32, #tpu.memory_space<vmem>>
          %dma_start3A_307 = arith.constant 0 : i32
          %dma_start3A_308 = tpu.memref_slice %arg3[%squeeze3A_295, %dma_start3A_307] : memref<1000001x64xf32, #tpu.memory_space<hbm>> -> memref<1x64xf32, #tpu.memory_space<hbm>>
          %dma_start3A_309 = arith.constant 0 : i32
          %dma_start3A_310 = arith.constant 0 : i32
          %dma_start3A_311 = tpu.memref_slice %arg6[%dma_start3A_300, %dma_start3A_309, %dma_start3A_310] : memref<4x160x64xf32, #tpu.memory_space<vmem>> -> memref<1x160x64xf32, #tpu.memory_space<vmem>>
          %dma_start3A_312 = tpu.memref_squeeze %dma_start3A_311 : memref<1x160x64xf32, #tpu.memory_space<vmem>> -> memref<160x64xf32, #tpu.memory_space<vmem>>
          %dma_start3A_313 = arith.constant 0 : i32
          %dma_start3A_314 = tpu.memref_slice %dma_start3A_312[%add3A_299, %dma_start3A_313] : memref<160x64xf32, #tpu.memory_space<vmem>> -> memref<1x64xf32, #tpu.memory_space<vmem>>
          %dma_start3A_315 = arith.constant 0 : i32
          %dma_start3A_316 = tpu.memref_slice %arg3[%squeeze3A_295, %dma_start3A_315] : memref<1000001x64xf32, #tpu.memory_space<hbm>> -> memref<1x64xf32, #tpu.memory_space<hbm>>
          tpu.enqueue_dma source(%dma_start3A_316 : memref<1x64xf32, #tpu.memory_space<hbm>>) target(%dma_start3A_314 : memref<1x64xf32, #tpu.memory_space<vmem>>) target_semaphore(%arg9 : memref<!tpu.dma_semaphore, #tpu.memory_space<semaphore_mem>>)
          %slice3A_317 = vector.extract_strided_slice %get3A_272 {offsets = [2], sizes = [1], strides = [1]} : vector<16xi32> to vector<1xi32>
          %squeeze3A_318 = vector.extract %slice3A_317[0] : i32 from vector<1xi32>
          %mul3A_319 = arith.constant 16 : i32
          %mul3A_320 = arith.muli %scan3A_265, %mul3A_319 : i32
          %add3A_321 = arith.constant 2 : i32
          %add3A_322 = arith.addi %mul3A_320, %add3A_321 : i32
          %dma_start3A_323 = arith.constant 2 : i32
          %dma_start3A_324 = arith.constant 0 : i32
          %dma_start3A_325 = arith.constant 0 : i32
          %dma_start3A_326 = tpu.memref_slice %arg6[%dma_start3A_323, %dma_start3A_324, %dma_start3A_325] : memref<4x160x64xf32, #tpu.memory_space<vmem>> -> memref<1x160x64xf32, #tpu.memory_space<vmem>>
          %dma_start3A_327 = tpu.memref_squeeze %dma_start3A_326 : memref<1x160x64xf32, #tpu.memory_space<vmem>> -> memref<160x64xf32, #tpu.memory_space<vmem>>
          %dma_start3A_328 = arith.constant 0 : i32
          %dma_start3A_329 = tpu.memref_slice %dma_start3A_327[%add3A_322, %dma_start3A_328] : memref<160x64xf32, #tpu.memory_space<vmem>> -> memref<1x64xf32, #tpu.memory_space<vmem>>
          %dma_start3A_330 = arith.constant 0 : i32
          %dma_start3A_331 = tpu.memref_slice %arg3[%squeeze3A_318, %dma_start3A_330] : memref<1000001x64xf32, #tpu.memory_space<hbm>> -> memref<1x64xf32, #tpu.memory_space<hbm>>
          %dma_start3A_332 = arith.constant 0 : i32
          %dma_start3A_333 = arith.constant 0 : i32
          %dma_start3A_334 = tpu.memref_slice %arg6[%dma_start3A_323, %dma_start3A_332, %dma_start3A_333] : memref<4x160x64xf32, #tpu.memory_space<vmem>> -> memref<1x160x64xf32, #tpu.memory_space<vmem>>
          %dma_start3A_335 = tpu.memref_squeeze %dma_start3A_334 : memref<1x160x64xf32, #tpu.memory_space<vmem>> -> memref<160x64xf32, #tpu.memory_space<vmem>>
          %dma_start3A_336 = arith.constant 0 : i32
          %dma_start3A_337 = tpu.memref_slice %dma_start3A_335[%add3A_322, %dma_start3A_336] : memref<160x64xf32, #tpu.memory_space<vmem>> -> memref<1x64xf32, #tpu.memory_space<vmem>>
          %dma_start3A_338 = arith.constant 0 : i32
          %dma_start3A_339 = tpu.memref_slice %arg3[%squeeze3A_318, %dma_start3A_338] : memref<1000001x64xf32, #tpu.memory_space<hbm>> -> memref<1x64xf32, #tpu.memory_space<hbm>>
          tpu.enqueue_dma source(%dma_start3A_339 : memref<1x64xf32, #tpu.memory_space<hbm>>) target(%dma_start3A_337 : memref<1x64xf32, #tpu.memory_space<vmem>>) target_semaphore(%arg9 : memref<!tpu.dma_semaphore, #tpu.memory_space<semaphore_mem>>)
          %slice3A_340 = vector.extract_strided_slice %get3A_272 {offsets = [3], sizes = [1], strides = [1]} : vector<16xi32> to vector<1xi32>
          %squeeze3A_341 = vector.extract %slice3A_340[0] : i32 from vector<1xi32>
          %mul3A_342 = arith.constant 16 : i32
          %mul3A_343 = arith.muli %scan3A_265, %mul3A_342 : i32
          %add3A_344 = arith.constant 3 : i32
          %add3A_345 = arith.addi %mul3A_343, %add3A_344 : i32
          %dma_start3A_346 = arith.constant 2 : i32
          %dma_start3A_347 = arith.constant 0 : i32
          %dma_start3A_348 = arith.constant 0 : i32
          %dma_start3A_349 = tpu.memref_slice %arg6[%dma_start3A_346, %dma_start3A_347, %dma_start3A_348] : memref<4x160x64xf32, #tpu.memory_space<vmem>> -> memref<1x160x64xf32, #tpu.memory_space<vmem>>
          %dma_start3A_350 = tpu.memref_squeeze %dma_start3A_349 : memref<1x160x64xf32, #tpu.memory_space<vmem>> -> memref<160x64xf32, #tpu.memory_space<vmem>>
          %dma_start3A_351 = arith.constant 0 : i32
          %dma_start3A_352 = tpu.memref_slice %dma_start3A_350[%add3A_345, %dma_start3A_351] : memref<160x64xf32, #tpu.memory_space<vmem>> -> memref<1x64xf32, #tpu.memory_space<vmem>>
          %dma_start3A_353 = arith.constant 0 : i32
          %dma_start3A_354 = tpu.memref_slice %arg3[%squeeze3A_341, %dma_start3A_353] : memref<1000001x64xf32, #tpu.memory_space<hbm>> -> memref<1x64xf32, #tpu.memory_space<hbm>>
          %dma_start3A_355 = arith.constant 0 : i32
          %dma_start3A_356 = arith.constant 0 : i32
          %dma_start3A_357 = tpu.memref_slice %arg6[%dma_start3A_346, %dma_start3A_355, %dma_start3A_356] : memref<4x160x64xf32, #tpu.memory_space<vmem>> -> memref<1x160x64xf32, #tpu.memory_space<vmem>>
          %dma_start3A_358 = tpu.memref_squeeze %dma_start3A_357 : memref<1x160x64xf32, #tpu.memory_space<vmem>> -> memref<160x64xf32, #tpu.memory_space<vmem>>
          %dma_start3A_359 = arith.constant 0 : i32
          %dma_start3A_360 = tpu.memref_slice %dma_start3A_358[%add3A_345, %dma_start3A_359] : memref<160x64xf32, #tpu.memory_space<vmem>> -> memref<1x64xf32, #tpu.memory_space<vmem>>
          %dma_start3A_361 = arith.constant 0 : i32
          %dma_start3A_362 = tpu.memref_slice %arg3[%squeeze3A_341, %dma_start3A_361] : memref<1000001x64xf32, #tpu.memory_space<hbm>> -> memref<1x64xf32, #tpu.memory_space<hbm>>
          tpu.enqueue_dma source(%dma_start3A_362 : memref<1x64xf32, #tpu.memory_space<hbm>>) target(%dma_start3A_360 : memref<1x64xf32, #tpu.memory_space<vmem>>) target_semaphore(%arg9 : memref<!tpu.dma_semaphore, #tpu.memory_space<semaphore_mem>>)
          %slice3A_363 = vector.extract_strided_slice %get3A_272 {offsets = [4], sizes = [1], strides = [1]} : vector<16xi32> to vector<1xi32>
          %squeeze3A_364 = vector.extract %slice3A_363[0] : i32 from vector<1xi32>
          %mul3A_365 = arith.constant 16 : i32
          %mul3A_366 = arith.muli %scan3A_265, %mul3A_365 : i32
          %add3A_367 = arith.constant 4 : i32
          %add3A_368 = arith.addi %mul3A_366, %add3A_367 : i32
          %dma_start3A_369 = arith.constant 2 : i32
          %dma_start3A_370 = arith.constant 0 : i32
          %dma_start3A_371 = arith.constant 0 : i32
          %dma_start3A_372 = tpu.memref_slice %arg6[%dma_start3A_369, %dma_start3A_370, %dma_start3A_371] : memref<4x160x64xf32, #tpu.memory_space<vmem>> -> memref<1x160x64xf32, #tpu.memory_space<vmem>>
          %dma_start3A_373 = tpu.memref_squeeze %dma_start3A_372 : memref<1x160x64xf32, #tpu.memory_space<vmem>> -> memref<160x64xf32, #tpu.memory_space<vmem>>
          %dma_start3A_374 = arith.constant 0 : i32
          %dma_start3A_375 = tpu.memref_slice %dma_start3A_373[%add3A_368, %dma_start3A_374] : memref<160x64xf32, #tpu.memory_space<vmem>> -> memref<1x64xf32, #tpu.memory_space<vmem>>
          %dma_start3A_376 = arith.constant 0 : i32
          %dma_start3A_377 = tpu.memref_slice %arg3[%squeeze3A_364, %dma_start3A_376] : memref<1000001x64xf32, #tpu.memory_space<hbm>> -> memref<1x64xf32, #tpu.memory_space<hbm>>
          %dma_start3A_378 = arith.constant 0 : i32
          %dma_start3A_379 = arith.constant 0 : i32
          %dma_start3A_380 = tpu.memref_slice %arg6[%dma_start3A_369, %dma_start3A_378, %dma_start3A_379] : memref<4x160x64xf32, #tpu.memory_space<vmem>> -> memref<1x160x64xf32, #tpu.memory_space<vmem>>
          %dma_start3A_381 = tpu.memref_squeeze %dma_start3A_380 : memref<1x160x64xf32, #tpu.memory_space<vmem>> -> memref<160x64xf32, #tpu.memory_space<vmem>>
          %dma_start3A_382 = arith.constant 0 : i32
          %dma_start3A_383 = tpu.memref_slice %dma_start3A_381[%add3A_368, %dma_start3A_382] : memref<160x64xf32, #tpu.memory_space<vmem>> -> memref<1x64xf32, #tpu.memory_space<vmem>>
          %dma_start3A_384 = arith.constant 0 : i32
          %dma_start3A_385 = tpu.memref_slice %arg3[%squeeze3A_364, %dma_start3A_384] : memref<1000001x64xf32, #tpu.memory_space<hbm>> -> memref<1x64xf32, #tpu.memory_space<hbm>>
          tpu.enqueue_dma source(%dma_start3A_385 : memref<1x64xf32, #tpu.memory_space<hbm>>) target(%dma_start3A_383 : memref<1x64xf32, #tpu.memory_space<vmem>>) target_semaphore(%arg9 : memref<!tpu.dma_semaphore, #tpu.memory_space<semaphore_mem>>)
          %slice3A_386 = vector.extract_strided_slice %get3A_272 {offsets = [5], sizes = [1], strides = [1]} : vector<16xi32> to vector<1xi32>
          %squeeze3A_387 = vector.extract %slice3A_386[0] : i32 from vector<1xi32>
          %mul3A_388 = arith.constant 16 : i32
          %mul3A_389 = arith.muli %scan3A_265, %mul3A_388 : i32
          %add3A_390 = arith.constant 5 : i32
          %add3A_391 = arith.addi %mul3A_389, %add3A_390 : i32
          %dma_start3A_392 = arith.constant 2 : i32
          %dma_start3A_393 = arith.constant 0 : i32
          %dma_start3A_394 = arith.constant 0 : i32
          %dma_start3A_395 = tpu.memref_slice %arg6[%dma_start3A_392, %dma_start3A_393, %dma_start3A_394] : memref<4x160x64xf32, #tpu.memory_space<vmem>> -> memref<1x160x64xf32, #tpu.memory_space<vmem>>
          %dma_start3A_396 = tpu.memref_squeeze %dma_start3A_395 : memref<1x160x64xf32, #tpu.memory_space<vmem>> -> memref<160x64xf32, #tpu.memory_space<vmem>>
          %dma_start3A_397 = arith.constant 0 : i32
          %dma_start3A_398 = tpu.memref_slice %dma_start3A_396[%add3A_391, %dma_start3A_397] : memref<160x64xf32, #tpu.memory_space<vmem>> -> memref<1x64xf32, #tpu.memory_space<vmem>>
          %dma_start3A_399 = arith.constant 0 : i32
          %dma_start3A_400 = tpu.memref_slice %arg3[%squeeze3A_387, %dma_start3A_399] : memref<1000001x64xf32, #tpu.memory_space<hbm>> -> memref<1x64xf32, #tpu.memory_space<hbm>>
          %dma_start3A_401 = arith.constant 0 : i32
          %dma_start3A_402 = arith.constant 0 : i32
          %dma_start3A_403 = tpu.memref_slice %arg6[%dma_start3A_392, %dma_start3A_401, %dma_start3A_402] : memref<4x160x64xf32, #tpu.memory_space<vmem>> -> memref<1x160x64xf32, #tpu.memory_space<vmem>>
          %dma_start3A_404 = tpu.memref_squeeze %dma_start3A_403 : memref<1x160x64xf32, #tpu.memory_space<vmem>> -> memref<160x64xf32, #tpu.memory_space<vmem>>
          %dma_start3A_405 = arith.constant 0 : i32
          %dma_start3A_406 = tpu.memref_slice %dma_start3A_404[%add3A_391, %dma_start3A_405] : memref<160x64xf32, #tpu.memory_space<vmem>> -> memref<1x64xf32, #tpu.memory_space<vmem>>
          %dma_start3A_407 = arith.constant 0 : i32
          %dma_start3A_408 = tpu.memref_slice %arg3[%squeeze3A_387, %dma_start3A_407] : memref<1000001x64xf32, #tpu.memory_space<hbm>> -> memref<1x64xf32, #tpu.memory_space<hbm>>
          tpu.enqueue_dma source(%dma_start3A_408 : memref<1x64xf32, #tpu.memory_space<hbm>>) target(%dma_start3A_406 : memref<1x64xf32, #tpu.memory_space<vmem>>) target_semaphore(%arg9 : memref<!tpu.dma_semaphore, #tpu.memory_space<semaphore_mem>>)
          %slice3A_409 = vector.extract_strided_slice %get3A_272 {offsets = [6], sizes = [1], strides = [1]} : vector<16xi32> to vector<1xi32>
          %squeeze3A_410 = vector.extract %slice3A_409[0] : i32 from vector<1xi32>
          %mul3A_411 = arith.constant 16 : i32
          %mul3A_412 = arith.muli %scan3A_265, %mul3A_411 : i32
          %add3A_413 = arith.constant 6 : i32
          %add3A_414 = arith.addi %mul3A_412, %add3A_413 : i32
          %dma_start3A_415 = arith.constant 2 : i32
          %dma_start3A_416 = arith.constant 0 : i32
          %dma_start3A_417 = arith.constant 0 : i32
          %dma_start3A_418 = tpu.memref_slice %arg6[%dma_start3A_415, %dma_start3A_416, %dma_start3A_417] : memref<4x160x64xf32, #tpu.memory_space<vmem>> -> memref<1x160x64xf32, #tpu.memory_space<vmem>>
          %dma_start3A_419 = tpu.memref_squeeze %dma_start3A_418 : memref<1x160x64xf32, #tpu.memory_space<vmem>> -> memref<160x64xf32, #tpu.memory_space<vmem>>
          %dma_start3A_420 = arith.constant 0 : i32
          %dma_start3A_421 = tpu.memref_slice %dma_start3A_419[%add3A_414, %dma_start3A_420] : memref<160x64xf32, #tpu.memory_space<vmem>> -> memref<1x64xf32, #tpu.memory_space<vmem>>
          %dma_start3A_422 = arith.constant 0 : i32
          %dma_start3A_423 = tpu.memref_slice %arg3[%squeeze3A_410, %dma_start3A_422] : memref<1000001x64xf32, #tpu.memory_space<hbm>> -> memref<1x64xf32, #tpu.memory_space<hbm>>
          %dma_start3A_424 = arith.constant 0 : i32
          %dma_start3A_425 = arith.constant 0 : i32
          %dma_start3A_426 = tpu.memref_slice %arg6[%dma_start3A_415, %dma_start3A_424, %dma_start3A_425] : memref<4x160x64xf32, #tpu.memory_space<vmem>> -> memref<1x160x64xf32, #tpu.memory_space<vmem>>
          %dma_start3A_427 = tpu.memref_squeeze %dma_start3A_426 : memref<1x160x64xf32, #tpu.memory_space<vmem>> -> memref<160x64xf32, #tpu.memory_space<vmem>>
          %dma_start3A_428 = arith.constant 0 : i32
          %dma_start3A_429 = tpu.memref_slice %dma_start3A_427[%add3A_414, %dma_start3A_428] : memref<160x64xf32, #tpu.memory_space<vmem>> -> memref<1x64xf32, #tpu.memory_space<vmem>>
          %dma_start3A_430 = arith.constant 0 : i32
          %dma_start3A_431 = tpu.memref_slice %arg3[%squeeze3A_410, %dma_start3A_430] : memref<1000001x64xf32, #tpu.memory_space<hbm>> -> memref<1x64xf32, #tpu.memory_space<hbm>>
          tpu.enqueue_dma source(%dma_start3A_431 : memref<1x64xf32, #tpu.memory_space<hbm>>) target(%dma_start3A_429 : memref<1x64xf32, #tpu.memory_space<vmem>>) target_semaphore(%arg9 : memref<!tpu.dma_semaphore, #tpu.memory_space<semaphore_mem>>)
          %slice3A_432 = vector.extract_strided_slice %get3A_272 {offsets = [7], sizes = [1], strides = [1]} : vector<16xi32> to vector<1xi32>
          %squeeze3A_433 = vector.extract %slice3A_432[0] : i32 from vector<1xi32>
          %mul3A_434 = arith.constant 16 : i32
          %mul3A_435 = arith.muli %scan3A_265, %mul3A_434 : i32
          %add3A_436 = arith.constant 7 : i32
          %add3A_437 = arith.addi %mul3A_435, %add3A_436 : i32
          %dma_start3A_438 = arith.constant 2 : i32
          %dma_start3A_439 = arith.constant 0 : i32
          %dma_start3A_440 = arith.constant 0 : i32
          %dma_start3A_441 = tpu.memref_slice %arg6[%dma_start3A_438, %dma_start3A_439, %dma_start3A_440] : memref<4x160x64xf32, #tpu.memory_space<vmem>> -> memref<1x160x64xf32, #tpu.memory_space<vmem>>
          %dma_start3A_442 = tpu.memref_squeeze %dma_start3A_441 : memref<1x160x64xf32, #tpu.memory_space<vmem>> -> memref<160x64xf32, #tpu.memory_space<vmem>>
          %dma_start3A_443 = arith.constant 0 : i32
          %dma_start3A_444 = tpu.memref_slice %dma_start3A_442[%add3A_437, %dma_start3A_443] : memref<160x64xf32, #tpu.memory_space<vmem>> -> memref<1x64xf32, #tpu.memory_space<vmem>>
          %dma_start3A_445 = arith.constant 0 : i32
          %dma_start3A_446 = tpu.memref_slice %arg3[%squeeze3A_433, %dma_start3A_445] : memref<1000001x64xf32, #tpu.memory_space<hbm>> -> memref<1x64xf32, #tpu.memory_space<hbm>>
          %dma_start3A_447 = arith.constant 0 : i32
          %dma_start3A_448 = arith.constant 0 : i32
          %dma_start3A_449 = tpu.memref_slice %arg6[%dma_start3A_438, %dma_start3A_447, %dma_start3A_448] : memref<4x160x64xf32, #tpu.memory_space<vmem>> -> memref<1x160x64xf32, #tpu.memory_space<vmem>>
          %dma_start3A_450 = tpu.memref_squeeze %dma_start3A_449 : memref<1x160x64xf32, #tpu.memory_space<vmem>> -> memref<160x64xf32, #tpu.memory_space<vmem>>
          %dma_start3A_451 = arith.constant 0 : i32
          %dma_start3A_452 = tpu.memref_slice %dma_start3A_450[%add3A_437, %dma_start3A_451] : memref<160x64xf32, #tpu.memory_space<vmem>> -> memref<1x64xf32, #tpu.memory_space<vmem>>
          %dma_start3A_453 = arith.constant 0 : i32
          %dma_start3A_454 = tpu.memref_slice %arg3[%squeeze3A_433, %dma_start3A_453] : memref<1000001x64xf32, #tpu.memory_space<hbm>> -> memref<1x64xf32, #tpu.memory_space<hbm>>
          tpu.enqueue_dma source(%dma_start3A_454 : memref<1x64xf32, #tpu.memory_space<hbm>>) target(%dma_start3A_452 : memref<1x64xf32, #tpu.memory_space<vmem>>) target_semaphore(%arg9 : memref<!tpu.dma_semaphore, #tpu.memory_space<semaphore_mem>>)
          %slice3A_455 = vector.extract_strided_slice %get3A_272 {offsets = [8], sizes = [1], strides = [1]} : vector<16xi32> to vector<1xi32>
          %squeeze3A_456 = vector.extract %slice3A_455[0] : i32 from vector<1xi32>
          %mul3A_457 = arith.constant 16 : i32
          %mul3A_458 = arith.muli %scan3A_265, %mul3A_457 : i32
          %add3A_459 = arith.constant 8 : i32
          %add3A_460 = arith.addi %mul3A_458, %add3A_459 : i32
          %dma_start3A_461 = arith.constant 2 : i32
          %dma_start3A_462 = arith.constant 0 : i32
          %dma_start3A_463 = arith.constant 0 : i32
          %dma_start3A_464 = tpu.memref_slice %arg6[%dma_start3A_461, %dma_start3A_462, %dma_start3A_463] : memref<4x160x64xf32, #tpu.memory_space<vmem>> -> memref<1x160x64xf32, #tpu.memory_space<vmem>>
          %dma_start3A_465 = tpu.memref_squeeze %dma_start3A_464 : memref<1x160x64xf32, #tpu.memory_space<vmem>> -> memref<160x64xf32, #tpu.memory_space<vmem>>
          %dma_start3A_466 = arith.constant 0 : i32
          %dma_start3A_467 = tpu.memref_slice %dma_start3A_465[%add3A_460, %dma_start3A_466] : memref<160x64xf32, #tpu.memory_space<vmem>> -> memref<1x64xf32, #tpu.memory_space<vmem>>
          %dma_start3A_468 = arith.constant 0 : i32
          %dma_start3A_469 = tpu.memref_slice %arg3[%squeeze3A_456, %dma_start3A_468] : memref<1000001x64xf32, #tpu.memory_space<hbm>> -> memref<1x64xf32, #tpu.memory_space<hbm>>
          %dma_start3A_470 = arith.constant 0 : i32
          %dma_start3A_471 = arith.constant 0 : i32
          %dma_start3A_472 = tpu.memref_slice %arg6[%dma_start3A_461, %dma_start3A_470, %dma_start3A_471] : memref<4x160x64xf32, #tpu.memory_space<vmem>> -> memref<1x160x64xf32, #tpu.memory_space<vmem>>
          %dma_start3A_473 = tpu.memref_squeeze %dma_start3A_472 : memref<1x160x64xf32, #tpu.memory_space<vmem>> -> memref<160x64xf32, #tpu.memory_space<vmem>>
          %dma_start3A_474 = arith.constant 0 : i32
          %dma_start3A_475 = tpu.memref_slice %dma_start3A_473[%add3A_460, %dma_start3A_474] : memref<160x64xf32, #tpu.memory_space<vmem>> -> memref<1x64xf32, #tpu.memory_space<vmem>>
          %dma_start3A_476 = arith.constant 0 : i32
          %dma_start3A_477 = tpu.memref_slice %arg3[%squeeze3A_456, %dma_start3A_476] : memref<1000001x64xf32, #tpu.memory_space<hbm>> -> memref<1x64xf32, #tpu.memory_space<hbm>>
          tpu.enqueue_dma source(%dma_start3A_477 : memref<1x64xf32, #tpu.memory_space<hbm>>) target(%dma_start3A_475 : memref<1x64xf32, #tpu.memory_space<vmem>>) target_semaphore(%arg9 : memref<!tpu.dma_semaphore, #tpu.memory_space<semaphore_mem>>)
          %slice3A_478 = vector.extract_strided_slice %get3A_272 {offsets = [9], sizes = [1], strides = [1]} : vector<16xi32> to vector<1xi32>
          %squeeze3A_479 = vector.extract %slice3A_478[0] : i32 from vector<1xi32>
          %mul3A_480 = arith.constant 16 : i32
          %mul3A_481 = arith.muli %scan3A_265, %mul3A_480 : i32
          %add3A_482 = arith.constant 9 : i32
          %add3A_483 = arith.addi %mul3A_481, %add3A_482 : i32
          %dma_start3A_484 = arith.constant 2 : i32
          %dma_start3A_485 = arith.constant 0 : i32
          %dma_start3A_486 = arith.constant 0 : i32
          %dma_start3A_487 = tpu.memref_slice %arg6[%dma_start3A_484, %dma_start3A_485, %dma_start3A_486] : memref<4x160x64xf32, #tpu.memory_space<vmem>> -> memref<1x160x64xf32, #tpu.memory_space<vmem>>
          %dma_start3A_488 = tpu.memref_squeeze %dma_start3A_487 : memref<1x160x64xf32, #tpu.memory_space<vmem>> -> memref<160x64xf32, #tpu.memory_space<vmem>>
          %dma_start3A_489 = arith.constant 0 : i32
          %dma_start3A_490 = tpu.memref_slice %dma_start3A_488[%add3A_483, %dma_start3A_489] : memref<160x64xf32, #tpu.memory_space<vmem>> -> memref<1x64xf32, #tpu.memory_space<vmem>>
          %dma_start3A_491 = arith.constant 0 : i32
          %dma_start3A_492 = tpu.memref_slice %arg3[%squeeze3A_479, %dma_start3A_491] : memref<1000001x64xf32, #tpu.memory_space<hbm>> -> memref<1x64xf32, #tpu.memory_space<hbm>>
          %dma_start3A_493 = arith.constant 0 : i32
          %dma_start3A_494 = arith.constant 0 : i32
          %dma_start3A_495 = tpu.memref_slice %arg6[%dma_start3A_484, %dma_start3A_493, %dma_start3A_494] : memref<4x160x64xf32, #tpu.memory_space<vmem>> -> memref<1x160x64xf32, #tpu.memory_space<vmem>>
          %dma_start3A_496 = tpu.memref_squeeze %dma_start3A_495 : memref<1x160x64xf32, #tpu.memory_space<vmem>> -> memref<160x64xf32, #tpu.memory_space<vmem>>
          %dma_start3A_497 = arith.constant 0 : i32
          %dma_start3A_498 = tpu.memref_slice %dma_start3A_496[%add3A_483, %dma_start3A_497] : memref<160x64xf32, #tpu.memory_space<vmem>> -> memref<1x64xf32, #tpu.memory_space<vmem>>
          %dma_start3A_499 = arith.constant 0 : i32
          %dma_start3A_500 = tpu.memref_slice %arg3[%squeeze3A_479, %dma_start3A_499] : memref<1000001x64xf32, #tpu.memory_space<hbm>> -> memref<1x64xf32, #tpu.memory_space<hbm>>
          tpu.enqueue_dma source(%dma_start3A_500 : memref<1x64xf32, #tpu.memory_space<hbm>>) target(%dma_start3A_498 : memref<1x64xf32, #tpu.memory_space<vmem>>) target_semaphore(%arg9 : memref<!tpu.dma_semaphore, #tpu.memory_space<semaphore_mem>>)
          %slice3A_501 = vector.extract_strided_slice %get3A_272 {offsets = [10], sizes = [1], strides = [1]} : vector<16xi32> to vector<1xi32>
          %squeeze3A_502 = vector.extract %slice3A_501[0] : i32 from vector<1xi32>
          %mul3A_503 = arith.constant 16 : i32
          %mul3A_504 = arith.muli %scan3A_265, %mul3A_503 : i32
          %add3A_505 = arith.constant 10 : i32
          %add3A_506 = arith.addi %mul3A_504, %add3A_505 : i32
          %dma_start3A_507 = arith.constant 2 : i32
          %dma_start3A_508 = arith.constant 0 : i32
          %dma_start3A_509 = arith.constant 0 : i32
          %dma_start3A_510 = tpu.memref_slice %arg6[%dma_start3A_507, %dma_start3A_508, %dma_start3A_509] : memref<4x160x64xf32, #tpu.memory_space<vmem>> -> memref<1x160x64xf32, #tpu.memory_space<vmem>>
          %dma_start3A_511 = tpu.memref_squeeze %dma_start3A_510 : memref<1x160x64xf32, #tpu.memory_space<vmem>> -> memref<160x64xf32, #tpu.memory_space<vmem>>
          %dma_start3A_512 = arith.constant 0 : i32
          %dma_start3A_513 = tpu.memref_slice %dma_start3A_511[%add3A_506, %dma_start3A_512] : memref<160x64xf32, #tpu.memory_space<vmem>> -> memref<1x64xf32, #tpu.memory_space<vmem>>
          %dma_start3A_514 = arith.constant 0 : i32
          %dma_start3A_515 = tpu.memref_slice %arg3[%squeeze3A_502, %dma_start3A_514] : memref<1000001x64xf32, #tpu.memory_space<hbm>> -> memref<1x64xf32, #tpu.memory_space<hbm>>
          %dma_start3A_516 = arith.constant 0 : i32
          %dma_start3A_517 = arith.constant 0 : i32
          %dma_start3A_518 = tpu.memref_slice %arg6[%dma_start3A_507, %dma_start3A_516, %dma_start3A_517] : memref<4x160x64xf32, #tpu.memory_space<vmem>> -> memref<1x160x64xf32, #tpu.memory_space<vmem>>
          %dma_start3A_519 = tpu.memref_squeeze %dma_start3A_518 : memref<1x160x64xf32, #tpu.memory_space<vmem>> -> memref<160x64xf32, #tpu.memory_space<vmem>>
          %dma_start3A_520 = arith.constant 0 : i32
          %dma_start3A_521 = tpu.memref_slice %dma_start3A_519[%add3A_506, %dma_start3A_520] : memref<160x64xf32, #tpu.memory_space<vmem>> -> memref<1x64xf32, #tpu.memory_space<vmem>>
          %dma_start3A_522 = arith.constant 0 : i32
          %dma_start3A_523 = tpu.memref_slice %arg3[%squeeze3A_502, %dma_start3A_522] : memref<1000001x64xf32, #tpu.memory_space<hbm>> -> memref<1x64xf32, #tpu.memory_space<hbm>>
          tpu.enqueue_dma source(%dma_start3A_523 : memref<1x64xf32, #tpu.memory_space<hbm>>) target(%dma_start3A_521 : memref<1x64xf32, #tpu.memory_space<vmem>>) target_semaphore(%arg9 : memref<!tpu.dma_semaphore, #tpu.memory_space<semaphore_mem>>)
          %slice3A_524 = vector.extract_strided_slice %get3A_272 {offsets = [11], sizes = [1], strides = [1]} : vector<16xi32> to vector<1xi32>
          %squeeze3A_525 = vector.extract %slice3A_524[0] : i32 from vector<1xi32>
          %mul3A_526 = arith.constant 16 : i32
          %mul3A_527 = arith.muli %scan3A_265, %mul3A_526 : i32
          %add3A_528 = arith.constant 11 : i32
          %add3A_529 = arith.addi %mul3A_527, %add3A_528 : i32
          %dma_start3A_530 = arith.constant 2 : i32
          %dma_start3A_531 = arith.constant 0 : i32
          %dma_start3A_532 = arith.constant 0 : i32
          %dma_start3A_533 = tpu.memref_slice %arg6[%dma_start3A_530, %dma_start3A_531, %dma_start3A_532] : memref<4x160x64xf32, #tpu.memory_space<vmem>> -> memref<1x160x64xf32, #tpu.memory_space<vmem>>
          %dma_start3A_534 = tpu.memref_squeeze %dma_start3A_533 : memref<1x160x64xf32, #tpu.memory_space<vmem>> -> memref<160x64xf32, #tpu.memory_space<vmem>>
          %dma_start3A_535 = arith.constant 0 : i32
          %dma_start3A_536 = tpu.memref_slice %dma_start3A_534[%add3A_529, %dma_start3A_535] : memref<160x64xf32, #tpu.memory_space<vmem>> -> memref<1x64xf32, #tpu.memory_space<vmem>>
          %dma_start3A_537 = arith.constant 0 : i32
          %dma_start3A_538 = tpu.memref_slice %arg3[%squeeze3A_525, %dma_start3A_537] : memref<1000001x64xf32, #tpu.memory_space<hbm>> -> memref<1x64xf32, #tpu.memory_space<hbm>>
          %dma_start3A_539 = arith.constant 0 : i32
          %dma_start3A_540 = arith.constant 0 : i32
          %dma_start3A_541 = tpu.memref_slice %arg6[%dma_start3A_530, %dma_start3A_539, %dma_start3A_540] : memref<4x160x64xf32, #tpu.memory_space<vmem>> -> memref<1x160x64xf32, #tpu.memory_space<vmem>>
          %dma_start3A_542 = tpu.memref_squeeze %dma_start3A_541 : memref<1x160x64xf32, #tpu.memory_space<vmem>> -> memref<160x64xf32, #tpu.memory_space<vmem>>
          %dma_start3A_543 = arith.constant 0 : i32
          %dma_start3A_544 = tpu.memref_slice %dma_start3A_542[%add3A_529, %dma_start3A_543] : memref<160x64xf32, #tpu.memory_space<vmem>> -> memref<1x64xf32, #tpu.memory_space<vmem>>
          %dma_start3A_545 = arith.constant 0 : i32
          %dma_start3A_546 = tpu.memref_slice %arg3[%squeeze3A_525, %dma_start3A_545] : memref<1000001x64xf32, #tpu.memory_space<hbm>> -> memref<1x64xf32, #tpu.memory_space<hbm>>
          tpu.enqueue_dma source(%dma_start3A_546 : memref<1x64xf32, #tpu.memory_space<hbm>>) target(%dma_start3A_544 : memref<1x64xf32, #tpu.memory_space<vmem>>) target_semaphore(%arg9 : memref<!tpu.dma_semaphore, #tpu.memory_space<semaphore_mem>>)
          %slice3A_547 = vector.extract_strided_slice %get3A_272 {offsets = [12], sizes = [1], strides = [1]} : vector<16xi32> to vector<1xi32>
          %squeeze3A_548 = vector.extract %slice3A_547[0] : i32 from vector<1xi32>
          %mul3A_549 = arith.constant 16 : i32
          %mul3A_550 = arith.muli %scan3A_265, %mul3A_549 : i32
          %add3A_551 = arith.constant 12 : i32
          %add3A_552 = arith.addi %mul3A_550, %add3A_551 : i32
          %dma_start3A_553 = arith.constant 2 : i32
          %dma_start3A_554 = arith.constant 0 : i32
          %dma_start3A_555 = arith.constant 0 : i32
          %dma_start3A_556 = tpu.memref_slice %arg6[%dma_start3A_553, %dma_start3A_554, %dma_start3A_555] : memref<4x160x64xf32, #tpu.memory_space<vmem>> -> memref<1x160x64xf32, #tpu.memory_space<vmem>>
          %dma_start3A_557 = tpu.memref_squeeze %dma_start3A_556 : memref<1x160x64xf32, #tpu.memory_space<vmem>> -> memref<160x64xf32, #tpu.memory_space<vmem>>
          %dma_start3A_558 = arith.constant 0 : i32
          %dma_start3A_559 = tpu.memref_slice %dma_start3A_557[%add3A_552, %dma_start3A_558] : memref<160x64xf32, #tpu.memory_space<vmem>> -> memref<1x64xf32, #tpu.memory_space<vmem>>
          %dma_start3A_560 = arith.constant 0 : i32
          %dma_start3A_561 = tpu.memref_slice %arg3[%squeeze3A_548, %dma_start3A_560] : memref<1000001x64xf32, #tpu.memory_space<hbm>> -> memref<1x64xf32, #tpu.memory_space<hbm>>
          %dma_start3A_562 = arith.constant 0 : i32
          %dma_start3A_563 = arith.constant 0 : i32
          %dma_start3A_564 = tpu.memref_slice %arg6[%dma_start3A_553, %dma_start3A_562, %dma_start3A_563] : memref<4x160x64xf32, #tpu.memory_space<vmem>> -> memref<1x160x64xf32, #tpu.memory_space<vmem>>
          %dma_start3A_565 = tpu.memref_squeeze %dma_start3A_564 : memref<1x160x64xf32, #tpu.memory_space<vmem>> -> memref<160x64xf32, #tpu.memory_space<vmem>>
          %dma_start3A_566 = arith.constant 0 : i32
          %dma_start3A_567 = tpu.memref_slice %dma_start3A_565[%add3A_552, %dma_start3A_566] : memref<160x64xf32, #tpu.memory_space<vmem>> -> memref<1x64xf32, #tpu.memory_space<vmem>>
          %dma_start3A_568 = arith.constant 0 : i32
          %dma_start3A_569 = tpu.memref_slice %arg3[%squeeze3A_548, %dma_start3A_568] : memref<1000001x64xf32, #tpu.memory_space<hbm>> -> memref<1x64xf32, #tpu.memory_space<hbm>>
          tpu.enqueue_dma source(%dma_start3A_569 : memref<1x64xf32, #tpu.memory_space<hbm>>) target(%dma_start3A_567 : memref<1x64xf32, #tpu.memory_space<vmem>>) target_semaphore(%arg9 : memref<!tpu.dma_semaphore, #tpu.memory_space<semaphore_mem>>)
          %slice3A_570 = vector.extract_strided_slice %get3A_272 {offsets = [13], sizes = [1], strides = [1]} : vector<16xi32> to vector<1xi32>
          %squeeze3A_571 = vector.extract %slice3A_570[0] : i32 from vector<1xi32>
          %mul3A_572 = arith.constant 16 : i32
          %mul3A_573 = arith.muli %scan3A_265, %mul3A_572 : i32
          %add3A_574 = arith.constant 13 : i32
          %add3A_575 = arith.addi %mul3A_573, %add3A_574 : i32
          %dma_start3A_576 = arith.constant 2 : i32
          %dma_start3A_577 = arith.constant 0 : i32
          %dma_start3A_578 = arith.constant 0 : i32
          %dma_start3A_579 = tpu.memref_slice %arg6[%dma_start3A_576, %dma_start3A_577, %dma_start3A_578] : memref<4x160x64xf32, #tpu.memory_space<vmem>> -> memref<1x160x64xf32, #tpu.memory_space<vmem>>
          %dma_start3A_580 = tpu.memref_squeeze %dma_start3A_579 : memref<1x160x64xf32, #tpu.memory_space<vmem>> -> memref<160x64xf32, #tpu.memory_space<vmem>>
          %dma_start3A_581 = arith.constant 0 : i32
          %dma_start3A_582 = tpu.memref_slice %dma_start3A_580[%add3A_575, %dma_start3A_581] : memref<160x64xf32, #tpu.memory_space<vmem>> -> memref<1x64xf32, #tpu.memory_space<vmem>>
          %dma_start3A_583 = arith.constant 0 : i32
          %dma_start3A_584 = tpu.memref_slice %arg3[%squeeze3A_571, %dma_start3A_583] : memref<1000001x64xf32, #tpu.memory_space<hbm>> -> memref<1x64xf32, #tpu.memory_space<hbm>>
          %dma_start3A_585 = arith.constant 0 : i32
          %dma_start3A_586 = arith.constant 0 : i32
          %dma_start3A_587 = tpu.memref_slice %arg6[%dma_start3A_576, %dma_start3A_585, %dma_start3A_586] : memref<4x160x64xf32, #tpu.memory_space<vmem>> -> memref<1x160x64xf32, #tpu.memory_space<vmem>>
          %dma_start3A_588 = tpu.memref_squeeze %dma_start3A_587 : memref<1x160x64xf32, #tpu.memory_space<vmem>> -> memref<160x64xf32, #tpu.memory_space<vmem>>
          %dma_start3A_589 = arith.constant 0 : i32
          %dma_start3A_590 = tpu.memref_slice %dma_start3A_588[%add3A_575, %dma_start3A_589] : memref<160x64xf32, #tpu.memory_space<vmem>> -> memref<1x64xf32, #tpu.memory_space<vmem>>
          %dma_start3A_591 = arith.constant 0 : i32
          %dma_start3A_592 = tpu.memref_slice %arg3[%squeeze3A_571, %dma_start3A_591] : memref<1000001x64xf32, #tpu.memory_space<hbm>> -> memref<1x64xf32, #tpu.memory_space<hbm>>
          tpu.enqueue_dma source(%dma_start3A_592 : memref<1x64xf32, #tpu.memory_space<hbm>>) target(%dma_start3A_590 : memref<1x64xf32, #tpu.memory_space<vmem>>) target_semaphore(%arg9 : memref<!tpu.dma_semaphore, #tpu.memory_space<semaphore_mem>>)
          %slice3A_593 = vector.extract_strided_slice %get3A_272 {offsets = [14], sizes = [1], strides = [1]} : vector<16xi32> to vector<1xi32>
          %squeeze3A_594 = vector.extract %slice3A_593[0] : i32 from vector<1xi32>
          %mul3A_595 = arith.constant 16 : i32
          %mul3A_596 = arith.muli %scan3A_265, %mul3A_595 : i32
          %add3A_597 = arith.constant 14 : i32
          %add3A_598 = arith.addi %mul3A_596, %add3A_597 : i32
          %dma_start3A_599 = arith.constant 2 : i32
          %dma_start3A_600 = arith.constant 0 : i32
          %dma_start3A_601 = arith.constant 0 : i32
          %dma_start3A_602 = tpu.memref_slice %arg6[%dma_start3A_599, %dma_start3A_600, %dma_start3A_601] : memref<4x160x64xf32, #tpu.memory_space<vmem>> -> memref<1x160x64xf32, #tpu.memory_space<vmem>>
          %dma_start3A_603 = tpu.memref_squeeze %dma_start3A_602 : memref<1x160x64xf32, #tpu.memory_space<vmem>> -> memref<160x64xf32, #tpu.memory_space<vmem>>
          %dma_start3A_604 = arith.constant 0 : i32
          %dma_start3A_605 = tpu.memref_slice %dma_start3A_603[%add3A_598, %dma_start3A_604] : memref<160x64xf32, #tpu.memory_space<vmem>> -> memref<1x64xf32, #tpu.memory_space<vmem>>
          %dma_start3A_606 = arith.constant 0 : i32
          %dma_start3A_607 = tpu.memref_slice %arg3[%squeeze3A_594, %dma_start3A_606] : memref<1000001x64xf32, #tpu.memory_space<hbm>> -> memref<1x64xf32, #tpu.memory_space<hbm>>
          %dma_start3A_608 = arith.constant 0 : i32
          %dma_start3A_609 = arith.constant 0 : i32
          %dma_start3A_610 = tpu.memref_slice %arg6[%dma_start3A_599, %dma_start3A_608, %dma_start3A_609] : memref<4x160x64xf32, #tpu.memory_space<vmem>> -> memref<1x160x64xf32, #tpu.memory_space<vmem>>
          %dma_start3A_611 = tpu.memref_squeeze %dma_start3A_610 : memref<1x160x64xf32, #tpu.memory_space<vmem>> -> memref<160x64xf32, #tpu.memory_space<vmem>>
          %dma_start3A_612 = arith.constant 0 : i32
          %dma_start3A_613 = tpu.memref_slice %dma_start3A_611[%add3A_598, %dma_start3A_612] : memref<160x64xf32, #tpu.memory_space<vmem>> -> memref<1x64xf32, #tpu.memory_space<vmem>>
          %dma_start3A_614 = arith.constant 0 : i32
          %dma_start3A_615 = tpu.memref_slice %arg3[%squeeze3A_594, %dma_start3A_614] : memref<1000001x64xf32, #tpu.memory_space<hbm>> -> memref<1x64xf32, #tpu.memory_space<hbm>>
          tpu.enqueue_dma source(%dma_start3A_615 : memref<1x64xf32, #tpu.memory_space<hbm>>) target(%dma_start3A_613 : memref<1x64xf32, #tpu.memory_space<vmem>>) target_semaphore(%arg9 : memref<!tpu.dma_semaphore, #tpu.memory_space<semaphore_mem>>)
          %slice3A_616 = vector.extract_strided_slice %get3A_272 {offsets = [15], sizes = [1], strides = [1]} : vector<16xi32> to vector<1xi32>
          %squeeze3A_617 = vector.extract %slice3A_616[0] : i32 from vector<1xi32>
          %mul3A_618 = arith.constant 16 : i32
          %mul3A_619 = arith.muli %scan3A_265, %mul3A_618 : i32
          %add3A_620 = arith.constant 15 : i32
          %add3A_621 = arith.addi %mul3A_619, %add3A_620 : i32
          %dma_start3A_622 = arith.constant 2 : i32
          %dma_start3A_623 = arith.constant 0 : i32
          %dma_start3A_624 = arith.constant 0 : i32
          %dma_start3A_625 = tpu.memref_slice %arg6[%dma_start3A_622, %dma_start3A_623, %dma_start3A_624] : memref<4x160x64xf32, #tpu.memory_space<vmem>> -> memref<1x160x64xf32, #tpu.memory_space<vmem>>
          %dma_start3A_626 = tpu.memref_squeeze %dma_start3A_625 : memref<1x160x64xf32, #tpu.memory_space<vmem>> -> memref<160x64xf32, #tpu.memory_space<vmem>>
          %dma_start3A_627 = arith.constant 0 : i32
          %dma_start3A_628 = tpu.memref_slice %dma_start3A_626[%add3A_621, %dma_start3A_627] : memref<160x64xf32, #tpu.memory_space<vmem>> -> memref<1x64xf32, #tpu.memory_space<vmem>>
          %dma_start3A_629 = arith.constant 0 : i32
          %dma_start3A_630 = tpu.memref_slice %arg3[%squeeze3A_617, %dma_start3A_629] : memref<1000001x64xf32, #tpu.memory_space<hbm>> -> memref<1x64xf32, #tpu.memory_space<hbm>>
          %dma_start3A_631 = arith.constant 0 : i32
          %dma_start3A_632 = arith.constant 0 : i32
          %dma_start3A_633 = tpu.memref_slice %arg6[%dma_start3A_622, %dma_start3A_631, %dma_start3A_632] : memref<4x160x64xf32, #tpu.memory_space<vmem>> -> memref<1x160x64xf32, #tpu.memory_space<vmem>>
          %dma_start3A_634 = tpu.memref_squeeze %dma_start3A_633 : memref<1x160x64xf32, #tpu.memory_space<vmem>> -> memref<160x64xf32, #tpu.memory_space<vmem>>
          %dma_start3A_635 = arith.constant 0 : i32
          %dma_start3A_636 = tpu.memref_slice %dma_start3A_634[%add3A_621, %dma_start3A_635] : memref<160x64xf32, #tpu.memory_space<vmem>> -> memref<1x64xf32, #tpu.memory_space<vmem>>
          %dma_start3A_637 = arith.constant 0 : i32
          %dma_start3A_638 = tpu.memref_slice %arg3[%squeeze3A_617, %dma_start3A_637] : memref<1000001x64xf32, #tpu.memory_space<hbm>> -> memref<1x64xf32, #tpu.memory_space<hbm>>
          tpu.enqueue_dma source(%dma_start3A_638 : memref<1x64xf32, #tpu.memory_space<hbm>>) target(%dma_start3A_636 : memref<1x64xf32, #tpu.memory_space<vmem>>) target_semaphore(%arg9 : memref<!tpu.dma_semaphore, #tpu.memory_space<semaphore_mem>>)
        }
        %scan3A_264 = arith.constant 10 : i32
      } else {
      }
      %dma_wait3A_200 = arith.constant 3 : i32
      %dma_wait3A_201 = arith.constant 0 : i32
      %dma_wait3A_202 = arith.constant 0 : i32
      %dma_wait3A_203 = tpu.memref_slice %arg6[%dma_wait3A_200, %dma_wait3A_201, %dma_wait3A_202] : memref<4x160x64xf32, #tpu.memory_space<vmem>> -> memref<1x160x64xf32, #tpu.memory_space<vmem>>
      %dma_wait3A_204 = tpu.memref_squeeze %dma_wait3A_203 : memref<1x160x64xf32, #tpu.memory_space<vmem>> -> memref<160x64xf32, #tpu.memory_space<vmem>>
      %dma_wait3A_205 = arith.constant 0 : i32
      %dma_wait3A_206 = arith.constant 0 : i32
      %dma_wait3A_207 = tpu.memref_slice %arg3[%dma_wait3A_205, %dma_wait3A_206] : memref<1000001x64xf32, #tpu.memory_space<hbm>> -> memref<160x64xf32, #tpu.memory_space<hbm>>
      %dma_wait3A_208 = arith.constant 0 : i32
      %dma_wait3A_209 = arith.constant 0 : i32
      %dma_wait3A_210 = tpu.memref_slice %arg6[%dma_wait3A_200, %dma_wait3A_208, %dma_wait3A_209] : memref<4x160x64xf32, #tpu.memory_space<vmem>> -> memref<1x160x64xf32, #tpu.memory_space<vmem>>
      %dma_wait3A_211 = tpu.memref_squeeze %dma_wait3A_210 : memref<1x160x64xf32, #tpu.memory_space<vmem>> -> memref<160x64xf32, #tpu.memory_space<vmem>>
      %dma_wait3A_212 = arith.constant 0 : i32
      %dma_wait3A_213 = arith.constant 0 : i32
      %dma_wait3A_214 = tpu.memref_slice %arg3[%dma_wait3A_212, %dma_wait3A_213] : memref<1000001x64xf32, #tpu.memory_space<hbm>> -> memref<160x64xf32, #tpu.memory_space<hbm>>
      tpu.wait_dma2 semaphore(%arg10 : memref<!tpu.dma_semaphore, #tpu.memory_space<semaphore_mem>>) src(%dma_wait3A_214 : memref<160x64xf32, #tpu.memory_space<hbm>>) dst(%dma_wait3A_211 : memref<160x64xf32, #tpu.memory_space<vmem>>)
      %mul3A_215 = arith.constant 4 : i32
      %mul3A_216 = arith.muli %mul3A_215, %scan3A_83 : i32
      %add3A_217 = arith.constant 3 : i32
      %add3A_218 = arith.addi %mul3A_216, %add3A_217 : i32
      %mul3A_219 = arith.constant 160 : i32
      %mul3A_220 = arith.muli %add3A_218, %mul3A_219 : i32
      %add3A_221 = arith.addi %mul3A_2, %mul3A_220 : i32
      %dma_start3A_222 = arith.constant 3 : i32
      %dma_start3A_223 = arith.constant 0 : i32
      %dma_start3A_224 = arith.constant 0 : i32
      %dma_start3A_225 = tpu.memref_slice %arg6[%dma_start3A_222, %dma_start3A_223, %dma_start3A_224] : memref<4x160x64xf32, #tpu.memory_space<vmem>> -> memref<1x160x64xf32, #tpu.memory_space<vmem>>
      %dma_start3A_226 = tpu.memref_squeeze %dma_start3A_225 : memref<1x160x64xf32, #tpu.memory_space<vmem>> -> memref<160x64xf32, #tpu.memory_space<vmem>>
      %dma_start3A_227 = arith.constant 0 : i32
      %dma_start3A_228 = tpu.memref_slice %arg4[%add3A_221, %dma_start3A_227] : memref<819200x64xf32, #tpu.memory_space<hbm>> -> memref<160x64xf32, #tpu.memory_space<hbm>>
      %dma_start3A_229 = arith.constant 0 : i32
      %dma_start3A_230 = tpu.memref_slice %arg4[%add3A_221, %dma_start3A_229] : memref<819200x64xf32, #tpu.memory_space<hbm>> -> memref<160x64xf32, #tpu.memory_space<hbm>>
      %dma_start3A_231 = arith.constant 0 : i32
      %dma_start3A_232 = arith.constant 0 : i32
      %dma_start3A_233 = tpu.memref_slice %arg6[%dma_start3A_222, %dma_start3A_231, %dma_start3A_232] : memref<4x160x64xf32, #tpu.memory_space<vmem>> -> memref<1x160x64xf32, #tpu.memory_space<vmem>>
      %dma_start3A_234 = tpu.memref_squeeze %dma_start3A_233 : memref<1x160x64xf32, #tpu.memory_space<vmem>> -> memref<160x64xf32, #tpu.memory_space<vmem>>
      tpu.enqueue_dma source(%dma_start3A_234 : memref<160x64xf32, #tpu.memory_space<vmem>>) target(%dma_start3A_230 : memref<160x64xf32, #tpu.memory_space<hbm>>) target_semaphore(%arg14 : memref<!tpu.dma_semaphore, #tpu.memory_space<semaphore_mem>>)
      %lt3A_235 = arith.constant 39 : i32
      %lt3A_236 = arith.cmpi slt, %scan3A_83, %lt3A_235 : i32
      %convert_element_type3A_237 = arith.extui %lt3A_236 : i1 to i32
      %cond3A_238 = arith.constant 0 : i32
      %cond3A_239 = arith.cmpi ne, %convert_element_type3A_237, %cond3A_238 : i32
      scf.if %cond3A_239 {
        %dma_wait3A_240 = arith.constant 3 : i32
        %dma_wait3A_241 = arith.constant 0 : i32
        %dma_wait3A_242 = arith.constant 0 : i32
        %dma_wait3A_243 = tpu.memref_slice %arg6[%dma_wait3A_240, %dma_wait3A_241, %dma_wait3A_242] : memref<4x160x64xf32, #tpu.memory_space<vmem>> -> memref<1x160x64xf32, #tpu.memory_space<vmem>>
        %dma_wait3A_244 = tpu.memref_squeeze %dma_wait3A_243 : memref<1x160x64xf32, #tpu.memory_space<vmem>> -> memref<160x64xf32, #tpu.memory_space<vmem>>
        %dma_wait3A_245 = arith.constant 0 : i32
        %dma_wait3A_246 = tpu.memref_slice %arg4[%mul3A_2, %dma_wait3A_245] : memref<819200x64xf32, #tpu.memory_space<hbm>> -> memref<160x64xf32, #tpu.memory_space<hbm>>
        %dma_wait3A_247 = arith.constant 0 : i32
        %dma_wait3A_248 = tpu.memref_slice %arg4[%mul3A_2, %dma_wait3A_247] : memref<819200x64xf32, #tpu.memory_space<hbm>> -> memref<160x64xf32, #tpu.memory_space<hbm>>
        %dma_wait3A_249 = arith.constant 0 : i32
        %dma_wait3A_250 = arith.constant 0 : i32
        %dma_wait3A_251 = tpu.memref_slice %arg6[%dma_wait3A_240, %dma_wait3A_249, %dma_wait3A_250] : memref<4x160x64xf32, #tpu.memory_space<vmem>> -> memref<1x160x64xf32, #tpu.memory_space<vmem>>
        %dma_wait3A_252 = tpu.memref_squeeze %dma_wait3A_251 : memref<1x160x64xf32, #tpu.memory_space<vmem>> -> memref<160x64xf32, #tpu.memory_space<vmem>>
        tpu.wait_dma2 semaphore(%arg14 : memref<!tpu.dma_semaphore, #tpu.memory_space<semaphore_mem>>) src(%dma_wait3A_252 : memref<160x64xf32, #tpu.memory_space<vmem>>) dst(%dma_wait3A_248 : memref<160x64xf32, #tpu.memory_space<hbm>>)
        %add3A_253 = arith.constant 1 : i32
        %add3A_254 = arith.addi %scan3A_83, %add3A_253 : i32
        %mul3A_255 = arith.constant 4 : i32
        %mul3A_256 = arith.muli %mul3A_255, %add3A_254 : i32
        %add3A_257 = arith.constant 3 : i32
        %add3A_258 = arith.addi %mul3A_256, %add3A_257 : i32
        %scan3A_259 = arith.constant 0 : i32
        %scan3A_260 = arith.constant 0 : i32
        %scan3A_261 = arith.constant 10 : i32
        %scan3A_262 = arith.addi %scan3A_260, %scan3A_261 : i32
        %scan3A_263 = arith.constant 1 : i32
        scf.for %scan3A_265 = %scan3A_260 to %scan3A_262 step %scan3A_263  : i32 {
          %mul3A_266 = arith.constant 160 : i32
          %mul3A_267 = arith.muli %add3A_258, %mul3A_266 : i32
          %mul3A_268 = arith.constant 16 : i32
          %mul3A_269 = arith.muli %scan3A_265, %mul3A_268 : i32
          %add3A_270 = arith.addi %mul3A_267, %mul3A_269 : i32
          %get3A = arith.index_cast %add3A_270 : i32 to index
          %get3A_271 = tpu.vector_load %arg5[%get3A] {strides = array<i32>} : memref<25600xi32, #tpu.memory_space<vmem>>, vector<16xi32>,
          %get3A_272 = vector.shape_cast %get3A_271 : vector<16xi32> to vector<16xi32>
          %slice3A = vector.extract_strided_slice %get3A_272 {offsets = [0], sizes = [1], strides = [1]} : vector<16xi32> to vector<1xi32>
          %squeeze3A = vector.extract %slice3A[0] : i32 from vector<1xi32>
          %mul3A_273 = arith.constant 16 : i32
          %mul3A_274 = arith.muli %scan3A_265, %mul3A_273 : i32
          %add3A_275 = arith.constant 0 : i32
          %add3A_276 = arith.addi %mul3A_274, %add3A_275 : i32
          %dma_start3A_277 = arith.constant 3 : i32
          %dma_start3A_278 = arith.constant 0 : i32
          %dma_start3A_279 = arith.constant 0 : i32
          %dma_start3A_280 = tpu.memref_slice %arg6[%dma_start3A_277, %dma_start3A_278, %dma_start3A_279] : memref<4x160x64xf32, #tpu.memory_space<vmem>> -> memref<1x160x64xf32, #tpu.memory_space<vmem>>
          %dma_start3A_281 = tpu.memref_squeeze %dma_start3A_280 : memref<1x160x64xf32, #tpu.memory_space<vmem>> -> memref<160x64xf32, #tpu.memory_space<vmem>>
          %dma_start3A_282 = arith.constant 0 : i32
          %dma_start3A_283 = tpu.memref_slice %dma_start3A_281[%add3A_276, %dma_start3A_282] : memref<160x64xf32, #tpu.memory_space<vmem>> -> memref<1x64xf32, #tpu.memory_space<vmem>>
          %dma_start3A_284 = arith.constant 0 : i32
          %dma_start3A_285 = tpu.memref_slice %arg3[%squeeze3A, %dma_start3A_284] : memref<1000001x64xf32, #tpu.memory_space<hbm>> -> memref<1x64xf32, #tpu.memory_space<hbm>>
          %dma_start3A_286 = arith.constant 0 : i32
          %dma_start3A_287 = arith.constant 0 : i32
          %dma_start3A_288 = tpu.memref_slice %arg6[%dma_start3A_277, %dma_start3A_286, %dma_start3A_287] : memref<4x160x64xf32, #tpu.memory_space<vmem>> -> memref<1x160x64xf32, #tpu.memory_space<vmem>>
          %dma_start3A_289 = tpu.memref_squeeze %dma_start3A_288 : memref<1x160x64xf32, #tpu.memory_space<vmem>> -> memref<160x64xf32, #tpu.memory_space<vmem>>
          %dma_start3A_290 = arith.constant 0 : i32
          %dma_start3A_291 = tpu.memref_slice %dma_start3A_289[%add3A_276, %dma_start3A_290] : memref<160x64xf32, #tpu.memory_space<vmem>> -> memref<1x64xf32, #tpu.memory_space<vmem>>
          %dma_start3A_292 = arith.constant 0 : i32
          %dma_start3A_293 = tpu.memref_slice %arg3[%squeeze3A, %dma_start3A_292] : memref<1000001x64xf32, #tpu.memory_space<hbm>> -> memref<1x64xf32, #tpu.memory_space<hbm>>
          tpu.enqueue_dma source(%dma_start3A_293 : memref<1x64xf32, #tpu.memory_space<hbm>>) target(%dma_start3A_291 : memref<1x64xf32, #tpu.memory_space<vmem>>) target_semaphore(%arg10 : memref<!tpu.dma_semaphore, #tpu.memory_space<semaphore_mem>>)
          %slice3A_294 = vector.extract_strided_slice %get3A_272 {offsets = [1], sizes = [1], strides = [1]} : vector<16xi32> to vector<1xi32>
          %squeeze3A_295 = vector.extract %slice3A_294[0] : i32 from vector<1xi32>
          %mul3A_296 = arith.constant 16 : i32
          %mul3A_297 = arith.muli %scan3A_265, %mul3A_296 : i32
          %add3A_298 = arith.constant 1 : i32
          %add3A_299 = arith.addi %mul3A_297, %add3A_298 : i32
          %dma_start3A_300 = arith.constant 3 : i32
          %dma_start3A_301 = arith.constant 0 : i32
          %dma_start3A_302 = arith.constant 0 : i32
          %dma_start3A_303 = tpu.memref_slice %arg6[%dma_start3A_300, %dma_start3A_301, %dma_start3A_302] : memref<4x160x64xf32, #tpu.memory_space<vmem>> -> memref<1x160x64xf32, #tpu.memory_space<vmem>>
          %dma_start3A_304 = tpu.memref_squeeze %dma_start3A_303 : memref<1x160x64xf32, #tpu.memory_space<vmem>> -> memref<160x64xf32, #tpu.memory_space<vmem>>
          %dma_start3A_305 = arith.constant 0 : i32
          %dma_start3A_306 = tpu.memref_slice %dma_start3A_304[%add3A_299, %dma_start3A_305] : memref<160x64xf32, #tpu.memory_space<vmem>> -> memref<1x64xf32, #tpu.memory_space<vmem>>
          %dma_start3A_307 = arith.constant 0 : i32
          %dma_start3A_308 = tpu.memref_slice %arg3[%squeeze3A_295, %dma_start3A_307] : memref<1000001x64xf32, #tpu.memory_space<hbm>> -> memref<1x64xf32, #tpu.memory_space<hbm>>
          %dma_start3A_309 = arith.constant 0 : i32
          %dma_start3A_310 = arith.constant 0 : i32
          %dma_start3A_311 = tpu.memref_slice %arg6[%dma_start3A_300, %dma_start3A_309, %dma_start3A_310] : memref<4x160x64xf32, #tpu.memory_space<vmem>> -> memref<1x160x64xf32, #tpu.memory_space<vmem>>
          %dma_start3A_312 = tpu.memref_squeeze %dma_start3A_311 : memref<1x160x64xf32, #tpu.memory_space<vmem>> -> memref<160x64xf32, #tpu.memory_space<vmem>>
          %dma_start3A_313 = arith.constant 0 : i32
          %dma_start3A_314 = tpu.memref_slice %dma_start3A_312[%add3A_299, %dma_start3A_313] : memref<160x64xf32, #tpu.memory_space<vmem>> -> memref<1x64xf32, #tpu.memory_space<vmem>>
          %dma_start3A_315 = arith.constant 0 : i32
          %dma_start3A_316 = tpu.memref_slice %arg3[%squeeze3A_295, %dma_start3A_315] : memref<1000001x64xf32, #tpu.memory_space<hbm>> -> memref<1x64xf32, #tpu.memory_space<hbm>>
          tpu.enqueue_dma source(%dma_start3A_316 : memref<1x64xf32, #tpu.memory_space<hbm>>) target(%dma_start3A_314 : memref<1x64xf32, #tpu.memory_space<vmem>>) target_semaphore(%arg10 : memref<!tpu.dma_semaphore, #tpu.memory_space<semaphore_mem>>)
          %slice3A_317 = vector.extract_strided_slice %get3A_272 {offsets = [2], sizes = [1], strides = [1]} : vector<16xi32> to vector<1xi32>
          %squeeze3A_318 = vector.extract %slice3A_317[0] : i32 from vector<1xi32>
          %mul3A_319 = arith.constant 16 : i32
          %mul3A_320 = arith.muli %scan3A_265, %mul3A_319 : i32
          %add3A_321 = arith.constant 2 : i32
          %add3A_322 = arith.addi %mul3A_320, %add3A_321 : i32
          %dma_start3A_323 = arith.constant 3 : i32
          %dma_start3A_324 = arith.constant 0 : i32
          %dma_start3A_325 = arith.constant 0 : i32
          %dma_start3A_326 = tpu.memref_slice %arg6[%dma_start3A_323, %dma_start3A_324, %dma_start3A_325] : memref<4x160x64xf32, #tpu.memory_space<vmem>> -> memref<1x160x64xf32, #tpu.memory_space<vmem>>
          %dma_start3A_327 = tpu.memref_squeeze %dma_start3A_326 : memref<1x160x64xf32, #tpu.memory_space<vmem>> -> memref<160x64xf32, #tpu.memory_space<vmem>>
          %dma_start3A_328 = arith.constant 0 : i32
          %dma_start3A_329 = tpu.memref_slice %dma_start3A_327[%add3A_322, %dma_start3A_328] : memref<160x64xf32, #tpu.memory_space<vmem>> -> memref<1x64xf32, #tpu.memory_space<vmem>>
          %dma_start3A_330 = arith.constant 0 : i32
          %dma_start3A_331 = tpu.memref_slice %arg3[%squeeze3A_318, %dma_start3A_330] : memref<1000001x64xf32, #tpu.memory_space<hbm>> -> memref<1x64xf32, #tpu.memory_space<hbm>>
          %dma_start3A_332 = arith.constant 0 : i32
          %dma_start3A_333 = arith.constant 0 : i32
          %dma_start3A_334 = tpu.memref_slice %arg6[%dma_start3A_323, %dma_start3A_332, %dma_start3A_333] : memref<4x160x64xf32, #tpu.memory_space<vmem>> -> memref<1x160x64xf32, #tpu.memory_space<vmem>>
          %dma_start3A_335 = tpu.memref_squeeze %dma_start3A_334 : memref<1x160x64xf32, #tpu.memory_space<vmem>> -> memref<160x64xf32, #tpu.memory_space<vmem>>
          %dma_start3A_336 = arith.constant 0 : i32
          %dma_start3A_337 = tpu.memref_slice %dma_start3A_335[%add3A_322, %dma_start3A_336] : memref<160x64xf32, #tpu.memory_space<vmem>> -> memref<1x64xf32, #tpu.memory_space<vmem>>
          %dma_start3A_338 = arith.constant 0 : i32
          %dma_start3A_339 = tpu.memref_slice %arg3[%squeeze3A_318, %dma_start3A_338] : memref<1000001x64xf32, #tpu.memory_space<hbm>> -> memref<1x64xf32, #tpu.memory_space<hbm>>
          tpu.enqueue_dma source(%dma_start3A_339 : memref<1x64xf32, #tpu.memory_space<hbm>>) target(%dma_start3A_337 : memref<1x64xf32, #tpu.memory_space<vmem>>) target_semaphore(%arg10 : memref<!tpu.dma_semaphore, #tpu.memory_space<semaphore_mem>>)
          %slice3A_340 = vector.extract_strided_slice %get3A_272 {offsets = [3], sizes = [1], strides = [1]} : vector<16xi32> to vector<1xi32>
          %squeeze3A_341 = vector.extract %slice3A_340[0] : i32 from vector<1xi32>
          %mul3A_342 = arith.constant 16 : i32
          %mul3A_343 = arith.muli %scan3A_265, %mul3A_342 : i32
          %add3A_344 = arith.constant 3 : i32
          %add3A_345 = arith.addi %mul3A_343, %add3A_344 : i32
          %dma_start3A_346 = arith.constant 3 : i32
          %dma_start3A_347 = arith.constant 0 : i32
          %dma_start3A_348 = arith.constant 0 : i32
          %dma_start3A_349 = tpu.memref_slice %arg6[%dma_start3A_346, %dma_start3A_347, %dma_start3A_348] : memref<4x160x64xf32, #tpu.memory_space<vmem>> -> memref<1x160x64xf32, #tpu.memory_space<vmem>>
          %dma_start3A_350 = tpu.memref_squeeze %dma_start3A_349 : memref<1x160x64xf32, #tpu.memory_space<vmem>> -> memref<160x64xf32, #tpu.memory_space<vmem>>
          %dma_start3A_351 = arith.constant 0 : i32
          %dma_start3A_352 = tpu.memref_slice %dma_start3A_350[%add3A_345, %dma_start3A_351] : memref<160x64xf32, #tpu.memory_space<vmem>> -> memref<1x64xf32, #tpu.memory_space<vmem>>
          %dma_start3A_353 = arith.constant 0 : i32
          %dma_start3A_354 = tpu.memref_slice %arg3[%squeeze3A_341, %dma_start3A_353] : memref<1000001x64xf32, #tpu.memory_space<hbm>> -> memref<1x64xf32, #tpu.memory_space<hbm>>
          %dma_start3A_355 = arith.constant 0 : i32
          %dma_start3A_356 = arith.constant 0 : i32
          %dma_start3A_357 = tpu.memref_slice %arg6[%dma_start3A_346, %dma_start3A_355, %dma_start3A_356] : memref<4x160x64xf32, #tpu.memory_space<vmem>> -> memref<1x160x64xf32, #tpu.memory_space<vmem>>
          %dma_start3A_358 = tpu.memref_squeeze %dma_start3A_357 : memref<1x160x64xf32, #tpu.memory_space<vmem>> -> memref<160x64xf32, #tpu.memory_space<vmem>>
          %dma_start3A_359 = arith.constant 0 : i32
          %dma_start3A_360 = tpu.memref_slice %dma_start3A_358[%add3A_345, %dma_start3A_359] : memref<160x64xf32, #tpu.memory_space<vmem>> -> memref<1x64xf32, #tpu.memory_space<vmem>>
          %dma_start3A_361 = arith.constant 0 : i32
          %dma_start3A_362 = tpu.memref_slice %arg3[%squeeze3A_341, %dma_start3A_361] : memref<1000001x64xf32, #tpu.memory_space<hbm>> -> memref<1x64xf32, #tpu.memory_space<hbm>>
          tpu.enqueue_dma source(%dma_start3A_362 : memref<1x64xf32, #tpu.memory_space<hbm>>) target(%dma_start3A_360 : memref<1x64xf32, #tpu.memory_space<vmem>>) target_semaphore(%arg10 : memref<!tpu.dma_semaphore, #tpu.memory_space<semaphore_mem>>)
          %slice3A_363 = vector.extract_strided_slice %get3A_272 {offsets = [4], sizes = [1], strides = [1]} : vector<16xi32> to vector<1xi32>
          %squeeze3A_364 = vector.extract %slice3A_363[0] : i32 from vector<1xi32>
          %mul3A_365 = arith.constant 16 : i32
          %mul3A_366 = arith.muli %scan3A_265, %mul3A_365 : i32
          %add3A_367 = arith.constant 4 : i32
          %add3A_368 = arith.addi %mul3A_366, %add3A_367 : i32
          %dma_start3A_369 = arith.constant 3 : i32
          %dma_start3A_370 = arith.constant 0 : i32
          %dma_start3A_371 = arith.constant 0 : i32
          %dma_start3A_372 = tpu.memref_slice %arg6[%dma_start3A_369, %dma_start3A_370, %dma_start3A_371] : memref<4x160x64xf32, #tpu.memory_space<vmem>> -> memref<1x160x64xf32, #tpu.memory_space<vmem>>
          %dma_start3A_373 = tpu.memref_squeeze %dma_start3A_372 : memref<1x160x64xf32, #tpu.memory_space<vmem>> -> memref<160x64xf32, #tpu.memory_space<vmem>>
          %dma_start3A_374 = arith.constant 0 : i32
          %dma_start3A_375 = tpu.memref_slice %dma_start3A_373[%add3A_368, %dma_start3A_374] : memref<160x64xf32, #tpu.memory_space<vmem>> -> memref<1x64xf32, #tpu.memory_space<vmem>>
          %dma_start3A_376 = arith.constant 0 : i32
          %dma_start3A_377 = tpu.memref_slice %arg3[%squeeze3A_364, %dma_start3A_376] : memref<1000001x64xf32, #tpu.memory_space<hbm>> -> memref<1x64xf32, #tpu.memory_space<hbm>>
          %dma_start3A_378 = arith.constant 0 : i32
          %dma_start3A_379 = arith.constant 0 : i32
          %dma_start3A_380 = tpu.memref_slice %arg6[%dma_start3A_369, %dma_start3A_378, %dma_start3A_379] : memref<4x160x64xf32, #tpu.memory_space<vmem>> -> memref<1x160x64xf32, #tpu.memory_space<vmem>>
          %dma_start3A_381 = tpu.memref_squeeze %dma_start3A_380 : memref<1x160x64xf32, #tpu.memory_space<vmem>> -> memref<160x64xf32, #tpu.memory_space<vmem>>
          %dma_start3A_382 = arith.constant 0 : i32
          %dma_start3A_383 = tpu.memref_slice %dma_start3A_381[%add3A_368, %dma_start3A_382] : memref<160x64xf32, #tpu.memory_space<vmem>> -> memref<1x64xf32, #tpu.memory_space<vmem>>
          %dma_start3A_384 = arith.constant 0 : i32
          %dma_start3A_385 = tpu.memref_slice %arg3[%squeeze3A_364, %dma_start3A_384] : memref<1000001x64xf32, #tpu.memory_space<hbm>> -> memref<1x64xf32, #tpu.memory_space<hbm>>
          tpu.enqueue_dma source(%dma_start3A_385 : memref<1x64xf32, #tpu.memory_space<hbm>>) target(%dma_start3A_383 : memref<1x64xf32, #tpu.memory_space<vmem>>) target_semaphore(%arg10 : memref<!tpu.dma_semaphore, #tpu.memory_space<semaphore_mem>>)
          %slice3A_386 = vector.extract_strided_slice %get3A_272 {offsets = [5], sizes = [1], strides = [1]} : vector<16xi32> to vector<1xi32>
          %squeeze3A_387 = vector.extract %slice3A_386[0] : i32 from vector<1xi32>
          %mul3A_388 = arith.constant 16 : i32
          %mul3A_389 = arith.muli %scan3A_265, %mul3A_388 : i32
          %add3A_390 = arith.constant 5 : i32
          %add3A_391 = arith.addi %mul3A_389, %add3A_390 : i32
          %dma_start3A_392 = arith.constant 3 : i32
          %dma_start3A_393 = arith.constant 0 : i32
          %dma_start3A_394 = arith.constant 0 : i32
          %dma_start3A_395 = tpu.memref_slice %arg6[%dma_start3A_392, %dma_start3A_393, %dma_start3A_394] : memref<4x160x64xf32, #tpu.memory_space<vmem>> -> memref<1x160x64xf32, #tpu.memory_space<vmem>>
          %dma_start3A_396 = tpu.memref_squeeze %dma_start3A_395 : memref<1x160x64xf32, #tpu.memory_space<vmem>> -> memref<160x64xf32, #tpu.memory_space<vmem>>
          %dma_start3A_397 = arith.constant 0 : i32
          %dma_start3A_398 = tpu.memref_slice %dma_start3A_396[%add3A_391, %dma_start3A_397] : memref<160x64xf32, #tpu.memory_space<vmem>> -> memref<1x64xf32, #tpu.memory_space<vmem>>
          %dma_start3A_399 = arith.constant 0 : i32
          %dma_start3A_400 = tpu.memref_slice %arg3[%squeeze3A_387, %dma_start3A_399] : memref<1000001x64xf32, #tpu.memory_space<hbm>> -> memref<1x64xf32, #tpu.memory_space<hbm>>
          %dma_start3A_401 = arith.constant 0 : i32
          %dma_start3A_402 = arith.constant 0 : i32
          %dma_start3A_403 = tpu.memref_slice %arg6[%dma_start3A_392, %dma_start3A_401, %dma_start3A_402] : memref<4x160x64xf32, #tpu.memory_space<vmem>> -> memref<1x160x64xf32, #tpu.memory_space<vmem>>
          %dma_start3A_404 = tpu.memref_squeeze %dma_start3A_403 : memref<1x160x64xf32, #tpu.memory_space<vmem>> -> memref<160x64xf32, #tpu.memory_space<vmem>>
          %dma_start3A_405 = arith.constant 0 : i32
          %dma_start3A_406 = tpu.memref_slice %dma_start3A_404[%add3A_391, %dma_start3A_405] : memref<160x64xf32, #tpu.memory_space<vmem>> -> memref<1x64xf32, #tpu.memory_space<vmem>>
          %dma_start3A_407 = arith.constant 0 : i32
          %dma_start3A_408 = tpu.memref_slice %arg3[%squeeze3A_387, %dma_start3A_407] : memref<1000001x64xf32, #tpu.memory_space<hbm>> -> memref<1x64xf32, #tpu.memory_space<hbm>>
          tpu.enqueue_dma source(%dma_start3A_408 : memref<1x64xf32, #tpu.memory_space<hbm>>) target(%dma_start3A_406 : memref<1x64xf32, #tpu.memory_space<vmem>>) target_semaphore(%arg10 : memref<!tpu.dma_semaphore, #tpu.memory_space<semaphore_mem>>)
          %slice3A_409 = vector.extract_strided_slice %get3A_272 {offsets = [6], sizes = [1], strides = [1]} : vector<16xi32> to vector<1xi32>
          %squeeze3A_410 = vector.extract %slice3A_409[0] : i32 from vector<1xi32>
          %mul3A_411 = arith.constant 16 : i32
          %mul3A_412 = arith.muli %scan3A_265, %mul3A_411 : i32
          %add3A_413 = arith.constant 6 : i32
          %add3A_414 = arith.addi %mul3A_412, %add3A_413 : i32
          %dma_start3A_415 = arith.constant 3 : i32
          %dma_start3A_416 = arith.constant 0 : i32
          %dma_start3A_417 = arith.constant 0 : i32
          %dma_start3A_418 = tpu.memref_slice %arg6[%dma_start3A_415, %dma_start3A_416, %dma_start3A_417] : memref<4x160x64xf32, #tpu.memory_space<vmem>> -> memref<1x160x64xf32, #tpu.memory_space<vmem>>
          %dma_start3A_419 = tpu.memref_squeeze %dma_start3A_418 : memref<1x160x64xf32, #tpu.memory_space<vmem>> -> memref<160x64xf32, #tpu.memory_space<vmem>>
          %dma_start3A_420 = arith.constant 0 : i32
          %dma_start3A_421 = tpu.memref_slice %dma_start3A_419[%add3A_414, %dma_start3A_420] : memref<160x64xf32, #tpu.memory_space<vmem>> -> memref<1x64xf32, #tpu.memory_space<vmem>>
          %dma_start3A_422 = arith.constant 0 : i32
          %dma_start3A_423 = tpu.memref_slice %arg3[%squeeze3A_410, %dma_start3A_422] : memref<1000001x64xf32, #tpu.memory_space<hbm>> -> memref<1x64xf32, #tpu.memory_space<hbm>>
          %dma_start3A_424 = arith.constant 0 : i32
          %dma_start3A_425 = arith.constant 0 : i32
          %dma_start3A_426 = tpu.memref_slice %arg6[%dma_start3A_415, %dma_start3A_424, %dma_start3A_425] : memref<4x160x64xf32, #tpu.memory_space<vmem>> -> memref<1x160x64xf32, #tpu.memory_space<vmem>>
          %dma_start3A_427 = tpu.memref_squeeze %dma_start3A_426 : memref<1x160x64xf32, #tpu.memory_space<vmem>> -> memref<160x64xf32, #tpu.memory_space<vmem>>
          %dma_start3A_428 = arith.constant 0 : i32
          %dma_start3A_429 = tpu.memref_slice %dma_start3A_427[%add3A_414, %dma_start3A_428] : memref<160x64xf32, #tpu.memory_space<vmem>> -> memref<1x64xf32, #tpu.memory_space<vmem>>
          %dma_start3A_430 = arith.constant 0 : i32
          %dma_start3A_431 = tpu.memref_slice %arg3[%squeeze3A_410, %dma_start3A_430] : memref<1000001x64xf32, #tpu.memory_space<hbm>> -> memref<1x64xf32, #tpu.memory_space<hbm>>
          tpu.enqueue_dma source(%dma_start3A_431 : memref<1x64xf32, #tpu.memory_space<hbm>>) target(%dma_start3A_429 : memref<1x64xf32, #tpu.memory_space<vmem>>) target_semaphore(%arg10 : memref<!tpu.dma_semaphore, #tpu.memory_space<semaphore_mem>>)
          %slice3A_432 = vector.extract_strided_slice %get3A_272 {offsets = [7], sizes = [1], strides = [1]} : vector<16xi32> to vector<1xi32>
          %squeeze3A_433 = vector.extract %slice3A_432[0] : i32 from vector<1xi32>
          %mul3A_434 = arith.constant 16 : i32
          %mul3A_435 = arith.muli %scan3A_265, %mul3A_434 : i32
          %add3A_436 = arith.constant 7 : i32
          %add3A_437 = arith.addi %mul3A_435, %add3A_436 : i32
          %dma_start3A_438 = arith.constant 3 : i32
          %dma_start3A_439 = arith.constant 0 : i32
          %dma_start3A_440 = arith.constant 0 : i32
          %dma_start3A_441 = tpu.memref_slice %arg6[%dma_start3A_438, %dma_start3A_439, %dma_start3A_440] : memref<4x160x64xf32, #tpu.memory_space<vmem>> -> memref<1x160x64xf32, #tpu.memory_space<vmem>>
          %dma_start3A_442 = tpu.memref_squeeze %dma_start3A_441 : memref<1x160x64xf32, #tpu.memory_space<vmem>> -> memref<160x64xf32, #tpu.memory_space<vmem>>
          %dma_start3A_443 = arith.constant 0 : i32
          %dma_start3A_444 = tpu.memref_slice %dma_start3A_442[%add3A_437, %dma_start3A_443] : memref<160x64xf32, #tpu.memory_space<vmem>> -> memref<1x64xf32, #tpu.memory_space<vmem>>
          %dma_start3A_445 = arith.constant 0 : i32
          %dma_start3A_446 = tpu.memref_slice %arg3[%squeeze3A_433, %dma_start3A_445] : memref<1000001x64xf32, #tpu.memory_space<hbm>> -> memref<1x64xf32, #tpu.memory_space<hbm>>
          %dma_start3A_447 = arith.constant 0 : i32
          %dma_start3A_448 = arith.constant 0 : i32
          %dma_start3A_449 = tpu.memref_slice %arg6[%dma_start3A_438, %dma_start3A_447, %dma_start3A_448] : memref<4x160x64xf32, #tpu.memory_space<vmem>> -> memref<1x160x64xf32, #tpu.memory_space<vmem>>
          %dma_start3A_450 = tpu.memref_squeeze %dma_start3A_449 : memref<1x160x64xf32, #tpu.memory_space<vmem>> -> memref<160x64xf32, #tpu.memory_space<vmem>>
          %dma_start3A_451 = arith.constant 0 : i32
          %dma_start3A_452 = tpu.memref_slice %dma_start3A_450[%add3A_437, %dma_start3A_451] : memref<160x64xf32, #tpu.memory_space<vmem>> -> memref<1x64xf32, #tpu.memory_space<vmem>>
          %dma_start3A_453 = arith.constant 0 : i32
          %dma_start3A_454 = tpu.memref_slice %arg3[%squeeze3A_433, %dma_start3A_453] : memref<1000001x64xf32, #tpu.memory_space<hbm>> -> memref<1x64xf32, #tpu.memory_space<hbm>>
          tpu.enqueue_dma source(%dma_start3A_454 : memref<1x64xf32, #tpu.memory_space<hbm>>) target(%dma_start3A_452 : memref<1x64xf32, #tpu.memory_space<vmem>>) target_semaphore(%arg10 : memref<!tpu.dma_semaphore, #tpu.memory_space<semaphore_mem>>)
          %slice3A_455 = vector.extract_strided_slice %get3A_272 {offsets = [8], sizes = [1], strides = [1]} : vector<16xi32> to vector<1xi32>
          %squeeze3A_456 = vector.extract %slice3A_455[0] : i32 from vector<1xi32>
          %mul3A_457 = arith.constant 16 : i32
          %mul3A_458 = arith.muli %scan3A_265, %mul3A_457 : i32
          %add3A_459 = arith.constant 8 : i32
          %add3A_460 = arith.addi %mul3A_458, %add3A_459 : i32
          %dma_start3A_461 = arith.constant 3 : i32
          %dma_start3A_462 = arith.constant 0 : i32
          %dma_start3A_463 = arith.constant 0 : i32
          %dma_start3A_464 = tpu.memref_slice %arg6[%dma_start3A_461, %dma_start3A_462, %dma_start3A_463] : memref<4x160x64xf32, #tpu.memory_space<vmem>> -> memref<1x160x64xf32, #tpu.memory_space<vmem>>
          %dma_start3A_465 = tpu.memref_squeeze %dma_start3A_464 : memref<1x160x64xf32, #tpu.memory_space<vmem>> -> memref<160x64xf32, #tpu.memory_space<vmem>>
          %dma_start3A_466 = arith.constant 0 : i32
          %dma_start3A_467 = tpu.memref_slice %dma_start3A_465[%add3A_460, %dma_start3A_466] : memref<160x64xf32, #tpu.memory_space<vmem>> -> memref<1x64xf32, #tpu.memory_space<vmem>>
          %dma_start3A_468 = arith.constant 0 : i32
          %dma_start3A_469 = tpu.memref_slice %arg3[%squeeze3A_456, %dma_start3A_468] : memref<1000001x64xf32, #tpu.memory_space<hbm>> -> memref<1x64xf32, #tpu.memory_space<hbm>>
          %dma_start3A_470 = arith.constant 0 : i32
          %dma_start3A_471 = arith.constant 0 : i32
          %dma_start3A_472 = tpu.memref_slice %arg6[%dma_start3A_461, %dma_start3A_470, %dma_start3A_471] : memref<4x160x64xf32, #tpu.memory_space<vmem>> -> memref<1x160x64xf32, #tpu.memory_space<vmem>>
          %dma_start3A_473 = tpu.memref_squeeze %dma_start3A_472 : memref<1x160x64xf32, #tpu.memory_space<vmem>> -> memref<160x64xf32, #tpu.memory_space<vmem>>
          %dma_start3A_474 = arith.constant 0 : i32
          %dma_start3A_475 = tpu.memref_slice %dma_start3A_473[%add3A_460, %dma_start3A_474] : memref<160x64xf32, #tpu.memory_space<vmem>> -> memref<1x64xf32, #tpu.memory_space<vmem>>
          %dma_start3A_476 = arith.constant 0 : i32
          %dma_start3A_477 = tpu.memref_slice %arg3[%squeeze3A_456, %dma_start3A_476] : memref<1000001x64xf32, #tpu.memory_space<hbm>> -> memref<1x64xf32, #tpu.memory_space<hbm>>
          tpu.enqueue_dma source(%dma_start3A_477 : memref<1x64xf32, #tpu.memory_space<hbm>>) target(%dma_start3A_475 : memref<1x64xf32, #tpu.memory_space<vmem>>) target_semaphore(%arg10 : memref<!tpu.dma_semaphore, #tpu.memory_space<semaphore_mem>>)
          %slice3A_478 = vector.extract_strided_slice %get3A_272 {offsets = [9], sizes = [1], strides = [1]} : vector<16xi32> to vector<1xi32>
          %squeeze3A_479 = vector.extract %slice3A_478[0] : i32 from vector<1xi32>
          %mul3A_480 = arith.constant 16 : i32
          %mul3A_481 = arith.muli %scan3A_265, %mul3A_480 : i32
          %add3A_482 = arith.constant 9 : i32
          %add3A_483 = arith.addi %mul3A_481, %add3A_482 : i32
          %dma_start3A_484 = arith.constant 3 : i32
          %dma_start3A_485 = arith.constant 0 : i32
          %dma_start3A_486 = arith.constant 0 : i32
          %dma_start3A_487 = tpu.memref_slice %arg6[%dma_start3A_484, %dma_start3A_485, %dma_start3A_486] : memref<4x160x64xf32, #tpu.memory_space<vmem>> -> memref<1x160x64xf32, #tpu.memory_space<vmem>>
          %dma_start3A_488 = tpu.memref_squeeze %dma_start3A_487 : memref<1x160x64xf32, #tpu.memory_space<vmem>> -> memref<160x64xf32, #tpu.memory_space<vmem>>
          %dma_start3A_489 = arith.constant 0 : i32
          %dma_start3A_490 = tpu.memref_slice %dma_start3A_488[%add3A_483, %dma_start3A_489] : memref<160x64xf32, #tpu.memory_space<vmem>> -> memref<1x64xf32, #tpu.memory_space<vmem>>
          %dma_start3A_491 = arith.constant 0 : i32
          %dma_start3A_492 = tpu.memref_slice %arg3[%squeeze3A_479, %dma_start3A_491] : memref<1000001x64xf32, #tpu.memory_space<hbm>> -> memref<1x64xf32, #tpu.memory_space<hbm>>
          %dma_start3A_493 = arith.constant 0 : i32
          %dma_start3A_494 = arith.constant 0 : i32
          %dma_start3A_495 = tpu.memref_slice %arg6[%dma_start3A_484, %dma_start3A_493, %dma_start3A_494] : memref<4x160x64xf32, #tpu.memory_space<vmem>> -> memref<1x160x64xf32, #tpu.memory_space<vmem>>
          %dma_start3A_496 = tpu.memref_squeeze %dma_start3A_495 : memref<1x160x64xf32, #tpu.memory_space<vmem>> -> memref<160x64xf32, #tpu.memory_space<vmem>>
          %dma_start3A_497 = arith.constant 0 : i32
          %dma_start3A_498 = tpu.memref_slice %dma_start3A_496[%add3A_483, %dma_start3A_497] : memref<160x64xf32, #tpu.memory_space<vmem>> -> memref<1x64xf32, #tpu.memory_space<vmem>>
          %dma_start3A_499 = arith.constant 0 : i32
          %dma_start3A_500 = tpu.memref_slice %arg3[%squeeze3A_479, %dma_start3A_499] : memref<1000001x64xf32, #tpu.memory_space<hbm>> -> memref<1x64xf32, #tpu.memory_space<hbm>>
          tpu.enqueue_dma source(%dma_start3A_500 : memref<1x64xf32, #tpu.memory_space<hbm>>) target(%dma_start3A_498 : memref<1x64xf32, #tpu.memory_space<vmem>>) target_semaphore(%arg10 : memref<!tpu.dma_semaphore, #tpu.memory_space<semaphore_mem>>)
          %slice3A_501 = vector.extract_strided_slice %get3A_272 {offsets = [10], sizes = [1], strides = [1]} : vector<16xi32> to vector<1xi32>
          %squeeze3A_502 = vector.extract %slice3A_501[0] : i32 from vector<1xi32>
          %mul3A_503 = arith.constant 16 : i32
          %mul3A_504 = arith.muli %scan3A_265, %mul3A_503 : i32
          %add3A_505 = arith.constant 10 : i32
          %add3A_506 = arith.addi %mul3A_504, %add3A_505 : i32
          %dma_start3A_507 = arith.constant 3 : i32
          %dma_start3A_508 = arith.constant 0 : i32
          %dma_start3A_509 = arith.constant 0 : i32
          %dma_start3A_510 = tpu.memref_slice %arg6[%dma_start3A_507, %dma_start3A_508, %dma_start3A_509] : memref<4x160x64xf32, #tpu.memory_space<vmem>> -> memref<1x160x64xf32, #tpu.memory_space<vmem>>
          %dma_start3A_511 = tpu.memref_squeeze %dma_start3A_510 : memref<1x160x64xf32, #tpu.memory_space<vmem>> -> memref<160x64xf32, #tpu.memory_space<vmem>>
          %dma_start3A_512 = arith.constant 0 : i32
          %dma_start3A_513 = tpu.memref_slice %dma_start3A_511[%add3A_506, %dma_start3A_512] : memref<160x64xf32, #tpu.memory_space<vmem>> -> memref<1x64xf32, #tpu.memory_space<vmem>>
          %dma_start3A_514 = arith.constant 0 : i32
          %dma_start3A_515 = tpu.memref_slice %arg3[%squeeze3A_502, %dma_start3A_514] : memref<1000001x64xf32, #tpu.memory_space<hbm>> -> memref<1x64xf32, #tpu.memory_space<hbm>>
          %dma_start3A_516 = arith.constant 0 : i32
          %dma_start3A_517 = arith.constant 0 : i32
          %dma_start3A_518 = tpu.memref_slice %arg6[%dma_start3A_507, %dma_start3A_516, %dma_start3A_517] : memref<4x160x64xf32, #tpu.memory_space<vmem>> -> memref<1x160x64xf32, #tpu.memory_space<vmem>>
          %dma_start3A_519 = tpu.memref_squeeze %dma_start3A_518 : memref<1x160x64xf32, #tpu.memory_space<vmem>> -> memref<160x64xf32, #tpu.memory_space<vmem>>
          %dma_start3A_520 = arith.constant 0 : i32
          %dma_start3A_521 = tpu.memref_slice %dma_start3A_519[%add3A_506, %dma_start3A_520] : memref<160x64xf32, #tpu.memory_space<vmem>> -> memref<1x64xf32, #tpu.memory_space<vmem>>
          %dma_start3A_522 = arith.constant 0 : i32
          %dma_start3A_523 = tpu.memref_slice %arg3[%squeeze3A_502, %dma_start3A_522] : memref<1000001x64xf32, #tpu.memory_space<hbm>> -> memref<1x64xf32, #tpu.memory_space<hbm>>
          tpu.enqueue_dma source(%dma_start3A_523 : memref<1x64xf32, #tpu.memory_space<hbm>>) target(%dma_start3A_521 : memref<1x64xf32, #tpu.memory_space<vmem>>) target_semaphore(%arg10 : memref<!tpu.dma_semaphore, #tpu.memory_space<semaphore_mem>>)
          %slice3A_524 = vector.extract_strided_slice %get3A_272 {offsets = [11], sizes = [1], strides = [1]} : vector<16xi32> to vector<1xi32>
          %squeeze3A_525 = vector.extract %slice3A_524[0] : i32 from vector<1xi32>
          %mul3A_526 = arith.constant 16 : i32
          %mul3A_527 = arith.muli %scan3A_265, %mul3A_526 : i32
          %add3A_528 = arith.constant 11 : i32
          %add3A_529 = arith.addi %mul3A_527, %add3A_528 : i32
          %dma_start3A_530 = arith.constant 3 : i32
          %dma_start3A_531 = arith.constant 0 : i32
          %dma_start3A_532 = arith.constant 0 : i32
          %dma_start3A_533 = tpu.memref_slice %arg6[%dma_start3A_530, %dma_start3A_531, %dma_start3A_532] : memref<4x160x64xf32, #tpu.memory_space<vmem>> -> memref<1x160x64xf32, #tpu.memory_space<vmem>>
          %dma_start3A_534 = tpu.memref_squeeze %dma_start3A_533 : memref<1x160x64xf32, #tpu.memory_space<vmem>> -> memref<160x64xf32, #tpu.memory_space<vmem>>
          %dma_start3A_535 = arith.constant 0 : i32
          %dma_start3A_536 = tpu.memref_slice %dma_start3A_534[%add3A_529, %dma_start3A_535] : memref<160x64xf32, #tpu.memory_space<vmem>> -> memref<1x64xf32, #tpu.memory_space<vmem>>
          %dma_start3A_537 = arith.constant 0 : i32
          %dma_start3A_538 = tpu.memref_slice %arg3[%squeeze3A_525, %dma_start3A_537] : memref<1000001x64xf32, #tpu.memory_space<hbm>> -> memref<1x64xf32, #tpu.memory_space<hbm>>
          %dma_start3A_539 = arith.constant 0 : i32
          %dma_start3A_540 = arith.constant 0 : i32
          %dma_start3A_541 = tpu.memref_slice %arg6[%dma_start3A_530, %dma_start3A_539, %dma_start3A_540] : memref<4x160x64xf32, #tpu.memory_space<vmem>> -> memref<1x160x64xf32, #tpu.memory_space<vmem>>
          %dma_start3A_542 = tpu.memref_squeeze %dma_start3A_541 : memref<1x160x64xf32, #tpu.memory_space<vmem>> -> memref<160x64xf32, #tpu.memory_space<vmem>>
          %dma_start3A_543 = arith.constant 0 : i32
          %dma_start3A_544 = tpu.memref_slice %dma_start3A_542[%add3A_529, %dma_start3A_543] : memref<160x64xf32, #tpu.memory_space<vmem>> -> memref<1x64xf32, #tpu.memory_space<vmem>>
          %dma_start3A_545 = arith.constant 0 : i32
          %dma_start3A_546 = tpu.memref_slice %arg3[%squeeze3A_525, %dma_start3A_545] : memref<1000001x64xf32, #tpu.memory_space<hbm>> -> memref<1x64xf32, #tpu.memory_space<hbm>>
          tpu.enqueue_dma source(%dma_start3A_546 : memref<1x64xf32, #tpu.memory_space<hbm>>) target(%dma_start3A_544 : memref<1x64xf32, #tpu.memory_space<vmem>>) target_semaphore(%arg10 : memref<!tpu.dma_semaphore, #tpu.memory_space<semaphore_mem>>)
          %slice3A_547 = vector.extract_strided_slice %get3A_272 {offsets = [12], sizes = [1], strides = [1]} : vector<16xi32> to vector<1xi32>
          %squeeze3A_548 = vector.extract %slice3A_547[0] : i32 from vector<1xi32>
          %mul3A_549 = arith.constant 16 : i32
          %mul3A_550 = arith.muli %scan3A_265, %mul3A_549 : i32
          %add3A_551 = arith.constant 12 : i32
          %add3A_552 = arith.addi %mul3A_550, %add3A_551 : i32
          %dma_start3A_553 = arith.constant 3 : i32
          %dma_start3A_554 = arith.constant 0 : i32
          %dma_start3A_555 = arith.constant 0 : i32
          %dma_start3A_556 = tpu.memref_slice %arg6[%dma_start3A_553, %dma_start3A_554, %dma_start3A_555] : memref<4x160x64xf32, #tpu.memory_space<vmem>> -> memref<1x160x64xf32, #tpu.memory_space<vmem>>
          %dma_start3A_557 = tpu.memref_squeeze %dma_start3A_556 : memref<1x160x64xf32, #tpu.memory_space<vmem>> -> memref<160x64xf32, #tpu.memory_space<vmem>>
          %dma_start3A_558 = arith.constant 0 : i32
          %dma_start3A_559 = tpu.memref_slice %dma_start3A_557[%add3A_552, %dma_start3A_558] : memref<160x64xf32, #tpu.memory_space<vmem>> -> memref<1x64xf32, #tpu.memory_space<vmem>>
          %dma_start3A_560 = arith.constant 0 : i32
          %dma_start3A_561 = tpu.memref_slice %arg3[%squeeze3A_548, %dma_start3A_560] : memref<1000001x64xf32, #tpu.memory_space<hbm>> -> memref<1x64xf32, #tpu.memory_space<hbm>>
          %dma_start3A_562 = arith.constant 0 : i32
          %dma_start3A_563 = arith.constant 0 : i32
          %dma_start3A_564 = tpu.memref_slice %arg6[%dma_start3A_553, %dma_start3A_562, %dma_start3A_563] : memref<4x160x64xf32, #tpu.memory_space<vmem>> -> memref<1x160x64xf32, #tpu.memory_space<vmem>>
          %dma_start3A_565 = tpu.memref_squeeze %dma_start3A_564 : memref<1x160x64xf32, #tpu.memory_space<vmem>> -> memref<160x64xf32, #tpu.memory_space<vmem>>
          %dma_start3A_566 = arith.constant 0 : i32
          %dma_start3A_567 = tpu.memref_slice %dma_start3A_565[%add3A_552, %dma_start3A_566] : memref<160x64xf32, #tpu.memory_space<vmem>> -> memref<1x64xf32, #tpu.memory_space<vmem>>
          %dma_start3A_568 = arith.constant 0 : i32
          %dma_start3A_569 = tpu.memref_slice %arg3[%squeeze3A_548, %dma_start3A_568] : memref<1000001x64xf32, #tpu.memory_space<hbm>> -> memref<1x64xf32, #tpu.memory_space<hbm>>
          tpu.enqueue_dma source(%dma_start3A_569 : memref<1x64xf32, #tpu.memory_space<hbm>>) target(%dma_start3A_567 : memref<1x64xf32, #tpu.memory_space<vmem>>) target_semaphore(%arg10 : memref<!tpu.dma_semaphore, #tpu.memory_space<semaphore_mem>>)
          %slice3A_570 = vector.extract_strided_slice %get3A_272 {offsets = [13], sizes = [1], strides = [1]} : vector<16xi32> to vector<1xi32>
          %squeeze3A_571 = vector.extract %slice3A_570[0] : i32 from vector<1xi32>
          %mul3A_572 = arith.constant 16 : i32
          %mul3A_573 = arith.muli %scan3A_265, %mul3A_572 : i32
          %add3A_574 = arith.constant 13 : i32
          %add3A_575 = arith.addi %mul3A_573, %add3A_574 : i32
          %dma_start3A_576 = arith.constant 3 : i32
          %dma_start3A_577 = arith.constant 0 : i32
          %dma_start3A_578 = arith.constant 0 : i32
          %dma_start3A_579 = tpu.memref_slice %arg6[%dma_start3A_576, %dma_start3A_577, %dma_start3A_578] : memref<4x160x64xf32, #tpu.memory_space<vmem>> -> memref<1x160x64xf32, #tpu.memory_space<vmem>>
          %dma_start3A_580 = tpu.memref_squeeze %dma_start3A_579 : memref<1x160x64xf32, #tpu.memory_space<vmem>> -> memref<160x64xf32, #tpu.memory_space<vmem>>
          %dma_start3A_581 = arith.constant 0 : i32
          %dma_start3A_582 = tpu.memref_slice %dma_start3A_580[%add3A_575, %dma_start3A_581] : memref<160x64xf32, #tpu.memory_space<vmem>> -> memref<1x64xf32, #tpu.memory_space<vmem>>
          %dma_start3A_583 = arith.constant 0 : i32
          %dma_start3A_584 = tpu.memref_slice %arg3[%squeeze3A_571, %dma_start3A_583] : memref<1000001x64xf32, #tpu.memory_space<hbm>> -> memref<1x64xf32, #tpu.memory_space<hbm>>
          %dma_start3A_585 = arith.constant 0 : i32
          %dma_start3A_586 = arith.constant 0 : i32
          %dma_start3A_587 = tpu.memref_slice %arg6[%dma_start3A_576, %dma_start3A_585, %dma_start3A_586] : memref<4x160x64xf32, #tpu.memory_space<vmem>> -> memref<1x160x64xf32, #tpu.memory_space<vmem>>
          %dma_start3A_588 = tpu.memref_squeeze %dma_start3A_587 : memref<1x160x64xf32, #tpu.memory_space<vmem>> -> memref<160x64xf32, #tpu.memory_space<vmem>>
          %dma_start3A_589 = arith.constant 0 : i32
          %dma_start3A_590 = tpu.memref_slice %dma_start3A_588[%add3A_575, %dma_start3A_589] : memref<160x64xf32, #tpu.memory_space<vmem>> -> memref<1x64xf32, #tpu.memory_space<vmem>>
          %dma_start3A_591 = arith.constant 0 : i32
          %dma_start3A_592 = tpu.memref_slice %arg3[%squeeze3A_571, %dma_start3A_591] : memref<1000001x64xf32, #tpu.memory_space<hbm>> -> memref<1x64xf32, #tpu.memory_space<hbm>>
          tpu.enqueue_dma source(%dma_start3A_592 : memref<1x64xf32, #tpu.memory_space<hbm>>) target(%dma_start3A_590 : memref<1x64xf32, #tpu.memory_space<vmem>>) target_semaphore(%arg10 : memref<!tpu.dma_semaphore, #tpu.memory_space<semaphore_mem>>)
          %slice3A_593 = vector.extract_strided_slice %get3A_272 {offsets = [14], sizes = [1], strides = [1]} : vector<16xi32> to vector<1xi32>
          %squeeze3A_594 = vector.extract %slice3A_593[0] : i32 from vector<1xi32>
          %mul3A_595 = arith.constant 16 : i32
          %mul3A_596 = arith.muli %scan3A_265, %mul3A_595 : i32
          %add3A_597 = arith.constant 14 : i32
          %add3A_598 = arith.addi %mul3A_596, %add3A_597 : i32
          %dma_start3A_599 = arith.constant 3 : i32
          %dma_start3A_600 = arith.constant 0 : i32
          %dma_start3A_601 = arith.constant 0 : i32
          %dma_start3A_602 = tpu.memref_slice %arg6[%dma_start3A_599, %dma_start3A_600, %dma_start3A_601] : memref<4x160x64xf32, #tpu.memory_space<vmem>> -> memref<1x160x64xf32, #tpu.memory_space<vmem>>
          %dma_start3A_603 = tpu.memref_squeeze %dma_start3A_602 : memref<1x160x64xf32, #tpu.memory_space<vmem>> -> memref<160x64xf32, #tpu.memory_space<vmem>>
          %dma_start3A_604 = arith.constant 0 : i32
          %dma_start3A_605 = tpu.memref_slice %dma_start3A_603[%add3A_598, %dma_start3A_604] : memref<160x64xf32, #tpu.memory_space<vmem>> -> memref<1x64xf32, #tpu.memory_space<vmem>>
          %dma_start3A_606 = arith.constant 0 : i32
          %dma_start3A_607 = tpu.memref_slice %arg3[%squeeze3A_594, %dma_start3A_606] : memref<1000001x64xf32, #tpu.memory_space<hbm>> -> memref<1x64xf32, #tpu.memory_space<hbm>>
          %dma_start3A_608 = arith.constant 0 : i32
          %dma_start3A_609 = arith.constant 0 : i32
          %dma_start3A_610 = tpu.memref_slice %arg6[%dma_start3A_599, %dma_start3A_608, %dma_start3A_609] : memref<4x160x64xf32, #tpu.memory_space<vmem>> -> memref<1x160x64xf32, #tpu.memory_space<vmem>>
          %dma_start3A_611 = tpu.memref_squeeze %dma_start3A_610 : memref<1x160x64xf32, #tpu.memory_space<vmem>> -> memref<160x64xf32, #tpu.memory_space<vmem>>
          %dma_start3A_612 = arith.constant 0 : i32
          %dma_start3A_613 = tpu.memref_slice %dma_start3A_611[%add3A_598, %dma_start3A_612] : memref<160x64xf32, #tpu.memory_space<vmem>> -> memref<1x64xf32, #tpu.memory_space<vmem>>
          %dma_start3A_614 = arith.constant 0 : i32
          %dma_start3A_615 = tpu.memref_slice %arg3[%squeeze3A_594, %dma_start3A_614] : memref<1000001x64xf32, #tpu.memory_space<hbm>> -> memref<1x64xf32, #tpu.memory_space<hbm>>
          tpu.enqueue_dma source(%dma_start3A_615 : memref<1x64xf32, #tpu.memory_space<hbm>>) target(%dma_start3A_613 : memref<1x64xf32, #tpu.memory_space<vmem>>) target_semaphore(%arg10 : memref<!tpu.dma_semaphore, #tpu.memory_space<semaphore_mem>>)
          %slice3A_616 = vector.extract_strided_slice %get3A_272 {offsets = [15], sizes = [1], strides = [1]} : vector<16xi32> to vector<1xi32>
          %squeeze3A_617 = vector.extract %slice3A_616[0] : i32 from vector<1xi32>
          %mul3A_618 = arith.constant 16 : i32
          %mul3A_619 = arith.muli %scan3A_265, %mul3A_618 : i32
          %add3A_620 = arith.constant 15 : i32
          %add3A_621 = arith.addi %mul3A_619, %add3A_620 : i32
          %dma_start3A_622 = arith.constant 3 : i32
          %dma_start3A_623 = arith.constant 0 : i32
          %dma_start3A_624 = arith.constant 0 : i32
          %dma_start3A_625 = tpu.memref_slice %arg6[%dma_start3A_622, %dma_start3A_623, %dma_start3A_624] : memref<4x160x64xf32, #tpu.memory_space<vmem>> -> memref<1x160x64xf32, #tpu.memory_space<vmem>>
          %dma_start3A_626 = tpu.memref_squeeze %dma_start3A_625 : memref<1x160x64xf32, #tpu.memory_space<vmem>> -> memref<160x64xf32, #tpu.memory_space<vmem>>
          %dma_start3A_627 = arith.constant 0 : i32
          %dma_start3A_628 = tpu.memref_slice %dma_start3A_626[%add3A_621, %dma_start3A_627] : memref<160x64xf32, #tpu.memory_space<vmem>> -> memref<1x64xf32, #tpu.memory_space<vmem>>
          %dma_start3A_629 = arith.constant 0 : i32
          %dma_start3A_630 = tpu.memref_slice %arg3[%squeeze3A_617, %dma_start3A_629] : memref<1000001x64xf32, #tpu.memory_space<hbm>> -> memref<1x64xf32, #tpu.memory_space<hbm>>
          %dma_start3A_631 = arith.constant 0 : i32
          %dma_start3A_632 = arith.constant 0 : i32
          %dma_start3A_633 = tpu.memref_slice %arg6[%dma_start3A_622, %dma_start3A_631, %dma_start3A_632] : memref<4x160x64xf32, #tpu.memory_space<vmem>> -> memref<1x160x64xf32, #tpu.memory_space<vmem>>
          %dma_start3A_634 = tpu.memref_squeeze %dma_start3A_633 : memref<1x160x64xf32, #tpu.memory_space<vmem>> -> memref<160x64xf32, #tpu.memory_space<vmem>>
          %dma_start3A_635 = arith.constant 0 : i32
          %dma_start3A_636 = tpu.memref_slice %dma_start3A_634[%add3A_621, %dma_start3A_635] : memref<160x64xf32, #tpu.memory_space<vmem>> -> memref<1x64xf32, #tpu.memory_space<vmem>>
          %dma_start3A_637 = arith.constant 0 : i32
          %dma_start3A_638 = tpu.memref_slice %arg3[%squeeze3A_617, %dma_start3A_637] : memref<1000001x64xf32, #tpu.memory_space<hbm>> -> memref<1x64xf32, #tpu.memory_space<hbm>>
          tpu.enqueue_dma source(%dma_start3A_638 : memref<1x64xf32, #tpu.memory_space<hbm>>) target(%dma_start3A_636 : memref<1x64xf32, #tpu.memory_space<vmem>>) target_semaphore(%arg10 : memref<!tpu.dma_semaphore, #tpu.memory_space<semaphore_mem>>)
        }
        %scan3A_264 = arith.constant 10 : i32
      } else {
      }
    }
    %scan3A_31 = arith.constant 40 : i32
    %dma_wait3A = arith.constant 0 : i32
    %dma_wait3A_32 = arith.constant 0 : i32
    %dma_wait3A_33 = arith.constant 0 : i32
    %dma_wait3A_34 = tpu.memref_slice %arg6[%dma_wait3A, %dma_wait3A_32, %dma_wait3A_33] : memref<4x160x64xf32, #tpu.memory_space<vmem>> -> memref<1x160x64xf32, #tpu.memory_space<vmem>>
    %dma_wait3A_35 = tpu.memref_squeeze %dma_wait3A_34 : memref<1x160x64xf32, #tpu.memory_space<vmem>> -> memref<160x64xf32, #tpu.memory_space<vmem>>
    %dma_wait3A_36 = arith.constant 0 : i32
    %dma_wait3A_37 = tpu.memref_slice %arg4[%mul3A_2, %dma_wait3A_36] : memref<819200x64xf32, #tpu.memory_space<hbm>> -> memref<160x64xf32, #tpu.memory_space<hbm>>
    %dma_wait3A_38 = arith.constant 0 : i32
    %dma_wait3A_39 = tpu.memref_slice %arg4[%mul3A_2, %dma_wait3A_38] : memref<819200x64xf32, #tpu.memory_space<hbm>> -> memref<160x64xf32, #tpu.memory_space<hbm>>
    %dma_wait3A_40 = arith.constant 0 : i32
    %dma_wait3A_41 = arith.constant 0 : i32
    %dma_wait3A_42 = tpu.memref_slice %arg6[%dma_wait3A, %dma_wait3A_40, %dma_wait3A_41] : memref<4x160x64xf32, #tpu.memory_space<vmem>> -> memref<1x160x64xf32, #tpu.memory_space<vmem>>
    %dma_wait3A_43 = tpu.memref_squeeze %dma_wait3A_42 : memref<1x160x64xf32, #tpu.memory_space<vmem>> -> memref<160x64xf32, #tpu.memory_space<vmem>>
    tpu.wait_dma2 semaphore(%arg11 : memref<!tpu.dma_semaphore, #tpu.memory_space<semaphore_mem>>) src(%dma_wait3A_43 : memref<160x64xf32, #tpu.memory_space<vmem>>) dst(%dma_wait3A_39 : memref<160x64xf32, #tpu.memory_space<hbm>>)
    %dma_wait3A_44 = arith.constant 1 : i32
    %dma_wait3A_45 = arith.constant 0 : i32
    %dma_wait3A_46 = arith.constant 0 : i32
    %dma_wait3A_47 = tpu.memref_slice %arg6[%dma_wait3A_44, %dma_wait3A_45, %dma_wait3A_46] : memref<4x160x64xf32, #tpu.memory_space<vmem>> -> memref<1x160x64xf32, #tpu.memory_space<vmem>>
    %dma_wait3A_48 = tpu.memref_squeeze %dma_wait3A_47 : memref<1x160x64xf32, #tpu.memory_space<vmem>> -> memref<160x64xf32, #tpu.memory_space<vmem>>
    %dma_wait3A_49 = arith.constant 0 : i32
    %dma_wait3A_50 = tpu.memref_slice %arg4[%mul3A_2, %dma_wait3A_49] : memref<819200x64xf32, #tpu.memory_space<hbm>> -> memref<160x64xf32, #tpu.memory_space<hbm>>
    %dma_wait3A_51 = arith.constant 0 : i32
    %dma_wait3A_52 = tpu.memref_slice %arg4[%mul3A_2, %dma_wait3A_51] : memref<819200x64xf32, #tpu.memory_space<hbm>> -> memref<160x64xf32, #tpu.memory_space<hbm>>
    %dma_wait3A_53 = arith.constant 0 : i32
    %dma_wait3A_54 = arith.constant 0 : i32
    %dma_wait3A_55 = tpu.memref_slice %arg6[%dma_wait3A_44, %dma_wait3A_53, %dma_wait3A_54] : memref<4x160x64xf32, #tpu.memory_space<vmem>> -> memref<1x160x64xf32, #tpu.memory_space<vmem>>
    %dma_wait3A_56 = tpu.memref_squeeze %dma_wait3A_55 : memref<1x160x64xf32, #tpu.memory_space<vmem>> -> memref<160x64xf32, #tpu.memory_space<vmem>>
    tpu.wait_dma2 semaphore(%arg12 : memref<!tpu.dma_semaphore, #tpu.memory_space<semaphore_mem>>) src(%dma_wait3A_56 : memref<160x64xf32, #tpu.memory_space<vmem>>) dst(%dma_wait3A_52 : memref<160x64xf32, #tpu.memory_space<hbm>>)
    %dma_wait3A_57 = arith.constant 2 : i32
    %dma_wait3A_58 = arith.constant 0 : i32
    %dma_wait3A_59 = arith.constant 0 : i32
    %dma_wait3A_60 = tpu.memref_slice %arg6[%dma_wait3A_57, %dma_wait3A_58, %dma_wait3A_59] : memref<4x160x64xf32, #tpu.memory_space<vmem>> -> memref<1x160x64xf32, #tpu.memory_space<vmem>>
    %dma_wait3A_61 = tpu.memref_squeeze %dma_wait3A_60 : memref<1x160x64xf32, #tpu.memory_space<vmem>> -> memref<160x64xf32, #tpu.memory_space<vmem>>
    %dma_wait3A_62 = arith.constant 0 : i32
    %dma_wait3A_63 = tpu.memref_slice %arg4[%mul3A_2, %dma_wait3A_62] : memref<819200x64xf32, #tpu.memory_space<hbm>> -> memref<160x64xf32, #tpu.memory_space<hbm>>
    %dma_wait3A_64 = arith.constant 0 : i32
    %dma_wait3A_65 = tpu.memref_slice %arg4[%mul3A_2, %dma_wait3A_64] : memref<819200x64xf32, #tpu.memory_space<hbm>> -> memref<160x64xf32, #tpu.memory_space<hbm>>
    %dma_wait3A_66 = arith.constant 0 : i32
    %dma_wait3A_67 = arith.constant 0 : i32
    %dma_wait3A_68 = tpu.memref_slice %arg6[%dma_wait3A_57, %dma_wait3A_66, %dma_wait3A_67] : memref<4x160x64xf32, #tpu.memory_space<vmem>> -> memref<1x160x64xf32, #tpu.memory_space<vmem>>
    %dma_wait3A_69 = tpu.memref_squeeze %dma_wait3A_68 : memref<1x160x64xf32, #tpu.memory_space<vmem>> -> memref<160x64xf32, #tpu.memory_space<vmem>>
    tpu.wait_dma2 semaphore(%arg13 : memref<!tpu.dma_semaphore, #tpu.memory_space<semaphore_mem>>) src(%dma_wait3A_69 : memref<160x64xf32, #tpu.memory_space<vmem>>) dst(%dma_wait3A_65 : memref<160x64xf32, #tpu.memory_space<hbm>>)
    %dma_wait3A_70 = arith.constant 3 : i32
    %dma_wait3A_71 = arith.constant 0 : i32
    %dma_wait3A_72 = arith.constant 0 : i32
    %dma_wait3A_73 = tpu.memref_slice %arg6[%dma_wait3A_70, %dma_wait3A_71, %dma_wait3A_72] : memref<4x160x64xf32, #tpu.memory_space<vmem>> -> memref<1x160x64xf32, #tpu.memory_space<vmem>>
    %dma_wait3A_74 = tpu.memref_squeeze %dma_wait3A_73 : memref<1x160x64xf32, #tpu.memory_space<vmem>> -> memref<160x64xf32, #tpu.memory_space<vmem>>
    %dma_wait3A_75 = arith.constant 0 : i32
    %dma_wait3A_76 = tpu.memref_slice %arg4[%mul3A_2, %dma_wait3A_75] : memref<819200x64xf32, #tpu.memory_space<hbm>> -> memref<160x64xf32, #tpu.memory_space<hbm>>
    %dma_wait3A_77 = arith.constant 0 : i32
    %dma_wait3A_78 = tpu.memref_slice %arg4[%mul3A_2, %dma_wait3A_77] : memref<819200x64xf32, #tpu.memory_space<hbm>> -> memref<160x64xf32, #tpu.memory_space<hbm>>
    %dma_wait3A_79 = arith.constant 0 : i32
    %dma_wait3A_80 = arith.constant 0 : i32
    %dma_wait3A_81 = tpu.memref_slice %arg6[%dma_wait3A_70, %dma_wait3A_79, %dma_wait3A_80] : memref<4x160x64xf32, #tpu.memory_space<vmem>> -> memref<1x160x64xf32, #tpu.memory_space<vmem>>
    %dma_wait3A_82 = tpu.memref_squeeze %dma_wait3A_81 : memref<1x160x64xf32, #tpu.memory_space<vmem>> -> memref<160x64xf32, #tpu.memory_space<vmem>>
    tpu.wait_dma2 semaphore(%arg14 : memref<!tpu.dma_semaphore, #tpu.memory_space<semaphore_mem>>) src(%dma_wait3A_82 : memref<160x64xf32, #tpu.memory_space<vmem>>) dst(%dma_wait3A_78 : memref<160x64xf32, #tpu.memory_space<hbm>>)
    return
  }
}

</mosaic_0001>

<sc_bundles>
// kernel: _embed.3.cloned.1.call-start
scs
__scs_entry_jumppad:
0x0: {  	(pc) =	sbr.rel $0x88, $3  }
0x1: {  	(tag) =	ssettag $0x0;
	lr =	simm.s32 $0x1  }
0x2: {  	[smem:$0x3F9F] =	sst lr;
	_ =	strace $0xD0000000  }
0x3: {  	_ = 	snop  }
0x4: {  	_ = 	snop  }
0x5: {  	_ = 	snop  }
0x6: {  	_ = 	snop  }
0x7: {  	_ = 	snop  }
__scs_overlays_trampoline_lowered:
0x8: {  	[smem:$0x3FAE] =	sst s0  }
0x9: {  	[smem:$0x3FAF] =	sst s1  }
0xa: {  	[smem:$0x3FB0] =	sst s2  }
0xb: {  	[smem:$0x3FB1] =	sst s3  }
0xc: {  	[smem:$0x3FB2] =	sst s4  }
0xd: {  	[smem:$0x3FB3] =	sst s5  }
0xe: {  	[smem:$0x3FB4] =	sst s6  }
0xf: {  	[smem:$0x3FB5] =	sst s7  }
0x10: {  	[smem:$0x3FB6] =	sst s8  }
0x11: {  	[smem:$0x3FB7] =	sst s9;
	s0 =	simm.s32 @!p0 $0x0  }
0x12: {  	s1 =	sld [smem:$0x3F9D];
	s0 =	simm.s32 @p0 $0x1  }
0x13: {  	[smem:$0x3FB8] =	sst s0;
	s0 =	simm.s32 @!p1 $0x0  }
0x14: {  	s2 =	sld [smem:$0x3F9C];
	s0 =	simm.s32 @p1 $0x1  }
0x15: {  	[smem:$0x3FB9] =	sst s0;
	s0 =	simm.s32 @!p2 $0x0  }
0x16: {  	s3 =	sld [smem:$0x3FDB];
	s0 =	simm.s32 @p2 $0x1  }
0x17: {  	s4 =	simm.s32 $0x1BF5;
	[smem:$0x3FBB] =	sst s0  }
0x18: {  	s0 =	sld [smem:$0x3F9E];
	_ =	swait.ge [sflag:s4], $0x0  }
0x19: {  	s7 =	sld [smem:$0x3F9F]  }
0x1a: {  	s8 =	sadd.s32 $0xFFFFE003, lr  }
0x1b: {  	s9 =	sadd.s32 $0xFFFFFEF7, lr;
	s5 =	simm.s32 $0xFFFFFFFF;
	p2 =	slt.u32 s8, $0xFFFFF086  }
0x1c: {  	p1 =	slt.u32 s9, $0xF7A;
	s5 =	simm.s32 @!p2 $0x0  }
0x1d: {  	s5 =	simm.s32 @p1 $0x1;
	p0 =	seq.s32 s7, s2  }
0x1e: {  	s7 =	smul.u32 @!p0 $0xF7A, s2;
	p2 =	seq.s32 @!p0 s5, $0x0  }
0x1f: {  	s9 =	smul.u32 $0xF7A, s1;
	s8 =	simm.s32 @!p0 $0x1BF5;
	p2 =	por !p2, p0  }
0x20: {  	[sflag:s8] =	ssyncset.s32 @!p0 $0xFFFFF086;
	s6 =	sadd.s32 @!p0 s3, s7;
	s7 =	simm.s32 @!p0 $0x108  }
0x21: {  	s3 =	sadd.s32 s3, s9;
	s6 =	sadd.s32 @!p0 $0x88, s6;
	s7 =	simm.s32 @p2 $0x1082  }
0x22: {  	[simem:s7], [sflag:s8] =	dma.local @!p0 [hbm:s6], $0xF7A  }
0x23: {  	s9 =	sor.u32 $0xD0000000, s2;
	s6 =	simm.s32 $0x108;
	_ =	swait.ge @!p0 [sflag:s8], $0x0  }
0x24: {  	s3 =	sadd.s32 $0x88, s3;
	s6 =	simm.s32 @!p1 $0x1082;
	[sflag:s4] =	ssyncset.s32 $0xFFFFF086  }
0x25: {  	[simem:s6], [sflag:s4] =	dma.local [hbm:s3], $0xF7A  }
0x26: {  	[smem:$0x3F9F] =	sst s1;
	(tag) =	ssettag s2;
	_ =	strace s9  }
0x27: {  	s1 =	sld [smem:$0x3FAF]  }
0x28: {  	s2 =	sld [smem:$0x3FB0]  }
0x29: {  	s4 =	sld [smem:$0x3FB2]  }
0x2a: {  	p0 =	seq.s32 s5, $0x0;
	s5 =	sld [smem:$0x3FB3]  }
0x2b: {  	s6 =	sld [smem:$0x3FB4]  }
0x2c: {  	s7 =	sld [smem:$0x3FB5]  }
0x2d: {  	s3 =	simm.s32 $0x108;
	s8 =	sld [smem:$0x3FB6]  }
0x2e: {  	s3 =	simm.s32 @!p0 $0x1082;
	s9 =	sld [smem:$0x3FB7]  }
0x2f: {  	lr =	sadd.s32 s0, s3;
	s0 =	sld [smem:$0x3FAE]  }
0x30: {  	s3 =	sld [smem:$0x3FB1]  }
0x31: {  	[smem:$0x3FBA] =	sst s10  }
0x32: {  	s10 =	sld [smem:$0x3FB8];
	_ =	sdelay $0x3  }
0x33: {  	p0 =	seq.s32 s10, $0x1;
	s10 =	sld [smem:$0x3FBA];
	_ =	sdelay $0x3  }
0x34: {  	[smem:$0x3FBA] =	sst s10  }
0x35: {  	s10 =	sld [smem:$0x3FB9];
	_ =	sdelay $0x3  }
0x36: {  	p1 =	seq.s32 s10, $0x1;
	s10 =	sld [smem:$0x3FBA];
	_ =	sdelay $0x3  }
0x37: {  	[smem:$0x3FBA] =	sst s10  }
0x38: {  	s10 =	sld [smem:$0x3FBB]  }
0x39: {  	_ = 	snop;
	(pc) =	sbr.ind lr, $3  }
0x3a: {  	_ = 	snop  }
0x3b: {  	_ = 	snop  }
0x3c: {  	p2 =	seq.s32 s10, $0x1;
	s10 =	sld [smem:$0x3FBA]  }
0x3d: {  	_ =	shalt  }
0x3e: {  	_ =	shalt  }
0x3f: {  	_ =	shalt  }
0x40: {  	_ =	shalt  }
0x41: {  	_ =	shalt  }
0x42: {  	_ =	shalt  }
0x43: {  	_ =	shalt  }
0x44: {  	_ =	shalt  }
0x45: {  	_ =	shalt  }
0x46: {  	_ =	shalt  }
0x47: {  	_ =	shalt  }
0x48: {  	_ =	shalt  }
0x49: {  	_ =	shalt  }
0x4a: {  	_ =	shalt  }
0x4b: {  	_ =	shalt  }
0x4c: {  	_ =	shalt  }
0x4d: {  	_ =	shalt  }
0x4e: {  	_ =	shalt  }
0x4f: {  	_ =	shalt  }
0x50: {  	_ =	shalt  }
0x51: {  	_ =	shalt  }
0x52: {  	_ =	shalt  }
0x53: {  	_ =	shalt  }
0x54: {  	_ =	shalt  }
0x55: {  	_ =	shalt  }
0x56: {  	_ =	shalt  }
0x57: {  	_ =	shalt  }
0x58: {  	_ =	shalt  }
0x59: {  	_ =	shalt  }
0x5a: {  	_ =	shalt  }
0x5b: {  	_ =	shalt  }
0x5c: {  	_ =	shalt  }
0x5d: {  	_ =	shalt  }
0x5e: {  	_ =	shalt  }
0x5f: {  	_ =	shalt  }
0x60: {  	_ =	shalt  }
0x61: {  	_ =	shalt  }
0x62: {  	_ =	shalt  }
0x63: {  	_ =	shalt  }
0x64: {  	_ =	shalt  }
0x65: {  	_ =	shalt  }
0x66: {  	_ =	shalt  }
0x67: {  	_ =	shalt  }
0x68: {  	_ =	shalt  }
0x69: {  	_ =	shalt  }
0x6a: {  	_ =	shalt  }
0x6b: {  	_ =	shalt  }
0x6c: {  	_ =	shalt  }
0x6d: {  	_ =	shalt  }
0x6e: {  	_ =	shalt  }
0x6f: {  	_ =	shalt  }
0x70: {  	_ =	shalt  }
0x71: {  	_ =	shalt  }
0x72: {  	_ =	shalt  }
0x73: {  	_ =	shalt  }
0x74: {  	_ =	shalt  }
0x75: {  	_ =	shalt  }
0x76: {  	_ =	shalt  }
0x77: {  	_ =	shalt  }
0x78: {  	_ =	shalt  }
0x79: {  	_ =	shalt  }
0x7a: {  	_ =	shalt  }
0x7b: {  	_ =	shalt  }
0x7c: {  	_ =	shalt  }
0x7d: {  	_ =	shalt  }
0x7e: {  	_ =	shalt  }
0x7f: {  	_ =	shalt  }
0x80: {  	_ =	shalt  }
0x81: {  	_ =	shalt  }
0x82: {  	_ =	shalt  }
0x83: {  	_ =	shalt  }
0x84: {  	_ =	shalt  }
0x85: {  	_ =	shalt  }
0x86: {  	_ =	shalt  }
0x87: {  	_ =	shalt  }
.Lfunc_end0:
.L_simem_size_0:
called_computation_lowered:
.L_overlay_start_0:
0x88: {  	s2 =	sld [smem:$0x3FD9]  }
0x89: {  	s3 =	sld [smem:$0x3FFE];
	_ =	sdelay $0x1  }
0x8a: {  	s1 =	srdreg.scid  }
0x8b: {  	s0 =	sand.u32 $0x1, s1  }
0x8c: {  	s17 =	sshll.u32 s0, $0xA;
	s2 =	sadd.s32 s3, s2  }
0x8d: {  	s2 =	sadd.s32 s2, s17  }
0x8e: {  	[smem:$0x3FC6] =	sst s2  }
0x8f: {  	_ = 	snop  }
0x90: {  	s2 =	sld [smem:$0x3FC9];
	(tm) =	ssettm $0x1  }
0x91: {  	s18 =	sld [smem:$0x3FFB];
	_ =	sdelay $0x3  }
0x92: {  	_ =	strace s18  }
0x93: {  	s3 =	sld [smem:$0x3FFC];
	_ =	sdelay $0x3  }
0x94: {  	_ =	strace s3  }
0x95: {  	s3 =	sld [smem:$0x3FFD];
	_ =	sdelay $0x3  }
0x96: {  	_ =	strace s3  }
0x97: {  	_ =	strace $0x8FFFFFFF  }
0x98: {  	s19 =	sld [smem:$0x3FDB];
	_ =	sdelay $0x1  }
0x99: {  	s4 =	simm.s32 $_scs_section_size  }
0x9a: {  	s5 =	simm.s32 $_size__tile_overlayer_lowered;
	s6 =	simm.s32 $_tile_overlayer_lowered  }
0x9b: {  	s22 =	simm.s32 $0x1BFF;
	s21 =	sshll.u32 s6, $0x1;
	s3 =	sadd.s32 s4, s19  }
0x9c: {  	s7 =	simm.s32 $0x0;
	s20 =	sshll.u32 s5, $0x1;
	s5 =	sadd.s32 s21, s3  }
0x9d: {  	[timem:s7], [sflag:s22] =	dma.local [hbm:s5], s20  }
0x9e: {  	_ =	swait.ge [sflag:s22], s20  }
0x9f: {  	s4 =	ssub.s32 $0x0, s20;
	[sflag:s22] =	ssyncset.done $0x0  }
0xa0: {  	[sflag:s22] =	ssyncadd.s32 s4;
	_ =	sdelay $0x1  }
0xa1: {  	s23 =	simm.s32 $0x1B8B  }
0xa2: {  	_ =	swait.ge [sflag:s23], $0x1  }
0xa3: {  	[sflag:s23] =	ssyncset.done $0x0  }
0xa4: {  	s25 =	simm.s32 $0x1B8E;
	s24 =	sld [smem:$0x3FFE];
	[sflag:s23] =	ssyncadd.s32 $0xFFFFFFFF  }
0xa5: {  	s26 =	simm.s32 $execute0_lowered;
	[smem:$0x3FD2] =	sst s25  }
0xa6: {  	s5 =	sshll.u32 s26, $0x1;
	_ =	strace $0x80000046;
	[dreg:$0x1] =	wrdreg $0xFFFFFFFF  }
0xa7: {  	s28 =	simm.s32 $_size_execute0_lowered;
	s3 =	sadd.s32 s3, s5;
	[dreg:$0x0] =	wrdreg $0x0  }
0xa8: {  	s5 =	sshll.u32 s28, $0x1;
	[dreg:$0x2] =	wrdreg s3  }
0xa9: {  	[dreg:$0x3] =	wrdreg s5  }
0xaa: {  	[dreg:$0x4] =	wrdreg $0xC0  }
0xab: {  	_ =	task [dreg:s7], $0x5FFFF  }
0xac: {  	[dreg:$0x1] =	wrdreg $0xFFFFFFFF  }
0xad: {  	[dreg:$0x0] =	wrdreg $0x60  }
0xae: {  	[dreg:$0x2] =	wrdreg s2  }
0xaf: {  	[dreg:$0x3] =	wrdreg s24  }
0xb0: {  	[dreg:$0x4] =	wrdreg $0x9  }
0xb1: {  	_ =	task.clear_ibuf [dreg:s7], $0x5FFFF;
	_ =	strace $0x90000046  }
0xb2: {  	s29 =	simm.s32 $0x9;
	_ =	strace $0x80000048  }
0xb3: {  	_ =	swait.ge [sflag:s29], $0x1  }
0xb4: {  	[sflag:s29] =	ssyncadd.s32 $0xFFFFFFFF  }
0xb5: {  	_ =	strace $0x90000048  }
0xb6: {  	_ =	sfence  }
0xb7: {  	s30 =	sld [smem:$0x0];
	_ =	sdelay $0x2  }
0xb8: {  	s31 =	sshll.u32 s1, $0xD;
	s1 =	sshrl.u32 s1, $0x2  }
0xb9: {  	s3 =	sand.u32 $0x4000, s31;
	s1 =	sadd.s32 s1, s30  }
0xba: {  	s0 =	sor.u32 s3, s0;
	s1 =	sshll.u32 s1, $0x11  }
0xbb: {  	s0 =	sor.u32 s1, s0  }
0xbc: {  	s0 =	sadd.s32 $0x8F2B, s0  }
0xbd: {  	[sflag:s0] =	ssyncadd.remote.s32 $0x1  }
0xbe: {  	_ =	sfence.sel $0xFFFF  }
0xbf: {  	[dreg:$0x0] =	wrdreg $0xFFFFFFFF;
	(pc) =	sbr.abs _section_cstart, $3  }
0xc0: {  	[dreg:$0x1] =	wrdreg $0xFFFFFFFF  }
0xc1: {  	_ =	task.clear_ibuf [dreg:s7], $0x2FFFF;
	_ =	strace $0x9FFFFFFF  }
0xc2: {  	(tm) =	ssettm $0x7FFFFFFF  }
0xc3: {  	_ =	shalt  }
tec
execute0_lowered:
.L_overlay_start_1:
0x0: {  	(tag) =	ssettag $0x1  }
0x1: {  	s0 =	rddreg [dreg:$0x0]  }
0x2: {  	s1 =	srdreg.scid;
	s2 =	stileid.u32  }
0x3: {  	s3 =	rddreg [dreg:$0x1];
	s1 =	sand.u32 $0x1, s1;
	s4 =	sshll.u32 s2, $0x1  }
0x4: {  	s2 =	simm.s32 $0x0;
	s25 =	sadd.s32 $0xF42A00, s3;
	s5 =	sor.u32 s1, s4  }
0x5: {  	[smem:$0x7FF] =	sst s2;
	s1 =	ssub.s32 $0x2, s1;
	s24 =	smul.u32 $0x6400, s5  }
0x6: {  	_ =	strace $0x80000047;
	s6 =	sshrl.u32 s1, $0x1;
	[dreg:$0x4] =	wrdreg s25  }
0x7: {  	s9 =	smul.u32 $0x64000, s5;
	s26 =	sor.u32 $0xA0, s24;
	[dreg:$0x3] =	wrdreg s24  }
0x8: {  	s1 =	ssub.s32 s1, s6;
	s28 =	sor.u32 $0x140, s24;
	[dreg:$0x6] =	wrdreg s26  }
0x9: {  	s7 =	sshrl.u32 s24, $0x3;
	s30 =	sor.u32 $0x1E0, s24;
	[dreg:$0x7] =	wrdreg s28  }
.Ltmp0:
0xa: {  	s1 =	smax.u32 s1, $0x1;
	[dreg:$0x8] =	wrdreg s30;
	(pc) =	sbr.rel .LBB2_1-.Ltmp0, $4  }
0xb: {  	s29 =	sadd.s32 s25, s9;
	s0 =	sadd.s32 s0, s7;
	[dreg:$0x9] =	wrdreg s1  }
0xc: {  	s31 =	sadd.s32 $0x62200, s29;
	[dreg:$0x5] =	wrdreg s0  }
0xd: {  	[dreg:$0xa] =	wrdreg s31;
	s0 =	sadd.s32 $0x63600, s29  }
0xe: {  	s4 =	sadd.s32 $0x400, s3;
	s3 =	simm.s32 $0x0;
	[dreg:$0xb] =	wrdreg s0  }
.LBB2_23:
0xf: {  	s0 =	simm.s32 $0x4  }
0x10: {  	_ =	swait.ge [sflag:s0], $0x5000  }
0x11: {  	s1 =	simm.s32 $0x15400;
	[sflag:s0] =	ssyncset.done $0x0  }
0x12: {  	s26 =	simm.s32 $0x5;
	s23 =	rddreg [dreg:$0xb];
	[sflag:s0] =	ssyncadd.s32 $0xFFFFB000  }
0x13: {  	[hbm4b:s23+s2] =	stream.linear.scatter [tilespmem:s1], [sflag:$0x8], $0x5000, $0x38;
	[tilespmem:$0x1A400] =	vst v63  }
0x14: {  	_ =	swait.ge [sflag:s26], $0x5000  }
0x15: {  	[sflag:s26] =	ssyncset.done $0x0  }
0x16: {  	s28 =	simm.s32 $0x6;
	[sflag:s26] =	ssyncadd.s32 $0xFFFFB000  }
0x17: {  	_ =	swait.ge [sflag:s28], $0x5000  }
0x18: {  	[sflag:s28] =	ssyncset.done $0x0  }
0x19: {  	s29 =	simm.s32 $0x7;
	[sflag:s28] =	ssyncadd.s32 $0xFFFFB000  }
0x1a: {  	_ =	swait.ge [sflag:s29], $0x5000  }
0x1b: {  	[sflag:s29] =	ssyncset.done $0x0  }
0x1c: {  	s30 =	simm.s32 $0x8;
	[sflag:s29] =	ssyncadd.s32 $0xFFFFB000  }
0x1d: {  	_ =	swait.ge [sflag:s30], $0x5000  }
0x1e: {  	s3 =	rddreg [dreg:$0xc]  }
0x1f: {  	s31 =	rddreg [dreg:$0x9];
	s3 =	sadd.s32 $0x1, s3  }
0x20: {  	p0 =	sne.s32 s3, s31  }
.Ltmp1:
0x21: {  	_ = 	snop;
	(pc) =	sbr.rel @!p0 .LBB2_24-.Ltmp1, $3  }
0x22: {  	_ =	sdelay $0x1  }
0x23: {  	[sflag:s30] =	ssyncset.done $0x0  }
0x24: {  	[sflag:s30] =	ssyncadd.s32 $0xFFFFB000  }
.LBB2_1:
0x25: {  	[dreg:$0xc] =	wrdreg s3  }
0x26: {  	s0 =	rddreg [dreg:$0x5];
	s31 =	simm.s32 $0x9  }
0x27: {  	[tilespmem:s2], [sflag:$0x9] =	stream.linear.gather [hbm4b:s0+s2], $0x6400, $0x38;
	[tilespmem:$0x1A400] =	vst v63  }
0x28: {  	_ =	swait.ge [sflag:s31], $0x6400  }
0x29: {  	[sflag:s31] =	ssyncset.done $0x0  }
0x2a: {  	[sflag:s31] =	ssyncadd.s32 $0xFFFF9C00  }
0x2b: {  	v0 =	vld [tilespmem:s2+$0x0];
	_ =	sdelay $0x4  }
0x2c: {  	v0 =	vshll.u32 v0, $0x4  }
0x2d: {  	(v2sf) =	vpush v0, $0x0  }
0x2e: {  	(v2sf) =	vpush v0, $0x1  }
0x2f: {  	(v2sf) =	vpush v0, $0x2;
	_ =	sdelay $0x1  }
0x30: {  	(v2sf) =	vpush v0, $0x4;
	_ =	sdelay $0x1  }
0x31: {  	(v2sf) =	vpush v0, $0x3  }
0x32: {  	(v2sf) =	vpush v0, $0x5  }
0x33: {  	s6 =	simm.s32 $0x2000;
	s1 =	simm.s32 $0x0;
	s7 =	simm.s32 $0x0;
	(v2sf) =	vpush v0, $0x6  }
.LBB2_2:
0x34: {  	p0 =	sne.s32 s6, $0x12000  }
0x35: {  	s3 =	sadd.s32 $0x6480, s1;
	s13 =	sadd.s32 $0x6980, s1;
	s10 =	smov.u32 s6  }
0x36: {  	s6 =	sadd.s32 $0x2000, s6;
	s19 =	sadd.s32 $0x6780, s1;
	s11 =	sadd.s32 $0x6A00, s1;
	(v2sf) =	vpush v0, $0x7  }
0x37: {  	s21 =	sadd.s32 $0x6680, s1;
	s15 =	sadd.s32 $0x6800, s1;
	s12 =	sadd.s32 $0x6A80, s1  }
0x38: {  	s22 =	sadd.s32 $0x6400, s1;
	s23 =	sadd.s32 $0x6600, s1;
	(v2sf) =	vpush v0, $0x8  }
0x39: {  	s0 =	simm.s32 $0x0;
	s26 =	sadd.s32 $0x6700, s1;
	s7 =	sadd.s32 $0x10, s7  }
0x3a: {  	s28 =	sadd.s32 $0x6500, s1;
	s17 =	sadd.s32 $0x6900, s1;
	s9 =	spop (v2sf);
	(v2sf) =	vpush v0, $0x9  }
0x3b: {  	s29 =	sand.u32 $0x1FFFFFF0, s9;
	s9 =	sadd.s32 $0x6880, s1;
	s30 =	spop (v2sf)  }
0x3c: {  	s29 =	sadd.s32 s4, s29;
	s30 =	sand.u32 $0x1FFFFFF0, s30;
	s31 =	spop (v2sf);
	(v2sf) =	vpush v0, $0xA  }
0x3d: {  	[tilespmem:s22], [sflag:$0x1] =	stream.linear.gather [hbm4b:s29+s0], $0x80, $0x38;
	[tilespmem:$0x1A400] =	vst v63  }
0x3e: {  	s22 =	sadd.s32 s4, s30;
	s29 =	sadd.s32 $0x6580, s1;
	s30 =	spop (v2sf);
	(v2sf) =	vpush v0, $0xB  }
0x3f: {  	[tilespmem:s3], [sflag:$0x1] =	stream.linear.gather [hbm4b:s22+s0], $0x80, $0x38;
	[tilespmem:$0x1A400] =	vst v63  }
0x40: {  	s3 =	sand.u32 $0x1FFFFFF0, s31;
	s22 =	sand.u32 $0x1FFFFFF0, s30;
	s30 =	spop (v2sf);
	(v2sf) =	vpush v0, $0xC  }
0x41: {  	s3 =	sadd.s32 s4, s3;
	s30 =	sand.u32 $0x1FFFFFF0, s30;
	s31 =	spop (v2sf)  }
0x42: {  	[tilespmem:s28], [sflag:$0x1] =	stream.linear.gather [hbm4b:s3+s0], $0x80, $0x38;
	(v2sf) =	vpush v0, $0xD;
	[tilespmem:$0x1A400] =	vst v63  }
0x43: {  	s3 =	sadd.s32 s4, s30;
	s28 =	sand.u32 $0x1FFFFFF0, s31;
	s30 =	spop (v2sf)  }
0x44: {  	[tilespmem:s29], [sflag:$0x1] =	stream.linear.gather [hbm4b:s3+s0], $0x80, $0x38;
	(v2sf) =	vpush v0, $0xE;
	[tilespmem:$0x1A400] =	vst v63  }
0x45: {  	s3 =	sadd.s32 s4, s22;
	s22 =	sand.u32 $0x1FFFFFF0, s30;
	s29 =	spop (v2sf)  }
0x46: {  	[tilespmem:s23], [sflag:$0x1] =	stream.linear.gather [hbm4b:s3+s0], $0x80, $0x38;
	(v2sf) =	vpush v0, $0xF;
	[tilespmem:$0x1A400] =	vst v63  }
0x47: {  	s3 =	sadd.s32 s4, s28;
	s23 =	sand.u32 $0x1FFFFFF0, s29;
	s28 =	spop (v2sf)  }
0x48: {  	[tilespmem:s21], [sflag:$0x1] =	stream.linear.gather [hbm4b:s3+s0], $0x80, $0x38;
	[tilespmem:$0x1A400] =	vst v63  }
0x49: {  	s3 =	sadd.s32 s4, s22;
	s21 =	sand.u32 $0x1FFFFFF0, s28;
	s22 =	spop (v2sf)  }
0x4a: {  	[tilespmem:s26], [sflag:$0x1] =	stream.linear.gather [hbm4b:s3+s0], $0x80, $0x38;
	[tilespmem:$0x1A400] =	vst v63  }
0x4b: {  	s3 =	sadd.s32 s4, s23;
	s22 =	sand.u32 $0x1FFFFFF0, s22;
	s23 =	spop (v2sf)  }
0x4c: {  	[tilespmem:s19], [sflag:$0x1] =	stream.linear.gather [hbm4b:s3+s0], $0x80, $0x38;
	[tilespmem:$0x1A400] =	vst v63  }
0x4d: {  	s3 =	sadd.s32 s4, s21;
	s19 =	sand.u32 $0x1FFFFFF0, s23;
	s21 =	spop (v2sf)  }
0x4e: {  	[tilespmem:s15], [sflag:$0x1] =	stream.linear.gather [hbm4b:s3+s0], $0x80, $0x38;
	[tilespmem:$0x1A400] =	vst v63  }
0x4f: {  	s3 =	sadd.s32 s4, s22;
	s15 =	sand.u32 $0x1FFFFFF0, s21;
	s21 =	spop (v2sf)  }
0x50: {  	[tilespmem:s9], [sflag:$0x1] =	stream.linear.gather [hbm4b:s3+s0], $0x80, $0x38;
	[tilespmem:$0x1A400] =	vst v63  }
0x51: {  	s3 =	sadd.s32 s4, s19;
	s9 =	sand.u32 $0x1FFFFFF0, s21;
	s19 =	spop (v2sf)  }
0x52: {  	[tilespmem:s17], [sflag:$0x1] =	stream.linear.gather [hbm4b:s3+s0], $0x80, $0x38;
	[tilespmem:$0x1A400] =	vst v63  }
0x53: {  	s3 =	sadd.s32 s4, s15;
	s15 =	sand.u32 $0x1FFFFFF0, s19;
	s17 =	spop (v2sf)  }
0x54: {  	[tilespmem:s13], [sflag:$0x1] =	stream.linear.gather [hbm4b:s3+s0], $0x80, $0x38;
	[tilespmem:$0x1A400] =	vst v63  }
0x55: {  	s3 =	sadd.s32 s4, s9;
	s9 =	sand.u32 $0x1FFFFFF0, s17;
	s13 =	spop (v2sf)  }
0x56: {  	[tilespmem:s11], [sflag:$0x1] =	stream.linear.gather [hbm4b:s3+s0], $0x80, $0x38;
	[tilespmem:$0x1A400] =	vst v63  }
0x57: {  	s3 =	sadd.s32 s4, s15;
	s11 =	sand.u32 $0x1FFFFFF0, s13  }
0x58: {  	[tilespmem:s12], [sflag:$0x1] =	stream.linear.gather [hbm4b:s3+s0], $0x80, $0x38;
	[tilespmem:$0x1A400] =	vst v63  }
0x59: {  	s9 =	sadd.s32 s4, s9;
	s3 =	sadd.s32 $0x6B00, s1  }
0x5a: {  	[tilespmem:s3], [sflag:$0x1] =	stream.linear.gather [hbm4b:s9+s0], $0x80, $0x38;
	[tilespmem:$0x1A400] =	vst v63  }
0x5b: {  	s1 =	sadd.s32 $0x6B80, s1;
	s3 =	sadd.s32 s4, s11  }
0x5c: {  	[tilespmem:s1], [sflag:$0x1] =	stream.linear.gather [hbm4b:s3+s0], $0x80, $0x38;
	[tilespmem:$0x1A400] =	vst v63  }
0x5d: {  	v0 =	vld [tilespmem:s7+$0x0];
	_ =	sdelay $0x4  }
0x5e: {  	v0 =	vshll.u32 v0, $0x4  }
0x5f: {  	(v2sf) =	vpush v0, $0x0  }
0x60: {  	(v2sf) =	vpush v0, $0x1  }
0x61: {  	(v2sf) =	vpush v0, $0x2;
	_ =	sdelay $0x1  }
0x62: {  	(v2sf) =	vpush v0, $0x4  }
.Ltmp2:
0x63: {  	(pc) =	sbr.rel @p0 .LBB2_2-.Ltmp2, $3  }
0x64: {  	(v2sf) =	vpush v0, $0x3  }
0x65: {  	(v2sf) =	vpush v0, $0x5;
	_ =	sdelay $0x1  }
0x66: {  	s1 =	sshra.s32 s10, $0x2;
	(v2sf) =	vpush v0, $0x6  }
0x67: {  	_ =	sdelay $0x1  }
0x68: {  	s3 =	sadd.s32 $0x6480, s1;
	s9 =	sadd.s32 $0x6980, s1  }
0x69: {  	s10 =	sadd.s32 $0x6780, s1;
	s6 =	sadd.s32 $0x6A00, s1;
	(v2sf) =	vpush v0, $0x7;
	s11 =	sadd.s32 $0x6680, s1  }
0x6a: {  	s12 =	sadd.s32 $0x6800, s1;
	s7 =	sadd.s32 $0x6A80, s1;
	s13 =	sadd.s32 $0x6400, s1  }
0x6b: {  	s15 =	sadd.s32 $0x6600, s1;
	s17 =	sadd.s32 $0x6700, s1;
	(v2sf) =	vpush v0, $0x8;
	s19 =	spop (v2sf)  }
0x6c: {  	s21 =	sadd.s32 $0x6500, s1;
	s19 =	sand.u32 $0x1FFFFFF0, s19;
	s22 =	spop (v2sf)  }
0x6d: {  	(v2sf) =	vpush v0, $0x9;
	s19 =	sadd.s32 s4, s19;
	s22 =	sand.u32 $0x1FFFFFF0, s22;
	s23 =	spop (v2sf)  }
0x6e: {  	[tilespmem:s13], [sflag:$0x1] =	stream.linear.gather [hbm4b:s19+s0], $0x80, $0x38;
	[tilespmem:$0x1A400] =	vst v63  }
0x6f: {  	s26 =	sadd.s32 $0x6580, s1;
	(v2sf) =	vpush v0, $0xA;
	s5 =	sadd.s32 s4, s22;
	s8 =	spop (v2sf)  }
0x70: {  	[tilespmem:s3], [sflag:$0x1] =	stream.linear.gather [hbm4b:s5+s0], $0x80, $0x38;
	[tilespmem:$0x1A400] =	vst v63  }
0x71: {  	s13 =	sadd.s32 $0x6900, s1;
	s14 =	sand.u32 $0x1FFFFFF0, s23;
	(v2sf) =	vpush v0, $0xB;
	s16 =	spop (v2sf)  }
0x72: {  	s19 =	sadd.s32 s4, s14;
	s3 =	sadd.s32 $0x6880, s1;
	s23 =	sand.u32 $0x1FFFFFF0, s16  }
0x73: {  	(v2sf) =	vpush v0, $0xC;
	[tilespmem:s21], [sflag:$0x1] =	stream.linear.gather [hbm4b:s19+s0], $0x80, $0x38;
	[tilespmem:$0x1A400] =	vst v63  }
0x74: {  	s18 =	sand.u32 $0x1FFFFFF0, s8;
	s20 =	spop (v2sf);
	s23 =	sadd.s32 s4, s23  }
0x75: {  	(v2sf) =	vpush v0, $0xD;
	[tilespmem:s26], [sflag:$0x1] =	stream.linear.gather [hbm4b:s23+s0], $0x80, $0x38;
	[tilespmem:$0x1A400] =	vst v63  }
0x76: {  	s19 =	sadd.s32 s4, s18;
	s21 =	sand.u32 $0x1FFFFFF0, s20;
	s28 =	spop (v2sf)  }
0x77: {  	(v2sf) =	vpush v0, $0xE;
	[tilespmem:s15], [sflag:$0x1] =	stream.linear.gather [hbm4b:s19+s0], $0x80, $0x38;
	[tilespmem:$0x1A400] =	vst v63  }
0x78: {  	s21 =	sadd.s32 s4, s21;
	s29 =	sand.u32 $0x1FFFFFF0, s28;
	s30 =	spop (v2sf)  }
0x79: {  	(v2sf) =	vpush v0, $0xF;
	[tilespmem:s11], [sflag:$0x1] =	stream.linear.gather [hbm4b:s21+s0], $0x80, $0x38;
	[tilespmem:$0x1A400] =	vst v63  }
0x7a: {  	s31 =	sand.u32 $0x1FFFFFF0, s30;
	s5 =	spop (v2sf);
	s15 =	sadd.s32 s4, s29  }
0x7b: {  	[tilespmem:s17], [sflag:$0x1] =	stream.linear.gather [hbm4b:s15+s0], $0x80, $0x38;
	[tilespmem:$0x1A400] =	vst v63  }
0x7c: {  	s8 =	sand.u32 $0x1FFFFFF0, s5;
	s11 =	sadd.s32 s4, s31;
	s14 =	spop (v2sf)  }
0x7d: {  	[tilespmem:s10], [sflag:$0x1] =	stream.linear.gather [hbm4b:s11+s0], $0x80, $0x38;
	[tilespmem:$0x1A400] =	vst v63  }
0x7e: {  	s15 =	sadd.s32 s4, s8;
	s16 =	sand.u32 $0x1FFFFFF0, s14;
	s17 =	spop (v2sf)  }
0x7f: {  	[tilespmem:s12], [sflag:$0x1] =	stream.linear.gather [hbm4b:s15+s0], $0x80, $0x38;
	[tilespmem:$0x1A400] =	vst v63  }
0x80: {  	s11 =	sand.u32 $0x1FFFFFF0, s17;
	s10 =	sadd.s32 s4, s16;
	s18 =	spop (v2sf)  }
0x81: {  	[tilespmem:s3], [sflag:$0x1] =	stream.linear.gather [hbm4b:s10+s0], $0x80, $0x38;
	[tilespmem:$0x1A400] =	vst v63  }
0x82: {  	s11 =	sadd.s32 s4, s11;
	s19 =	sand.u32 $0x1FFFFFF0, s18;
	s20 =	spop (v2sf)  }
0x83: {  	[tilespmem:s13], [sflag:$0x1] =	stream.linear.gather [hbm4b:s11+s0], $0x80, $0x38;
	[tilespmem:$0x1A400] =	vst v63  }
0x84: {  	s3 =	sadd.s32 s4, s19;
	s10 =	sand.u32 $0x1FFFFFF0, s20;
	s21 =	spop (v2sf)  }
0x85: {  	[tilespmem:s9], [sflag:$0x1] =	stream.linear.gather [hbm4b:s3+s0], $0x80, $0x38;
	[tilespmem:$0x1A400] =	vst v63  }
0x86: {  	s22 =	sand.u32 $0x1FFFFFF0, s21;
	s10 =	sadd.s32 s4, s10;
	s23 =	spop (v2sf)  }
0x87: {  	[tilespmem:s6], [sflag:$0x1] =	stream.linear.gather [hbm4b:s10+s0], $0x80, $0x38;
	[tilespmem:$0x1A400] =	vst v63  }
0x88: {  	s26 =	sand.u32 $0x1FFFFFF0, s23;
	s28 =	spop (v2sf);
	s3 =	sadd.s32 s4, s22  }
0x89: {  	[tilespmem:s7], [sflag:$0x1] =	stream.linear.gather [hbm4b:s3+s0], $0x80, $0x38;
	[tilespmem:$0x1A400] =	vst v63  }
0x8a: {  	s30 =	sadd.s32 $0x6B00, s1;
	s29 =	sand.u32 $0x1FFFFFF0, s28;
	s6 =	sadd.s32 s4, s26  }
0x8b: {  	[tilespmem:s30], [sflag:$0x1] =	stream.linear.gather [hbm4b:s6+s0], $0x80, $0x38;
	[tilespmem:$0x1A400] =	vst v63  }
0x8c: {  	s31 =	sadd.s32 $0x6B80, s1;
	s3 =	sadd.s32 s4, s29;
	s6 =	simm.s32 $0xA0  }
0x8d: {  	[tilespmem:s31], [sflag:$0x1] =	stream.linear.gather [hbm4b:s3+s0], $0x80, $0x38;
	[tilespmem:$0x1A400] =	vst v63  }
0x8e: {  	v0 =	vld [tilespmem:s6+$0x0];
	_ =	sdelay $0x4  }
0x8f: {  	v0 =	vshll.u32 v0, $0x4  }
0x90: {  	(v2sf) =	vpush v0, $0x0  }
0x91: {  	(v2sf) =	vpush v0, $0x1  }
0x92: {  	(v2sf) =	vpush v0, $0x2;
	_ =	sdelay $0x1  }
0x93: {  	(v2sf) =	vpush v0, $0x4;
	_ =	sdelay $0x1  }
0x94: {  	(v2sf) =	vpush v0, $0x3  }
0x95: {  	(v2sf) =	vpush v0, $0x5  }
0x96: {  	s1 =	simm.s32 $0x0;
	s7 =	simm.s32 $0x2000;
	(v2sf) =	vpush v0, $0x6  }
.LBB2_4:
0x97: {  	p0 =	sne.s32 s7, $0x12000  }
0x98: {  	s3 =	sadd.s32 $0xB480, s1;
	s13 =	sadd.s32 $0xB980, s1;
	s10 =	smov.u32 s7  }
0x99: {  	s7 =	sadd.s32 $0x2000, s7;
	s19 =	sadd.s32 $0xB780, s1;
	s11 =	sadd.s32 $0xBA00, s1;
	(v2sf) =	vpush v0, $0x7  }
0x9a: {  	s21 =	sadd.s32 $0xB680, s1;
	s17 =	sadd.s32 $0xB800, s1;
	s12 =	sadd.s32 $0xBA80, s1  }
0x9b: {  	s22 =	sadd.s32 $0xB400, s1;
	s23 =	sadd.s32 $0xB600, s1;
	(v2sf) =	vpush v0, $0x8  }
0x9c: {  	s26 =	sadd.s32 $0xB700, s1;
	s6 =	sadd.s32 $0x10, s6  }
0x9d: {  	s28 =	sadd.s32 $0xB500, s1;
	s15 =	sadd.s32 $0xB900, s1;
	s9 =	spop (v2sf);
	(v2sf) =	vpush v0, $0x9  }
0x9e: {  	s29 =	sand.u32 $0x1FFFFFF0, s9;
	s9 =	sadd.s32 $0xB880, s1;
	s30 =	spop (v2sf)  }
0x9f: {  	s29 =	sadd.s32 s4, s29;
	s30 =	sand.u32 $0x1FFFFFF0, s30;
	s31 =	spop (v2sf);
	(v2sf) =	vpush v0, $0xA  }
0xa0: {  	[tilespmem:s22], [sflag:$0x2] =	stream.linear.gather [hbm4b:s29+s0], $0x80, $0x38;
	[tilespmem:$0x1A400] =	vst v63  }
0xa1: {  	s22 =	sadd.s32 s4, s30;
	s29 =	sadd.s32 $0xB580, s1;
	s30 =	spop (v2sf);
	(v2sf) =	vpush v0, $0xB  }
0xa2: {  	[tilespmem:s3], [sflag:$0x2] =	stream.linear.gather [hbm4b:s22+s0], $0x80, $0x38;
	[tilespmem:$0x1A400] =	vst v63  }
0xa3: {  	s3 =	sand.u32 $0x1FFFFFF0, s31;
	s22 =	sand.u32 $0x1FFFFFF0, s30;
	s30 =	spop (v2sf);
	(v2sf) =	vpush v0, $0xC  }
0xa4: {  	s3 =	sadd.s32 s4, s3;
	s30 =	sand.u32 $0x1FFFFFF0, s30;
	s31 =	spop (v2sf)  }
0xa5: {  	[tilespmem:s28], [sflag:$0x2] =	stream.linear.gather [hbm4b:s3+s0], $0x80, $0x38;
	(v2sf) =	vpush v0, $0xD;
	[tilespmem:$0x1A400] =	vst v63  }
0xa6: {  	s3 =	sadd.s32 s4, s30;
	s28 =	sand.u32 $0x1FFFFFF0, s31;
	s30 =	spop (v2sf)  }
0xa7: {  	[tilespmem:s29], [sflag:$0x2] =	stream.linear.gather [hbm4b:s3+s0], $0x80, $0x38;
	(v2sf) =	vpush v0, $0xE;
	[tilespmem:$0x1A400] =	vst v63  }
0xa8: {  	s3 =	sadd.s32 s4, s22;
	s22 =	sand.u32 $0x1FFFFFF0, s30;
	s29 =	spop (v2sf)  }
0xa9: {  	[tilespmem:s23], [sflag:$0x2] =	stream.linear.gather [hbm4b:s3+s0], $0x80, $0x38;
	(v2sf) =	vpush v0, $0xF;
	[tilespmem:$0x1A400] =	vst v63  }
0xaa: {  	s3 =	sadd.s32 s4, s28;
	s23 =	sand.u32 $0x1FFFFFF0, s29;
	s28 =	spop (v2sf)  }
0xab: {  	[tilespmem:s21], [sflag:$0x2] =	stream.linear.gather [hbm4b:s3+s0], $0x80, $0x38;
	[tilespmem:$0x1A400] =	vst v63  }
0xac: {  	s3 =	sadd.s32 s4, s22;
	s21 =	sand.u32 $0x1FFFFFF0, s28;
	s22 =	spop (v2sf)  }
0xad: {  	[tilespmem:s26], [sflag:$0x2] =	stream.linear.gather [hbm4b:s3+s0], $0x80, $0x38;
	[tilespmem:$0x1A400] =	vst v63  }
0xae: {  	s3 =	sadd.s32 s4, s23;
	s22 =	sand.u32 $0x1FFFFFF0, s22;
	s23 =	spop (v2sf)  }
0xaf: {  	[tilespmem:s19], [sflag:$0x2] =	stream.linear.gather [hbm4b:s3+s0], $0x80, $0x38;
	[tilespmem:$0x1A400] =	vst v63  }
0xb0: {  	s3 =	sadd.s32 s4, s21;
	s19 =	sand.u32 $0x1FFFFFF0, s23;
	s21 =	spop (v2sf)  }
0xb1: {  	[tilespmem:s17], [sflag:$0x2] =	stream.linear.gather [hbm4b:s3+s0], $0x80, $0x38;
	[tilespmem:$0x1A400] =	vst v63  }
0xb2: {  	s3 =	sadd.s32 s4, s22;
	s17 =	sand.u32 $0x1FFFFFF0, s21;
	s21 =	spop (v2sf)  }
0xb3: {  	[tilespmem:s9], [sflag:$0x2] =	stream.linear.gather [hbm4b:s3+s0], $0x80, $0x38;
	[tilespmem:$0x1A400] =	vst v63  }
0xb4: {  	s3 =	sadd.s32 s4, s19;
	s9 =	sand.u32 $0x1FFFFFF0, s21;
	s19 =	spop (v2sf)  }
0xb5: {  	[tilespmem:s15], [sflag:$0x2] =	stream.linear.gather [hbm4b:s3+s0], $0x80, $0x38;
	[tilespmem:$0x1A400] =	vst v63  }
0xb6: {  	s3 =	sadd.s32 s4, s17;
	s15 =	sand.u32 $0x1FFFFFF0, s19;
	s17 =	spop (v2sf)  }
0xb7: {  	[tilespmem:s13], [sflag:$0x2] =	stream.linear.gather [hbm4b:s3+s0], $0x80, $0x38;
	[tilespmem:$0x1A400] =	vst v63  }
0xb8: {  	s3 =	sadd.s32 s4, s9;
	s9 =	sand.u32 $0x1FFFFFF0, s17;
	s13 =	spop (v2sf)  }
0xb9: {  	[tilespmem:s11], [sflag:$0x2] =	stream.linear.gather [hbm4b:s3+s0], $0x80, $0x38;
	[tilespmem:$0x1A400] =	vst v63  }
0xba: {  	s3 =	sadd.s32 s4, s15;
	s11 =	sand.u32 $0x1FFFFFF0, s13  }
0xbb: {  	[tilespmem:s12], [sflag:$0x2] =	stream.linear.gather [hbm4b:s3+s0], $0x80, $0x38;
	[tilespmem:$0x1A400] =	vst v63  }
0xbc: {  	s9 =	sadd.s32 s4, s9;
	s3 =	sadd.s32 $0xBB00, s1  }
0xbd: {  	[tilespmem:s3], [sflag:$0x2] =	stream.linear.gather [hbm4b:s9+s0], $0x80, $0x38;
	[tilespmem:$0x1A400] =	vst v63  }
0xbe: {  	s1 =	sadd.s32 $0xBB80, s1;
	s3 =	sadd.s32 s4, s11  }
0xbf: {  	[tilespmem:s1], [sflag:$0x2] =	stream.linear.gather [hbm4b:s3+s0], $0x80, $0x38;
	[tilespmem:$0x1A400] =	vst v63  }
0xc0: {  	v0 =	vld [tilespmem:s6+$0x0];
	_ =	sdelay $0x4  }
0xc1: {  	v0 =	vshll.u32 v0, $0x4  }
0xc2: {  	(v2sf) =	vpush v0, $0x0  }
0xc3: {  	(v2sf) =	vpush v0, $0x1  }
0xc4: {  	(v2sf) =	vpush v0, $0x2;
	_ =	sdelay $0x1  }
0xc5: {  	(v2sf) =	vpush v0, $0x4  }
.Ltmp3:
0xc6: {  	(pc) =	sbr.rel @p0 .LBB2_4-.Ltmp3, $3  }
0xc7: {  	(v2sf) =	vpush v0, $0x3  }
0xc8: {  	(v2sf) =	vpush v0, $0x5;
	_ =	sdelay $0x1  }
0xc9: {  	s1 =	sshra.s32 s10, $0x2;
	(v2sf) =	vpush v0, $0x6  }
0xca: {  	_ =	sdelay $0x1  }
0xcb: {  	s3 =	sadd.s32 $0xB480, s1;
	s9 =	sadd.s32 $0xB980, s1  }
0xcc: {  	s10 =	sadd.s32 $0xB780, s1;
	s6 =	sadd.s32 $0xBA00, s1;
	(v2sf) =	vpush v0, $0x7;
	s11 =	sadd.s32 $0xB680, s1  }
0xcd: {  	s12 =	sadd.s32 $0xB800, s1;
	s7 =	sadd.s32 $0xBA80, s1;
	s13 =	sadd.s32 $0xB400, s1  }
0xce: {  	s15 =	sadd.s32 $0xB600, s1;
	s17 =	sadd.s32 $0xB700, s1;
	(v2sf) =	vpush v0, $0x8;
	s19 =	spop (v2sf)  }
0xcf: {  	s21 =	sadd.s32 $0xB500, s1;
	s19 =	sand.u32 $0x1FFFFFF0, s19;
	s22 =	spop (v2sf)  }
0xd0: {  	(v2sf) =	vpush v0, $0x9;
	s19 =	sadd.s32 s4, s19;
	s22 =	sand.u32 $0x1FFFFFF0, s22;
	s23 =	spop (v2sf)  }
0xd1: {  	[tilespmem:s13], [sflag:$0x2] =	stream.linear.gather [hbm4b:s19+s0], $0x80, $0x38;
	[tilespmem:$0x1A400] =	vst v63  }
0xd2: {  	s26 =	sadd.s32 $0xB580, s1;
	(v2sf) =	vpush v0, $0xA;
	s5 =	sadd.s32 s4, s22;
	s8 =	spop (v2sf)  }
0xd3: {  	[tilespmem:s3], [sflag:$0x2] =	stream.linear.gather [hbm4b:s5+s0], $0x80, $0x38;
	[tilespmem:$0x1A400] =	vst v63  }
0xd4: {  	s13 =	sadd.s32 $0xB900, s1;
	s14 =	sand.u32 $0x1FFFFFF0, s23;
	(v2sf) =	vpush v0, $0xB;
	s16 =	spop (v2sf)  }
0xd5: {  	s19 =	sadd.s32 s4, s14;
	s3 =	sadd.s32 $0xB880, s1;
	s23 =	sand.u32 $0x1FFFFFF0, s16  }
0xd6: {  	(v2sf) =	vpush v0, $0xC;
	[tilespmem:s21], [sflag:$0x2] =	stream.linear.gather [hbm4b:s19+s0], $0x80, $0x38;
	[tilespmem:$0x1A400] =	vst v63  }
0xd7: {  	s18 =	sand.u32 $0x1FFFFFF0, s8;
	s20 =	spop (v2sf);
	s23 =	sadd.s32 s4, s23  }
0xd8: {  	(v2sf) =	vpush v0, $0xD;
	[tilespmem:s26], [sflag:$0x2] =	stream.linear.gather [hbm4b:s23+s0], $0x80, $0x38;
	[tilespmem:$0x1A400] =	vst v63  }
0xd9: {  	s19 =	sadd.s32 s4, s18;
	s21 =	sand.u32 $0x1FFFFFF0, s20;
	s28 =	spop (v2sf)  }
0xda: {  	(v2sf) =	vpush v0, $0xE;
	[tilespmem:s15], [sflag:$0x2] =	stream.linear.gather [hbm4b:s19+s0], $0x80, $0x38;
	[tilespmem:$0x1A400] =	vst v63  }
0xdb: {  	s21 =	sadd.s32 s4, s21;
	s29 =	sand.u32 $0x1FFFFFF0, s28;
	s30 =	spop (v2sf)  }
0xdc: {  	(v2sf) =	vpush v0, $0xF;
	[tilespmem:s11], [sflag:$0x2] =	stream.linear.gather [hbm4b:s21+s0], $0x80, $0x38;
	[tilespmem:$0x1A400] =	vst v63  }
0xdd: {  	s31 =	sand.u32 $0x1FFFFFF0, s30;
	s5 =	spop (v2sf);
	s15 =	sadd.s32 s4, s29  }
0xde: {  	[tilespmem:s17], [sflag:$0x2] =	stream.linear.gather [hbm4b:s15+s0], $0x80, $0x38;
	[tilespmem:$0x1A400] =	vst v63  }
0xdf: {  	s8 =	sand.u32 $0x1FFFFFF0, s5;
	s11 =	sadd.s32 s4, s31;
	s14 =	spop (v2sf)  }
0xe0: {  	[tilespmem:s10], [sflag:$0x2] =	stream.linear.gather [hbm4b:s11+s0], $0x80, $0x38;
	[tilespmem:$0x1A400] =	vst v63  }
0xe1: {  	s15 =	sadd.s32 s4, s8;
	s16 =	sand.u32 $0x1FFFFFF0, s14;
	s17 =	spop (v2sf)  }
0xe2: {  	[tilespmem:s12], [sflag:$0x2] =	stream.linear.gather [hbm4b:s15+s0], $0x80, $0x38;
	[tilespmem:$0x1A400] =	vst v63  }
0xe3: {  	s11 =	sand.u32 $0x1FFFFFF0, s17;
	s10 =	sadd.s32 s4, s16;
	s18 =	spop (v2sf)  }
0xe4: {  	[tilespmem:s3], [sflag:$0x2] =	stream.linear.gather [hbm4b:s10+s0], $0x80, $0x38;
	[tilespmem:$0x1A400] =	vst v63  }
0xe5: {  	s11 =	sadd.s32 s4, s11;
	s19 =	sand.u32 $0x1FFFFFF0, s18;
	s20 =	spop (v2sf)  }
0xe6: {  	[tilespmem:s13], [sflag:$0x2] =	stream.linear.gather [hbm4b:s11+s0], $0x80, $0x38;
	[tilespmem:$0x1A400] =	vst v63  }
0xe7: {  	s3 =	sadd.s32 s4, s19;
	s10 =	sand.u32 $0x1FFFFFF0, s20;
	s21 =	spop (v2sf)  }
0xe8: {  	[tilespmem:s9], [sflag:$0x2] =	stream.linear.gather [hbm4b:s3+s0], $0x80, $0x38;
	[tilespmem:$0x1A400] =	vst v63  }
0xe9: {  	s22 =	sand.u32 $0x1FFFFFF0, s21;
	s10 =	sadd.s32 s4, s10;
	s23 =	spop (v2sf)  }
0xea: {  	[tilespmem:s6], [sflag:$0x2] =	stream.linear.gather [hbm4b:s10+s0], $0x80, $0x38;
	[tilespmem:$0x1A400] =	vst v63  }
0xeb: {  	s26 =	sand.u32 $0x1FFFFFF0, s23;
	s28 =	spop (v2sf);
	s3 =	sadd.s32 s4, s22  }
0xec: {  	[tilespmem:s7], [sflag:$0x2] =	stream.linear.gather [hbm4b:s3+s0], $0x80, $0x38;
	[tilespmem:$0x1A400] =	vst v63  }
0xed: {  	s30 =	sadd.s32 $0xBB00, s1;
	s29 =	sand.u32 $0x1FFFFFF0, s28;
	s6 =	sadd.s32 s4, s26  }
0xee: {  	[tilespmem:s30], [sflag:$0x2] =	stream.linear.gather [hbm4b:s6+s0], $0x80, $0x38;
	[tilespmem:$0x1A400] =	vst v63  }
0xef: {  	s31 =	sadd.s32 $0xBB80, s1;
	s1 =	simm.s32 $0x140;
	s3 =	sadd.s32 s4, s29  }
0xf0: {  	[tilespmem:s31], [sflag:$0x2] =	stream.linear.gather [hbm4b:s3+s0], $0x80, $0x38;
	[tilespmem:$0x1A400] =	vst v63  }
0xf1: {  	v0 =	vld [tilespmem:s1+$0x0];
	_ =	sdelay $0x4  }
0xf2: {  	v0 =	vshll.u32 v0, $0x4  }
0xf3: {  	(v2sf) =	vpush v0, $0x0  }
0xf4: {  	(v2sf) =	vpush v0, $0x1  }
0xf5: {  	(v2sf) =	vpush v0, $0x2;
	_ =	sdelay $0x1  }
0xf6: {  	(v2sf) =	vpush v0, $0x4;
	_ =	sdelay $0x1  }
0xf7: {  	(v2sf) =	vpush v0, $0x3  }
0xf8: {  	(v2sf) =	vpush v0, $0x5  }
0xf9: {  	s6 =	simm.s32 $0x2000;
	s0 =	simm.s32 $0x0;
	(v2sf) =	vpush v0, $0x6  }
.LBB2_6:
0xfa: {  	p0 =	sne.s32 s6, $0x12000  }
0xfb: {  	s3 =	sadd.s32 $0x10480, s0;
	s12 =	sadd.s32 $0x10980, s0;
	s7 =	smov.u32 s6  }
0xfc: {  	s6 =	sadd.s32 $0x2000, s6;
	s17 =	sadd.s32 $0x10780, s0;
	s10 =	sadd.s32 $0x10A00, s0;
	(v2sf) =	vpush v0, $0x7  }
0xfd: {  	s19 =	sadd.s32 $0x10680, s0;
	s13 =	sadd.s32 $0x10800, s0;
	s11 =	sadd.s32 $0x10A80, s0  }
0xfe: {  	s21 =	sadd.s32 $0x10400, s0;
	s22 =	sadd.s32 $0x10600, s0;
	(v2sf) =	vpush v0, $0x8  }
0xff: {  	s28 =	simm.s32 $0x0;
	s23 =	sadd.s32 $0x10700, s0;
	s1 =	sadd.s32 $0x10, s1  }
0x100: {  	s26 =	sadd.s32 $0x10500, s0;
	s15 =	sadd.s32 $0x10900, s0;
	s9 =	spop (v2sf);
	(v2sf) =	vpush v0, $0x9  }
0x101: {  	s29 =	sand.u32 $0x1FFFFFF0, s9;
	s9 =	sadd.s32 $0x10880, s0;
	s30 =	spop (v2sf)  }
0x102: {  	s29 =	sadd.s32 s4, s29;
	s30 =	sand.u32 $0x1FFFFFF0, s30;
	s31 =	spop (v2sf);
	(v2sf) =	vpush v0, $0xA  }
0x103: {  	[tilespmem:s21], [sflag:$0x3] =	stream.linear.gather [hbm4b:s29+s28], $0x80, $0x38;
	[tilespmem:$0x1A400] =	vst v63  }
0x104: {  	s21 =	sadd.s32 s4, s30;
	s29 =	sadd.s32 $0x10580, s0;
	s30 =	spop (v2sf);
	(v2sf) =	vpush v0, $0xB  }
0x105: {  	[tilespmem:s3], [sflag:$0x3] =	stream.linear.gather [hbm4b:s21+s28], $0x80, $0x38;
	[tilespmem:$0x1A400] =	vst v63  }
0x106: {  	s3 =	sand.u32 $0x1FFFFFF0, s31;
	s21 =	sand.u32 $0x1FFFFFF0, s30;
	s30 =	spop (v2sf);
	(v2sf) =	vpush v0, $0xC  }
0x107: {  	s3 =	sadd.s32 s4, s3;
	s30 =	sand.u32 $0x1FFFFFF0, s30;
	s31 =	spop (v2sf)  }
0x108: {  	[tilespmem:s26], [sflag:$0x3] =	stream.linear.gather [hbm4b:s3+s28], $0x80, $0x38;
	(v2sf) =	vpush v0, $0xD;
	[tilespmem:$0x1A400] =	vst v63  }
0x109: {  	s3 =	sadd.s32 s4, s30;
	s26 =	sand.u32 $0x1FFFFFF0, s31;
	s30 =	spop (v2sf)  }
0x10a: {  	[tilespmem:s29], [sflag:$0x3] =	stream.linear.gather [hbm4b:s3+s28], $0x80, $0x38;
	(v2sf) =	vpush v0, $0xE;
	[tilespmem:$0x1A400] =	vst v63  }
0x10b: {  	s3 =	sadd.s32 s4, s21;
	s21 =	sand.u32 $0x1FFFFFF0, s30;
	s29 =	spop (v2sf)  }
0x10c: {  	[tilespmem:s22], [sflag:$0x3] =	stream.linear.gather [hbm4b:s3+s28], $0x80, $0x38;
	(v2sf) =	vpush v0, $0xF;
	[tilespmem:$0x1A400] =	vst v63  }
0x10d: {  	s3 =	sadd.s32 s4, s26;
	s22 =	sand.u32 $0x1FFFFFF0, s29;
	s26 =	spop (v2sf)  }
0x10e: {  	[tilespmem:s19], [sflag:$0x3] =	stream.linear.gather [hbm4b:s3+s28], $0x80, $0x38;
	[tilespmem:$0x1A400] =	vst v63  }
0x10f: {  	s3 =	sadd.s32 s4, s21;
	s19 =	sand.u32 $0x1FFFFFF0, s26;
	s21 =	spop (v2sf)  }
0x110: {  	[tilespmem:s23], [sflag:$0x3] =	stream.linear.gather [hbm4b:s3+s28], $0x80, $0x38;
	[tilespmem:$0x1A400] =	vst v63  }
0x111: {  	s3 =	sadd.s32 s4, s22;
	s21 =	sand.u32 $0x1FFFFFF0, s21;
	s22 =	spop (v2sf)  }
0x112: {  	[tilespmem:s17], [sflag:$0x3] =	stream.linear.gather [hbm4b:s3+s28], $0x80, $0x38;
	[tilespmem:$0x1A400] =	vst v63  }
0x113: {  	s3 =	sadd.s32 s4, s19;
	s17 =	sand.u32 $0x1FFFFFF0, s22;
	s19 =	spop (v2sf)  }
0x114: {  	[tilespmem:s13], [sflag:$0x3] =	stream.linear.gather [hbm4b:s3+s28], $0x80, $0x38;
	[tilespmem:$0x1A400] =	vst v63  }
0x115: {  	s3 =	sadd.s32 s4, s21;
	s13 =	sand.u32 $0x1FFFFFF0, s19;
	s19 =	spop (v2sf)  }
0x116: {  	[tilespmem:s9], [sflag:$0x3] =	stream.linear.gather [hbm4b:s3+s28], $0x80, $0x38;
	[tilespmem:$0x1A400] =	vst v63  }
0x117: {  	s3 =	sadd.s32 s4, s17;
	s9 =	sand.u32 $0x1FFFFFF0, s19;
	s17 =	spop (v2sf)  }
0x118: {  	[tilespmem:s15], [sflag:$0x3] =	stream.linear.gather [hbm4b:s3+s28], $0x80, $0x38;
	[tilespmem:$0x1A400] =	vst v63  }
0x119: {  	s3 =	sadd.s32 s4, s13;
	s13 =	sand.u32 $0x1FFFFFF0, s17;
	s15 =	spop (v2sf)  }
0x11a: {  	[tilespmem:s12], [sflag:$0x3] =	stream.linear.gather [hbm4b:s3+s28], $0x80, $0x38;
	[tilespmem:$0x1A400] =	vst v63  }
0x11b: {  	s3 =	sadd.s32 s4, s9;
	s9 =	sand.u32 $0x1FFFFFF0, s15;
	s12 =	spop (v2sf)  }
0x11c: {  	[tilespmem:s10], [sflag:$0x3] =	stream.linear.gather [hbm4b:s3+s28], $0x80, $0x38;
	[tilespmem:$0x1A400] =	vst v63  }
0x11d: {  	s3 =	sadd.s32 s4, s13;
	s10 =	sand.u32 $0x1FFFFFF0, s12  }
0x11e: {  	[tilespmem:s11], [sflag:$0x3] =	stream.linear.gather [hbm4b:s3+s28], $0x80, $0x38;
	[tilespmem:$0x1A400] =	vst v63  }
0x11f: {  	s9 =	sadd.s32 s4, s9;
	s3 =	sadd.s32 $0x10B00, s0  }
0x120: {  	[tilespmem:s3], [sflag:$0x3] =	stream.linear.gather [hbm4b:s9+s28], $0x80, $0x38;
	[tilespmem:$0x1A400] =	vst v63  }
0x121: {  	s0 =	sadd.s32 $0x10B80, s0;
	s3 =	sadd.s32 s4, s10  }
0x122: {  	[tilespmem:s0], [sflag:$0x3] =	stream.linear.gather [hbm4b:s3+s28], $0x80, $0x38;
	[tilespmem:$0x1A400] =	vst v63  }
0x123: {  	v0 =	vld [tilespmem:s1+$0x0];
	_ =	sdelay $0x4  }
0x124: {  	v0 =	vshll.u32 v0, $0x4  }
0x125: {  	(v2sf) =	vpush v0, $0x0  }
0x126: {  	(v2sf) =	vpush v0, $0x1  }
0x127: {  	(v2sf) =	vpush v0, $0x2;
	_ =	sdelay $0x1  }
0x128: {  	(v2sf) =	vpush v0, $0x4  }
.Ltmp4:
0x129: {  	(pc) =	sbr.rel @p0 .LBB2_6-.Ltmp4, $3  }
0x12a: {  	(v2sf) =	vpush v0, $0x3  }
0x12b: {  	(v2sf) =	vpush v0, $0x5;
	_ =	sdelay $0x1  }
0x12c: {  	s0 =	sshra.s32 s7, $0x2;
	(v2sf) =	vpush v0, $0x6  }
0x12d: {  	_ =	sdelay $0x1  }
0x12e: {  	s3 =	sadd.s32 $0x10480, s0;
	s7 =	sadd.s32 $0x10980, s0  }
0x12f: {  	s9 =	sadd.s32 $0x10780, s0;
	s1 =	sadd.s32 $0x10A00, s0;
	(v2sf) =	vpush v0, $0x7;
	s10 =	sadd.s32 $0x10680, s0  }
0x130: {  	s11 =	sadd.s32 $0x10800, s0;
	s6 =	sadd.s32 $0x10A80, s0;
	s12 =	sadd.s32 $0x10400, s0  }
0x131: {  	s13 =	sadd.s32 $0x10600, s0;
	s15 =	sadd.s32 $0x10700, s0;
	(v2sf) =	vpush v0, $0x8;
	s17 =	spop (v2sf)  }
0x132: {  	s19 =	sadd.s32 $0x10500, s0;
	s17 =	sand.u32 $0x1FFFFFF0, s17;
	s21 =	spop (v2sf)  }
0x133: {  	(v2sf) =	vpush v0, $0x9;
	s17 =	sadd.s32 s4, s17;
	s21 =	sand.u32 $0x1FFFFFF0, s21;
	s22 =	spop (v2sf)  }
0x134: {  	[tilespmem:s12], [sflag:$0x3] =	stream.linear.gather [hbm4b:s17+s28], $0x80, $0x38;
	[tilespmem:$0x1A400] =	vst v63  }
0x135: {  	s23 =	sadd.s32 $0x10580, s0;
	(v2sf) =	vpush v0, $0xA;
	s5 =	sadd.s32 s4, s21;
	s8 =	spop (v2sf)  }
0x136: {  	[tilespmem:s3], [sflag:$0x3] =	stream.linear.gather [hbm4b:s5+s28], $0x80, $0x38;
	[tilespmem:$0x1A400] =	vst v63  }
0x137: {  	s12 =	sadd.s32 $0x10900, s0;
	s14 =	sand.u32 $0x1FFFFFF0, s22;
	(v2sf) =	vpush v0, $0xB;
	s16 =	spop (v2sf)  }
0x138: {  	s17 =	sadd.s32 s4, s14;
	s3 =	sadd.s32 $0x10880, s0;
	s22 =	sand.u32 $0x1FFFFFF0, s16  }
0x139: {  	(v2sf) =	vpush v0, $0xC;
	[tilespmem:s19], [sflag:$0x3] =	stream.linear.gather [hbm4b:s17+s28], $0x80, $0x38;
	[tilespmem:$0x1A400] =	vst v63  }
0x13a: {  	s18 =	sand.u32 $0x1FFFFFF0, s8;
	s20 =	spop (v2sf);
	s22 =	sadd.s32 s4, s22  }
0x13b: {  	(v2sf) =	vpush v0, $0xD;
	[tilespmem:s23], [sflag:$0x3] =	stream.linear.gather [hbm4b:s22+s28], $0x80, $0x38;
	[tilespmem:$0x1A400] =	vst v63  }
0x13c: {  	s17 =	sadd.s32 s4, s18;
	s19 =	sand.u32 $0x1FFFFFF0, s20;
	s23 =	spop (v2sf)  }
0x13d: {  	(v2sf) =	vpush v0, $0xE;
	[tilespmem:s13], [sflag:$0x3] =	stream.linear.gather [hbm4b:s17+s28], $0x80, $0x38;
	[tilespmem:$0x1A400] =	vst v63  }
0x13e: {  	s19 =	sadd.s32 s4, s19;
	s26 =	sand.u32 $0x1FFFFFF0, s23;
	s29 =	spop (v2sf)  }
0x13f: {  	(v2sf) =	vpush v0, $0xF;
	[tilespmem:s10], [sflag:$0x3] =	stream.linear.gather [hbm4b:s19+s28], $0x80, $0x38;
	[tilespmem:$0x1A400] =	vst v63  }
0x140: {  	s30 =	sand.u32 $0x1FFFFFF0, s29;
	s31 =	spop (v2sf);
	s13 =	sadd.s32 s4, s26  }
0x141: {  	[tilespmem:s15], [sflag:$0x3] =	stream.linear.gather [hbm4b:s13+s28], $0x80, $0x38;
	[tilespmem:$0x1A400] =	vst v63  }
0x142: {  	s5 =	sand.u32 $0x1FFFFFF0, s31;
	s10 =	sadd.s32 s4, s30;
	s8 =	spop (v2sf)  }
0x143: {  	[tilespmem:s9], [sflag:$0x3] =	stream.linear.gather [hbm4b:s10+s28], $0x80, $0x38;
	[tilespmem:$0x1A400] =	vst v63  }
0x144: {  	s13 =	sadd.s32 s4, s5;
	s14 =	sand.u32 $0x1FFFFFF0, s8;
	s15 =	spop (v2sf)  }
0x145: {  	[tilespmem:s11], [sflag:$0x3] =	stream.linear.gather [hbm4b:s13+s28], $0x80, $0x38;
	[tilespmem:$0x1A400] =	vst v63  }
0x146: {  	s10 =	sand.u32 $0x1FFFFFF0, s15;
	s9 =	sadd.s32 s4, s14;
	s16 =	spop (v2sf)  }
0x147: {  	[tilespmem:s3], [sflag:$0x3] =	stream.linear.gather [hbm4b:s9+s28], $0x80, $0x38;
	[tilespmem:$0x1A400] =	vst v63  }
0x148: {  	s10 =	sadd.s32 s4, s10;
	s17 =	sand.u32 $0x1FFFFFF0, s16;
	s18 =	spop (v2sf)  }
0x149: {  	[tilespmem:s12], [sflag:$0x3] =	stream.linear.gather [hbm4b:s10+s28], $0x80, $0x38;
	[tilespmem:$0x1A400] =	vst v63  }
0x14a: {  	s3 =	sadd.s32 s4, s17;
	s9 =	sand.u32 $0x1FFFFFF0, s18;
	s19 =	spop (v2sf)  }
0x14b: {  	[tilespmem:s7], [sflag:$0x3] =	stream.linear.gather [hbm4b:s3+s28], $0x80, $0x38;
	[tilespmem:$0x1A400] =	vst v63  }
0x14c: {  	s20 =	sand.u32 $0x1FFFFFF0, s19;
	s9 =	sadd.s32 s4, s9;
	s21 =	spop (v2sf)  }
0x14d: {  	[tilespmem:s1], [sflag:$0x3] =	stream.linear.gather [hbm4b:s9+s28], $0x80, $0x38;
	[tilespmem:$0x1A400] =	vst v63  }
0x14e: {  	s22 =	sand.u32 $0x1FFFFFF0, s21;
	s23 =	spop (v2sf);
	s3 =	sadd.s32 s4, s20  }
0x14f: {  	[tilespmem:s6], [sflag:$0x3] =	stream.linear.gather [hbm4b:s3+s28], $0x80, $0x38;
	[tilespmem:$0x1A400] =	vst v63  }
0x150: {  	s29 =	sadd.s32 $0x10B00, s0;
	s26 =	sand.u32 $0x1FFFFFF0, s23;
	s1 =	sadd.s32 s4, s22  }
0x151: {  	[tilespmem:s29], [sflag:$0x3] =	stream.linear.gather [hbm4b:s1+s28], $0x80, $0x38;
	[tilespmem:$0x1A400] =	vst v63  }
0x152: {  	s30 =	sadd.s32 $0x10B80, s0;
	s31 =	sadd.s32 s4, s26;
	s1 =	simm.s32 $0x1E0  }
0x153: {  	[tilespmem:s30], [sflag:$0x3] =	stream.linear.gather [hbm4b:s31+s28], $0x80, $0x38;
	[tilespmem:$0x1A400] =	vst v63  }
0x154: {  	v0 =	vld [tilespmem:s1+$0x0];
	_ =	sdelay $0x4  }
0x155: {  	v0 =	vshll.u32 v0, $0x4  }
0x156: {  	(v2sf) =	vpush v0, $0x0  }
0x157: {  	(v2sf) =	vpush v0, $0x1  }
0x158: {  	(v2sf) =	vpush v0, $0x2;
	_ =	sdelay $0x1  }
0x159: {  	(v2sf) =	vpush v0, $0x4;
	_ =	sdelay $0x1  }
0x15a: {  	(v2sf) =	vpush v0, $0x3  }
0x15b: {  	(v2sf) =	vpush v0, $0x5  }
0x15c: {  	s0 =	simm.s32 $0x0;
	s6 =	simm.s32 $0x2000;
	(v2sf) =	vpush v0, $0x6  }
.LBB2_8:
0x15d: {  	p0 =	sne.s32 s6, $0x12000  }
0x15e: {  	s3 =	sadd.s32 $0x15480, s0;
	s12 =	sadd.s32 $0x15980, s0;
	s7 =	smov.u32 s6  }
0x15f: {  	s6 =	sadd.s32 $0x2000, s6;
	s17 =	sadd.s32 $0x15780, s0;
	s10 =	sadd.s32 $0x15A00, s0;
	(v2sf) =	vpush v0, $0x7  }
0x160: {  	s19 =	sadd.s32 $0x15680, s0;
	s15 =	sadd.s32 $0x15800, s0;
	s11 =	sadd.s32 $0x15A80, s0  }
0x161: {  	s21 =	sadd.s32 $0x15400, s0;
	s22 =	sadd.s32 $0x15600, s0;
	(v2sf) =	vpush v0, $0x8  }
0x162: {  	s23 =	sadd.s32 $0x15700, s0;
	s1 =	sadd.s32 $0x10, s1  }
0x163: {  	s26 =	sadd.s32 $0x15500, s0;
	s13 =	sadd.s32 $0x15900, s0;
	s9 =	spop (v2sf);
	(v2sf) =	vpush v0, $0x9  }
0x164: {  	s29 =	sand.u32 $0x1FFFFFF0, s9;
	s9 =	sadd.s32 $0x15880, s0;
	s30 =	spop (v2sf)  }
0x165: {  	s29 =	sadd.s32 s4, s29;
	s30 =	sand.u32 $0x1FFFFFF0, s30;
	s31 =	spop (v2sf);
	(v2sf) =	vpush v0, $0xA  }
0x166: {  	[tilespmem:s21], [sflag:$0x4] =	stream.linear.gather [hbm4b:s29+s28], $0x80, $0x38;
	[tilespmem:$0x1A400] =	vst v63  }
0x167: {  	s21 =	sadd.s32 s4, s30;
	s29 =	sadd.s32 $0x15580, s0;
	s30 =	spop (v2sf);
	(v2sf) =	vpush v0, $0xB  }
0x168: {  	[tilespmem:s3], [sflag:$0x4] =	stream.linear.gather [hbm4b:s21+s28], $0x80, $0x38;
	[tilespmem:$0x1A400] =	vst v63  }
0x169: {  	s3 =	sand.u32 $0x1FFFFFF0, s31;
	s21 =	sand.u32 $0x1FFFFFF0, s30;
	s30 =	spop (v2sf);
	(v2sf) =	vpush v0, $0xC  }
0x16a: {  	s3 =	sadd.s32 s4, s3;
	s30 =	sand.u32 $0x1FFFFFF0, s30;
	s31 =	spop (v2sf)  }
0x16b: {  	[tilespmem:s26], [sflag:$0x4] =	stream.linear.gather [hbm4b:s3+s28], $0x80, $0x38;
	(v2sf) =	vpush v0, $0xD;
	[tilespmem:$0x1A400] =	vst v63  }
0x16c: {  	s3 =	sadd.s32 s4, s30;
	s26 =	sand.u32 $0x1FFFFFF0, s31;
	s30 =	spop (v2sf)  }
0x16d: {  	[tilespmem:s29], [sflag:$0x4] =	stream.linear.gather [hbm4b:s3+s28], $0x80, $0x38;
	(v2sf) =	vpush v0, $0xE;
	[tilespmem:$0x1A400] =	vst v63  }
0x16e: {  	s3 =	sadd.s32 s4, s21;
	s21 =	sand.u32 $0x1FFFFFF0, s30;
	s29 =	spop (v2sf)  }
0x16f: {  	[tilespmem:s22], [sflag:$0x4] =	stream.linear.gather [hbm4b:s3+s28], $0x80, $0x38;
	(v2sf) =	vpush v0, $0xF;
	[tilespmem:$0x1A400] =	vst v63  }
0x170: {  	s3 =	sadd.s32 s4, s26;
	s22 =	sand.u32 $0x1FFFFFF0, s29;
	s26 =	spop (v2sf)  }
0x171: {  	[tilespmem:s19], [sflag:$0x4] =	stream.linear.gather [hbm4b:s3+s28], $0x80, $0x38;
	[tilespmem:$0x1A400] =	vst v63  }
0x172: {  	s3 =	sadd.s32 s4, s21;
	s19 =	sand.u32 $0x1FFFFFF0, s26;
	s21 =	spop (v2sf)  }
0x173: {  	[tilespmem:s23], [sflag:$0x4] =	stream.linear.gather [hbm4b:s3+s28], $0x80, $0x38;
	[tilespmem:$0x1A400] =	vst v63  }
0x174: {  	s3 =	sadd.s32 s4, s22;
	s21 =	sand.u32 $0x1FFFFFF0, s21;
	s22 =	spop (v2sf)  }
0x175: {  	[tilespmem:s17], [sflag:$0x4] =	stream.linear.gather [hbm4b:s3+s28], $0x80, $0x38;
	[tilespmem:$0x1A400] =	vst v63  }
0x176: {  	s3 =	sadd.s32 s4, s19;
	s17 =	sand.u32 $0x1FFFFFF0, s22;
	s19 =	spop (v2sf)  }
0x177: {  	[tilespmem:s15], [sflag:$0x4] =	stream.linear.gather [hbm4b:s3+s28], $0x80, $0x38;
	[tilespmem:$0x1A400] =	vst v63  }
0x178: {  	s3 =	sadd.s32 s4, s21;
	s15 =	sand.u32 $0x1FFFFFF0, s19;
	s19 =	spop (v2sf)  }
0x179: {  	[tilespmem:s9], [sflag:$0x4] =	stream.linear.gather [hbm4b:s3+s28], $0x80, $0x38;
	[tilespmem:$0x1A400] =	vst v63  }
0x17a: {  	s3 =	sadd.s32 s4, s17;
	s9 =	sand.u32 $0x1FFFFFF0, s19;
	s17 =	spop (v2sf)  }
0x17b: {  	[tilespmem:s13], [sflag:$0x4] =	stream.linear.gather [hbm4b:s3+s28], $0x80, $0x38;
	[tilespmem:$0x1A400] =	vst v63  }
0x17c: {  	s3 =	sadd.s32 s4, s15;
	s13 =	sand.u32 $0x1FFFFFF0, s17;
	s15 =	spop (v2sf)  }
0x17d: {  	[tilespmem:s12], [sflag:$0x4] =	stream.linear.gather [hbm4b:s3+s28], $0x80, $0x38;
	[tilespmem:$0x1A400] =	vst v63  }
0x17e: {  	s3 =	sadd.s32 s4, s9;
	s9 =	sand.u32 $0x1FFFFFF0, s15;
	s12 =	spop (v2sf)  }
0x17f: {  	[tilespmem:s10], [sflag:$0x4] =	stream.linear.gather [hbm4b:s3+s28], $0x80, $0x38;
	[tilespmem:$0x1A400] =	vst v63  }
0x180: {  	s3 =	sadd.s32 s4, s13;
	s10 =	sand.u32 $0x1FFFFFF0, s12  }
0x181: {  	[tilespmem:s11], [sflag:$0x4] =	stream.linear.gather [hbm4b:s3+s28], $0x80, $0x38;
	[tilespmem:$0x1A400] =	vst v63  }
0x182: {  	s9 =	sadd.s32 s4, s9;
	s3 =	sadd.s32 $0x15B00, s0  }
0x183: {  	[tilespmem:s3], [sflag:$0x4] =	stream.linear.gather [hbm4b:s9+s28], $0x80, $0x38;
	[tilespmem:$0x1A400] =	vst v63  }
0x184: {  	s0 =	sadd.s32 $0x15B80, s0;
	s3 =	sadd.s32 s4, s10  }
0x185: {  	[tilespmem:s0], [sflag:$0x4] =	stream.linear.gather [hbm4b:s3+s28], $0x80, $0x38;
	[tilespmem:$0x1A400] =	vst v63  }
0x186: {  	v0 =	vld [tilespmem:s1+$0x0];
	_ =	sdelay $0x4  }
0x187: {  	v0 =	vshll.u32 v0, $0x4  }
0x188: {  	(v2sf) =	vpush v0, $0x0  }
0x189: {  	(v2sf) =	vpush v0, $0x1  }
0x18a: {  	(v2sf) =	vpush v0, $0x2;
	_ =	sdelay $0x1  }
0x18b: {  	(v2sf) =	vpush v0, $0x4  }
.Ltmp5:
0x18c: {  	(pc) =	sbr.rel @p0 .LBB2_8-.Ltmp5, $3  }
0x18d: {  	(v2sf) =	vpush v0, $0x3  }
0x18e: {  	(v2sf) =	vpush v0, $0x5;
	_ =	sdelay $0x1  }
0x18f: {  	s0 =	sshra.s32 s7, $0x2;
	(v2sf) =	vpush v0, $0x6  }
0x190: {  	_ =	sdelay $0x1  }
0x191: {  	s3 =	sadd.s32 $0x15480, s0;
	s7 =	sadd.s32 $0x15980, s0  }
0x192: {  	s9 =	sadd.s32 $0x15780, s0;
	s1 =	sadd.s32 $0x15A00, s0;
	(v2sf) =	vpush v0, $0x7;
	s10 =	sadd.s32 $0x15680, s0  }
0x193: {  	s11 =	sadd.s32 $0x15800, s0;
	s6 =	sadd.s32 $0x15A80, s0;
	s12 =	sadd.s32 $0x15400, s0  }
0x194: {  	s13 =	sadd.s32 $0x15600, s0;
	s15 =	sadd.s32 $0x15700, s0;
	(v2sf) =	vpush v0, $0x8;
	s17 =	spop (v2sf)  }
0x195: {  	s19 =	sadd.s32 $0x15500, s0;
	s17 =	sand.u32 $0x1FFFFFF0, s17;
	s21 =	spop (v2sf)  }
0x196: {  	(v2sf) =	vpush v0, $0x9;
	s17 =	sadd.s32 s4, s17;
	s21 =	sand.u32 $0x1FFFFFF0, s21;
	s22 =	spop (v2sf)  }
0x197: {  	[tilespmem:s12], [sflag:$0x4] =	stream.linear.gather [hbm4b:s17+s28], $0x80, $0x38;
	[tilespmem:$0x1A400] =	vst v63  }
0x198: {  	(v2sf) =	vpush v0, $0xA;
	s23 =	sadd.s32 s4, s21;
	s30 =	sand.u32 $0x1FFFFFF0, s22;
	s26 =	spop (v2sf)  }
0x199: {  	[tilespmem:s3], [sflag:$0x4] =	stream.linear.gather [hbm4b:s23+s28], $0x80, $0x38;
	[tilespmem:$0x1A400] =	vst v63  }
0x19a: {  	s12 =	sadd.s32 $0x15900, s0;
	(v2sf) =	vpush v0, $0xB;
	s17 =	sadd.s32 s4, s30;
	s5 =	spop (v2sf)  }
0x19b: {  	s3 =	sadd.s32 $0x15880, s0;
	s23 =	sadd.s32 $0x15580, s0;
	s22 =	sand.u32 $0x1FFFFFF0, s5  }
0x19c: {  	(v2sf) =	vpush v0, $0xC;
	[tilespmem:s19], [sflag:$0x4] =	stream.linear.gather [hbm4b:s17+s28], $0x80, $0x38;
	[tilespmem:$0x1A400] =	vst v63  }
0x19d: {  	s8 =	sand.u32 $0x1FFFFFF0, s26;
	s14 =	spop (v2sf);
	s16 =	sadd.s32 s4, s22  }
0x19e: {  	(v2sf) =	vpush v0, $0xD;
	[tilespmem:s23], [sflag:$0x4] =	stream.linear.gather [hbm4b:s16+s28], $0x80, $0x38;
	[tilespmem:$0x1A400] =	vst v63  }
0x19f: {  	s17 =	sadd.s32 s4, s8;
	s19 =	sand.u32 $0x1FFFFFF0, s14;
	s18 =	spop (v2sf)  }
0x1a0: {  	(v2sf) =	vpush v0, $0xE;
	[tilespmem:s13], [sflag:$0x4] =	stream.linear.gather [hbm4b:s17+s28], $0x80, $0x38;
	[tilespmem:$0x1A400] =	vst v63  }
0x1a1: {  	s19 =	sadd.s32 s4, s19;
	s20 =	sand.u32 $0x1FFFFFF0, s18;
	s21 =	spop (v2sf)  }
0x1a2: {  	(v2sf) =	vpush v0, $0xF;
	[tilespmem:s10], [sflag:$0x4] =	stream.linear.gather [hbm4b:s19+s28], $0x80, $0x38;
	[tilespmem:$0x1A400] =	vst v63  }
0x1a3: {  	s22 =	sand.u32 $0x1FFFFFF0, s21;
	s23 =	spop (v2sf);
	s13 =	sadd.s32 s4, s20  }
0x1a4: {  	[tilespmem:s15], [sflag:$0x4] =	stream.linear.gather [hbm4b:s13+s28], $0x80, $0x38;
	[tilespmem:$0x1A400] =	vst v63  }
0x1a5: {  	s26 =	sand.u32 $0x1FFFFFF0, s23;
	s10 =	sadd.s32 s4, s22;
	s30 =	spop (v2sf)  }
0x1a6: {  	[tilespmem:s9], [sflag:$0x4] =	stream.linear.gather [hbm4b:s10+s28], $0x80, $0x38;
	[tilespmem:$0x1A400] =	vst v63  }
0x1a7: {  	s13 =	sadd.s32 s4, s26;
	s5 =	sand.u32 $0x1FFFFFF0, s30;
	s8 =	spop (v2sf)  }
0x1a8: {  	[tilespmem:s11], [sflag:$0x4] =	stream.linear.gather [hbm4b:s13+s28], $0x80, $0x38;
	[tilespmem:$0x1A400] =	vst v63  }
0x1a9: {  	s10 =	sand.u32 $0x1FFFFFF0, s8;
	s9 =	sadd.s32 s4, s5;
	s14 =	spop (v2sf)  }
0x1aa: {  	[tilespmem:s3], [sflag:$0x4] =	stream.linear.gather [hbm4b:s9+s28], $0x80, $0x38;
	[tilespmem:$0x1A400] =	vst v63  }
0x1ab: {  	s10 =	sadd.s32 s4, s10;
	s15 =	sand.u32 $0x1FFFFFF0, s14;
	s16 =	spop (v2sf)  }
0x1ac: {  	[tilespmem:s12], [sflag:$0x4] =	stream.linear.gather [hbm4b:s10+s28], $0x80, $0x38;
	[tilespmem:$0x1A400] =	vst v63  }
0x1ad: {  	s3 =	sadd.s32 s4, s15;
	s9 =	sand.u32 $0x1FFFFFF0, s16;
	s17 =	spop (v2sf)  }
0x1ae: {  	[tilespmem:s7], [sflag:$0x4] =	stream.linear.gather [hbm4b:s3+s28], $0x80, $0x38;
	[tilespmem:$0x1A400] =	vst v63  }
0x1af: {  	s18 =	sand.u32 $0x1FFFFFF0, s17;
	s9 =	sadd.s32 s4, s9;
	s19 =	spop (v2sf)  }
0x1b0: {  	[tilespmem:s1], [sflag:$0x4] =	stream.linear.gather [hbm4b:s9+s28], $0x80, $0x38;
	[tilespmem:$0x1A400] =	vst v63  }
0x1b1: {  	s20 =	sand.u32 $0x1FFFFFF0, s19;
	s21 =	spop (v2sf);
	s3 =	sadd.s32 s4, s18  }
0x1b2: {  	[tilespmem:s6], [sflag:$0x4] =	stream.linear.gather [hbm4b:s3+s28], $0x80, $0x38;
	[tilespmem:$0x1A400] =	vst v63  }
0x1b3: {  	s23 =	sadd.s32 $0x15B00, s0;
	s22 =	sand.u32 $0x1FFFFFF0, s21;
	s1 =	sadd.s32 s4, s20  }
0x1b4: {  	[tilespmem:s23], [sflag:$0x4] =	stream.linear.gather [hbm4b:s1+s28], $0x80, $0x38;
	[tilespmem:$0x1A400] =	vst v63  }
0x1b5: {  	s29 =	simm.s32 $0x280;
	s26 =	sadd.s32 $0x15B80, s0;
	s30 =	sadd.s32 s4, s22  }
0x1b6: {  	[tilespmem:s26], [sflag:$0x4] =	stream.linear.gather [hbm4b:s30+s28], $0x80, $0x38;
	[tilespmem:$0x1A400] =	vst v63  }
0x1b7: {  	s31 =	simm.s32 $0x3C0;
	s1 =	simm.s32 $0x460;
	s26 =	simm.s32 $0x320  }
.LBB2_10:
0x1b8: {  	s0 =	smul.u32 $0x280, s28;
	p0 =	seq.s32 s28, $0x27  }
.Ltmp6:
0x1b9: {  	s5 =	simm.s32 $0x1;
	(pc) =	sbr.rel @!p0 .LBB2_11-.Ltmp6, $4  }
0x1ba: {  	_ =	swait.ge [sflag:s5], $0x5000;
	s3 =	sadd.s32 s24, s0  }
0x1bb: {  	[sflag:s5] =	ssyncset.done $0x0;
	s3 =	sshll.u32 s3, $0x4  }
0x1bc: {  	s30 =	simm.s32 $0x6400;
	[sflag:s5] =	ssyncadd.s32 $0xFFFFB000;
	s3 =	sadd.s32 s25, s3  }
0x1bd: {  	[hbm4b:s3+s2] =	stream.linear.scatter [tilespmem:s30], [sflag:$0x5], $0x5000, $0x38;
	[tilespmem:$0x1A400] =	vst v63  }
.Ltmp7:
0x1be: {  	s3 =	simm.s32 $0x2;
	(pc) =	sbr.rel .LBB2_17-.Ltmp7, $4  }
0x1bf: {  	_ =	swait.ge [sflag:s3], $0x5000  }
0x1c0: {  	[sflag:s3] =	ssyncset.done $0x0  }
0x1c1: {  	s5 =	simm.s32 $0xB400;
	s30 =	rddreg [dreg:$0xa];
	[sflag:s3] =	ssyncadd.s32 $0xFFFFB000  }
0x1c2: {  	[hbm4b:s30+s2] =	stream.linear.scatter [tilespmem:s5], [sflag:$0x6], $0x5000, $0x38;
	[tilespmem:$0x1A400] =	vst v63  }
.LBB2_11:
0x1c3: {  	[dreg:$0xd] =	wrdreg s26;
	s5 =	simm.s32 $0x5  }
0x1c4: {  	s3 =	simm.s32 $0x0;
	s6 =	sadd.s32 $0x0, s29;
	_ =	swait.ge [sflag:s5], $0x5000  }
0x1c5: {  	s6 =	sand.u32 $0x3FF80, s6;
	s3 =	sand.u32 $0x70, s3;
	[sflag:s5] =	ssyncset.done $0x0  }
0x1c6: {  	s3 =	sor.u32 s3, s6;
	[sflag:s5] =	ssyncadd.s32 $0xFFFFB000  }
0x1c7: {  	v0 =	vld [tilespmem:s3+$0x0];
	_ =	sdelay $0x4  }
0x1c8: {  	v0 =	vshll.u32 v0, $0x4  }
0x1c9: {  	(v2sf) =	vpush v0, $0x0;
	_ =	sdelay $0x1  }
0x1ca: {  	(v2sf) =	vpush v0, $0x1  }
0x1cb: {  	(v2sf) =	vpush v0, $0x2;
	_ =	sdelay $0x1  }
0x1cc: {  	(v2sf) =	vpush v0, $0x3;
	_ =	sdelay $0x1  }
0x1cd: {  	(v2sf) =	vpush v0, $0x4;
	_ =	sdelay $0x1  }
0x1ce: {  	(v2sf) =	vpush v0, $0x5;
	_ =	sdelay $0x1  }
0x1cf: {  	(v2sf) =	vpush v0, $0x6;
	_ =	sdelay $0x1  }
0x1d0: {  	s12 =	simm.s32 $0x4000;
	s10 =	simm.s32 $0x10  }
0x1d1: {  	s18 =	sadd.s32 $0x10, s29;
	s13 =	simm.s32 $0x0;
	s7 =	simm.s32 $0x6480  }
0x1d2: {  	s9 =	simm.s32 $0x6700;
	s17 =	simm.s32 $0x6780;
	s11 =	spop (v2sf);
	(v2sf) =	vpush v0, $0x7  }
0x1d3: {  	s19 =	simm.s32 $0x6400;
	s20 =	simm.s32 $0x6600;
	s22 =	simm.s32 $0x6500  }
0x1d4: {  	s24 =	simm.s32 $0x6580;
	s11 =	sand.u32 $0x1FFFFFF0, s11;
	s15 =	spop (v2sf);
	(v2sf) =	vpush v0, $0x8  }
0x1d5: {  	s15 =	sand.u32 $0x1FFFFFF0, s15;
	s11 =	sadd.s32 s4, s11;
	(v2sf) =	vpush v0, $0x9;
	s21 =	spop (v2sf)  }
0x1d6: {  	[tilespmem:s19], [sflag:$0x1] =	stream.linear.gather [hbm4b:s11+s2], $0x80, $0x38;
	(v2sf) =	vpush v0, $0xA;
	[tilespmem:$0x1A400] =	vst v63  }
0x1d7: {  	s15 =	sadd.s32 s4, s15;
	s11 =	sand.u32 $0x1FFFFFF0, s21;
	s23 =	spop (v2sf)  }
0x1d8: {  	[tilespmem:s7], [sflag:$0x1] =	stream.linear.gather [hbm4b:s15+s2], $0x80, $0x38;
	[tilespmem:$0x1A400] =	vst v63  }
0x1d9: {  	s21 =	spop (v2sf);
	s11 =	sadd.s32 s4, s11;
	s15 =	sand.u32 $0x1FFFFFF0, s23  }
0x1da: {  	[tilespmem:s22], [sflag:$0x1] =	stream.linear.gather [hbm4b:s11+s2], $0x80, $0x38;
	[tilespmem:$0x1A400] =	vst v63  }
0x1db: {  	(v2sf) =	vpush v0, $0xB;
	s21 =	sand.u32 $0x1FFFFFF0, s21;
	s26 =	spop (v2sf);
	s25 =	sadd.s32 s4, s15  }
0x1dc: {  	[tilespmem:s24], [sflag:$0x1] =	stream.linear.gather [hbm4b:s25+s2], $0x80, $0x38;
	[tilespmem:$0x1A400] =	vst v63  }
0x1dd: {  	s30 =	sadd.s32 s4, s21;
	s7 =	sand.u32 $0x1FFFFFF0, s26;
	s8 =	spop (v2sf)  }
0x1de: {  	[tilespmem:s20], [sflag:$0x1] =	stream.linear.gather [hbm4b:s30+s2], $0x80, $0x38;
	[tilespmem:$0x1A400] =	vst v63  }
0x1df: {  	s5 =	simm.s32 $0x6680;
	(v2sf) =	vpush v0, $0xC;
	s21 =	sand.u32 $0x1FFFFFF0, s8;
	s7 =	sadd.s32 s4, s7  }
0x1e0: {  	[tilespmem:s5], [sflag:$0x1] =	stream.linear.gather [hbm4b:s7+s2], $0x80, $0x38;
	[tilespmem:$0x1A400] =	vst v63  }
0x1e1: {  	s6 =	simm.s32 $0x2000;
	s16 =	sadd.s32 s4, s21;
	s14 =	spop (v2sf);
	(v2sf) =	vpush v0, $0xD  }
0x1e2: {  	[tilespmem:s9], [sflag:$0x1] =	stream.linear.gather [hbm4b:s16+s2], $0x80, $0x38;
	[tilespmem:$0x1A400] =	vst v63  }
0x1e3: {  	s23 =	simm.s32 $0x6880;
	s15 =	simm.s32 $0x6980;
	s19 =	spop (v2sf);
	(v2sf) =	vpush v0, $0xE  }
0x1e4: {  	s26 =	simm.s32 $0x6B80;
	s11 =	simm.s32 $0x6900;
	s20 =	spop (v2sf)  }
0x1e5: {  	s7 =	sand.u32 $0x3FF80, s18;
	s18 =	sand.u32 $0x1FFFFFF0, s14;
	s24 =	spop (v2sf);
	(v2sf) =	vpush v0, $0xF  }
0x1e6: {  	s21 =	simm.s32 $0x6800;
	s9 =	sand.u32 $0x1FFFFFF0, s19;
	s3 =	sadd.s32 s4, s18  }
0x1e7: {  	[tilespmem:s17], [sflag:$0x1] =	stream.linear.gather [hbm4b:s3+s2], $0x80, $0x38;
	[tilespmem:$0x1A400] =	vst v63  }
0x1e8: {  	s19 =	simm.s32 $0x6A00;
	s22 =	sand.u32 $0x1FFFFFF0, s20;
	s9 =	sadd.s32 s4, s9  }
0x1e9: {  	[tilespmem:s21], [sflag:$0x1] =	stream.linear.gather [hbm4b:s9+s2], $0x80, $0x38;
	[tilespmem:$0x1A400] =	vst v63  }
0x1ea: {  	s17 =	sadd.s32 s4, s22;
	s25 =	sand.u32 $0x1FFFFFF0, s24;
	s30 =	spop (v2sf)  }
0x1eb: {  	[tilespmem:s23], [sflag:$0x1] =	stream.linear.gather [hbm4b:s17+s2], $0x80, $0x38;
	[tilespmem:$0x1A400] =	vst v63  }
0x1ec: {  	s21 =	sadd.s32 s4, s25;
	s3 =	sand.u32 $0x1FFFFFF0, s30;
	s17 =	simm.s32 $0x6A80  }
.LBB2_12:
0x1ed: {  	p1 =	sne.s32 s12, $0x12000  }
0x1ee: {  	s9 =	sand.u32 $0x70, s10;
	s22 =	spop (v2sf);
	s23 =	smov.u32 s12  }
0x1ef: {  	[tilespmem:s11], [sflag:$0x1] =	stream.linear.gather [hbm4b:s21+s2], $0x80, $0x38;
	[tilespmem:$0x1A400] =	vst v63  }
0x1f0: {  	s3 =	sadd.s32 s4, s3;
	s11 =	sand.u32 $0x1FFFFFF0, s22;
	s21 =	spop (v2sf)  }
0x1f1: {  	[tilespmem:s15], [sflag:$0x1] =	stream.linear.gather [hbm4b:s3+s2], $0x80, $0x38;
	[tilespmem:$0x1A400] =	vst v63  }
0x1f2: {  	s3 =	sadd.s32 s4, s11;
	s11 =	sand.u32 $0x1FFFFFF0, s21;
	s15 =	spop (v2sf)  }
0x1f3: {  	[tilespmem:s19], [sflag:$0x1] =	stream.linear.gather [hbm4b:s3+s2], $0x80, $0x38;
	[tilespmem:$0x1A400] =	vst v63  }
0x1f4: {  	s3 =	sadd.s32 s4, s11;
	s11 =	sand.u32 $0x1FFFFFF0, s15;
	s15 =	spop (v2sf)  }
0x1f5: {  	[tilespmem:s17], [sflag:$0x1] =	stream.linear.gather [hbm4b:s3+s2], $0x80, $0x38;
	[tilespmem:$0x1A400] =	vst v63  }
0x1f6: {  	s11 =	sadd.s32 s4, s11;
	s3 =	sadd.s32 $0x6B00, s13;
	s13 =	sand.u32 $0x1FFFFFF0, s15  }
0x1f7: {  	[tilespmem:s3], [sflag:$0x1] =	stream.linear.gather [hbm4b:s11+s2], $0x80, $0x38;
	[tilespmem:$0x1A400] =	vst v63  }
0x1f8: {  	s12 =	sadd.s32 $0x2000, s12;
	s3 =	sor.u32 s9, s7;
	s7 =	sadd.s32 s4, s13  }
0x1f9: {  	[tilespmem:s26], [sflag:$0x1] =	stream.linear.gather [hbm4b:s7+s2], $0x80, $0x38;
	[tilespmem:$0x1A400] =	vst v63  }
0x1fa: {  	v0 =	vld [tilespmem:s3+$0x0];
	_ =	sdelay $0x4  }
0x1fb: {  	v0 =	vshll.u32 v0, $0x4  }
0x1fc: {  	(v2sf) =	vpush v0, $0x0  }
0x1fd: {  	(v2sf) =	vpush v0, $0x1  }
0x1fe: {  	(v2sf) =	vpush v0, $0x2  }
0x1ff: {  	(v2sf) =	vpush v0, $0x3;
	_ =	sdelay $0x1  }
0x200: {  	(v2sf) =	vpush v0, $0x4;
	_ =	sdelay $0x1  }
0x201: {  	s10 =	sadd.s32 $0x10, s10;
	(v2sf) =	vpush v0, $0x5  }
0x202: {  	s13 =	sshra.s32 s6, $0x2;
	s6 =	smov.u32 s23;
	s7 =	sadd.s32 s10, s29  }
0x203: {  	s8 =	sadd.s32 $0x6480, s13;
	s22 =	sadd.s32 $0x6700, s13;
	s21 =	sadd.s32 $0x6780, s13;
	(v2sf) =	vpush v0, $0x6  }
0x204: {  	s14 =	sadd.s32 $0x6400, s13;
	s16 =	sadd.s32 $0x6600, s13;
	s11 =	sadd.s32 $0x6900, s13  }
0x205: {  	s15 =	sadd.s32 $0x6980, s13;
	s26 =	sadd.s32 $0x6B80, s13;
	s3 =	sadd.s32 $0x6680, s13;
	(v2sf) =	vpush v0, $0x7  }
0x206: {  	s23 =	sadd.s32 $0x6800, s13;
	s19 =	sadd.s32 $0x6A00, s13;
	s7 =	sand.u32 $0x3FF80, s7  }
0x207: {  	s17 =	sadd.s32 $0x6A80, s13;
	(v2sf) =	vpush v0, $0x8  }
0x208: {  	s9 =	sadd.s32 $0x6880, s13  }
0x209: {  	s18 =	sadd.s32 $0x6580, s13;
	s20 =	spop (v2sf);
	(v2sf) =	vpush v0, $0x9  }
0x20a: {  	s20 =	sand.u32 $0x1FFFFFF0, s20;
	s24 =	spop (v2sf)  }
0x20b: {  	s25 =	sadd.s32 $0x6500, s13;
	s24 =	sand.u32 $0x1FFFFFF0, s24;
	s5 =	spop (v2sf);
	(v2sf) =	vpush v0, $0xA  }
0x20c: {  	s20 =	sadd.s32 s4, s20;
	s5 =	sand.u32 $0x1FFFFFF0, s5;
	s30 =	spop (v2sf)  }
0x20d: {  	[tilespmem:s14], [sflag:$0x1] =	stream.linear.gather [hbm4b:s20+s2], $0x80, $0x38;
	(v2sf) =	vpush v0, $0xB;
	[tilespmem:$0x1A400] =	vst v63  }
0x20e: {  	s14 =	sadd.s32 s4, s24;
	s20 =	sand.u32 $0x1FFFFFF0, s30;
	s24 =	spop (v2sf)  }
0x20f: {  	[tilespmem:s8], [sflag:$0x1] =	stream.linear.gather [hbm4b:s14+s2], $0x80, $0x38;
	[tilespmem:$0x1A400] =	vst v63  }
0x210: {  	s5 =	sadd.s32 s4, s5;
	s8 =	sand.u32 $0x1FFFFFF0, s24;
	s14 =	spop (v2sf)  }
0x211: {  	[tilespmem:s25], [sflag:$0x1] =	stream.linear.gather [hbm4b:s5+s2], $0x80, $0x38;
	(v2sf) =	vpush v0, $0xC;
	[tilespmem:$0x1A400] =	vst v63  }
0x212: {  	s5 =	sadd.s32 s4, s20;
	s14 =	sand.u32 $0x1FFFFFF0, s14;
	s20 =	spop (v2sf)  }
0x213: {  	[tilespmem:s18], [sflag:$0x1] =	stream.linear.gather [hbm4b:s5+s2], $0x80, $0x38;
	(v2sf) =	vpush v0, $0xD;
	[tilespmem:$0x1A400] =	vst v63  }
0x214: {  	s5 =	sadd.s32 s4, s8;
	s8 =	sand.u32 $0x1FFFFFF0, s20;
	s18 =	spop (v2sf)  }
0x215: {  	[tilespmem:s16], [sflag:$0x1] =	stream.linear.gather [hbm4b:s5+s2], $0x80, $0x38;
	(v2sf) =	vpush v0, $0xE;
	[tilespmem:$0x1A400] =	vst v63  }
0x216: {  	s5 =	sadd.s32 s4, s14;
	s14 =	sand.u32 $0x1FFFFFF0, s18;
	s16 =	spop (v2sf)  }
0x217: {  	[tilespmem:s3], [sflag:$0x1] =	stream.linear.gather [hbm4b:s5+s2], $0x80, $0x38;
	(v2sf) =	vpush v0, $0xF;
	[tilespmem:$0x1A400] =	vst v63  }
0x218: {  	s3 =	sadd.s32 s4, s8;
	s5 =	sand.u32 $0x1FFFFFF0, s16;
	s8 =	spop (v2sf)  }
0x219: {  	[tilespmem:s22], [sflag:$0x1] =	stream.linear.gather [hbm4b:s3+s2], $0x80, $0x38;
	[tilespmem:$0x1A400] =	vst v63  }
0x21a: {  	s3 =	sadd.s32 s4, s14;
	s8 =	sand.u32 $0x1FFFFFF0, s8;
	s14 =	spop (v2sf)  }
0x21b: {  	[tilespmem:s21], [sflag:$0x1] =	stream.linear.gather [hbm4b:s3+s2], $0x80, $0x38;
	[tilespmem:$0x1A400] =	vst v63  }
.Ltmp8:
0x21c: {  	_ = 	snop;
	(pc) =	sbr.rel @p1 .LBB2_12-.Ltmp8, $4  }
0x21d: {  	s3 =	sadd.s32 s4, s5;
	s5 =	sand.u32 $0x1FFFFFF0, s14;
	s14 =	spop (v2sf)  }
0x21e: {  	[tilespmem:s23], [sflag:$0x1] =	stream.linear.gather [hbm4b:s3+s2], $0x80, $0x38;
	[tilespmem:$0x1A400] =	vst v63  }
0x21f: {  	s8 =	sadd.s32 s4, s8;
	s21 =	sadd.s32 s4, s5;
	s3 =	sand.u32 $0x1FFFFFF0, s14  }
0x220: {  	[tilespmem:s9], [sflag:$0x1] =	stream.linear.gather [hbm4b:s8+s2], $0x80, $0x38;
	[tilespmem:$0x1A400] =	vst v63  }
0x221: {  	[tilespmem:s11], [sflag:$0x1] =	stream.linear.gather [hbm4b:s21+s2], $0x80, $0x38;
	[tilespmem:$0x1A400] =	vst v63  }
0x222: {  	s3 =	sadd.s32 s4, s3;
	s30 =	spop (v2sf)  }
0x223: {  	[tilespmem:s15], [sflag:$0x1] =	stream.linear.gather [hbm4b:s3+s2], $0x80, $0x38;
	[tilespmem:$0x1A400] =	vst v63  }
0x224: {  	s3 =	sand.u32 $0x1FFFFFF0, s30  }
0x225: {  	s5 =	spop (v2sf);
	s3 =	sadd.s32 s4, s3  }
0x226: {  	[tilespmem:s19], [sflag:$0x1] =	stream.linear.gather [hbm4b:s3+s2], $0x80, $0x38;
	[tilespmem:$0x1A400] =	vst v63  }
0x227: {  	s3 =	sand.u32 $0x1FFFFFF0, s5  }
0x228: {  	s8 =	spop (v2sf);
	s3 =	sadd.s32 s4, s3  }
0x229: {  	[tilespmem:s17], [sflag:$0x1] =	stream.linear.gather [hbm4b:s3+s2], $0x80, $0x38;
	[tilespmem:$0x1A400] =	vst v63  }
0x22a: {  	s3 =	sand.u32 $0x1FFFFFF0, s8  }
0x22b: {  	s5 =	sadd.s32 $0x6B00, s13;
	s9 =	spop (v2sf);
	s3 =	sadd.s32 s4, s3  }
0x22c: {  	[tilespmem:s5], [sflag:$0x1] =	stream.linear.gather [hbm4b:s3+s2], $0x80, $0x38;
	[tilespmem:$0x1A400] =	vst v63  }
0x22d: {  	s3 =	sand.u32 $0x1FFFFFF0, s9  }
0x22e: {  	s11 =	sand.u32 $0x70, s10;
	s3 =	sadd.s32 s4, s3  }
0x22f: {  	[tilespmem:s26], [sflag:$0x1] =	stream.linear.gather [hbm4b:s3+s2], $0x80, $0x38;
	[tilespmem:$0x1A400] =	vst v63  }
0x230: {  	s3 =	sor.u32 s11, s7  }
0x231: {  	v0 =	vld [tilespmem:s3+$0x0];
	_ =	sdelay $0x4  }
0x232: {  	v0 =	vshll.u32 v0, $0x4  }
0x233: {  	(v2sf) =	vpush v0, $0x0  }
0x234: {  	(v2sf) =	vpush v0, $0x1;
	_ =	sdelay $0x1  }
0x235: {  	(v2sf) =	vpush v0, $0x2;
	_ =	sdelay $0x1  }
0x236: {  	(v2sf) =	vpush v0, $0x3;
	_ =	sdelay $0x4  }
0x237: {  	(v2sf) =	vpush v0, $0x4;
	_ =	sdelay $0x4  }
0x238: {  	s12 =	spop (v2sf)  }
0x239: {  	s14 =	spop (v2sf);
	(v2sf) =	vpush v0, $0x5;
	_ =	sdelay $0x1  }
0x23a: {  	s16 =	spop (v2sf);
	(v2sf) =	vpush v0, $0x6  }
0x23b: {  	s6 =	sshra.s32 s6, $0x2;
	s3 =	sand.u32 $0x1FFFFFF0, s12  }
0x23c: {  	s13 =	sadd.s32 $0x6400, s6;
	s3 =	sadd.s32 s4, s3;
	s18 =	spop (v2sf);
	(v2sf) =	vpush v0, $0x7  }
0x23d: {  	[tilespmem:s13], [sflag:$0x1] =	stream.linear.gather [hbm4b:s3+s2], $0x80, $0x38;
	[tilespmem:$0x1A400] =	vst v63  }
0x23e: {  	s3 =	sand.u32 $0x1FFFFFF0, s14  }
0x23f: {  	s15 =	sadd.s32 $0x6480, s6;
	s3 =	sadd.s32 s4, s3  }
0x240: {  	[tilespmem:s15], [sflag:$0x1] =	stream.linear.gather [hbm4b:s3+s2], $0x80, $0x38;
	[tilespmem:$0x1A400] =	vst v63  }
0x241: {  	s20 =	spop (v2sf);
	(v2sf) =	vpush v0, $0x8;
	s3 =	sand.u32 $0x1FFFFFF0, s16  }
0x242: {  	s17 =	sadd.s32 $0x6500, s6;
	s3 =	sadd.s32 s4, s3  }
0x243: {  	[tilespmem:s17], [sflag:$0x1] =	stream.linear.gather [hbm4b:s3+s2], $0x80, $0x38;
	[tilespmem:$0x1A400] =	vst v63  }
0x244: {  	s3 =	sand.u32 $0x1FFFFFF0, s18  }
0x245: {  	s19 =	sadd.s32 $0x6580, s6;
	s3 =	sadd.s32 s4, s3  }
0x246: {  	[tilespmem:s19], [sflag:$0x1] =	stream.linear.gather [hbm4b:s3+s2], $0x80, $0x38;
	[tilespmem:$0x1A400] =	vst v63  }
0x247: {  	s22 =	spop (v2sf);
	(v2sf) =	vpush v0, $0x9  }
0x248: {  	s3 =	sand.u32 $0x1FFFFFF0, s20  }
0x249: {  	s21 =	sadd.s32 $0x6600, s6;
	s3 =	sadd.s32 s4, s3;
	s24 =	spop (v2sf);
	(v2sf) =	vpush v0, $0xA  }
0x24a: {  	[tilespmem:s21], [sflag:$0x1] =	stream.linear.gather [hbm4b:s3+s2], $0x80, $0x38;
	[tilespmem:$0x1A400] =	vst v63  }
0x24b: {  	s26 =	spop (v2sf);
	(v2sf) =	vpush v0, $0xB  }
0x24c: {  	s3 =	sand.u32 $0x1FFFFFF0, s22  }
0x24d: {  	s23 =	sadd.s32 $0x6680, s6;
	s3 =	sadd.s32 s4, s3  }
0x24e: {  	[tilespmem:s23], [sflag:$0x1] =	stream.linear.gather [hbm4b:s3+s2], $0x80, $0x38;
	[tilespmem:$0x1A400] =	vst v63  }
0x24f: {  	s3 =	sand.u32 $0x1FFFFFF0, s24  }
0x250: {  	s25 =	sadd.s32 $0x6700, s6;
	s5 =	spop (v2sf);
	s3 =	sadd.s32 s4, s3  }
0x251: {  	(v2sf) =	vpush v0, $0xC;
	[tilespmem:s25], [sflag:$0x1] =	stream.linear.gather [hbm4b:s3+s2], $0x80, $0x38;
	[tilespmem:$0x1A400] =	vst v63  }
0x252: {  	s3 =	sand.u32 $0x1FFFFFF0, s26  }
0x253: {  	s30 =	sadd.s32 $0x6780, s6;
	s3 =	sadd.s32 s4, s3  }
0x254: {  	[tilespmem:s30], [sflag:$0x1] =	stream.linear.gather [hbm4b:s3+s2], $0x80, $0x38;
	[tilespmem:$0x1A400] =	vst v63  }
0x255: {  	s3 =	sand.u32 $0x1FFFFFF0, s5  }
0x256: {  	s7 =	sadd.s32 $0x6800, s6;
	s3 =	sadd.s32 s4, s3;
	s8 =	spop (v2sf);
	(v2sf) =	vpush v0, $0xD  }
0x257: {  	[tilespmem:s7], [sflag:$0x1] =	stream.linear.gather [hbm4b:s3+s2], $0x80, $0x38;
	[tilespmem:$0x1A400] =	vst v63  }
0x258: {  	s10 =	spop (v2sf);
	(v2sf) =	vpush v0, $0xE  }
0x259: {  	s3 =	sand.u32 $0x1FFFFFF0, s8  }
0x25a: {  	s9 =	sadd.s32 $0x6880, s6;
	s3 =	sadd.s32 s4, s3;
	s12 =	spop (v2sf)  }
0x25b: {  	(v2sf) =	vpush v0, $0xF;
	[tilespmem:s9], [sflag:$0x1] =	stream.linear.gather [hbm4b:s3+s2], $0x80, $0x38;
	[tilespmem:$0x1A400] =	vst v63  }
0x25c: {  	s3 =	sand.u32 $0x1FFFFFF0, s10  }
0x25d: {  	s11 =	sadd.s32 $0x6900, s6;
	s3 =	sadd.s32 s4, s3  }
0x25e: {  	[tilespmem:s11], [sflag:$0x1] =	stream.linear.gather [hbm4b:s3+s2], $0x80, $0x38;
	[tilespmem:$0x1A400] =	vst v63  }
0x25f: {  	s3 =	sand.u32 $0x1FFFFFF0, s12  }
0x260: {  	s13 =	sadd.s32 $0x6980, s6;
	s14 =	spop (v2sf);
	s3 =	sadd.s32 s4, s3  }
0x261: {  	[tilespmem:s13], [sflag:$0x1] =	stream.linear.gather [hbm4b:s3+s2], $0x80, $0x38;
	[tilespmem:$0x1A400] =	vst v63  }
0x262: {  	s3 =	sand.u32 $0x1FFFFFF0, s14  }
0x263: {  	s15 =	sadd.s32 $0x6A00, s6;
	s3 =	sadd.s32 s4, s3  }
0x264: {  	[tilespmem:s15], [sflag:$0x1] =	stream.linear.gather [hbm4b:s3+s2], $0x80, $0x38;
	[tilespmem:$0x1A400] =	vst v63  }
0x265: {  	s16 =	spop (v2sf)  }
0x266: {  	s3 =	sand.u32 $0x1FFFFFF0, s16  }
0x267: {  	s17 =	sadd.s32 $0x6A80, s6;
	s18 =	spop (v2sf);
	s3 =	sadd.s32 s4, s3  }
0x268: {  	[tilespmem:s17], [sflag:$0x1] =	stream.linear.gather [hbm4b:s3+s2], $0x80, $0x38;
	[tilespmem:$0x1A400] =	vst v63  }
0x269: {  	s3 =	sand.u32 $0x1FFFFFF0, s18  }
0x26a: {  	s19 =	sadd.s32 $0x6B00, s6;
	s20 =	spop (v2sf);
	s3 =	sadd.s32 s4, s3  }
0x26b: {  	[tilespmem:s19], [sflag:$0x1] =	stream.linear.gather [hbm4b:s3+s2], $0x80, $0x38;
	[tilespmem:$0x1A400] =	vst v63  }
0x26c: {  	s3 =	sand.u32 $0x1FFFFFF0, s20  }
0x26d: {  	s21 =	sadd.s32 $0x6B80, s6;
	s22 =	simm.s32 $0x2;
	s3 =	sadd.s32 s4, s3  }
0x26e: {  	[tilespmem:s21], [sflag:$0x1] =	stream.linear.gather [hbm4b:s3+s2], $0x80, $0x38;
	[tilespmem:$0x1A400] =	vst v63  }
0x26f: {  	_ =	swait.ge [sflag:s22], $0x5000  }
0x270: {  	s23 =	rddreg [dreg:$0x6]  }
0x271: {  	s24 =	simm.s32 $0x0;
	s26 =	simm.s32 $0xB400;
	s3 =	sadd.s32 s0, s23  }
0x272: {  	[sflag:s22] =	ssyncset.done $0x0;
	s25 =	rddreg [dreg:$0x4];
	s3 =	sshll.u32 s3, $0x4  }
0x273: {  	s30 =	simm.s32 $0x6;
	[sflag:s22] =	ssyncadd.s32 $0xFFFFB000;
	s3 =	sadd.s32 s25, s3  }
0x274: {  	[hbm4b:s3+s24] =	stream.linear.scatter [tilespmem:s26], [sflag:$0x6], $0x5000, $0x38;
	[tilespmem:$0x1A400] =	vst v63  }
0x275: {  	_ =	swait.ge [sflag:s30], $0x5000  }
0x276: {  	[sflag:s30] =	ssyncset.done $0x0  }
0x277: {  	s26 =	rddreg [dreg:$0xd];
	[sflag:s30] =	ssyncadd.s32 $0xFFFFB000  }
0x278: {  	v0 =	vld [tilespmem:s26+$0x0];
	_ =	sdelay $0x4  }
0x279: {  	v0 =	vshll.u32 v0, $0x4  }
0x27a: {  	(v2sf) =	vpush v0, $0x0  }
0x27b: {  	(v2sf) =	vpush v0, $0x1  }
0x27c: {  	(v2sf) =	vpush v0, $0x2;
	_ =	sdelay $0x1  }
0x27d: {  	(v2sf) =	vpush v0, $0x4;
	_ =	sdelay $0x1  }
0x27e: {  	(v2sf) =	vpush v0, $0x3  }
0x27f: {  	(v2sf) =	vpush v0, $0x5  }
0x280: {  	s6 =	simm.s32 $0x0;
	s7 =	simm.s32 $0x2000;
	s10 =	smov.u32 s26;
	(v2sf) =	vpush v0, $0x6  }
.LBB2_14:
0x281: {  	p1 =	seq.s32 s7, $0x12000  }
0x282: {  	s5 =	sadd.s32 $0xB480, s6;
	s15 =	sadd.s32 $0xB980, s6;
	s12 =	smov.u32 s7  }
0x283: {  	s7 =	sadd.s32 $0x2000, s7;
	s21 =	sadd.s32 $0xB780, s6;
	s11 =	sadd.s32 $0xBA00, s6;
	(v2sf) =	vpush v0, $0x7  }
0x284: {  	s3 =	sadd.s32 $0xB680, s6;
	s19 =	sadd.s32 $0xB800, s6;
	s13 =	sadd.s32 $0xBA80, s6  }
0x285: {  	s8 =	sadd.s32 $0xB400, s6;
	s14 =	sadd.s32 $0xB600, s6;
	(v2sf) =	vpush v0, $0x8  }
0x286: {  	s16 =	sadd.s32 $0xB700, s6;
	s10 =	sadd.s32 $0x10, s10  }
0x287: {  	s18 =	sadd.s32 $0xB500, s6;
	s17 =	sadd.s32 $0xB900, s6;
	s9 =	spop (v2sf);
	(v2sf) =	vpush v0, $0x9  }
0x288: {  	s20 =	sand.u32 $0x1FFFFFF0, s9;
	s9 =	sadd.s32 $0xB880, s6;
	s22 =	spop (v2sf)  }
0x289: {  	s20 =	sadd.s32 s4, s20;
	s22 =	sand.u32 $0x1FFFFFF0, s22;
	s23 =	spop (v2sf);
	(v2sf) =	vpush v0, $0xA  }
0x28a: {  	[tilespmem:s8], [sflag:$0x2] =	stream.linear.gather [hbm4b:s20+s2], $0x80, $0x38;
	[tilespmem:$0x1A400] =	vst v63  }
0x28b: {  	s8 =	sadd.s32 s4, s22;
	s20 =	sadd.s32 $0xB580, s6;
	s22 =	spop (v2sf);
	(v2sf) =	vpush v0, $0xB  }
0x28c: {  	[tilespmem:s5], [sflag:$0x2] =	stream.linear.gather [hbm4b:s8+s2], $0x80, $0x38;
	[tilespmem:$0x1A400] =	vst v63  }
0x28d: {  	s5 =	sand.u32 $0x1FFFFFF0, s23;
	s8 =	sand.u32 $0x1FFFFFF0, s22;
	s22 =	spop (v2sf);
	(v2sf) =	vpush v0, $0xC  }
0x28e: {  	s5 =	sadd.s32 s4, s5;
	s22 =	sand.u32 $0x1FFFFFF0, s22;
	s23 =	spop (v2sf)  }
0x28f: {  	[tilespmem:s18], [sflag:$0x2] =	stream.linear.gather [hbm4b:s5+s2], $0x80, $0x38;
	(v2sf) =	vpush v0, $0xD;
	[tilespmem:$0x1A400] =	vst v63  }
0x290: {  	s5 =	sadd.s32 s4, s22;
	s18 =	sand.u32 $0x1FFFFFF0, s23;
	s22 =	spop (v2sf)  }
0x291: {  	[tilespmem:s20], [sflag:$0x2] =	stream.linear.gather [hbm4b:s5+s2], $0x80, $0x38;
	(v2sf) =	vpush v0, $0xE;
	[tilespmem:$0x1A400] =	vst v63  }
0x292: {  	s5 =	sadd.s32 s4, s8;
	s8 =	sand.u32 $0x1FFFFFF0, s22;
	s20 =	spop (v2sf)  }
0x293: {  	[tilespmem:s14], [sflag:$0x2] =	stream.linear.gather [hbm4b:s5+s2], $0x80, $0x38;
	(v2sf) =	vpush v0, $0xF;
	[tilespmem:$0x1A400] =	vst v63  }
0x294: {  	s5 =	sadd.s32 s4, s18;
	s14 =	sand.u32 $0x1FFFFFF0, s20;
	s18 =	spop (v2sf)  }
0x295: {  	[tilespmem:s3], [sflag:$0x2] =	stream.linear.gather [hbm4b:s5+s2], $0x80, $0x38;
	[tilespmem:$0x1A400] =	vst v63  }
0x296: {  	s3 =	sadd.s32 s4, s8;
	s5 =	sand.u32 $0x1FFFFFF0, s18;
	s8 =	spop (v2sf)  }
0x297: {  	[tilespmem:s16], [sflag:$0x2] =	stream.linear.gather [hbm4b:s3+s2], $0x80, $0x38;
	[tilespmem:$0x1A400] =	vst v63  }
0x298: {  	s3 =	sadd.s32 s4, s14;
	s8 =	sand.u32 $0x1FFFFFF0, s8;
	s14 =	spop (v2sf)  }
0x299: {  	[tilespmem:s21], [sflag:$0x2] =	stream.linear.gather [hbm4b:s3+s2], $0x80, $0x38;
	[tilespmem:$0x1A400] =	vst v63  }
0x29a: {  	s3 =	sadd.s32 s4, s5;
	s5 =	sand.u32 $0x1FFFFFF0, s14;
	s14 =	spop (v2sf)  }
0x29b: {  	[tilespmem:s19], [sflag:$0x2] =	stream.linear.gather [hbm4b:s3+s2], $0x80, $0x38;
	[tilespmem:$0x1A400] =	vst v63  }
0x29c: {  	s3 =	sadd.s32 s4, s8;
	s8 =	sand.u32 $0x1FFFFFF0, s14;
	s14 =	spop (v2sf)  }
0x29d: {  	[tilespmem:s9], [sflag:$0x2] =	stream.linear.gather [hbm4b:s3+s2], $0x80, $0x38;
	[tilespmem:$0x1A400] =	vst v63  }
0x29e: {  	s3 =	sadd.s32 s4, s5;
	s5 =	sand.u32 $0x1FFFFFF0, s14;
	s9 =	spop (v2sf)  }
0x29f: {  	[tilespmem:s17], [sflag:$0x2] =	stream.linear.gather [hbm4b:s3+s2], $0x80, $0x38;
	[tilespmem:$0x1A400] =	vst v63  }
0x2a0: {  	s3 =	sadd.s32 s4, s8;
	s8 =	sand.u32 $0x1FFFFFF0, s9;
	s9 =	spop (v2sf)  }
0x2a1: {  	[tilespmem:s15], [sflag:$0x2] =	stream.linear.gather [hbm4b:s3+s2], $0x80, $0x38;
	[tilespmem:$0x1A400] =	vst v63  }
0x2a2: {  	s3 =	sadd.s32 s4, s5;
	s5 =	sand.u32 $0x1FFFFFF0, s9;
	s9 =	spop (v2sf)  }
0x2a3: {  	[tilespmem:s11], [sflag:$0x2] =	stream.linear.gather [hbm4b:s3+s2], $0x80, $0x38;
	[tilespmem:$0x1A400] =	vst v63  }
0x2a4: {  	s3 =	sadd.s32 s4, s8;
	s8 =	sand.u32 $0x1FFFFFF0, s9  }
0x2a5: {  	[tilespmem:s13], [sflag:$0x2] =	stream.linear.gather [hbm4b:s3+s2], $0x80, $0x38;
	[tilespmem:$0x1A400] =	vst v63  }
0x2a6: {  	s5 =	sadd.s32 s4, s5;
	s3 =	sadd.s32 $0xBB00, s6  }
0x2a7: {  	[tilespmem:s3], [sflag:$0x2] =	stream.linear.gather [hbm4b:s5+s2], $0x80, $0x38;
	[tilespmem:$0x1A400] =	vst v63  }
0x2a8: {  	s3 =	sadd.s32 $0xBB80, s6;
	s5 =	sadd.s32 s4, s8  }
0x2a9: {  	[tilespmem:s3], [sflag:$0x2] =	stream.linear.gather [hbm4b:s5+s2], $0x80, $0x38;
	[tilespmem:$0x1A400] =	vst v63  }
0x2aa: {  	v0 =	vld [tilespmem:s10+$0x0];
	_ =	sdelay $0x4  }
0x2ab: {  	v0 =	vshll.u32 v0, $0x4  }
0x2ac: {  	(v2sf) =	vpush v0, $0x0  }
0x2ad: {  	(v2sf) =	vpush v0, $0x1  }
0x2ae: {  	(v2sf) =	vpush v0, $0x2;
	_ =	sdelay $0x1  }
0x2af: {  	(v2sf) =	vpush v0, $0x4  }
.Ltmp9:
0x2b0: {  	(pc) =	sbr.rel @!p1 .LBB2_14-.Ltmp9, $3  }
0x2b1: {  	(v2sf) =	vpush v0, $0x3  }
0x2b2: {  	(v2sf) =	vpush v0, $0x5;
	_ =	sdelay $0x1  }
0x2b3: {  	s6 =	sshra.s32 s12, $0x2;
	(v2sf) =	vpush v0, $0x6  }
0x2b4: {  	_ =	sdelay $0x1  }
0x2b5: {  	s3 =	sadd.s32 $0xB480, s6;
	s10 =	sadd.s32 $0xB980, s6  }
0x2b6: {  	s5 =	sadd.s32 $0xB780, s6;
	s7 =	sadd.s32 $0xBA00, s6;
	(v2sf) =	vpush v0, $0x7;
	s8 =	sadd.s32 $0xB680, s6  }
0x2b7: {  	s11 =	sadd.s32 $0xB800, s6;
	s9 =	sadd.s32 $0xBA80, s6;
	s12 =	sadd.s32 $0xB400, s6  }
0x2b8: {  	s13 =	sadd.s32 $0xB600, s6;
	s14 =	sadd.s32 $0xB700, s6;
	(v2sf) =	vpush v0, $0x8;
	s15 =	spop (v2sf)  }
0x2b9: {  	s16 =	sadd.s32 $0xB500, s6;
	s15 =	sand.u32 $0x1FFFFFF0, s15;
	s17 =	spop (v2sf)  }
0x2ba: {  	(v2sf) =	vpush v0, $0x9;
	s15 =	sadd.s32 s4, s15;
	s17 =	sand.u32 $0x1FFFFFF0, s17;
	s18 =	spop (v2sf)  }
0x2bb: {  	[tilespmem:s12], [sflag:$0x2] =	stream.linear.gather [hbm4b:s15+s2], $0x80, $0x38;
	[tilespmem:$0x1A400] =	vst v63  }
0x2bc: {  	(v2sf) =	vpush v0, $0xA;
	s19 =	sadd.s32 s4, s17;
	s21 =	sand.u32 $0x1FFFFFF0, s18;
	s20 =	spop (v2sf)  }
0x2bd: {  	[tilespmem:s3], [sflag:$0x2] =	stream.linear.gather [hbm4b:s19+s2], $0x80, $0x38;
	[tilespmem:$0x1A400] =	vst v63  }
0x2be: {  	s12 =	sadd.s32 $0xB900, s6;
	(v2sf) =	vpush v0, $0xB;
	s15 =	sadd.s32 s4, s21;
	s22 =	spop (v2sf)  }
0x2bf: {  	s3 =	sadd.s32 $0xB880, s6;
	s19 =	sadd.s32 $0xB580, s6;
	s18 =	sand.u32 $0x1FFFFFF0, s22  }
0x2c0: {  	(v2sf) =	vpush v0, $0xC;
	[tilespmem:s16], [sflag:$0x2] =	stream.linear.gather [hbm4b:s15+s2], $0x80, $0x38;
	[tilespmem:$0x1A400] =	vst v63  }
0x2c1: {  	s23 =	sand.u32 $0x1FFFFFF0, s20;
	s24 =	spop (v2sf);
	s30 =	sadd.s32 s4, s18  }
0x2c2: {  	(v2sf) =	vpush v0, $0xD;
	[tilespmem:s19], [sflag:$0x2] =	stream.linear.gather [hbm4b:s30+s2], $0x80, $0x38;
	[tilespmem:$0x1A400] =	vst v63  }
0x2c3: {  	s15 =	sadd.s32 s4, s23;
	s16 =	sand.u32 $0x1FFFFFF0, s24;
	s18 =	spop (v2sf)  }
0x2c4: {  	(v2sf) =	vpush v0, $0xE;
	[tilespmem:s13], [sflag:$0x2] =	stream.linear.gather [hbm4b:s15+s2], $0x80, $0x38;
	[tilespmem:$0x1A400] =	vst v63  }
0x2c5: {  	s16 =	sadd.s32 s4, s16;
	s19 =	sand.u32 $0x1FFFFFF0, s18;
	s20 =	spop (v2sf)  }
0x2c6: {  	(v2sf) =	vpush v0, $0xF;
	[tilespmem:s8], [sflag:$0x2] =	stream.linear.gather [hbm4b:s16+s2], $0x80, $0x38;
	[tilespmem:$0x1A400] =	vst v63  }
0x2c7: {  	s21 =	sand.u32 $0x1FFFFFF0, s20;
	s22 =	spop (v2sf);
	s13 =	sadd.s32 s4, s19  }
0x2c8: {  	[tilespmem:s14], [sflag:$0x2] =	stream.linear.gather [hbm4b:s13+s2], $0x80, $0x38;
	[tilespmem:$0x1A400] =	vst v63  }
0x2c9: {  	s23 =	sand.u32 $0x1FFFFFF0, s22;
	s8 =	sadd.s32 s4, s21;
	s24 =	spop (v2sf)  }
0x2ca: {  	[tilespmem:s5], [sflag:$0x2] =	stream.linear.gather [hbm4b:s8+s2], $0x80, $0x38;
	[tilespmem:$0x1A400] =	vst v63  }
0x2cb: {  	s13 =	sadd.s32 s4, s23;
	s30 =	sand.u32 $0x1FFFFFF0, s24;
	s14 =	spop (v2sf)  }
0x2cc: {  	[tilespmem:s11], [sflag:$0x2] =	stream.linear.gather [hbm4b:s13+s2], $0x80, $0x38;
	[tilespmem:$0x1A400] =	vst v63  }
0x2cd: {  	s8 =	sand.u32 $0x1FFFFFF0, s14;
	s5 =	sadd.s32 s4, s30;
	s15 =	spop (v2sf)  }
0x2ce: {  	[tilespmem:s3], [sflag:$0x2] =	stream.linear.gather [hbm4b:s5+s2], $0x80, $0x38;
	[tilespmem:$0x1A400] =	vst v63  }
0x2cf: {  	s8 =	sadd.s32 s4, s8;
	s16 =	sand.u32 $0x1FFFFFF0, s15;
	s17 =	spop (v2sf)  }
0x2d0: {  	[tilespmem:s12], [sflag:$0x2] =	stream.linear.gather [hbm4b:s8+s2], $0x80, $0x38;
	[tilespmem:$0x1A400] =	vst v63  }
0x2d1: {  	s3 =	sadd.s32 s4, s16;
	s5 =	sand.u32 $0x1FFFFFF0, s17;
	s18 =	spop (v2sf)  }
0x2d2: {  	[tilespmem:s10], [sflag:$0x2] =	stream.linear.gather [hbm4b:s3+s2], $0x80, $0x38;
	[tilespmem:$0x1A400] =	vst v63  }
0x2d3: {  	s19 =	sand.u32 $0x1FFFFFF0, s18;
	s5 =	sadd.s32 s4, s5;
	s20 =	spop (v2sf)  }
0x2d4: {  	[tilespmem:s7], [sflag:$0x2] =	stream.linear.gather [hbm4b:s5+s2], $0x80, $0x38;
	[tilespmem:$0x1A400] =	vst v63  }
0x2d5: {  	s21 =	sand.u32 $0x1FFFFFF0, s20;
	s22 =	spop (v2sf);
	s3 =	sadd.s32 s4, s19  }
0x2d6: {  	[tilespmem:s9], [sflag:$0x2] =	stream.linear.gather [hbm4b:s3+s2], $0x80, $0x38;
	[tilespmem:$0x1A400] =	vst v63  }
0x2d7: {  	s24 =	sadd.s32 $0xBB00, s6;
	s23 =	sand.u32 $0x1FFFFFF0, s22;
	s5 =	sadd.s32 s4, s21  }
0x2d8: {  	[tilespmem:s24], [sflag:$0x2] =	stream.linear.gather [hbm4b:s5+s2], $0x80, $0x38;
	[tilespmem:$0x1A400] =	vst v63  }
0x2d9: {  	s30 =	sadd.s32 $0xBB80, s6;
	s3 =	sadd.s32 s4, s23;
	s24 =	rddreg [dreg:$0x3]  }
0x2da: {  	[tilespmem:s30], [sflag:$0x2] =	stream.linear.gather [hbm4b:s3+s2], $0x80, $0x38;
	[tilespmem:$0x1A400] =	vst v63  }
.LBB2_17:
0x2db: {  	s5 =	simm.s32 $0x3  }
0x2dc: {  	_ =	swait.ge [sflag:s5], $0x5000  }
.Ltmp10:
0x2dd: {  	s3 =	rddreg [dreg:$0x7];
	(pc) =	sbr.rel @p0 .LBB2_23-.Ltmp10, $4  }
0x2de: {  	s3 =	sadd.s32 s0, s3  }
0x2df: {  	[sflag:s5] =	ssyncset.done $0x0;
	s3 =	sshll.u32 s3, $0x4  }
0x2e0: {  	s30 =	simm.s32 $0x10400;
	[sflag:s5] =	ssyncadd.s32 $0xFFFFB000;
	s3 =	sadd.s32 s25, s3  }
0x2e1: {  	[hbm4b:s3+s2] =	stream.linear.scatter [tilespmem:s30], [sflag:$0x7], $0x5000, $0x38;
	[tilespmem:$0x1A400] =	vst v63  }
0x2e2: {  	s3 =	simm.s32 $0x7  }
0x2e3: {  	_ =	swait.ge [sflag:s3], $0x5000  }
0x2e4: {  	[sflag:s3] =	ssyncset.done $0x0  }
0x2e5: {  	[sflag:s3] =	ssyncadd.s32 $0xFFFFB000  }
0x2e6: {  	v0 =	vld [tilespmem:s31+$0x0];
	_ =	sdelay $0x4  }
0x2e7: {  	v0 =	vshll.u32 v0, $0x4  }
0x2e8: {  	(v2sf) =	vpush v0, $0x0  }
0x2e9: {  	(v2sf) =	vpush v0, $0x1  }
0x2ea: {  	(v2sf) =	vpush v0, $0x2;
	_ =	sdelay $0x1  }
0x2eb: {  	(v2sf) =	vpush v0, $0x4;
	_ =	sdelay $0x1  }
0x2ec: {  	(v2sf) =	vpush v0, $0x3  }
0x2ed: {  	(v2sf) =	vpush v0, $0x5  }
0x2ee: {  	s7 =	simm.s32 $0x2000;
	s6 =	simm.s32 $0x0;
	s10 =	smov.u32 s31;
	(v2sf) =	vpush v0, $0x6  }
.LBB2_19:
0x2ef: {  	p0 =	sne.s32 s7, $0x12000  }
0x2f0: {  	s5 =	sadd.s32 $0x10480, s6;
	s15 =	sadd.s32 $0x10980, s6;
	s12 =	smov.u32 s7  }
0x2f1: {  	s7 =	sadd.s32 $0x2000, s7;
	s21 =	sadd.s32 $0x10780, s6;
	s11 =	sadd.s32 $0x10A00, s6;
	(v2sf) =	vpush v0, $0x7  }
0x2f2: {  	s3 =	sadd.s32 $0x10680, s6;
	s19 =	sadd.s32 $0x10800, s6;
	s13 =	sadd.s32 $0x10A80, s6  }
0x2f3: {  	s8 =	sadd.s32 $0x10400, s6;
	s14 =	sadd.s32 $0x10600, s6;
	(v2sf) =	vpush v0, $0x8  }
0x2f4: {  	s16 =	sadd.s32 $0x10700, s6;
	s10 =	sadd.s32 $0x10, s10  }
0x2f5: {  	s18 =	sadd.s32 $0x10500, s6;
	s17 =	sadd.s32 $0x10900, s6;
	s9 =	spop (v2sf);
	(v2sf) =	vpush v0, $0x9  }
0x2f6: {  	s20 =	sand.u32 $0x1FFFFFF0, s9;
	s9 =	sadd.s32 $0x10880, s6;
	s22 =	spop (v2sf)  }
0x2f7: {  	s20 =	sadd.s32 s4, s20;
	s22 =	sand.u32 $0x1FFFFFF0, s22;
	s23 =	spop (v2sf);
	(v2sf) =	vpush v0, $0xA  }
0x2f8: {  	[tilespmem:s8], [sflag:$0x3] =	stream.linear.gather [hbm4b:s20+s2], $0x80, $0x38;
	[tilespmem:$0x1A400] =	vst v63  }
0x2f9: {  	s8 =	sadd.s32 s4, s22;
	s20 =	sadd.s32 $0x10580, s6;
	s22 =	spop (v2sf);
	(v2sf) =	vpush v0, $0xB  }
0x2fa: {  	[tilespmem:s5], [sflag:$0x3] =	stream.linear.gather [hbm4b:s8+s2], $0x80, $0x38;
	[tilespmem:$0x1A400] =	vst v63  }
0x2fb: {  	s5 =	sand.u32 $0x1FFFFFF0, s23;
	s8 =	sand.u32 $0x1FFFFFF0, s22;
	s22 =	spop (v2sf);
	(v2sf) =	vpush v0, $0xC  }
0x2fc: {  	s5 =	sadd.s32 s4, s5;
	s22 =	sand.u32 $0x1FFFFFF0, s22;
	s23 =	spop (v2sf)  }
0x2fd: {  	[tilespmem:s18], [sflag:$0x3] =	stream.linear.gather [hbm4b:s5+s2], $0x80, $0x38;
	(v2sf) =	vpush v0, $0xD;
	[tilespmem:$0x1A400] =	vst v63  }
0x2fe: {  	s5 =	sadd.s32 s4, s22;
	s18 =	sand.u32 $0x1FFFFFF0, s23;
	s22 =	spop (v2sf)  }
0x2ff: {  	[tilespmem:s20], [sflag:$0x3] =	stream.linear.gather [hbm4b:s5+s2], $0x80, $0x38;
	(v2sf) =	vpush v0, $0xE;
	[tilespmem:$0x1A400] =	vst v63  }
0x300: {  	s5 =	sadd.s32 s4, s8;
	s8 =	sand.u32 $0x1FFFFFF0, s22;
	s20 =	spop (v2sf)  }
0x301: {  	[tilespmem:s14], [sflag:$0x3] =	stream.linear.gather [hbm4b:s5+s2], $0x80, $0x38;
	(v2sf) =	vpush v0, $0xF;
	[tilespmem:$0x1A400] =	vst v63  }
0x302: {  	s5 =	sadd.s32 s4, s18;
	s14 =	sand.u32 $0x1FFFFFF0, s20;
	s18 =	spop (v2sf)  }
0x303: {  	[tilespmem:s3], [sflag:$0x3] =	stream.linear.gather [hbm4b:s5+s2], $0x80, $0x38;
	[tilespmem:$0x1A400] =	vst v63  }
0x304: {  	s3 =	sadd.s32 s4, s8;
	s5 =	sand.u32 $0x1FFFFFF0, s18;
	s8 =	spop (v2sf)  }
0x305: {  	[tilespmem:s16], [sflag:$0x3] =	stream.linear.gather [hbm4b:s3+s2], $0x80, $0x38;
	[tilespmem:$0x1A400] =	vst v63  }
0x306: {  	s3 =	sadd.s32 s4, s14;
	s8 =	sand.u32 $0x1FFFFFF0, s8;
	s14 =	spop (v2sf)  }
0x307: {  	[tilespmem:s21], [sflag:$0x3] =	stream.linear.gather [hbm4b:s3+s2], $0x80, $0x38;
	[tilespmem:$0x1A400] =	vst v63  }
0x308: {  	s3 =	sadd.s32 s4, s5;
	s5 =	sand.u32 $0x1FFFFFF0, s14;
	s14 =	spop (v2sf)  }
0x309: {  	[tilespmem:s19], [sflag:$0x3] =	stream.linear.gather [hbm4b:s3+s2], $0x80, $0x38;
	[tilespmem:$0x1A400] =	vst v63  }
0x30a: {  	s3 =	sadd.s32 s4, s8;
	s8 =	sand.u32 $0x1FFFFFF0, s14;
	s14 =	spop (v2sf)  }
0x30b: {  	[tilespmem:s9], [sflag:$0x3] =	stream.linear.gather [hbm4b:s3+s2], $0x80, $0x38;
	[tilespmem:$0x1A400] =	vst v63  }
0x30c: {  	s3 =	sadd.s32 s4, s5;
	s5 =	sand.u32 $0x1FFFFFF0, s14;
	s9 =	spop (v2sf)  }
0x30d: {  	[tilespmem:s17], [sflag:$0x3] =	stream.linear.gather [hbm4b:s3+s2], $0x80, $0x38;
	[tilespmem:$0x1A400] =	vst v63  }
0x30e: {  	s3 =	sadd.s32 s4, s8;
	s8 =	sand.u32 $0x1FFFFFF0, s9;
	s9 =	spop (v2sf)  }
0x30f: {  	[tilespmem:s15], [sflag:$0x3] =	stream.linear.gather [hbm4b:s3+s2], $0x80, $0x38;
	[tilespmem:$0x1A400] =	vst v63  }
0x310: {  	s3 =	sadd.s32 s4, s5;
	s5 =	sand.u32 $0x1FFFFFF0, s9;
	s9 =	spop (v2sf)  }
0x311: {  	[tilespmem:s11], [sflag:$0x3] =	stream.linear.gather [hbm4b:s3+s2], $0x80, $0x38;
	[tilespmem:$0x1A400] =	vst v63  }
0x312: {  	s3 =	sadd.s32 s4, s8;
	s8 =	sand.u32 $0x1FFFFFF0, s9  }
0x313: {  	[tilespmem:s13], [sflag:$0x3] =	stream.linear.gather [hbm4b:s3+s2], $0x80, $0x38;
	[tilespmem:$0x1A400] =	vst v63  }
0x314: {  	s5 =	sadd.s32 s4, s5;
	s3 =	sadd.s32 $0x10B00, s6  }
0x315: {  	[tilespmem:s3], [sflag:$0x3] =	stream.linear.gather [hbm4b:s5+s2], $0x80, $0x38;
	[tilespmem:$0x1A400] =	vst v63  }
0x316: {  	s3 =	sadd.s32 $0x10B80, s6;
	s5 =	sadd.s32 s4, s8  }
0x317: {  	[tilespmem:s3], [sflag:$0x3] =	stream.linear.gather [hbm4b:s5+s2], $0x80, $0x38;
	[tilespmem:$0x1A400] =	vst v63  }
0x318: {  	v0 =	vld [tilespmem:s10+$0x0];
	_ =	sdelay $0x4  }
0x319: {  	v0 =	vshll.u32 v0, $0x4  }
0x31a: {  	(v2sf) =	vpush v0, $0x0  }
0x31b: {  	(v2sf) =	vpush v0, $0x1  }
0x31c: {  	(v2sf) =	vpush v0, $0x2;
	_ =	sdelay $0x1  }
0x31d: {  	(v2sf) =	vpush v0, $0x4  }
.Ltmp11:
0x31e: {  	(pc) =	sbr.rel @p0 .LBB2_19-.Ltmp11, $3  }
0x31f: {  	(v2sf) =	vpush v0, $0x3  }
0x320: {  	(v2sf) =	vpush v0, $0x5;
	_ =	sdelay $0x1  }
0x321: {  	s6 =	sshra.s32 s12, $0x2;
	(v2sf) =	vpush v0, $0x6  }
0x322: {  	_ =	sdelay $0x1  }
0x323: {  	s3 =	sadd.s32 $0x10480, s6;
	s10 =	sadd.s32 $0x10980, s6  }
0x324: {  	s5 =	sadd.s32 $0x10780, s6;
	s7 =	sadd.s32 $0x10A00, s6;
	(v2sf) =	vpush v0, $0x7;
	s8 =	sadd.s32 $0x10680, s6  }
0x325: {  	s11 =	sadd.s32 $0x10800, s6;
	s9 =	sadd.s32 $0x10A80, s6;
	s12 =	sadd.s32 $0x10400, s6  }
0x326: {  	s13 =	sadd.s32 $0x10600, s6;
	s14 =	sadd.s32 $0x10700, s6;
	(v2sf) =	vpush v0, $0x8;
	s15 =	spop (v2sf)  }
0x327: {  	s16 =	sadd.s32 $0x10500, s6;
	s15 =	sand.u32 $0x1FFFFFF0, s15;
	s17 =	spop (v2sf)  }
0x328: {  	(v2sf) =	vpush v0, $0x9;
	s15 =	sadd.s32 s4, s15;
	s17 =	sand.u32 $0x1FFFFFF0, s17;
	s18 =	spop (v2sf)  }
0x329: {  	[tilespmem:s12], [sflag:$0x3] =	stream.linear.gather [hbm4b:s15+s2], $0x80, $0x38;
	[tilespmem:$0x1A400] =	vst v63  }
0x32a: {  	s19 =	sadd.s32 $0x10580, s6;
	(v2sf) =	vpush v0, $0xA;
	s20 =	sadd.s32 s4, s17;
	s21 =	spop (v2sf)  }
0x32b: {  	[tilespmem:s3], [sflag:$0x3] =	stream.linear.gather [hbm4b:s20+s2], $0x80, $0x38;
	[tilespmem:$0x1A400] =	vst v63  }
0x32c: {  	s12 =	sadd.s32 $0x10900, s6;
	s22 =	sand.u32 $0x1FFFFFF0, s18;
	(v2sf) =	vpush v0, $0xB;
	s23 =	spop (v2sf)  }
0x32d: {  	s15 =	sadd.s32 s4, s22;
	s3 =	sadd.s32 $0x10880, s6;
	s18 =	sand.u32 $0x1FFFFFF0, s23  }
0x32e: {  	(v2sf) =	vpush v0, $0xC;
	[tilespmem:s16], [sflag:$0x3] =	stream.linear.gather [hbm4b:s15+s2], $0x80, $0x38;
	[tilespmem:$0x1A400] =	vst v63  }
0x32f: {  	s30 =	sand.u32 $0x1FFFFFF0, s21;
	s20 =	spop (v2sf);
	s21 =	sadd.s32 s4, s18  }
0x330: {  	(v2sf) =	vpush v0, $0xD;
	[tilespmem:s19], [sflag:$0x3] =	stream.linear.gather [hbm4b:s21+s2], $0x80, $0x38;
	[tilespmem:$0x1A400] =	vst v63  }
0x331: {  	s15 =	sadd.s32 s4, s30;
	s16 =	sand.u32 $0x1FFFFFF0, s20;
	s22 =	spop (v2sf)  }
0x332: {  	(v2sf) =	vpush v0, $0xE;
	[tilespmem:s13], [sflag:$0x3] =	stream.linear.gather [hbm4b:s15+s2], $0x80, $0x38;
	[tilespmem:$0x1A400] =	vst v63  }
0x333: {  	s16 =	sadd.s32 s4, s16;
	s23 =	sand.u32 $0x1FFFFFF0, s22;
	s30 =	spop (v2sf)  }
0x334: {  	(v2sf) =	vpush v0, $0xF;
	[tilespmem:s8], [sflag:$0x3] =	stream.linear.gather [hbm4b:s16+s2], $0x80, $0x38;
	[tilespmem:$0x1A400] =	vst v63  }
0x335: {  	s17 =	sand.u32 $0x1FFFFFF0, s30;
	s18 =	spop (v2sf);
	s13 =	sadd.s32 s4, s23  }
0x336: {  	[tilespmem:s14], [sflag:$0x3] =	stream.linear.gather [hbm4b:s13+s2], $0x80, $0x38;
	[tilespmem:$0x1A400] =	vst v63  }
0x337: {  	s19 =	sand.u32 $0x1FFFFFF0, s18;
	s8 =	sadd.s32 s4, s17;
	s20 =	spop (v2sf)  }
0x338: {  	[tilespmem:s5], [sflag:$0x3] =	stream.linear.gather [hbm4b:s8+s2], $0x80, $0x38;
	[tilespmem:$0x1A400] =	vst v63  }
0x339: {  	s13 =	sadd.s32 s4, s19;
	s21 =	sand.u32 $0x1FFFFFF0, s20;
	s22 =	spop (v2sf)  }
0x33a: {  	[tilespmem:s11], [sflag:$0x3] =	stream.linear.gather [hbm4b:s13+s2], $0x80, $0x38;
	[tilespmem:$0x1A400] =	vst v63  }
0x33b: {  	s8 =	sand.u32 $0x1FFFFFF0, s22;
	s5 =	sadd.s32 s4, s21;
	s23 =	spop (v2sf)  }
0x33c: {  	[tilespmem:s3], [sflag:$0x3] =	stream.linear.gather [hbm4b:s5+s2], $0x80, $0x38;
	[tilespmem:$0x1A400] =	vst v63  }
0x33d: {  	s8 =	sadd.s32 s4, s8;
	s30 =	sand.u32 $0x1FFFFFF0, s23;
	s11 =	spop (v2sf)  }
0x33e: {  	[tilespmem:s12], [sflag:$0x3] =	stream.linear.gather [hbm4b:s8+s2], $0x80, $0x38;
	[tilespmem:$0x1A400] =	vst v63  }
0x33f: {  	s3 =	sadd.s32 s4, s30;
	s5 =	sand.u32 $0x1FFFFFF0, s11;
	s12 =	spop (v2sf)  }
0x340: {  	[tilespmem:s10], [sflag:$0x3] =	stream.linear.gather [hbm4b:s3+s2], $0x80, $0x38;
	[tilespmem:$0x1A400] =	vst v63  }
0x341: {  	s5 =	sadd.s32 s4, s5;
	s13 =	sand.u32 $0x1FFFFFF0, s12;
	s14 =	spop (v2sf)  }
0x342: {  	[tilespmem:s7], [sflag:$0x3] =	stream.linear.gather [hbm4b:s5+s2], $0x80, $0x38;
	[tilespmem:$0x1A400] =	vst v63  }
0x343: {  	s15 =	sand.u32 $0x1FFFFFF0, s14;
	s16 =	spop (v2sf);
	s3 =	sadd.s32 s4, s13  }
0x344: {  	[tilespmem:s9], [sflag:$0x3] =	stream.linear.gather [hbm4b:s3+s2], $0x80, $0x38;
	[tilespmem:$0x1A400] =	vst v63  }
0x345: {  	s18 =	sadd.s32 $0x10B00, s6;
	s17 =	sand.u32 $0x1FFFFFF0, s16;
	s5 =	sadd.s32 s4, s15  }
0x346: {  	[tilespmem:s18], [sflag:$0x3] =	stream.linear.gather [hbm4b:s5+s2], $0x80, $0x38;
	[tilespmem:$0x1A400] =	vst v63  }
0x347: {  	s19 =	sadd.s32 $0x10B80, s6;
	s20 =	simm.s32 $0x4;
	s3 =	sadd.s32 s4, s17  }
0x348: {  	[tilespmem:s19], [sflag:$0x3] =	stream.linear.gather [hbm4b:s3+s2], $0x80, $0x38;
	[tilespmem:$0x1A400] =	vst v63  }
0x349: {  	_ =	swait.ge [sflag:s20], $0x5000  }
0x34a: {  	s21 =	rddreg [dreg:$0x8]  }
0x34b: {  	s22 =	simm.s32 $0x0;
	s0 =	sadd.s32 s0, s21  }
0x34c: {  	s23 =	simm.s32 $0x15400;
	[sflag:s20] =	ssyncset.done $0x0;
	s0 =	sshll.u32 s0, $0x4  }
0x34d: {  	s30 =	simm.s32 $0x8;
	[sflag:s20] =	ssyncadd.s32 $0xFFFFB000;
	s0 =	sadd.s32 s25, s0  }
0x34e: {  	[hbm4b:s0+s22] =	stream.linear.scatter [tilespmem:s23], [sflag:$0x8], $0x5000, $0x38;
	[tilespmem:$0x1A400] =	vst v63  }
0x34f: {  	_ =	swait.ge [sflag:s30], $0x5000  }
0x350: {  	[sflag:s30] =	ssyncset.done $0x0  }
0x351: {  	[sflag:s30] =	ssyncadd.s32 $0xFFFFB000  }
0x352: {  	v0 =	vld [tilespmem:s1+$0x0];
	_ =	sdelay $0x4  }
0x353: {  	v0 =	vshll.u32 v0, $0x4  }
0x354: {  	(v2sf) =	vpush v0, $0x0  }
0x355: {  	(v2sf) =	vpush v0, $0x1  }
0x356: {  	(v2sf) =	vpush v0, $0x2;
	_ =	sdelay $0x1  }
0x357: {  	(v2sf) =	vpush v0, $0x4;
	_ =	sdelay $0x1  }
0x358: {  	(v2sf) =	vpush v0, $0x3  }
0x359: {  	(v2sf) =	vpush v0, $0x5  }
0x35a: {  	s6 =	simm.s32 $0x2000;
	s7 =	smov.u32 s1;
	s0 =	simm.s32 $0x0;
	(v2sf) =	vpush v0, $0x6  }
.LBB2_21:
0x35b: {  	p0 =	sne.s32 s6, $0x12000  }
0x35c: {  	s5 =	sadd.s32 $0x15480, s0;
	s13 =	sadd.s32 $0x15980, s0;
	s10 =	smov.u32 s6  }
0x35d: {  	s6 =	sadd.s32 $0x2000, s6;
	s19 =	sadd.s32 $0x15780, s0;
	s11 =	sadd.s32 $0x15A00, s0;
	(v2sf) =	vpush v0, $0x7  }
0x35e: {  	s3 =	sadd.s32 $0x15680, s0;
	s17 =	sadd.s32 $0x15800, s0;
	s12 =	sadd.s32 $0x15A80, s0  }
0x35f: {  	s8 =	sadd.s32 $0x15400, s0;
	s14 =	sadd.s32 $0x15600, s0;
	(v2sf) =	vpush v0, $0x8  }
0x360: {  	s16 =	sadd.s32 $0x15700, s0;
	s7 =	sadd.s32 $0x10, s7  }
0x361: {  	s18 =	sadd.s32 $0x15500, s0;
	s15 =	sadd.s32 $0x15900, s0;
	s9 =	spop (v2sf);
	(v2sf) =	vpush v0, $0x9  }
0x362: {  	s20 =	sand.u32 $0x1FFFFFF0, s9;
	s9 =	sadd.s32 $0x15880, s0;
	s21 =	spop (v2sf)  }
0x363: {  	s20 =	sadd.s32 s4, s20;
	s21 =	sand.u32 $0x1FFFFFF0, s21;
	s22 =	spop (v2sf);
	(v2sf) =	vpush v0, $0xA  }
0x364: {  	[tilespmem:s8], [sflag:$0x4] =	stream.linear.gather [hbm4b:s20+s2], $0x80, $0x38;
	[tilespmem:$0x1A400] =	vst v63  }
0x365: {  	s8 =	sadd.s32 s4, s21;
	s20 =	sadd.s32 $0x15580, s0;
	s21 =	spop (v2sf);
	(v2sf) =	vpush v0, $0xB  }
0x366: {  	[tilespmem:s5], [sflag:$0x4] =	stream.linear.gather [hbm4b:s8+s2], $0x80, $0x38;
	[tilespmem:$0x1A400] =	vst v63  }
0x367: {  	s5 =	sand.u32 $0x1FFFFFF0, s22;
	s8 =	sand.u32 $0x1FFFFFF0, s21;
	s21 =	spop (v2sf);
	(v2sf) =	vpush v0, $0xC  }
0x368: {  	s5 =	sadd.s32 s4, s5;
	s21 =	sand.u32 $0x1FFFFFF0, s21;
	s22 =	spop (v2sf)  }
0x369: {  	[tilespmem:s18], [sflag:$0x4] =	stream.linear.gather [hbm4b:s5+s2], $0x80, $0x38;
	(v2sf) =	vpush v0, $0xD;
	[tilespmem:$0x1A400] =	vst v63  }
0x36a: {  	s5 =	sadd.s32 s4, s21;
	s18 =	sand.u32 $0x1FFFFFF0, s22;
	s21 =	spop (v2sf)  }
0x36b: {  	[tilespmem:s20], [sflag:$0x4] =	stream.linear.gather [hbm4b:s5+s2], $0x80, $0x38;
	(v2sf) =	vpush v0, $0xE;
	[tilespmem:$0x1A400] =	vst v63  }
0x36c: {  	s5 =	sadd.s32 s4, s8;
	s8 =	sand.u32 $0x1FFFFFF0, s21;
	s20 =	spop (v2sf)  }
0x36d: {  	[tilespmem:s14], [sflag:$0x4] =	stream.linear.gather [hbm4b:s5+s2], $0x80, $0x38;
	(v2sf) =	vpush v0, $0xF;
	[tilespmem:$0x1A400] =	vst v63  }
0x36e: {  	s5 =	sadd.s32 s4, s18;
	s14 =	sand.u32 $0x1FFFFFF0, s20;
	s18 =	spop (v2sf)  }
0x36f: {  	[tilespmem:s3], [sflag:$0x4] =	stream.linear.gather [hbm4b:s5+s2], $0x80, $0x38;
	[tilespmem:$0x1A400] =	vst v63  }
0x370: {  	s3 =	sadd.s32 s4, s8;
	s5 =	sand.u32 $0x1FFFFFF0, s18;
	s8 =	spop (v2sf)  }
0x371: {  	[tilespmem:s16], [sflag:$0x4] =	stream.linear.gather [hbm4b:s3+s2], $0x80, $0x38;
	[tilespmem:$0x1A400] =	vst v63  }
0x372: {  	s3 =	sadd.s32 s4, s14;
	s8 =	sand.u32 $0x1FFFFFF0, s8;
	s14 =	spop (v2sf)  }
0x373: {  	[tilespmem:s19], [sflag:$0x4] =	stream.linear.gather [hbm4b:s3+s2], $0x80, $0x38;
	[tilespmem:$0x1A400] =	vst v63  }
0x374: {  	s3 =	sadd.s32 s4, s5;
	s5 =	sand.u32 $0x1FFFFFF0, s14;
	s14 =	spop (v2sf)  }
0x375: {  	[tilespmem:s17], [sflag:$0x4] =	stream.linear.gather [hbm4b:s3+s2], $0x80, $0x38;
	[tilespmem:$0x1A400] =	vst v63  }
0x376: {  	s3 =	sadd.s32 s4, s8;
	s8 =	sand.u32 $0x1FFFFFF0, s14;
	s14 =	spop (v2sf)  }
0x377: {  	[tilespmem:s9], [sflag:$0x4] =	stream.linear.gather [hbm4b:s3+s2], $0x80, $0x38;
	[tilespmem:$0x1A400] =	vst v63  }
0x378: {  	s3 =	sadd.s32 s4, s5;
	s5 =	sand.u32 $0x1FFFFFF0, s14;
	s9 =	spop (v2sf)  }
0x379: {  	[tilespmem:s15], [sflag:$0x4] =	stream.linear.gather [hbm4b:s3+s2], $0x80, $0x38;
	[tilespmem:$0x1A400] =	vst v63  }
0x37a: {  	s3 =	sadd.s32 s4, s8;
	s8 =	sand.u32 $0x1FFFFFF0, s9;
	s9 =	spop (v2sf)  }
0x37b: {  	[tilespmem:s13], [sflag:$0x4] =	stream.linear.gather [hbm4b:s3+s2], $0x80, $0x38;
	[tilespmem:$0x1A400] =	vst v63  }
0x37c: {  	s3 =	sadd.s32 s4, s5;
	s5 =	sand.u32 $0x1FFFFFF0, s9;
	s9 =	spop (v2sf)  }
0x37d: {  	[tilespmem:s11], [sflag:$0x4] =	stream.linear.gather [hbm4b:s3+s2], $0x80, $0x38;
	[tilespmem:$0x1A400] =	vst v63  }
0x37e: {  	s3 =	sadd.s32 s4, s8;
	s8 =	sand.u32 $0x1FFFFFF0, s9  }
0x37f: {  	[tilespmem:s12], [sflag:$0x4] =	stream.linear.gather [hbm4b:s3+s2], $0x80, $0x38;
	[tilespmem:$0x1A400] =	vst v63  }
0x380: {  	s5 =	sadd.s32 s4, s5;
	s3 =	sadd.s32 $0x15B00, s0  }
0x381: {  	[tilespmem:s3], [sflag:$0x4] =	stream.linear.gather [hbm4b:s5+s2], $0x80, $0x38;
	[tilespmem:$0x1A400] =	vst v63  }
0x382: {  	s0 =	sadd.s32 $0x15B80, s0;
	s3 =	sadd.s32 s4, s8  }
0x383: {  	[tilespmem:s0], [sflag:$0x4] =	stream.linear.gather [hbm4b:s3+s2], $0x80, $0x38;
	[tilespmem:$0x1A400] =	vst v63  }
0x384: {  	v0 =	vld [tilespmem:s7+$0x0];
	_ =	sdelay $0x4  }
0x385: {  	v0 =	vshll.u32 v0, $0x4  }
0x386: {  	(v2sf) =	vpush v0, $0x0  }
0x387: {  	(v2sf) =	vpush v0, $0x1  }
0x388: {  	(v2sf) =	vpush v0, $0x2;
	_ =	sdelay $0x1  }
0x389: {  	(v2sf) =	vpush v0, $0x4  }
.Ltmp12:
0x38a: {  	(pc) =	sbr.rel @p0 .LBB2_21-.Ltmp12, $3  }
0x38b: {  	(v2sf) =	vpush v0, $0x3  }
0x38c: {  	(v2sf) =	vpush v0, $0x5;
	_ =	sdelay $0x1  }
0x38d: {  	s0 =	sshra.s32 s10, $0x2;
	(v2sf) =	vpush v0, $0x6  }
0x38e: {  	_ = 	snop  }
0x38f: {  	s3 =	sadd.s32 $0x15480, s0  }
0x390: {  	s9 =	sadd.s32 $0x15980, s0;
	s5 =	sadd.s32 $0x15780, s0;
	s6 =	sadd.s32 $0x15A00, s0  }
0x391: {  	(v2sf) =	vpush v0, $0x7;
	s8 =	sadd.s32 $0x15680, s0;
	s10 =	sadd.s32 $0x15800, s0;
	s7 =	sadd.s32 $0x15A80, s0  }
0x392: {  	s11 =	sadd.s32 $0x15400, s0;
	s12 =	sadd.s32 $0x15600, s0;
	s13 =	sadd.s32 $0x15700, s0  }
0x393: {  	s15 =	sadd.s32 $0x15500, s0;
	s28 =	sadd.s32 $0x1, s28;
	(v2sf) =	vpush v0, $0x8;
	s14 =	spop (v2sf)  }
0x394: {  	s29 =	sadd.s32 $0x280, s29;
	s14 =	sand.u32 $0x1FFFFFF0, s14;
	s16 =	spop (v2sf)  }
0x395: {  	(v2sf) =	vpush v0, $0x9;
	s14 =	sadd.s32 s4, s14;
	s16 =	sand.u32 $0x1FFFFFF0, s16;
	s17 =	spop (v2sf)  }
0x396: {  	[tilespmem:s11], [sflag:$0x4] =	stream.linear.gather [hbm4b:s14+s2], $0x80, $0x38;
	[tilespmem:$0x1A400] =	vst v63  }
0x397: {  	(v2sf) =	vpush v0, $0xA;
	s18 =	sadd.s32 s4, s16;
	s20 =	sand.u32 $0x1FFFFFF0, s17;
	s19 =	spop (v2sf)  }
0x398: {  	[tilespmem:s3], [sflag:$0x4] =	stream.linear.gather [hbm4b:s18+s2], $0x80, $0x38;
	[tilespmem:$0x1A400] =	vst v63  }
0x399: {  	s11 =	sadd.s32 $0x15900, s0;
	(v2sf) =	vpush v0, $0xB;
	s14 =	sadd.s32 s4, s20;
	s21 =	spop (v2sf)  }
0x39a: {  	s3 =	sadd.s32 $0x15880, s0;
	s18 =	sadd.s32 $0x15580, s0;
	s17 =	sand.u32 $0x1FFFFFF0, s21  }
0x39b: {  	(v2sf) =	vpush v0, $0xC;
	[tilespmem:s15], [sflag:$0x4] =	stream.linear.gather [hbm4b:s14+s2], $0x80, $0x38;
	[tilespmem:$0x1A400] =	vst v63  }
0x39c: {  	s22 =	sand.u32 $0x1FFFFFF0, s19;
	s23 =	spop (v2sf);
	s30 =	sadd.s32 s4, s17  }
0x39d: {  	(v2sf) =	vpush v0, $0xD;
	[tilespmem:s18], [sflag:$0x4] =	stream.linear.gather [hbm4b:s30+s2], $0x80, $0x38;
	[tilespmem:$0x1A400] =	vst v63  }
0x39e: {  	s14 =	sadd.s32 s4, s22;
	s15 =	sand.u32 $0x1FFFFFF0, s23;
	s17 =	spop (v2sf)  }
0x39f: {  	[tilespmem:s12], [sflag:$0x4] =	stream.linear.gather [hbm4b:s14+s2], $0x80, $0x38;
	[tilespmem:$0x1A400] =	vst v63  }
0x3a0: {  	s15 =	sadd.s32 s4, s15;
	s18 =	sand.u32 $0x1FFFFFF0, s17;
	s19 =	spop (v2sf)  }
0x3a1: {  	(v2sf) =	vpush v0, $0xE;
	[tilespmem:s8], [sflag:$0x4] =	stream.linear.gather [hbm4b:s15+s2], $0x80, $0x38;
	[tilespmem:$0x1A400] =	vst v63  }
0x3a2: {  	s20 =	sand.u32 $0x1FFFFFF0, s19;
	s21 =	spop (v2sf);
	s12 =	sadd.s32 s4, s18  }
0x3a3: {  	(v2sf) =	vpush v0, $0xF;
	[tilespmem:s13], [sflag:$0x4] =	stream.linear.gather [hbm4b:s12+s2], $0x80, $0x38;
	[tilespmem:$0x1A400] =	vst v63  }
0x3a4: {  	s22 =	sand.u32 $0x1FFFFFF0, s21;
	s8 =	sadd.s32 s4, s20;
	s23 =	spop (v2sf)  }
0x3a5: {  	[tilespmem:s5], [sflag:$0x4] =	stream.linear.gather [hbm4b:s8+s2], $0x80, $0x38;
	[tilespmem:$0x1A400] =	vst v63  }
0x3a6: {  	s12 =	sadd.s32 s4, s22;
	s30 =	sand.u32 $0x1FFFFFF0, s23;
	s13 =	spop (v2sf)  }
0x3a7: {  	[tilespmem:s10], [sflag:$0x4] =	stream.linear.gather [hbm4b:s12+s2], $0x80, $0x38;
	[tilespmem:$0x1A400] =	vst v63  }
0x3a8: {  	s8 =	sand.u32 $0x1FFFFFF0, s13;
	s5 =	sadd.s32 s4, s30;
	s14 =	spop (v2sf)  }
0x3a9: {  	[tilespmem:s3], [sflag:$0x4] =	stream.linear.gather [hbm4b:s5+s2], $0x80, $0x38;
	[tilespmem:$0x1A400] =	vst v63  }
0x3aa: {  	s8 =	sadd.s32 s4, s8;
	s15 =	sand.u32 $0x1FFFFFF0, s14;
	s16 =	spop (v2sf)  }
0x3ab: {  	[tilespmem:s11], [sflag:$0x4] =	stream.linear.gather [hbm4b:s8+s2], $0x80, $0x38;
	[tilespmem:$0x1A400] =	vst v63  }
0x3ac: {  	s3 =	sadd.s32 s4, s15;
	s5 =	sand.u32 $0x1FFFFFF0, s16;
	s17 =	spop (v2sf)  }
0x3ad: {  	[tilespmem:s9], [sflag:$0x4] =	stream.linear.gather [hbm4b:s3+s2], $0x80, $0x38;
	[tilespmem:$0x1A400] =	vst v63  }
0x3ae: {  	s26 =	sadd.s32 $0x280, s26;
	s18 =	sand.u32 $0x1FFFFFF0, s17;
	s5 =	sadd.s32 s4, s5  }
0x3af: {  	[tilespmem:s6], [sflag:$0x4] =	stream.linear.gather [hbm4b:s5+s2], $0x80, $0x38;
	[tilespmem:$0x1A400] =	vst v63  }
0x3b0: {  	s31 =	sadd.s32 $0x280, s31;
	s19 =	spop (v2sf);
	s3 =	sadd.s32 s4, s18  }
0x3b1: {  	[tilespmem:s7], [sflag:$0x4] =	stream.linear.gather [hbm4b:s3+s2], $0x80, $0x38;
	[tilespmem:$0x1A400] =	vst v63  }
.Ltmp13:
0x3b2: {  	s20 =	sand.u32 $0x1FFFFFF0, s19;
	s21 =	spop (v2sf);
	(pc) =	sbr.rel .LBB2_10-.Ltmp13, $4  }
0x3b3: {  	s23 =	sadd.s32 $0x15B00, s0;
	s22 =	sand.u32 $0x1FFFFFF0, s21;
	s5 =	sadd.s32 s4, s20  }
0x3b4: {  	[tilespmem:s23], [sflag:$0x4] =	stream.linear.gather [hbm4b:s5+s2], $0x80, $0x38;
	[tilespmem:$0x1A400] =	vst v63  }
0x3b5: {  	s1 =	sadd.s32 $0x280, s1;
	s30 =	sadd.s32 $0x15B80, s0;
	s3 =	sadd.s32 s4, s22  }
0x3b6: {  	[tilespmem:s30], [sflag:$0x4] =	stream.linear.gather [hbm4b:s3+s2], $0x80, $0x38;
	[tilespmem:$0x1A400] =	vst v63  }
.LBB2_24:
0x3b7: {  	_ =	sfence.sel $0x180000  }
0x3b8: {  	[bflag:$0x0] =	sbarrier.arrive $0xFFFF  }
0x3b9: {  	_ =	strace $0x90000047  }
0x3ba: {  	s0 =	stileid.u32;
	[bflag:$0x2] =	sbarrier.arrive $0xFFFF  }
0x3bb: {  	p0 =	sne.s32 s0, $0x0;
	s0 =	rddreg [dreg:$0x2]  }
0x3bc: {  	s0 =	sadd.s32 @!p0 $0x100000, s0  }
0x3bd: {  	[sflag:s0] =	ssyncadd.tile.s32 @!p0 $0x1;
	_ =	shalt  }
.Lfunc_end2:
_tile_overlayer_lowered:
.L_overlay_start_2:
0x3be: {  	(tag) =	ssettag $0x2  }
0x3bf: {  	s0 =	rddreg [dreg:$0x0];
	s2 =	stileid.u32  }
0x3c0: {  	s1 =	rddreg [dreg:$0x1];
	p0 =	sne.s32 s2, $0x0  }
0x3c1: {  	s3 =	rddreg [dreg:$0x2];
	[bflag:$0x3] =	sbarrier.arrive $0xFFFF;
	s2 =	simm.s32 @!p0 $0x1C09  }
0x3c2: {  	[timem:s3], [sflag:s2] =	dma.local @!p0 [hbm:s0], s1  }
0x3c3: {  	s0 =	simm.s32 @!p0 $0x9  }
0x3c4: {  	_ =	swait.ge @!p0 [sflag:s0], s1  }
0x3c5: {  	s1 =	ssub.s32 @!p0 $0x0, s1;
	[sflag:s0] =	ssyncset.done @!p0 $0x0  }
0x3c6: {  	[sflag:s0] =	ssyncadd.s32 @!p0 s1  }
0x3c7: {  	[bflag:$0x3] =	sbarrier.arrive $0xFFFF  }
0x3c8: {  	_ =	shalt  }

</sc_bundles>
